<compile_context>
chip_gen: v7x
topology: tpu7x:2x2x1
jax: 0.10.2.dev20260603
libtpu: 0.0.44.dev20260713+nightly
codegen_flags: <defaults>
</compile_context>

<pallas_src>
import functools

import jax
import jax.numpy as jnp
from jax import lax
from jax.experimental import pallas as pl
from jax.experimental.pallas import tpu as pltpu
from jax.experimental.pallas import tpu_sc as plsc

N = 10000
E = 320000
D_IN = 128
D_H = 128
D_Z = 64
D_HALF = 64

NUM_SC = 2
NUM_TILES = 16
EDGE_BATCH = 128
TOT_BATCHES = E // EDGE_BATCH
NB_BASE = TOT_BATCHES // NUM_TILES
NB_EXTRA = TOT_BATCHES - NB_BASE * NUM_TILES
NB_MAX = NB_BASE + 1
RING = 4
ROWS_PER_TILE = 624
BCHUNK = 52
ROW_TAIL = N - NUM_TILES * ROWS_PER_TILE
CNT_W = 16


@functools.lru_cache(maxsize=None)
def _make_segsum(with_count):
  mesh = plsc.VectorSubcoreMesh(core_axis_name="c", subcore_axis_name="s",
                                num_cores=NUM_SC, num_subcores=NUM_TILES)
  out_type = [jax.ShapeDtypeStruct((N, D_IN), jnp.float32)]
  if with_count:
    out_type.append(jax.ShapeDtypeStruct((N, D_IN), jnp.float32))
  scratch_types = [
      pltpu.VMEM_SHARED((N, D_HALF), jnp.float32),
      pltpu.VMEM((NB_MAX, EDGE_BATCH), jnp.int32),
      pltpu.VMEM((NB_MAX, EDGE_BATCH), jnp.int32),
      pltpu.VMEM((RING, EDGE_BATCH, D_HALF), jnp.float32),
      pltpu.VMEM((RING, EDGE_BATCH), jnp.int32),
      pltpu.VMEM((BCHUNK, D_HALF), jnp.float32),
  ] + [pltpu.SemaphoreType.DMA] * (2 * RING)
  if with_count:
    scratch_types += [
        pltpu.VMEM_SHARED((N, CNT_W), jnp.float32),
        pltpu.VMEM((EDGE_BATCH, CNT_W), jnp.float32),
        pltpu.VMEM((BCHUNK, CNT_W), jnp.float32),
    ]

  def body(feat2_hbm, edges_hbm, *rest):
    if with_count:
      (sum_out, cnt_out, acc_sh, src_v, dst_v, rows_v, idx2_v, bounce_v,
       *sems) = rest
      cnt_sh, ones_v, cbounce_v = sems[2 * RING:]
      sems = sems[:2 * RING]
    else:
      (sum_out, acc_sh, src_v, dst_v, rows_v, idx2_v, bounce_v, *sems) = rest
    gsems, ssems = sems[:RING], sems[RING:]
    src_hbm = edges_hbm.at[0]
    dst_hbm = edges_hbm.at[1]

    cid = lax.axis_index("c")
    sid = lax.axis_index("s")
    row0 = sid * ROWS_PER_TILE
    is_last = sid == NUM_TILES - 1
    do_cnt = with_count
    tail0 = NUM_TILES * ROWS_PER_TILE

    def zero_rows(i, _):
      bounce_v[i, :] = jnp.zeros((D_HALF,), jnp.float32)
      return 0
    lax.fori_loop(0, BCHUNK, zero_rows, 0)
    for k in range(ROWS_PER_TILE // BCHUNK):
      pltpu.sync_copy(bounce_v, acc_sh.at[pl.ds(row0 + k * BCHUNK, BCHUNK)])
    @pl.when(is_last)
    def _():
      pltpu.sync_copy(bounce_v.at[pl.ds(0, ROW_TAIL)],
                      acc_sh.at[pl.ds(tail0, ROW_TAIL)])
    if do_cnt:
      def zero_cnt(i, _):
        cbounce_v[i, :] = jnp.zeros((CNT_W,), jnp.float32)
        return 0
      lax.fori_loop(0, BCHUNK, zero_cnt, 0)
      def fill_ones(i, _):
        ones_v[i, :] = jnp.ones((CNT_W,), jnp.float32)
        return 0
      lax.fori_loop(0, EDGE_BATCH, fill_ones, 0)
      for k in range(ROWS_PER_TILE // BCHUNK):
        pltpu.sync_copy(cbounce_v,
                        cnt_sh.at[pl.ds(row0 + k * BCHUNK, BCHUNK)])
      @pl.when(is_last)
      def _():
        pltpu.sync_copy(cbounce_v.at[pl.ds(0, ROW_TAIL)],
                        cnt_sh.at[pl.ds(tail0, ROW_TAIL)])

    plsc.subcore_barrier()

    start = sid * NB_BASE + jnp.minimum(sid, NB_EXTRA)
    NB = NB_BASE + jnp.where(sid < NB_EXTRA, 1, 0)
    pltpu.sync_copy(src_hbm.at[pl.ds(start, NB_BASE)],
                    src_v.at[pl.ds(0, NB_BASE)])
    pltpu.sync_copy(dst_hbm.at[pl.ds(start, NB_BASE)],
                    dst_v.at[pl.ds(0, NB_BASE)])
    @pl.when(sid < NB_EXTRA)
    def _():
      pltpu.sync_copy(src_hbm.at[pl.ds(start + NB_BASE, 1)],
                      src_v.at[pl.ds(NB_BASE, 1)])
      pltpu.sync_copy(dst_hbm.at[pl.ds(start + NB_BASE, 1)],
                      dst_v.at[pl.ds(NB_BASE, 1)])

    def start_gather(i, slot):
      for j in range(EDGE_BATCH // 16):
        v = src_v[i, pl.ds(j * 16, 16)]
        idx2_v[slot, pl.ds(j * 16, 16)] = v * 2 + cid
      pltpu.async_copy(feat2_hbm.at[idx2_v.at[slot]],
                       rows_v.at[slot], gsems[slot])

    def wait_gather(i, slot):
      pltpu.make_async_copy(feat2_hbm.at[idx2_v.at[slot]],
                            rows_v.at[slot], gsems[slot]).wait()

    def start_scatter(i, slot):
      pltpu.async_copy(rows_v.at[slot], acc_sh.at[dst_v.at[i]], ssems[slot],
                       add=True)

    def wait_scatter(i, slot):
      pltpu.make_async_copy(rows_v.at[slot], acc_sh.at[dst_v.at[i]],
                            ssems[slot]).wait()

    for slot in range(RING):
      start_gather(slot, slot)

    def group(g, _):
      base = g * RING
      for r in range(RING):
        i = base + r
        slot = r
        prev = (r + RING - 1) % RING
        @pl.when(i < NB)
        def _():
          wait_gather(i, slot)
          @pl.when(i >= 1)
          def _():
            wait_scatter(i - 1, prev)
            @pl.when(i - 1 + RING < NB)
            def _():
              start_gather(i - 1 + RING, prev)
          start_scatter(i, slot)
          if do_cnt:
            @pl.when((i % NUM_SC) == cid)
            def _():
              pltpu.sync_copy(ones_v, cnt_sh.at[dst_v.at[i]], add=True)
      return 0

    NGROUPS = (NB_MAX + RING - 1) // RING
    lax.fori_loop(0, NGROUPS, group, 0)
    for _r in range(RING):
      @pl.when((NB - 1) % RING == _r)
      def _(_r=_r):
        wait_scatter(NB - 1, _r)

    plsc.subcore_barrier()

    col0 = cid * D_HALF
    pltpu.sync_copy(acc_sh.at[pl.ds(row0, ROWS_PER_TILE)],
                    sum_out.at[pl.ds(row0, ROWS_PER_TILE), pl.ds(col0, D_HALF)])
    @pl.when(is_last)
    def _():
      pltpu.sync_copy(acc_sh.at[pl.ds(tail0, ROW_TAIL)],
                      sum_out.at[pl.ds(tail0, ROW_TAIL), pl.ds(col0, D_HALF)])
    if do_cnt:
      pltpu.sync_copy(cnt_sh.at[pl.ds(row0, ROWS_PER_TILE)],
                      cnt_out.at[pl.ds(row0, ROWS_PER_TILE), pl.ds(col0, CNT_W)])
      @pl.when(is_last)
      def _():
        pltpu.sync_copy(cnt_sh.at[pl.ds(tail0, ROW_TAIL)],
                        cnt_out.at[pl.ds(tail0, ROW_TAIL), pl.ds(col0, CNT_W)])

  return pl.kernel(body, out_type=tuple(out_type), mesh=mesh,
                   scratch_types=scratch_types,
                   compiler_params=pltpu.CompilerParams(use_tc_tiling_on_sc=False))


def _segsum_x(feat, edges):
  return _make_segsum(True)(feat.reshape(2 * N, D_HALF), edges)


def _segsum_h(feat, edges):
  return _make_segsum(False)(feat.reshape(2 * N, D_HALF), edges)


def _dotT(a, w):
  return lax.dot_general(a, w, (((1,), (1,)), ((), ())),
                         preferred_element_type=jnp.float32)


ROW_BLK = 5000
DEC_BLK = 200


def _agg(s_ref, c_ref):
  cnt = jnp.maximum(c_ref[:, 0:1] + c_ref[:, D_HALF:D_HALF + 1], 1.0)
  return s_ref[...] / cnt


def _layer1_body(s_ref, c_ref, x_ref, wl_ref, bl_ref, wr_ref, h_ref):
  h = (_dotT(_agg(s_ref, c_ref), wl_ref[...]) + bl_ref[...][None, :]
       + _dotT(x_ref[...], wr_ref[...]))
  h_ref[...] = jnp.maximum(h, 0.0)


def _layer2_body(s_ref, c_ref, h_ref, wl2_ref, bl2_ref, wr2_ref,
                 wl3_ref, bl3_ref, wr3_ref, eps_ref,
                 mu_ref, lv_ref, z_ref, nz_ref):
  agg = _agg(s_ref, c_ref)
  h = h_ref[...]
  mu = _dotT(agg, wl2_ref[...]) + bl2_ref[...][None, :] + _dotT(h, wr2_ref[...])
  lv = _dotT(agg, wl3_ref[...]) + bl3_ref[...][None, :] + _dotT(h, wr3_ref[...])
  std = jnp.exp(0.5 * lv)
  z = mu + eps_ref[...] * std
  nz = z / (jnp.sqrt(jnp.sum(z * z, axis=1, keepdims=True)) + 1e-8)
  mu_ref[...] = mu
  lv_ref[...] = lv
  z_ref[...] = z
  nz_ref[...] = nz


def _decode_body(b_ref, o_ref):
  i = pl.program_id(0)
  a = b_ref[pl.ds(pl.multiple_of(i * DEC_BLK, 8), DEC_BLK), :]
  o_ref[...] = lax.dot_general(a, b_ref[...], (((1,), (1,)), ((), ())),
                               preferred_element_type=jnp.float32)


def kernel(x, edge_index, Wl1, bl1, Wr1, Wl2, bl2, Wr2, Wl3, bl3, Wr3, eps):
  edges = edge_index.reshape(2, E // EDGE_BATCH, EDGE_BATCH)

  sx, cnt = _segsum_x(x, edges)

  full = lambda shape: pl.BlockSpec(shape, lambda i: tuple(0 for _ in shape))
  h = pl.pallas_call(
      _layer1_body,
      grid=(N // ROW_BLK,),
      in_specs=[
          pl.BlockSpec((ROW_BLK, D_IN), lambda i: (i, 0)),
          pl.BlockSpec((ROW_BLK, D_IN), lambda i: (i, 0)),
          pl.BlockSpec((ROW_BLK, D_IN), lambda i: (i, 0)),
          full((D_H, D_IN)), full((D_H,)), full((D_H, D_IN)),
      ],
      out_specs=pl.BlockSpec((ROW_BLK, D_H), lambda i: (i, 0)),
      out_shape=jax.ShapeDtypeStruct((N, D_H), jnp.float32),
  )(sx, cnt, x, Wl1, bl1, Wr1)

  (sh,) = _segsum_h(h, edges)

  mu, logvar, z, norm_z = pl.pallas_call(
      _layer2_body,
      grid=(N // ROW_BLK,),
      in_specs=[
          pl.BlockSpec((ROW_BLK, D_IN), lambda i: (i, 0)),
          pl.BlockSpec((ROW_BLK, D_IN), lambda i: (i, 0)),
          pl.BlockSpec((ROW_BLK, D_H), lambda i: (i, 0)),
          full((D_Z, D_H)), full((D_Z,)), full((D_Z, D_H)),
          full((D_Z, D_H)), full((D_Z,)), full((D_Z, D_H)),
          pl.BlockSpec((ROW_BLK, D_Z), lambda i: (i, 0)),
      ],
      out_specs=[pl.BlockSpec((ROW_BLK, D_Z), lambda i: (i, 0))] * 4,
      out_shape=[jax.ShapeDtypeStruct((N, D_Z), jnp.float32)] * 4,
  )(sh, cnt, h, Wl2, bl2, Wr2, Wl3, bl3, Wr3, eps)

  recon_x = pl.pallas_call(
      _decode_body,
      grid=(N // DEC_BLK,),
      in_specs=[pl.BlockSpec((N, D_Z), lambda i: (0, 0))],
      out_specs=pl.BlockSpec((DEC_BLK, N), lambda i: (i, 0)),
      out_shape=jax.ShapeDtypeStruct((N, N), jnp.float32),
  )(norm_z)

  return (recon_x, mu, logvar, z)

# --- scband reference (transcript-rebuilt; emitter-appended) ---
"""Pipeline reference for scband-sgvae-53060025974870 (READ-ONLY COPY).

The authoritative reference and input builder live on the scoring server;
editing this copy changes nothing except your own understanding.
"""

import jax, jax.numpy as jnp
import numpy as np

N = 10000
E = 320000
D_IN = 128
D_H = 128
D_Z = 64


def sage_conv(x, edge_index, Wl, bl, Wr):
    # PyG SAGEConv (mean aggr): out = lin_l(mean_{j in N(i)} x_j) + lin_r(x_i)
    src = edge_index[0]
    dst = edge_index[1]
    msg = x[src]
    s = jax.ops.segment_sum(msg, dst, num_segments=x.shape[0])
    c = jax.ops.segment_sum(jnp.ones((edge_index.shape[1],), x.dtype), dst, num_segments=x.shape[0])
    agg = s / jnp.maximum(c, 1.0)[:, None]
    return agg @ Wl.T + bl + x @ Wr.T


def setup_inputs(seed: int = 0) -> dict:
    key = jax.random.key(seed)
    ks = jax.random.split(key, 12)
    x = jax.random.normal(ks[0], (N, D_IN), dtype=jnp.float32)
    edge_index = jax.random.randint(ks[1], (2, E), 0, N, dtype=jnp.int32)
    def lin(k, out_d, in_d):
        return jax.random.normal(k, (out_d, in_d), dtype=jnp.float32) / np.sqrt(in_d)
    Wl1 = lin(ks[2], D_H, D_IN); bl1 = jnp.zeros((D_H,), jnp.float32); Wr1 = lin(ks[3], D_H, D_IN)
    Wl2 = lin(ks[4], D_Z, D_H); bl2 = jnp.zeros((D_Z,), jnp.float32); Wr2 = lin(ks[5], D_Z, D_H)
    Wl3 = lin(ks[6], D_Z, D_H); bl3 = jnp.zeros((D_Z,), jnp.float32); Wr3 = lin(ks[7], D_Z, D_H)
    # fixed reparameterization noise (torch.randn_like made deterministic)
    eps = jax.random.normal(ks[8], (N, D_Z), dtype=jnp.float32)
    return {"x": x, "edge_index": edge_index,
            "Wl1": Wl1, "bl1": bl1, "Wr1": Wr1,
            "Wl2": Wl2, "bl2": bl2, "Wr2": Wr2,
            "Wl3": Wl3, "bl3": bl3, "Wr3": Wr3,
            "eps": eps}


def reference(x, edge_index, Wl1, bl1, Wr1, Wl2, bl2, Wr2, Wl3, bl3, Wr3, eps):
    h = jax.nn.relu(sage_conv(x, edge_index, Wl1, bl1, Wr1))
    mu = sage_conv(h, edge_index, Wl2, bl2, Wr2)
    logvar = sage_conv(h, edge_index, Wl3, bl3, Wr3)
    std = jnp.exp(0.5 * logvar)
    z = mu + eps * std
    norm_z = z / (jnp.linalg.norm(z, axis=1, keepdims=True) + 1e-08)
    recon_x = norm_z @ norm_z.T
    return (recon_x, mu, logvar, z)

if __name__ == "__main__":
    import jax
    _d = setup_inputs()
    print(jax.jit(kernel)(*tuple(_d.values())))

</pallas_src>

<mosaic_0001>
#map = affine_map<(d0, d1) -> (0, 0)>
#map1 = affine_map<(d0, d1) -> (0, 0, 0)>
module attributes {stable_mosaic.version = 14 : i64} {
  func.func @body(%arg0: i32, %arg1: i32, %arg2: memref<20000x64xf32, #tpu.memory_space<hbm>>, %arg3: memref<2x2500x128xi32, #tpu.memory_space<hbm>>, %arg4: memref<10000x128xf32, #tpu.memory_space<hbm>>, %arg5: memref<10000x128xf32, #tpu.memory_space<hbm>>, %arg6: memref<10000x64xf32, #tpu.memory_space<vmem_shared>>, %arg7: memref<157x128xi32, #tpu.memory_space<vmem>>, %arg8: memref<157x128xi32, #tpu.memory_space<vmem>>, %arg9: memref<4x128x64xf32, #tpu.memory_space<vmem>>, %arg10: memref<4x128xi32, #tpu.memory_space<vmem>>, %arg11: memref<52x64xf32, #tpu.memory_space<vmem>>, %arg12: memref<!tpu.dma_semaphore, #tpu.memory_space<semaphore_mem>>, %arg13: memref<!tpu.dma_semaphore, #tpu.memory_space<semaphore_mem>>, %arg14: memref<!tpu.dma_semaphore, #tpu.memory_space<semaphore_mem>>, %arg15: memref<!tpu.dma_semaphore, #tpu.memory_space<semaphore_mem>>, %arg16: memref<!tpu.dma_semaphore, #tpu.memory_space<semaphore_mem>>, %arg17: memref<!tpu.dma_semaphore, #tpu.memory_space<semaphore_mem>>, %arg18: memref<!tpu.dma_semaphore, #tpu.memory_space<semaphore_mem>>, %arg19: memref<!tpu.dma_semaphore, #tpu.memory_space<semaphore_mem>>, %arg20: memref<10000x16xf32, #tpu.memory_space<vmem_shared>>, %arg21: memref<128x16xf32, #tpu.memory_space<vmem>>, %arg22: memref<52x16xf32, #tpu.memory_space<vmem>>) attributes {dimension_semantics = [#tpu.dimension_semantics<core_parallel>, #tpu.dimension_semantics<subcore_parallel>], iteration_bounds = array<i64: 2, 16>, scalar_prefetch = 0 : i64, scratch_operands = 17 : i64, tpu.core_type = #tpu.core_type<sc_vector_subcore>, window_params = [{transform_indices = #map}, {transform_indices = #map1}, {transform_indices = #map}, {transform_indices = #map}]} {
    %mul3A = arith.constant 624 : i32
    %mul3A_0 = arith.muli %arg1, %mul3A : i32
    %eq3A = arith.constant 15 : i32
    %eq3A_1 = arith.cmpi eq, %arg1, %eq3A : i32
    %scan3A = arith.constant 0 : i32
    %scan3A_2 = arith.constant 0 : i32
    %scan3A_3 = arith.constant 52 : i32
    %scan3A_4 = arith.addi %scan3A_2, %scan3A_3 : i32
    %scan3A_5 = arith.constant 1 : i32
    %scan3A_6 = scf.for %scan3A_750 = %scan3A_2 to %scan3A_4 step %scan3A_5 iter_args(%scan3A_751 = %scan3A) -> (i32)  : i32 {
      %broadcast_in_dim3A = arith.constant 0.000000e+00 : f32
      %broadcast_in_dim3A_752 = vector.broadcast %broadcast_in_dim3A : f32 to vector<64xf32>
      %swap3A_753 = arith.index_cast %scan3A_750 : i32 to index
      %swap3A_754 = arith.constant 0 : index
      %swap3A_755 = tpu.vector_load %arg11[%swap3A_753, %swap3A_754] {strides = array<i32>} : memref<52x64xf32, #tpu.memory_space<vmem>>, vector<1x64xf32>,
      %swap3A_756 = vector.shape_cast %swap3A_755 : vector<1x64xf32> to vector<64xf32>
      %swap3A_757 = vector.shape_cast %broadcast_in_dim3A_752 : vector<64xf32> to vector<1x64xf32>
      tpu.vector_store %arg11[%swap3A_753, %swap3A_754], %swap3A_757 {strides = array<i32>} : memref<52x64xf32, #tpu.memory_space<vmem>>, vector<1x64xf32>,
      %scan3A_758 = arith.constant 0 : i32
      scf.yield %scan3A_758 : i32
    }
    %scan3A_7 = arith.constant 52 : i32
    %add3A = arith.constant 0 : i32
    %add3A_8 = arith.addi %mul3A_0, %add3A : i32
    "tpu.region"() ({
      %run_scoped3A_750 = tpu.sem_alloc : memref<!tpu.dma_semaphore, #tpu.memory_space<semaphore_mem>>
      %dma_start3A_751 = arith.constant 0 : i32
      %dma_start3A_752 = tpu.memref_slice %arg6[%add3A_8, %dma_start3A_751] : memref<10000x64xf32, #tpu.memory_space<vmem_shared>> -> memref<52x64xf32, #tpu.memory_space<vmem_shared>>
      %dma_start3A_753 = arith.constant 0 : i32
      %dma_start3A_754 = tpu.memref_slice %arg6[%add3A_8, %dma_start3A_753] : memref<10000x64xf32, #tpu.memory_space<vmem_shared>> -> memref<52x64xf32, #tpu.memory_space<vmem_shared>>
      tpu.enqueue_dma source(%arg11 : memref<52x64xf32, #tpu.memory_space<vmem>>) target(%dma_start3A_754 : memref<52x64xf32, #tpu.memory_space<vmem_shared>>) target_semaphore(%run_scoped3A_750 : memref<!tpu.dma_semaphore, #tpu.memory_space<semaphore_mem>>)
      %dma_wait3A = arith.constant 0 : i32
      %dma_wait3A_755 = tpu.memref_slice %arg6[%add3A_8, %dma_wait3A] : memref<10000x64xf32, #tpu.memory_space<vmem_shared>> -> memref<52x64xf32, #tpu.memory_space<vmem_shared>>
      %dma_wait3A_756 = arith.constant 0 : i32
      %dma_wait3A_757 = tpu.memref_slice %arg6[%add3A_8, %dma_wait3A_756] : memref<10000x64xf32, #tpu.memory_space<vmem_shared>> -> memref<52x64xf32, #tpu.memory_space<vmem_shared>>
      tpu.wait_dma2 semaphore(%run_scoped3A_750 : memref<!tpu.dma_semaphore, #tpu.memory_space<semaphore_mem>>) src(%arg11 : memref<52x64xf32, #tpu.memory_space<vmem>>) dst(%dma_wait3A_757 : memref<52x64xf32, #tpu.memory_space<vmem_shared>>)
      tpu.yield
    }) : () -> ()
    %add3A_9 = arith.constant 52 : i32
    %add3A_10 = arith.addi %mul3A_0, %add3A_9 : i32
    "tpu.region"() ({
      %run_scoped3A_750 = tpu.sem_alloc : memref<!tpu.dma_semaphore, #tpu.memory_space<semaphore_mem>>
      %dma_start3A_751 = arith.constant 0 : i32
      %dma_start3A_752 = tpu.memref_slice %arg6[%add3A_10, %dma_start3A_751] : memref<10000x64xf32, #tpu.memory_space<vmem_shared>> -> memref<52x64xf32, #tpu.memory_space<vmem_shared>>
      %dma_start3A_753 = arith.constant 0 : i32
      %dma_start3A_754 = tpu.memref_slice %arg6[%add3A_10, %dma_start3A_753] : memref<10000x64xf32, #tpu.memory_space<vmem_shared>> -> memref<52x64xf32, #tpu.memory_space<vmem_shared>>
      tpu.enqueue_dma source(%arg11 : memref<52x64xf32, #tpu.memory_space<vmem>>) target(%dma_start3A_754 : memref<52x64xf32, #tpu.memory_space<vmem_shared>>) target_semaphore(%run_scoped3A_750 : memref<!tpu.dma_semaphore, #tpu.memory_space<semaphore_mem>>)
      %dma_wait3A = arith.constant 0 : i32
      %dma_wait3A_755 = tpu.memref_slice %arg6[%add3A_10, %dma_wait3A] : memref<10000x64xf32, #tpu.memory_space<vmem_shared>> -> memref<52x64xf32, #tpu.memory_space<vmem_shared>>
      %dma_wait3A_756 = arith.constant 0 : i32
      %dma_wait3A_757 = tpu.memref_slice %arg6[%add3A_10, %dma_wait3A_756] : memref<10000x64xf32, #tpu.memory_space<vmem_shared>> -> memref<52x64xf32, #tpu.memory_space<vmem_shared>>
      tpu.wait_dma2 semaphore(%run_scoped3A_750 : memref<!tpu.dma_semaphore, #tpu.memory_space<semaphore_mem>>) src(%arg11 : memref<52x64xf32, #tpu.memory_space<vmem>>) dst(%dma_wait3A_757 : memref<52x64xf32, #tpu.memory_space<vmem_shared>>)
      tpu.yield
    }) : () -> ()
    %add3A_11 = arith.constant 104 : i32
    %add3A_12 = arith.addi %mul3A_0, %add3A_11 : i32
    "tpu.region"() ({
      %run_scoped3A_750 = tpu.sem_alloc : memref<!tpu.dma_semaphore, #tpu.memory_space<semaphore_mem>>
      %dma_start3A_751 = arith.constant 0 : i32
      %dma_start3A_752 = tpu.memref_slice %arg6[%add3A_12, %dma_start3A_751] : memref<10000x64xf32, #tpu.memory_space<vmem_shared>> -> memref<52x64xf32, #tpu.memory_space<vmem_shared>>
      %dma_start3A_753 = arith.constant 0 : i32
      %dma_start3A_754 = tpu.memref_slice %arg6[%add3A_12, %dma_start3A_753] : memref<10000x64xf32, #tpu.memory_space<vmem_shared>> -> memref<52x64xf32, #tpu.memory_space<vmem_shared>>
      tpu.enqueue_dma source(%arg11 : memref<52x64xf32, #tpu.memory_space<vmem>>) target(%dma_start3A_754 : memref<52x64xf32, #tpu.memory_space<vmem_shared>>) target_semaphore(%run_scoped3A_750 : memref<!tpu.dma_semaphore, #tpu.memory_space<semaphore_mem>>)
      %dma_wait3A = arith.constant 0 : i32
      %dma_wait3A_755 = tpu.memref_slice %arg6[%add3A_12, %dma_wait3A] : memref<10000x64xf32, #tpu.memory_space<vmem_shared>> -> memref<52x64xf32, #tpu.memory_space<vmem_shared>>
      %dma_wait3A_756 = arith.constant 0 : i32
      %dma_wait3A_757 = tpu.memref_slice %arg6[%add3A_12, %dma_wait3A_756] : memref<10000x64xf32, #tpu.memory_space<vmem_shared>> -> memref<52x64xf32, #tpu.memory_space<vmem_shared>>
      tpu.wait_dma2 semaphore(%run_scoped3A_750 : memref<!tpu.dma_semaphore, #tpu.memory_space<semaphore_mem>>) src(%arg11 : memref<52x64xf32, #tpu.memory_space<vmem>>) dst(%dma_wait3A_757 : memref<52x64xf32, #tpu.memory_space<vmem_shared>>)
      tpu.yield
    }) : () -> ()
    %add3A_13 = arith.constant 156 : i32
    %add3A_14 = arith.addi %mul3A_0, %add3A_13 : i32
    "tpu.region"() ({
      %run_scoped3A_750 = tpu.sem_alloc : memref<!tpu.dma_semaphore, #tpu.memory_space<semaphore_mem>>
      %dma_start3A_751 = arith.constant 0 : i32
      %dma_start3A_752 = tpu.memref_slice %arg6[%add3A_14, %dma_start3A_751] : memref<10000x64xf32, #tpu.memory_space<vmem_shared>> -> memref<52x64xf32, #tpu.memory_space<vmem_shared>>
      %dma_start3A_753 = arith.constant 0 : i32
      %dma_start3A_754 = tpu.memref_slice %arg6[%add3A_14, %dma_start3A_753] : memref<10000x64xf32, #tpu.memory_space<vmem_shared>> -> memref<52x64xf32, #tpu.memory_space<vmem_shared>>
      tpu.enqueue_dma source(%arg11 : memref<52x64xf32, #tpu.memory_space<vmem>>) target(%dma_start3A_754 : memref<52x64xf32, #tpu.memory_space<vmem_shared>>) target_semaphore(%run_scoped3A_750 : memref<!tpu.dma_semaphore, #tpu.memory_space<semaphore_mem>>)
      %dma_wait3A = arith.constant 0 : i32
      %dma_wait3A_755 = tpu.memref_slice %arg6[%add3A_14, %dma_wait3A] : memref<10000x64xf32, #tpu.memory_space<vmem_shared>> -> memref<52x64xf32, #tpu.memory_space<vmem_shared>>
      %dma_wait3A_756 = arith.constant 0 : i32
      %dma_wait3A_757 = tpu.memref_slice %arg6[%add3A_14, %dma_wait3A_756] : memref<10000x64xf32, #tpu.memory_space<vmem_shared>> -> memref<52x64xf32, #tpu.memory_space<vmem_shared>>
      tpu.wait_dma2 semaphore(%run_scoped3A_750 : memref<!tpu.dma_semaphore, #tpu.memory_space<semaphore_mem>>) src(%arg11 : memref<52x64xf32, #tpu.memory_space<vmem>>) dst(%dma_wait3A_757 : memref<52x64xf32, #tpu.memory_space<vmem_shared>>)
      tpu.yield
    }) : () -> ()
    %add3A_15 = arith.constant 208 : i32
    %add3A_16 = arith.addi %mul3A_0, %add3A_15 : i32
    "tpu.region"() ({
      %run_scoped3A_750 = tpu.sem_alloc : memref<!tpu.dma_semaphore, #tpu.memory_space<semaphore_mem>>
      %dma_start3A_751 = arith.constant 0 : i32
      %dma_start3A_752 = tpu.memref_slice %arg6[%add3A_16, %dma_start3A_751] : memref<10000x64xf32, #tpu.memory_space<vmem_shared>> -> memref<52x64xf32, #tpu.memory_space<vmem_shared>>
      %dma_start3A_753 = arith.constant 0 : i32
      %dma_start3A_754 = tpu.memref_slice %arg6[%add3A_16, %dma_start3A_753] : memref<10000x64xf32, #tpu.memory_space<vmem_shared>> -> memref<52x64xf32, #tpu.memory_space<vmem_shared>>
      tpu.enqueue_dma source(%arg11 : memref<52x64xf32, #tpu.memory_space<vmem>>) target(%dma_start3A_754 : memref<52x64xf32, #tpu.memory_space<vmem_shared>>) target_semaphore(%run_scoped3A_750 : memref<!tpu.dma_semaphore, #tpu.memory_space<semaphore_mem>>)
      %dma_wait3A = arith.constant 0 : i32
      %dma_wait3A_755 = tpu.memref_slice %arg6[%add3A_16, %dma_wait3A] : memref<10000x64xf32, #tpu.memory_space<vmem_shared>> -> memref<52x64xf32, #tpu.memory_space<vmem_shared>>
      %dma_wait3A_756 = arith.constant 0 : i32
      %dma_wait3A_757 = tpu.memref_slice %arg6[%add3A_16, %dma_wait3A_756] : memref<10000x64xf32, #tpu.memory_space<vmem_shared>> -> memref<52x64xf32, #tpu.memory_space<vmem_shared>>
      tpu.wait_dma2 semaphore(%run_scoped3A_750 : memref<!tpu.dma_semaphore, #tpu.memory_space<semaphore_mem>>) src(%arg11 : memref<52x64xf32, #tpu.memory_space<vmem>>) dst(%dma_wait3A_757 : memref<52x64xf32, #tpu.memory_space<vmem_shared>>)
      tpu.yield
    }) : () -> ()
    %add3A_17 = arith.constant 260 : i32
    %add3A_18 = arith.addi %mul3A_0, %add3A_17 : i32
    "tpu.region"() ({
      %run_scoped3A_750 = tpu.sem_alloc : memref<!tpu.dma_semaphore, #tpu.memory_space<semaphore_mem>>
      %dma_start3A_751 = arith.constant 0 : i32
      %dma_start3A_752 = tpu.memref_slice %arg6[%add3A_18, %dma_start3A_751] : memref<10000x64xf32, #tpu.memory_space<vmem_shared>> -> memref<52x64xf32, #tpu.memory_space<vmem_shared>>
      %dma_start3A_753 = arith.constant 0 : i32
      %dma_start3A_754 = tpu.memref_slice %arg6[%add3A_18, %dma_start3A_753] : memref<10000x64xf32, #tpu.memory_space<vmem_shared>> -> memref<52x64xf32, #tpu.memory_space<vmem_shared>>
      tpu.enqueue_dma source(%arg11 : memref<52x64xf32, #tpu.memory_space<vmem>>) target(%dma_start3A_754 : memref<52x64xf32, #tpu.memory_space<vmem_shared>>) target_semaphore(%run_scoped3A_750 : memref<!tpu.dma_semaphore, #tpu.memory_space<semaphore_mem>>)
      %dma_wait3A = arith.constant 0 : i32
      %dma_wait3A_755 = tpu.memref_slice %arg6[%add3A_18, %dma_wait3A] : memref<10000x64xf32, #tpu.memory_space<vmem_shared>> -> memref<52x64xf32, #tpu.memory_space<vmem_shared>>
      %dma_wait3A_756 = arith.constant 0 : i32
      %dma_wait3A_757 = tpu.memref_slice %arg6[%add3A_18, %dma_wait3A_756] : memref<10000x64xf32, #tpu.memory_space<vmem_shared>> -> memref<52x64xf32, #tpu.memory_space<vmem_shared>>
      tpu.wait_dma2 semaphore(%run_scoped3A_750 : memref<!tpu.dma_semaphore, #tpu.memory_space<semaphore_mem>>) src(%arg11 : memref<52x64xf32, #tpu.memory_space<vmem>>) dst(%dma_wait3A_757 : memref<52x64xf32, #tpu.memory_space<vmem_shared>>)
      tpu.yield
    }) : () -> ()
    %add3A_19 = arith.constant 312 : i32
    %add3A_20 = arith.addi %mul3A_0, %add3A_19 : i32
    "tpu.region"() ({
      %run_scoped3A_750 = tpu.sem_alloc : memref<!tpu.dma_semaphore, #tpu.memory_space<semaphore_mem>>
      %dma_start3A_751 = arith.constant 0 : i32
      %dma_start3A_752 = tpu.memref_slice %arg6[%add3A_20, %dma_start3A_751] : memref<10000x64xf32, #tpu.memory_space<vmem_shared>> -> memref<52x64xf32, #tpu.memory_space<vmem_shared>>
      %dma_start3A_753 = arith.constant 0 : i32
      %dma_start3A_754 = tpu.memref_slice %arg6[%add3A_20, %dma_start3A_753] : memref<10000x64xf32, #tpu.memory_space<vmem_shared>> -> memref<52x64xf32, #tpu.memory_space<vmem_shared>>
      tpu.enqueue_dma source(%arg11 : memref<52x64xf32, #tpu.memory_space<vmem>>) target(%dma_start3A_754 : memref<52x64xf32, #tpu.memory_space<vmem_shared>>) target_semaphore(%run_scoped3A_750 : memref<!tpu.dma_semaphore, #tpu.memory_space<semaphore_mem>>)
      %dma_wait3A = arith.constant 0 : i32
      %dma_wait3A_755 = tpu.memref_slice %arg6[%add3A_20, %dma_wait3A] : memref<10000x64xf32, #tpu.memory_space<vmem_shared>> -> memref<52x64xf32, #tpu.memory_space<vmem_shared>>
      %dma_wait3A_756 = arith.constant 0 : i32
      %dma_wait3A_757 = tpu.memref_slice %arg6[%add3A_20, %dma_wait3A_756] : memref<10000x64xf32, #tpu.memory_space<vmem_shared>> -> memref<52x64xf32, #tpu.memory_space<vmem_shared>>
      tpu.wait_dma2 semaphore(%run_scoped3A_750 : memref<!tpu.dma_semaphore, #tpu.memory_space<semaphore_mem>>) src(%arg11 : memref<52x64xf32, #tpu.memory_space<vmem>>) dst(%dma_wait3A_757 : memref<52x64xf32, #tpu.memory_space<vmem_shared>>)
      tpu.yield
    }) : () -> ()
    %add3A_21 = arith.constant 364 : i32
    %add3A_22 = arith.addi %mul3A_0, %add3A_21 : i32
    "tpu.region"() ({
      %run_scoped3A_750 = tpu.sem_alloc : memref<!tpu.dma_semaphore, #tpu.memory_space<semaphore_mem>>
      %dma_start3A_751 = arith.constant 0 : i32
      %dma_start3A_752 = tpu.memref_slice %arg6[%add3A_22, %dma_start3A_751] : memref<10000x64xf32, #tpu.memory_space<vmem_shared>> -> memref<52x64xf32, #tpu.memory_space<vmem_shared>>
      %dma_start3A_753 = arith.constant 0 : i32
      %dma_start3A_754 = tpu.memref_slice %arg6[%add3A_22, %dma_start3A_753] : memref<10000x64xf32, #tpu.memory_space<vmem_shared>> -> memref<52x64xf32, #tpu.memory_space<vmem_shared>>
      tpu.enqueue_dma source(%arg11 : memref<52x64xf32, #tpu.memory_space<vmem>>) target(%dma_start3A_754 : memref<52x64xf32, #tpu.memory_space<vmem_shared>>) target_semaphore(%run_scoped3A_750 : memref<!tpu.dma_semaphore, #tpu.memory_space<semaphore_mem>>)
      %dma_wait3A = arith.constant 0 : i32
      %dma_wait3A_755 = tpu.memref_slice %arg6[%add3A_22, %dma_wait3A] : memref<10000x64xf32, #tpu.memory_space<vmem_shared>> -> memref<52x64xf32, #tpu.memory_space<vmem_shared>>
      %dma_wait3A_756 = arith.constant 0 : i32
      %dma_wait3A_757 = tpu.memref_slice %arg6[%add3A_22, %dma_wait3A_756] : memref<10000x64xf32, #tpu.memory_space<vmem_shared>> -> memref<52x64xf32, #tpu.memory_space<vmem_shared>>
      tpu.wait_dma2 semaphore(%run_scoped3A_750 : memref<!tpu.dma_semaphore, #tpu.memory_space<semaphore_mem>>) src(%arg11 : memref<52x64xf32, #tpu.memory_space<vmem>>) dst(%dma_wait3A_757 : memref<52x64xf32, #tpu.memory_space<vmem_shared>>)
      tpu.yield
    }) : () -> ()
    %add3A_23 = arith.constant 416 : i32
    %add3A_24 = arith.addi %mul3A_0, %add3A_23 : i32
    "tpu.region"() ({
      %run_scoped3A_750 = tpu.sem_alloc : memref<!tpu.dma_semaphore, #tpu.memory_space<semaphore_mem>>
      %dma_start3A_751 = arith.constant 0 : i32
      %dma_start3A_752 = tpu.memref_slice %arg6[%add3A_24, %dma_start3A_751] : memref<10000x64xf32, #tpu.memory_space<vmem_shared>> -> memref<52x64xf32, #tpu.memory_space<vmem_shared>>
      %dma_start3A_753 = arith.constant 0 : i32
      %dma_start3A_754 = tpu.memref_slice %arg6[%add3A_24, %dma_start3A_753] : memref<10000x64xf32, #tpu.memory_space<vmem_shared>> -> memref<52x64xf32, #tpu.memory_space<vmem_shared>>
      tpu.enqueue_dma source(%arg11 : memref<52x64xf32, #tpu.memory_space<vmem>>) target(%dma_start3A_754 : memref<52x64xf32, #tpu.memory_space<vmem_shared>>) target_semaphore(%run_scoped3A_750 : memref<!tpu.dma_semaphore, #tpu.memory_space<semaphore_mem>>)
      %dma_wait3A = arith.constant 0 : i32
      %dma_wait3A_755 = tpu.memref_slice %arg6[%add3A_24, %dma_wait3A] : memref<10000x64xf32, #tpu.memory_space<vmem_shared>> -> memref<52x64xf32, #tpu.memory_space<vmem_shared>>
      %dma_wait3A_756 = arith.constant 0 : i32
      %dma_wait3A_757 = tpu.memref_slice %arg6[%add3A_24, %dma_wait3A_756] : memref<10000x64xf32, #tpu.memory_space<vmem_shared>> -> memref<52x64xf32, #tpu.memory_space<vmem_shared>>
      tpu.wait_dma2 semaphore(%run_scoped3A_750 : memref<!tpu.dma_semaphore, #tpu.memory_space<semaphore_mem>>) src(%arg11 : memref<52x64xf32, #tpu.memory_space<vmem>>) dst(%dma_wait3A_757 : memref<52x64xf32, #tpu.memory_space<vmem_shared>>)
      tpu.yield
    }) : () -> ()
    %add3A_25 = arith.constant 468 : i32
    %add3A_26 = arith.addi %mul3A_0, %add3A_25 : i32
    "tpu.region"() ({
      %run_scoped3A_750 = tpu.sem_alloc : memref<!tpu.dma_semaphore, #tpu.memory_space<semaphore_mem>>
      %dma_start3A_751 = arith.constant 0 : i32
      %dma_start3A_752 = tpu.memref_slice %arg6[%add3A_26, %dma_start3A_751] : memref<10000x64xf32, #tpu.memory_space<vmem_shared>> -> memref<52x64xf32, #tpu.memory_space<vmem_shared>>
      %dma_start3A_753 = arith.constant 0 : i32
      %dma_start3A_754 = tpu.memref_slice %arg6[%add3A_26, %dma_start3A_753] : memref<10000x64xf32, #tpu.memory_space<vmem_shared>> -> memref<52x64xf32, #tpu.memory_space<vmem_shared>>
      tpu.enqueue_dma source(%arg11 : memref<52x64xf32, #tpu.memory_space<vmem>>) target(%dma_start3A_754 : memref<52x64xf32, #tpu.memory_space<vmem_shared>>) target_semaphore(%run_scoped3A_750 : memref<!tpu.dma_semaphore, #tpu.memory_space<semaphore_mem>>)
      %dma_wait3A = arith.constant 0 : i32
      %dma_wait3A_755 = tpu.memref_slice %arg6[%add3A_26, %dma_wait3A] : memref<10000x64xf32, #tpu.memory_space<vmem_shared>> -> memref<52x64xf32, #tpu.memory_space<vmem_shared>>
      %dma_wait3A_756 = arith.constant 0 : i32
      %dma_wait3A_757 = tpu.memref_slice %arg6[%add3A_26, %dma_wait3A_756] : memref<10000x64xf32, #tpu.memory_space<vmem_shared>> -> memref<52x64xf32, #tpu.memory_space<vmem_shared>>
      tpu.wait_dma2 semaphore(%run_scoped3A_750 : memref<!tpu.dma_semaphore, #tpu.memory_space<semaphore_mem>>) src(%arg11 : memref<52x64xf32, #tpu.memory_space<vmem>>) dst(%dma_wait3A_757 : memref<52x64xf32, #tpu.memory_space<vmem_shared>>)
      tpu.yield
    }) : () -> ()
    %add3A_27 = arith.constant 520 : i32
    %add3A_28 = arith.addi %mul3A_0, %add3A_27 : i32
    "tpu.region"() ({
      %run_scoped3A_750 = tpu.sem_alloc : memref<!tpu.dma_semaphore, #tpu.memory_space<semaphore_mem>>
      %dma_start3A_751 = arith.constant 0 : i32
      %dma_start3A_752 = tpu.memref_slice %arg6[%add3A_28, %dma_start3A_751] : memref<10000x64xf32, #tpu.memory_space<vmem_shared>> -> memref<52x64xf32, #tpu.memory_space<vmem_shared>>
      %dma_start3A_753 = arith.constant 0 : i32
      %dma_start3A_754 = tpu.memref_slice %arg6[%add3A_28, %dma_start3A_753] : memref<10000x64xf32, #tpu.memory_space<vmem_shared>> -> memref<52x64xf32, #tpu.memory_space<vmem_shared>>
      tpu.enqueue_dma source(%arg11 : memref<52x64xf32, #tpu.memory_space<vmem>>) target(%dma_start3A_754 : memref<52x64xf32, #tpu.memory_space<vmem_shared>>) target_semaphore(%run_scoped3A_750 : memref<!tpu.dma_semaphore, #tpu.memory_space<semaphore_mem>>)
      %dma_wait3A = arith.constant 0 : i32
      %dma_wait3A_755 = tpu.memref_slice %arg6[%add3A_28, %dma_wait3A] : memref<10000x64xf32, #tpu.memory_space<vmem_shared>> -> memref<52x64xf32, #tpu.memory_space<vmem_shared>>
      %dma_wait3A_756 = arith.constant 0 : i32
      %dma_wait3A_757 = tpu.memref_slice %arg6[%add3A_28, %dma_wait3A_756] : memref<10000x64xf32, #tpu.memory_space<vmem_shared>> -> memref<52x64xf32, #tpu.memory_space<vmem_shared>>
      tpu.wait_dma2 semaphore(%run_scoped3A_750 : memref<!tpu.dma_semaphore, #tpu.memory_space<semaphore_mem>>) src(%arg11 : memref<52x64xf32, #tpu.memory_space<vmem>>) dst(%dma_wait3A_757 : memref<52x64xf32, #tpu.memory_space<vmem_shared>>)
      tpu.yield
    }) : () -> ()
    %add3A_29 = arith.constant 572 : i32
    %add3A_30 = arith.addi %mul3A_0, %add3A_29 : i32
    "tpu.region"() ({
      %run_scoped3A_750 = tpu.sem_alloc : memref<!tpu.dma_semaphore, #tpu.memory_space<semaphore_mem>>
      %dma_start3A_751 = arith.constant 0 : i32
      %dma_start3A_752 = tpu.memref_slice %arg6[%add3A_30, %dma_start3A_751] : memref<10000x64xf32, #tpu.memory_space<vmem_shared>> -> memref<52x64xf32, #tpu.memory_space<vmem_shared>>
      %dma_start3A_753 = arith.constant 0 : i32
      %dma_start3A_754 = tpu.memref_slice %arg6[%add3A_30, %dma_start3A_753] : memref<10000x64xf32, #tpu.memory_space<vmem_shared>> -> memref<52x64xf32, #tpu.memory_space<vmem_shared>>
      tpu.enqueue_dma source(%arg11 : memref<52x64xf32, #tpu.memory_space<vmem>>) target(%dma_start3A_754 : memref<52x64xf32, #tpu.memory_space<vmem_shared>>) target_semaphore(%run_scoped3A_750 : memref<!tpu.dma_semaphore, #tpu.memory_space<semaphore_mem>>)
      %dma_wait3A = arith.constant 0 : i32
      %dma_wait3A_755 = tpu.memref_slice %arg6[%add3A_30, %dma_wait3A] : memref<10000x64xf32, #tpu.memory_space<vmem_shared>> -> memref<52x64xf32, #tpu.memory_space<vmem_shared>>
      %dma_wait3A_756 = arith.constant 0 : i32
      %dma_wait3A_757 = tpu.memref_slice %arg6[%add3A_30, %dma_wait3A_756] : memref<10000x64xf32, #tpu.memory_space<vmem_shared>> -> memref<52x64xf32, #tpu.memory_space<vmem_shared>>
      tpu.wait_dma2 semaphore(%run_scoped3A_750 : memref<!tpu.dma_semaphore, #tpu.memory_space<semaphore_mem>>) src(%arg11 : memref<52x64xf32, #tpu.memory_space<vmem>>) dst(%dma_wait3A_757 : memref<52x64xf32, #tpu.memory_space<vmem_shared>>)
      tpu.yield
    }) : () -> ()
    %convert_element_type3A = arith.extui %eq3A_1 : i1 to i32
    %cond3A = arith.constant 0 : i32
    %cond3A_31 = arith.cmpi ne, %convert_element_type3A, %cond3A : i32
    scf.if %cond3A_31 {
      "tpu.region"() ({
        %run_scoped3A_750 = tpu.sem_alloc : memref<!tpu.dma_semaphore, #tpu.memory_space<semaphore_mem>>
        %dma_start3A_751 = arith.constant 0 : i32
        %dma_start3A_752 = arith.constant 0 : i32
        %dma_start3A_753 = tpu.memref_slice %arg11[%dma_start3A_751, %dma_start3A_752] : memref<52x64xf32, #tpu.memory_space<vmem>> -> memref<16x64xf32, #tpu.memory_space<vmem>>
        %dma_start3A_754 = arith.constant 9984 : i32
        %dma_start3A_755 = arith.constant 0 : i32
        %dma_start3A_756 = tpu.memref_slice %arg6[%dma_start3A_754, %dma_start3A_755] : memref<10000x64xf32, #tpu.memory_space<vmem_shared>> -> memref<16x64xf32, #tpu.memory_space<vmem_shared>>
        %dma_start3A_757 = arith.constant 9984 : i32
        %dma_start3A_758 = arith.constant 0 : i32
        %dma_start3A_759 = tpu.memref_slice %arg6[%dma_start3A_757, %dma_start3A_758] : memref<10000x64xf32, #tpu.memory_space<vmem_shared>> -> memref<16x64xf32, #tpu.memory_space<vmem_shared>>
        %dma_start3A_760 = arith.constant 0 : i32
        %dma_start3A_761 = arith.constant 0 : i32
        %dma_start3A_762 = tpu.memref_slice %arg11[%dma_start3A_760, %dma_start3A_761] : memref<52x64xf32, #tpu.memory_space<vmem>> -> memref<16x64xf32, #tpu.memory_space<vmem>>
        tpu.enqueue_dma source(%dma_start3A_762 : memref<16x64xf32, #tpu.memory_space<vmem>>) target(%dma_start3A_759 : memref<16x64xf32, #tpu.memory_space<vmem_shared>>) target_semaphore(%run_scoped3A_750 : memref<!tpu.dma_semaphore, #tpu.memory_space<semaphore_mem>>)
        %dma_wait3A = arith.constant 0 : i32
        %dma_wait3A_763 = arith.constant 0 : i32
        %dma_wait3A_764 = tpu.memref_slice %arg11[%dma_wait3A, %dma_wait3A_763] : memref<52x64xf32, #tpu.memory_space<vmem>> -> memref<16x64xf32, #tpu.memory_space<vmem>>
        %dma_wait3A_765 = arith.constant 9984 : i32
        %dma_wait3A_766 = arith.constant 0 : i32
        %dma_wait3A_767 = tpu.memref_slice %arg6[%dma_wait3A_765, %dma_wait3A_766] : memref<10000x64xf32, #tpu.memory_space<vmem_shared>> -> memref<16x64xf32, #tpu.memory_space<vmem_shared>>
        %dma_wait3A_768 = arith.constant 9984 : i32
        %dma_wait3A_769 = arith.constant 0 : i32
        %dma_wait3A_770 = tpu.memref_slice %arg6[%dma_wait3A_768, %dma_wait3A_769] : memref<10000x64xf32, #tpu.memory_space<vmem_shared>> -> memref<16x64xf32, #tpu.memory_space<vmem_shared>>
        %dma_wait3A_771 = arith.constant 0 : i32
        %dma_wait3A_772 = arith.constant 0 : i32
        %dma_wait3A_773 = tpu.memref_slice %arg11[%dma_wait3A_771, %dma_wait3A_772] : memref<52x64xf32, #tpu.memory_space<vmem>> -> memref<16x64xf32, #tpu.memory_space<vmem>>
        tpu.wait_dma2 semaphore(%run_scoped3A_750 : memref<!tpu.dma_semaphore, #tpu.memory_space<semaphore_mem>>) src(%dma_wait3A_773 : memref<16x64xf32, #tpu.memory_space<vmem>>) dst(%dma_wait3A_770 : memref<16x64xf32, #tpu.memory_space<vmem_shared>>)
        tpu.yield
      }) : () -> ()
    } else {
    }
    %scan3A_32 = arith.constant 0 : i32
    %scan3A_33 = arith.constant 0 : i32
    %scan3A_34 = arith.constant 52 : i32
    %scan3A_35 = arith.addi %scan3A_33, %scan3A_34 : i32
    %scan3A_36 = arith.constant 1 : i32
    %scan3A_37 = scf.for %scan3A_750 = %scan3A_33 to %scan3A_35 step %scan3A_36 iter_args(%scan3A_751 = %scan3A_32) -> (i32)  : i32 {
      %broadcast_in_dim3A = arith.constant 0.000000e+00 : f32
      %broadcast_in_dim3A_752 = vector.broadcast %broadcast_in_dim3A : f32 to vector<16xf32>
      %swap3A_753 = arith.index_cast %scan3A_750 : i32 to index
      %swap3A_754 = arith.constant 0 : index
      %swap3A_755 = tpu.vector_load %arg22[%swap3A_753, %swap3A_754] {strides = array<i32>} : memref<52x16xf32, #tpu.memory_space<vmem>>, vector<1x16xf32>,
      %swap3A_756 = vector.shape_cast %swap3A_755 : vector<1x16xf32> to vector<16xf32>
      %swap3A_757 = vector.shape_cast %broadcast_in_dim3A_752 : vector<16xf32> to vector<1x16xf32>
      tpu.vector_store %arg22[%swap3A_753, %swap3A_754], %swap3A_757 {strides = array<i32>} : memref<52x16xf32, #tpu.memory_space<vmem>>, vector<1x16xf32>,
      %scan3A_758 = arith.constant 0 : i32
      scf.yield %scan3A_758 : i32
    }
    %scan3A_38 = arith.constant 52 : i32
    %scan3A_39 = arith.constant 0 : i32
    %scan3A_40 = arith.constant 0 : i32
    %scan3A_41 = arith.constant 128 : i32
    %scan3A_42 = arith.addi %scan3A_40, %scan3A_41 : i32
    %scan3A_43 = arith.constant 1 : i32
    %scan3A_44 = scf.for %scan3A_750 = %scan3A_40 to %scan3A_42 step %scan3A_43 iter_args(%scan3A_751 = %scan3A_39) -> (i32)  : i32 {
      %broadcast_in_dim3A = arith.constant 1.000000e+00 : f32
      %broadcast_in_dim3A_752 = vector.broadcast %broadcast_in_dim3A : f32 to vector<16xf32>
      %swap3A_753 = arith.index_cast %scan3A_750 : i32 to index
      %swap3A_754 = arith.constant 0 : index
      %swap3A_755 = tpu.vector_load %arg21[%swap3A_753, %swap3A_754] {strides = array<i32>} : memref<128x16xf32, #tpu.memory_space<vmem>>, vector<1x16xf32>,
      %swap3A_756 = vector.shape_cast %swap3A_755 : vector<1x16xf32> to vector<16xf32>
      %swap3A_757 = vector.shape_cast %broadcast_in_dim3A_752 : vector<16xf32> to vector<1x16xf32>
      tpu.vector_store %arg21[%swap3A_753, %swap3A_754], %swap3A_757 {strides = array<i32>} : memref<128x16xf32, #tpu.memory_space<vmem>>, vector<1x16xf32>,
      %scan3A_758 = arith.constant 0 : i32
      scf.yield %scan3A_758 : i32
    }
    %scan3A_45 = arith.constant 128 : i32
    %add3A_46 = arith.constant 0 : i32
    %add3A_47 = arith.addi %mul3A_0, %add3A_46 : i32
    "tpu.region"() ({
      %run_scoped3A_750 = tpu.sem_alloc : memref<!tpu.dma_semaphore, #tpu.memory_space<semaphore_mem>>
      %dma_start3A_751 = arith.constant 0 : i32
      %dma_start3A_752 = tpu.memref_slice %arg20[%add3A_47, %dma_start3A_751] : memref<10000x16xf32, #tpu.memory_space<vmem_shared>> -> memref<52x16xf32, #tpu.memory_space<vmem_shared>>
      %dma_start3A_753 = arith.constant 0 : i32
      %dma_start3A_754 = tpu.memref_slice %arg20[%add3A_47, %dma_start3A_753] : memref<10000x16xf32, #tpu.memory_space<vmem_shared>> -> memref<52x16xf32, #tpu.memory_space<vmem_shared>>
      tpu.enqueue_dma source(%arg22 : memref<52x16xf32, #tpu.memory_space<vmem>>) target(%dma_start3A_754 : memref<52x16xf32, #tpu.memory_space<vmem_shared>>) target_semaphore(%run_scoped3A_750 : memref<!tpu.dma_semaphore, #tpu.memory_space<semaphore_mem>>)
      %dma_wait3A = arith.constant 0 : i32
      %dma_wait3A_755 = tpu.memref_slice %arg20[%add3A_47, %dma_wait3A] : memref<10000x16xf32, #tpu.memory_space<vmem_shared>> -> memref<52x16xf32, #tpu.memory_space<vmem_shared>>
      %dma_wait3A_756 = arith.constant 0 : i32
      %dma_wait3A_757 = tpu.memref_slice %arg20[%add3A_47, %dma_wait3A_756] : memref<10000x16xf32, #tpu.memory_space<vmem_shared>> -> memref<52x16xf32, #tpu.memory_space<vmem_shared>>
      tpu.wait_dma2 semaphore(%run_scoped3A_750 : memref<!tpu.dma_semaphore, #tpu.memory_space<semaphore_mem>>) src(%arg22 : memref<52x16xf32, #tpu.memory_space<vmem>>) dst(%dma_wait3A_757 : memref<52x16xf32, #tpu.memory_space<vmem_shared>>)
      tpu.yield
    }) : () -> ()
    %add3A_48 = arith.constant 52 : i32
    %add3A_49 = arith.addi %mul3A_0, %add3A_48 : i32
    "tpu.region"() ({
      %run_scoped3A_750 = tpu.sem_alloc : memref<!tpu.dma_semaphore, #tpu.memory_space<semaphore_mem>>
      %dma_start3A_751 = arith.constant 0 : i32
      %dma_start3A_752 = tpu.memref_slice %arg20[%add3A_49, %dma_start3A_751] : memref<10000x16xf32, #tpu.memory_space<vmem_shared>> -> memref<52x16xf32, #tpu.memory_space<vmem_shared>>
      %dma_start3A_753 = arith.constant 0 : i32
      %dma_start3A_754 = tpu.memref_slice %arg20[%add3A_49, %dma_start3A_753] : memref<10000x16xf32, #tpu.memory_space<vmem_shared>> -> memref<52x16xf32, #tpu.memory_space<vmem_shared>>
      tpu.enqueue_dma source(%arg22 : memref<52x16xf32, #tpu.memory_space<vmem>>) target(%dma_start3A_754 : memref<52x16xf32, #tpu.memory_space<vmem_shared>>) target_semaphore(%run_scoped3A_750 : memref<!tpu.dma_semaphore, #tpu.memory_space<semaphore_mem>>)
      %dma_wait3A = arith.constant 0 : i32
      %dma_wait3A_755 = tpu.memref_slice %arg20[%add3A_49, %dma_wait3A] : memref<10000x16xf32, #tpu.memory_space<vmem_shared>> -> memref<52x16xf32, #tpu.memory_space<vmem_shared>>
      %dma_wait3A_756 = arith.constant 0 : i32
      %dma_wait3A_757 = tpu.memref_slice %arg20[%add3A_49, %dma_wait3A_756] : memref<10000x16xf32, #tpu.memory_space<vmem_shared>> -> memref<52x16xf32, #tpu.memory_space<vmem_shared>>
      tpu.wait_dma2 semaphore(%run_scoped3A_750 : memref<!tpu.dma_semaphore, #tpu.memory_space<semaphore_mem>>) src(%arg22 : memref<52x16xf32, #tpu.memory_space<vmem>>) dst(%dma_wait3A_757 : memref<52x16xf32, #tpu.memory_space<vmem_shared>>)
      tpu.yield
    }) : () -> ()
    %add3A_50 = arith.constant 104 : i32
    %add3A_51 = arith.addi %mul3A_0, %add3A_50 : i32
    "tpu.region"() ({
      %run_scoped3A_750 = tpu.sem_alloc : memref<!tpu.dma_semaphore, #tpu.memory_space<semaphore_mem>>
      %dma_start3A_751 = arith.constant 0 : i32
      %dma_start3A_752 = tpu.memref_slice %arg20[%add3A_51, %dma_start3A_751] : memref<10000x16xf32, #tpu.memory_space<vmem_shared>> -> memref<52x16xf32, #tpu.memory_space<vmem_shared>>
      %dma_start3A_753 = arith.constant 0 : i32
      %dma_start3A_754 = tpu.memref_slice %arg20[%add3A_51, %dma_start3A_753] : memref<10000x16xf32, #tpu.memory_space<vmem_shared>> -> memref<52x16xf32, #tpu.memory_space<vmem_shared>>
      tpu.enqueue_dma source(%arg22 : memref<52x16xf32, #tpu.memory_space<vmem>>) target(%dma_start3A_754 : memref<52x16xf32, #tpu.memory_space<vmem_shared>>) target_semaphore(%run_scoped3A_750 : memref<!tpu.dma_semaphore, #tpu.memory_space<semaphore_mem>>)
      %dma_wait3A = arith.constant 0 : i32
      %dma_wait3A_755 = tpu.memref_slice %arg20[%add3A_51, %dma_wait3A] : memref<10000x16xf32, #tpu.memory_space<vmem_shared>> -> memref<52x16xf32, #tpu.memory_space<vmem_shared>>
      %dma_wait3A_756 = arith.constant 0 : i32
      %dma_wait3A_757 = tpu.memref_slice %arg20[%add3A_51, %dma_wait3A_756] : memref<10000x16xf32, #tpu.memory_space<vmem_shared>> -> memref<52x16xf32, #tpu.memory_space<vmem_shared>>
      tpu.wait_dma2 semaphore(%run_scoped3A_750 : memref<!tpu.dma_semaphore, #tpu.memory_space<semaphore_mem>>) src(%arg22 : memref<52x16xf32, #tpu.memory_space<vmem>>) dst(%dma_wait3A_757 : memref<52x16xf32, #tpu.memory_space<vmem_shared>>)
      tpu.yield
    }) : () -> ()
    %add3A_52 = arith.constant 156 : i32
    %add3A_53 = arith.addi %mul3A_0, %add3A_52 : i32
    "tpu.region"() ({
      %run_scoped3A_750 = tpu.sem_alloc : memref<!tpu.dma_semaphore, #tpu.memory_space<semaphore_mem>>
      %dma_start3A_751 = arith.constant 0 : i32
      %dma_start3A_752 = tpu.memref_slice %arg20[%add3A_53, %dma_start3A_751] : memref<10000x16xf32, #tpu.memory_space<vmem_shared>> -> memref<52x16xf32, #tpu.memory_space<vmem_shared>>
      %dma_start3A_753 = arith.constant 0 : i32
      %dma_start3A_754 = tpu.memref_slice %arg20[%add3A_53, %dma_start3A_753] : memref<10000x16xf32, #tpu.memory_space<vmem_shared>> -> memref<52x16xf32, #tpu.memory_space<vmem_shared>>
      tpu.enqueue_dma source(%arg22 : memref<52x16xf32, #tpu.memory_space<vmem>>) target(%dma_start3A_754 : memref<52x16xf32, #tpu.memory_space<vmem_shared>>) target_semaphore(%run_scoped3A_750 : memref<!tpu.dma_semaphore, #tpu.memory_space<semaphore_mem>>)
      %dma_wait3A = arith.constant 0 : i32
      %dma_wait3A_755 = tpu.memref_slice %arg20[%add3A_53, %dma_wait3A] : memref<10000x16xf32, #tpu.memory_space<vmem_shared>> -> memref<52x16xf32, #tpu.memory_space<vmem_shared>>
      %dma_wait3A_756 = arith.constant 0 : i32
      %dma_wait3A_757 = tpu.memref_slice %arg20[%add3A_53, %dma_wait3A_756] : memref<10000x16xf32, #tpu.memory_space<vmem_shared>> -> memref<52x16xf32, #tpu.memory_space<vmem_shared>>
      tpu.wait_dma2 semaphore(%run_scoped3A_750 : memref<!tpu.dma_semaphore, #tpu.memory_space<semaphore_mem>>) src(%arg22 : memref<52x16xf32, #tpu.memory_space<vmem>>) dst(%dma_wait3A_757 : memref<52x16xf32, #tpu.memory_space<vmem_shared>>)
      tpu.yield
    }) : () -> ()
    %add3A_54 = arith.constant 208 : i32
    %add3A_55 = arith.addi %mul3A_0, %add3A_54 : i32
    "tpu.region"() ({
      %run_scoped3A_750 = tpu.sem_alloc : memref<!tpu.dma_semaphore, #tpu.memory_space<semaphore_mem>>
      %dma_start3A_751 = arith.constant 0 : i32
      %dma_start3A_752 = tpu.memref_slice %arg20[%add3A_55, %dma_start3A_751] : memref<10000x16xf32, #tpu.memory_space<vmem_shared>> -> memref<52x16xf32, #tpu.memory_space<vmem_shared>>
      %dma_start3A_753 = arith.constant 0 : i32
      %dma_start3A_754 = tpu.memref_slice %arg20[%add3A_55, %dma_start3A_753] : memref<10000x16xf32, #tpu.memory_space<vmem_shared>> -> memref<52x16xf32, #tpu.memory_space<vmem_shared>>
      tpu.enqueue_dma source(%arg22 : memref<52x16xf32, #tpu.memory_space<vmem>>) target(%dma_start3A_754 : memref<52x16xf32, #tpu.memory_space<vmem_shared>>) target_semaphore(%run_scoped3A_750 : memref<!tpu.dma_semaphore, #tpu.memory_space<semaphore_mem>>)
      %dma_wait3A = arith.constant 0 : i32
      %dma_wait3A_755 = tpu.memref_slice %arg20[%add3A_55, %dma_wait3A] : memref<10000x16xf32, #tpu.memory_space<vmem_shared>> -> memref<52x16xf32, #tpu.memory_space<vmem_shared>>
      %dma_wait3A_756 = arith.constant 0 : i32
      %dma_wait3A_757 = tpu.memref_slice %arg20[%add3A_55, %dma_wait3A_756] : memref<10000x16xf32, #tpu.memory_space<vmem_shared>> -> memref<52x16xf32, #tpu.memory_space<vmem_shared>>
      tpu.wait_dma2 semaphore(%run_scoped3A_750 : memref<!tpu.dma_semaphore, #tpu.memory_space<semaphore_mem>>) src(%arg22 : memref<52x16xf32, #tpu.memory_space<vmem>>) dst(%dma_wait3A_757 : memref<52x16xf32, #tpu.memory_space<vmem_shared>>)
      tpu.yield
    }) : () -> ()
    %add3A_56 = arith.constant 260 : i32
    %add3A_57 = arith.addi %mul3A_0, %add3A_56 : i32
    "tpu.region"() ({
      %run_scoped3A_750 = tpu.sem_alloc : memref<!tpu.dma_semaphore, #tpu.memory_space<semaphore_mem>>
      %dma_start3A_751 = arith.constant 0 : i32
      %dma_start3A_752 = tpu.memref_slice %arg20[%add3A_57, %dma_start3A_751] : memref<10000x16xf32, #tpu.memory_space<vmem_shared>> -> memref<52x16xf32, #tpu.memory_space<vmem_shared>>
      %dma_start3A_753 = arith.constant 0 : i32
      %dma_start3A_754 = tpu.memref_slice %arg20[%add3A_57, %dma_start3A_753] : memref<10000x16xf32, #tpu.memory_space<vmem_shared>> -> memref<52x16xf32, #tpu.memory_space<vmem_shared>>
      tpu.enqueue_dma source(%arg22 : memref<52x16xf32, #tpu.memory_space<vmem>>) target(%dma_start3A_754 : memref<52x16xf32, #tpu.memory_space<vmem_shared>>) target_semaphore(%run_scoped3A_750 : memref<!tpu.dma_semaphore, #tpu.memory_space<semaphore_mem>>)
      %dma_wait3A = arith.constant 0 : i32
      %dma_wait3A_755 = tpu.memref_slice %arg20[%add3A_57, %dma_wait3A] : memref<10000x16xf32, #tpu.memory_space<vmem_shared>> -> memref<52x16xf32, #tpu.memory_space<vmem_shared>>
      %dma_wait3A_756 = arith.constant 0 : i32
      %dma_wait3A_757 = tpu.memref_slice %arg20[%add3A_57, %dma_wait3A_756] : memref<10000x16xf32, #tpu.memory_space<vmem_shared>> -> memref<52x16xf32, #tpu.memory_space<vmem_shared>>
      tpu.wait_dma2 semaphore(%run_scoped3A_750 : memref<!tpu.dma_semaphore, #tpu.memory_space<semaphore_mem>>) src(%arg22 : memref<52x16xf32, #tpu.memory_space<vmem>>) dst(%dma_wait3A_757 : memref<52x16xf32, #tpu.memory_space<vmem_shared>>)
      tpu.yield
    }) : () -> ()
    %add3A_58 = arith.constant 312 : i32
    %add3A_59 = arith.addi %mul3A_0, %add3A_58 : i32
    "tpu.region"() ({
      %run_scoped3A_750 = tpu.sem_alloc : memref<!tpu.dma_semaphore, #tpu.memory_space<semaphore_mem>>
      %dma_start3A_751 = arith.constant 0 : i32
      %dma_start3A_752 = tpu.memref_slice %arg20[%add3A_59, %dma_start3A_751] : memref<10000x16xf32, #tpu.memory_space<vmem_shared>> -> memref<52x16xf32, #tpu.memory_space<vmem_shared>>
      %dma_start3A_753 = arith.constant 0 : i32
      %dma_start3A_754 = tpu.memref_slice %arg20[%add3A_59, %dma_start3A_753] : memref<10000x16xf32, #tpu.memory_space<vmem_shared>> -> memref<52x16xf32, #tpu.memory_space<vmem_shared>>
      tpu.enqueue_dma source(%arg22 : memref<52x16xf32, #tpu.memory_space<vmem>>) target(%dma_start3A_754 : memref<52x16xf32, #tpu.memory_space<vmem_shared>>) target_semaphore(%run_scoped3A_750 : memref<!tpu.dma_semaphore, #tpu.memory_space<semaphore_mem>>)
      %dma_wait3A = arith.constant 0 : i32
      %dma_wait3A_755 = tpu.memref_slice %arg20[%add3A_59, %dma_wait3A] : memref<10000x16xf32, #tpu.memory_space<vmem_shared>> -> memref<52x16xf32, #tpu.memory_space<vmem_shared>>
      %dma_wait3A_756 = arith.constant 0 : i32
      %dma_wait3A_757 = tpu.memref_slice %arg20[%add3A_59, %dma_wait3A_756] : memref<10000x16xf32, #tpu.memory_space<vmem_shared>> -> memref<52x16xf32, #tpu.memory_space<vmem_shared>>
      tpu.wait_dma2 semaphore(%run_scoped3A_750 : memref<!tpu.dma_semaphore, #tpu.memory_space<semaphore_mem>>) src(%arg22 : memref<52x16xf32, #tpu.memory_space<vmem>>) dst(%dma_wait3A_757 : memref<52x16xf32, #tpu.memory_space<vmem_shared>>)
      tpu.yield
    }) : () -> ()
    %add3A_60 = arith.constant 364 : i32
    %add3A_61 = arith.addi %mul3A_0, %add3A_60 : i32
    "tpu.region"() ({
      %run_scoped3A_750 = tpu.sem_alloc : memref<!tpu.dma_semaphore, #tpu.memory_space<semaphore_mem>>
      %dma_start3A_751 = arith.constant 0 : i32
      %dma_start3A_752 = tpu.memref_slice %arg20[%add3A_61, %dma_start3A_751] : memref<10000x16xf32, #tpu.memory_space<vmem_shared>> -> memref<52x16xf32, #tpu.memory_space<vmem_shared>>
      %dma_start3A_753 = arith.constant 0 : i32
      %dma_start3A_754 = tpu.memref_slice %arg20[%add3A_61, %dma_start3A_753] : memref<10000x16xf32, #tpu.memory_space<vmem_shared>> -> memref<52x16xf32, #tpu.memory_space<vmem_shared>>
      tpu.enqueue_dma source(%arg22 : memref<52x16xf32, #tpu.memory_space<vmem>>) target(%dma_start3A_754 : memref<52x16xf32, #tpu.memory_space<vmem_shared>>) target_semaphore(%run_scoped3A_750 : memref<!tpu.dma_semaphore, #tpu.memory_space<semaphore_mem>>)
      %dma_wait3A = arith.constant 0 : i32
      %dma_wait3A_755 = tpu.memref_slice %arg20[%add3A_61, %dma_wait3A] : memref<10000x16xf32, #tpu.memory_space<vmem_shared>> -> memref<52x16xf32, #tpu.memory_space<vmem_shared>>
      %dma_wait3A_756 = arith.constant 0 : i32
      %dma_wait3A_757 = tpu.memref_slice %arg20[%add3A_61, %dma_wait3A_756] : memref<10000x16xf32, #tpu.memory_space<vmem_shared>> -> memref<52x16xf32, #tpu.memory_space<vmem_shared>>
      tpu.wait_dma2 semaphore(%run_scoped3A_750 : memref<!tpu.dma_semaphore, #tpu.memory_space<semaphore_mem>>) src(%arg22 : memref<52x16xf32, #tpu.memory_space<vmem>>) dst(%dma_wait3A_757 : memref<52x16xf32, #tpu.memory_space<vmem_shared>>)
      tpu.yield
    }) : () -> ()
    %add3A_62 = arith.constant 416 : i32
    %add3A_63 = arith.addi %mul3A_0, %add3A_62 : i32
    "tpu.region"() ({
      %run_scoped3A_750 = tpu.sem_alloc : memref<!tpu.dma_semaphore, #tpu.memory_space<semaphore_mem>>
      %dma_start3A_751 = arith.constant 0 : i32
      %dma_start3A_752 = tpu.memref_slice %arg20[%add3A_63, %dma_start3A_751] : memref<10000x16xf32, #tpu.memory_space<vmem_shared>> -> memref<52x16xf32, #tpu.memory_space<vmem_shared>>
      %dma_start3A_753 = arith.constant 0 : i32
      %dma_start3A_754 = tpu.memref_slice %arg20[%add3A_63, %dma_start3A_753] : memref<10000x16xf32, #tpu.memory_space<vmem_shared>> -> memref<52x16xf32, #tpu.memory_space<vmem_shared>>
      tpu.enqueue_dma source(%arg22 : memref<52x16xf32, #tpu.memory_space<vmem>>) target(%dma_start3A_754 : memref<52x16xf32, #tpu.memory_space<vmem_shared>>) target_semaphore(%run_scoped3A_750 : memref<!tpu.dma_semaphore, #tpu.memory_space<semaphore_mem>>)
      %dma_wait3A = arith.constant 0 : i32
      %dma_wait3A_755 = tpu.memref_slice %arg20[%add3A_63, %dma_wait3A] : memref<10000x16xf32, #tpu.memory_space<vmem_shared>> -> memref<52x16xf32, #tpu.memory_space<vmem_shared>>
      %dma_wait3A_756 = arith.constant 0 : i32
      %dma_wait3A_757 = tpu.memref_slice %arg20[%add3A_63, %dma_wait3A_756] : memref<10000x16xf32, #tpu.memory_space<vmem_shared>> -> memref<52x16xf32, #tpu.memory_space<vmem_shared>>
      tpu.wait_dma2 semaphore(%run_scoped3A_750 : memref<!tpu.dma_semaphore, #tpu.memory_space<semaphore_mem>>) src(%arg22 : memref<52x16xf32, #tpu.memory_space<vmem>>) dst(%dma_wait3A_757 : memref<52x16xf32, #tpu.memory_space<vmem_shared>>)
      tpu.yield
    }) : () -> ()
    %add3A_64 = arith.constant 468 : i32
    %add3A_65 = arith.addi %mul3A_0, %add3A_64 : i32
    "tpu.region"() ({
      %run_scoped3A_750 = tpu.sem_alloc : memref<!tpu.dma_semaphore, #tpu.memory_space<semaphore_mem>>
      %dma_start3A_751 = arith.constant 0 : i32
      %dma_start3A_752 = tpu.memref_slice %arg20[%add3A_65, %dma_start3A_751] : memref<10000x16xf32, #tpu.memory_space<vmem_shared>> -> memref<52x16xf32, #tpu.memory_space<vmem_shared>>
      %dma_start3A_753 = arith.constant 0 : i32
      %dma_start3A_754 = tpu.memref_slice %arg20[%add3A_65, %dma_start3A_753] : memref<10000x16xf32, #tpu.memory_space<vmem_shared>> -> memref<52x16xf32, #tpu.memory_space<vmem_shared>>
      tpu.enqueue_dma source(%arg22 : memref<52x16xf32, #tpu.memory_space<vmem>>) target(%dma_start3A_754 : memref<52x16xf32, #tpu.memory_space<vmem_shared>>) target_semaphore(%run_scoped3A_750 : memref<!tpu.dma_semaphore, #tpu.memory_space<semaphore_mem>>)
      %dma_wait3A = arith.constant 0 : i32
      %dma_wait3A_755 = tpu.memref_slice %arg20[%add3A_65, %dma_wait3A] : memref<10000x16xf32, #tpu.memory_space<vmem_shared>> -> memref<52x16xf32, #tpu.memory_space<vmem_shared>>
      %dma_wait3A_756 = arith.constant 0 : i32
      %dma_wait3A_757 = tpu.memref_slice %arg20[%add3A_65, %dma_wait3A_756] : memref<10000x16xf32, #tpu.memory_space<vmem_shared>> -> memref<52x16xf32, #tpu.memory_space<vmem_shared>>
      tpu.wait_dma2 semaphore(%run_scoped3A_750 : memref<!tpu.dma_semaphore, #tpu.memory_space<semaphore_mem>>) src(%arg22 : memref<52x16xf32, #tpu.memory_space<vmem>>) dst(%dma_wait3A_757 : memref<52x16xf32, #tpu.memory_space<vmem_shared>>)
      tpu.yield
    }) : () -> ()
    %add3A_66 = arith.constant 520 : i32
    %add3A_67 = arith.addi %mul3A_0, %add3A_66 : i32
    "tpu.region"() ({
      %run_scoped3A_750 = tpu.sem_alloc : memref<!tpu.dma_semaphore, #tpu.memory_space<semaphore_mem>>
      %dma_start3A_751 = arith.constant 0 : i32
      %dma_start3A_752 = tpu.memref_slice %arg20[%add3A_67, %dma_start3A_751] : memref<10000x16xf32, #tpu.memory_space<vmem_shared>> -> memref<52x16xf32, #tpu.memory_space<vmem_shared>>
      %dma_start3A_753 = arith.constant 0 : i32
      %dma_start3A_754 = tpu.memref_slice %arg20[%add3A_67, %dma_start3A_753] : memref<10000x16xf32, #tpu.memory_space<vmem_shared>> -> memref<52x16xf32, #tpu.memory_space<vmem_shared>>
      tpu.enqueue_dma source(%arg22 : memref<52x16xf32, #tpu.memory_space<vmem>>) target(%dma_start3A_754 : memref<52x16xf32, #tpu.memory_space<vmem_shared>>) target_semaphore(%run_scoped3A_750 : memref<!tpu.dma_semaphore, #tpu.memory_space<semaphore_mem>>)
      %dma_wait3A = arith.constant 0 : i32
      %dma_wait3A_755 = tpu.memref_slice %arg20[%add3A_67, %dma_wait3A] : memref<10000x16xf32, #tpu.memory_space<vmem_shared>> -> memref<52x16xf32, #tpu.memory_space<vmem_shared>>
      %dma_wait3A_756 = arith.constant 0 : i32
      %dma_wait3A_757 = tpu.memref_slice %arg20[%add3A_67, %dma_wait3A_756] : memref<10000x16xf32, #tpu.memory_space<vmem_shared>> -> memref<52x16xf32, #tpu.memory_space<vmem_shared>>
      tpu.wait_dma2 semaphore(%run_scoped3A_750 : memref<!tpu.dma_semaphore, #tpu.memory_space<semaphore_mem>>) src(%arg22 : memref<52x16xf32, #tpu.memory_space<vmem>>) dst(%dma_wait3A_757 : memref<52x16xf32, #tpu.memory_space<vmem_shared>>)
      tpu.yield
    }) : () -> ()
    %add3A_68 = arith.constant 572 : i32
    %add3A_69 = arith.addi %mul3A_0, %add3A_68 : i32
    "tpu.region"() ({
      %run_scoped3A_750 = tpu.sem_alloc : memref<!tpu.dma_semaphore, #tpu.memory_space<semaphore_mem>>
      %dma_start3A_751 = arith.constant 0 : i32
      %dma_start3A_752 = tpu.memref_slice %arg20[%add3A_69, %dma_start3A_751] : memref<10000x16xf32, #tpu.memory_space<vmem_shared>> -> memref<52x16xf32, #tpu.memory_space<vmem_shared>>
      %dma_start3A_753 = arith.constant 0 : i32
      %dma_start3A_754 = tpu.memref_slice %arg20[%add3A_69, %dma_start3A_753] : memref<10000x16xf32, #tpu.memory_space<vmem_shared>> -> memref<52x16xf32, #tpu.memory_space<vmem_shared>>
      tpu.enqueue_dma source(%arg22 : memref<52x16xf32, #tpu.memory_space<vmem>>) target(%dma_start3A_754 : memref<52x16xf32, #tpu.memory_space<vmem_shared>>) target_semaphore(%run_scoped3A_750 : memref<!tpu.dma_semaphore, #tpu.memory_space<semaphore_mem>>)
      %dma_wait3A = arith.constant 0 : i32
      %dma_wait3A_755 = tpu.memref_slice %arg20[%add3A_69, %dma_wait3A] : memref<10000x16xf32, #tpu.memory_space<vmem_shared>> -> memref<52x16xf32, #tpu.memory_space<vmem_shared>>
      %dma_wait3A_756 = arith.constant 0 : i32
      %dma_wait3A_757 = tpu.memref_slice %arg20[%add3A_69, %dma_wait3A_756] : memref<10000x16xf32, #tpu.memory_space<vmem_shared>> -> memref<52x16xf32, #tpu.memory_space<vmem_shared>>
      tpu.wait_dma2 semaphore(%run_scoped3A_750 : memref<!tpu.dma_semaphore, #tpu.memory_space<semaphore_mem>>) src(%arg22 : memref<52x16xf32, #tpu.memory_space<vmem>>) dst(%dma_wait3A_757 : memref<52x16xf32, #tpu.memory_space<vmem_shared>>)
      tpu.yield
    }) : () -> ()
    %convert_element_type3A_70 = arith.extui %eq3A_1 : i1 to i32
    %cond3A_71 = arith.constant 0 : i32
    %cond3A_72 = arith.cmpi ne, %convert_element_type3A_70, %cond3A_71 : i32
    scf.if %cond3A_72 {
      "tpu.region"() ({
        %run_scoped3A_750 = tpu.sem_alloc : memref<!tpu.dma_semaphore, #tpu.memory_space<semaphore_mem>>
        %dma_start3A_751 = arith.constant 0 : i32
        %dma_start3A_752 = arith.constant 0 : i32
        %dma_start3A_753 = tpu.memref_slice %arg22[%dma_start3A_751, %dma_start3A_752] : memref<52x16xf32, #tpu.memory_space<vmem>> -> memref<16x16xf32, #tpu.memory_space<vmem>>
        %dma_start3A_754 = arith.constant 9984 : i32
        %dma_start3A_755 = arith.constant 0 : i32
        %dma_start3A_756 = tpu.memref_slice %arg20[%dma_start3A_754, %dma_start3A_755] : memref<10000x16xf32, #tpu.memory_space<vmem_shared>> -> memref<16x16xf32, #tpu.memory_space<vmem_shared>>
        %dma_start3A_757 = arith.constant 9984 : i32
        %dma_start3A_758 = arith.constant 0 : i32
        %dma_start3A_759 = tpu.memref_slice %arg20[%dma_start3A_757, %dma_start3A_758] : memref<10000x16xf32, #tpu.memory_space<vmem_shared>> -> memref<16x16xf32, #tpu.memory_space<vmem_shared>>
        %dma_start3A_760 = arith.constant 0 : i32
        %dma_start3A_761 = arith.constant 0 : i32
        %dma_start3A_762 = tpu.memref_slice %arg22[%dma_start3A_760, %dma_start3A_761] : memref<52x16xf32, #tpu.memory_space<vmem>> -> memref<16x16xf32, #tpu.memory_space<vmem>>
        tpu.enqueue_dma source(%dma_start3A_762 : memref<16x16xf32, #tpu.memory_space<vmem>>) target(%dma_start3A_759 : memref<16x16xf32, #tpu.memory_space<vmem_shared>>) target_semaphore(%run_scoped3A_750 : memref<!tpu.dma_semaphore, #tpu.memory_space<semaphore_mem>>)
        %dma_wait3A = arith.constant 0 : i32
        %dma_wait3A_763 = arith.constant 0 : i32
        %dma_wait3A_764 = tpu.memref_slice %arg22[%dma_wait3A, %dma_wait3A_763] : memref<52x16xf32, #tpu.memory_space<vmem>> -> memref<16x16xf32, #tpu.memory_space<vmem>>
        %dma_wait3A_765 = arith.constant 9984 : i32
        %dma_wait3A_766 = arith.constant 0 : i32
        %dma_wait3A_767 = tpu.memref_slice %arg20[%dma_wait3A_765, %dma_wait3A_766] : memref<10000x16xf32, #tpu.memory_space<vmem_shared>> -> memref<16x16xf32, #tpu.memory_space<vmem_shared>>
        %dma_wait3A_768 = arith.constant 9984 : i32
        %dma_wait3A_769 = arith.constant 0 : i32
        %dma_wait3A_770 = tpu.memref_slice %arg20[%dma_wait3A_768, %dma_wait3A_769] : memref<10000x16xf32, #tpu.memory_space<vmem_shared>> -> memref<16x16xf32, #tpu.memory_space<vmem_shared>>
        %dma_wait3A_771 = arith.constant 0 : i32
        %dma_wait3A_772 = arith.constant 0 : i32
        %dma_wait3A_773 = tpu.memref_slice %arg22[%dma_wait3A_771, %dma_wait3A_772] : memref<52x16xf32, #tpu.memory_space<vmem>> -> memref<16x16xf32, #tpu.memory_space<vmem>>
        tpu.wait_dma2 semaphore(%run_scoped3A_750 : memref<!tpu.dma_semaphore, #tpu.memory_space<semaphore_mem>>) src(%dma_wait3A_773 : memref<16x16xf32, #tpu.memory_space<vmem>>) dst(%dma_wait3A_770 : memref<16x16xf32, #tpu.memory_space<vmem_shared>>)
        tpu.yield
      }) : () -> ()
    } else {
    }
    %barrier3A = arith.constant 0 : index
    tpu.barrier barrier_id(%barrier3A)
    %mul3A_73 = arith.constant 156 : i32
    %mul3A_74 = arith.muli %arg1, %mul3A_73 : i32
    %min3A = arith.constant 4 : i32
    %min3A_75 = arith.minsi %arg1, %min3A : i32
    %add3A_76 = arith.addi %mul3A_74, %min3A_75 : i32
    %lt3A = arith.constant 4 : i32
    %lt3A_77 = arith.cmpi slt, %arg1, %lt3A : i32
    %jit3A = arith.constant 1 : i32
    %jit3A_78 = arith.constant 0 : i32
    %select_n3A = arith.select %lt3A_77, %jit3A, %jit3A_78 : i32
    %add3A_79 = arith.constant 156 : i32
    %add3A_80 = arith.addi %add3A_79, %select_n3A : i32
    %run_scoped3A = arith.constant 0 : i32
    "tpu.region"() ({
      %run_scoped3A_750 = tpu.sem_alloc : memref<!tpu.dma_semaphore, #tpu.memory_space<semaphore_mem>>
      %dma_start3A_751 = arith.constant 0 : i32
      %dma_start3A_752 = arith.constant 0 : i32
      %dma_start3A_753 = tpu.memref_slice %arg7[%dma_start3A_751, %dma_start3A_752] : memref<157x128xi32, #tpu.memory_space<vmem>> -> memref<156x128xi32, #tpu.memory_space<vmem>>
      %dma_start3A_754 = arith.constant 0 : i32
      %dma_start3A_755 = arith.constant 0 : i32
      %dma_start3A_756 = tpu.memref_slice %arg3[%run_scoped3A, %dma_start3A_754, %dma_start3A_755] : memref<2x2500x128xi32, #tpu.memory_space<hbm>> -> memref<1x2500x128xi32, #tpu.memory_space<hbm>>
      %dma_start3A_757 = tpu.memref_squeeze %dma_start3A_756 : memref<1x2500x128xi32, #tpu.memory_space<hbm>> -> memref<2500x128xi32, #tpu.memory_space<hbm>>
      %dma_start3A_758 = arith.constant 0 : i32
      %dma_start3A_759 = tpu.memref_slice %dma_start3A_757[%add3A_76, %dma_start3A_758] : memref<2500x128xi32, #tpu.memory_space<hbm>> -> memref<156x128xi32, #tpu.memory_space<hbm>>
      %dma_start3A_760 = arith.constant 0 : i32
      %dma_start3A_761 = arith.constant 0 : i32
      %dma_start3A_762 = tpu.memref_slice %arg7[%dma_start3A_760, %dma_start3A_761] : memref<157x128xi32, #tpu.memory_space<vmem>> -> memref<156x128xi32, #tpu.memory_space<vmem>>
      %dma_start3A_763 = arith.constant 0 : i32
      %dma_start3A_764 = arith.constant 0 : i32
      %dma_start3A_765 = tpu.memref_slice %arg3[%run_scoped3A, %dma_start3A_763, %dma_start3A_764] : memref<2x2500x128xi32, #tpu.memory_space<hbm>> -> memref<1x2500x128xi32, #tpu.memory_space<hbm>>
      %dma_start3A_766 = tpu.memref_squeeze %dma_start3A_765 : memref<1x2500x128xi32, #tpu.memory_space<hbm>> -> memref<2500x128xi32, #tpu.memory_space<hbm>>
      %dma_start3A_767 = arith.constant 0 : i32
      %dma_start3A_768 = tpu.memref_slice %dma_start3A_766[%add3A_76, %dma_start3A_767] : memref<2500x128xi32, #tpu.memory_space<hbm>> -> memref<156x128xi32, #tpu.memory_space<hbm>>
      tpu.enqueue_dma source(%dma_start3A_768 : memref<156x128xi32, #tpu.memory_space<hbm>>) target(%dma_start3A_762 : memref<156x128xi32, #tpu.memory_space<vmem>>) target_semaphore(%run_scoped3A_750 : memref<!tpu.dma_semaphore, #tpu.memory_space<semaphore_mem>>)
      %dma_wait3A = arith.constant 0 : i32
      %dma_wait3A_769 = arith.constant 0 : i32
      %dma_wait3A_770 = tpu.memref_slice %arg7[%dma_wait3A, %dma_wait3A_769] : memref<157x128xi32, #tpu.memory_space<vmem>> -> memref<156x128xi32, #tpu.memory_space<vmem>>
      %dma_wait3A_771 = arith.constant 0 : i32
      %dma_wait3A_772 = arith.constant 0 : i32
      %dma_wait3A_773 = tpu.memref_slice %arg3[%run_scoped3A, %dma_wait3A_771, %dma_wait3A_772] : memref<2x2500x128xi32, #tpu.memory_space<hbm>> -> memref<1x2500x128xi32, #tpu.memory_space<hbm>>
      %dma_wait3A_774 = tpu.memref_squeeze %dma_wait3A_773 : memref<1x2500x128xi32, #tpu.memory_space<hbm>> -> memref<2500x128xi32, #tpu.memory_space<hbm>>
      %dma_wait3A_775 = arith.constant 0 : i32
      %dma_wait3A_776 = tpu.memref_slice %dma_wait3A_774[%add3A_76, %dma_wait3A_775] : memref<2500x128xi32, #tpu.memory_space<hbm>> -> memref<156x128xi32, #tpu.memory_space<hbm>>
      %dma_wait3A_777 = arith.constant 0 : i32
      %dma_wait3A_778 = arith.constant 0 : i32
      %dma_wait3A_779 = tpu.memref_slice %arg7[%dma_wait3A_777, %dma_wait3A_778] : memref<157x128xi32, #tpu.memory_space<vmem>> -> memref<156x128xi32, #tpu.memory_space<vmem>>
      %dma_wait3A_780 = arith.constant 0 : i32
      %dma_wait3A_781 = arith.constant 0 : i32
      %dma_wait3A_782 = tpu.memref_slice %arg3[%run_scoped3A, %dma_wait3A_780, %dma_wait3A_781] : memref<2x2500x128xi32, #tpu.memory_space<hbm>> -> memref<1x2500x128xi32, #tpu.memory_space<hbm>>
      %dma_wait3A_783 = tpu.memref_squeeze %dma_wait3A_782 : memref<1x2500x128xi32, #tpu.memory_space<hbm>> -> memref<2500x128xi32, #tpu.memory_space<hbm>>
      %dma_wait3A_784 = arith.constant 0 : i32
      %dma_wait3A_785 = tpu.memref_slice %dma_wait3A_783[%add3A_76, %dma_wait3A_784] : memref<2500x128xi32, #tpu.memory_space<hbm>> -> memref<156x128xi32, #tpu.memory_space<hbm>>
      tpu.wait_dma2 semaphore(%run_scoped3A_750 : memref<!tpu.dma_semaphore, #tpu.memory_space<semaphore_mem>>) src(%dma_wait3A_785 : memref<156x128xi32, #tpu.memory_space<hbm>>) dst(%dma_wait3A_779 : memref<156x128xi32, #tpu.memory_space<vmem>>)
      tpu.yield
    }) : () -> ()
    %run_scoped3A_81 = arith.constant 1 : i32
    "tpu.region"() ({
      %run_scoped3A_750 = tpu.sem_alloc : memref<!tpu.dma_semaphore, #tpu.memory_space<semaphore_mem>>
      %dma_start3A_751 = arith.constant 0 : i32
      %dma_start3A_752 = arith.constant 0 : i32
      %dma_start3A_753 = tpu.memref_slice %arg8[%dma_start3A_751, %dma_start3A_752] : memref<157x128xi32, #tpu.memory_space<vmem>> -> memref<156x128xi32, #tpu.memory_space<vmem>>
      %dma_start3A_754 = arith.constant 0 : i32
      %dma_start3A_755 = arith.constant 0 : i32
      %dma_start3A_756 = tpu.memref_slice %arg3[%run_scoped3A_81, %dma_start3A_754, %dma_start3A_755] : memref<2x2500x128xi32, #tpu.memory_space<hbm>> -> memref<1x2500x128xi32, #tpu.memory_space<hbm>>
      %dma_start3A_757 = tpu.memref_squeeze %dma_start3A_756 : memref<1x2500x128xi32, #tpu.memory_space<hbm>> -> memref<2500x128xi32, #tpu.memory_space<hbm>>
      %dma_start3A_758 = arith.constant 0 : i32
      %dma_start3A_759 = tpu.memref_slice %dma_start3A_757[%add3A_76, %dma_start3A_758] : memref<2500x128xi32, #tpu.memory_space<hbm>> -> memref<156x128xi32, #tpu.memory_space<hbm>>
      %dma_start3A_760 = arith.constant 0 : i32
      %dma_start3A_761 = arith.constant 0 : i32
      %dma_start3A_762 = tpu.memref_slice %arg8[%dma_start3A_760, %dma_start3A_761] : memref<157x128xi32, #tpu.memory_space<vmem>> -> memref<156x128xi32, #tpu.memory_space<vmem>>
      %dma_start3A_763 = arith.constant 0 : i32
      %dma_start3A_764 = arith.constant 0 : i32
      %dma_start3A_765 = tpu.memref_slice %arg3[%run_scoped3A_81, %dma_start3A_763, %dma_start3A_764] : memref<2x2500x128xi32, #tpu.memory_space<hbm>> -> memref<1x2500x128xi32, #tpu.memory_space<hbm>>
      %dma_start3A_766 = tpu.memref_squeeze %dma_start3A_765 : memref<1x2500x128xi32, #tpu.memory_space<hbm>> -> memref<2500x128xi32, #tpu.memory_space<hbm>>
      %dma_start3A_767 = arith.constant 0 : i32
      %dma_start3A_768 = tpu.memref_slice %dma_start3A_766[%add3A_76, %dma_start3A_767] : memref<2500x128xi32, #tpu.memory_space<hbm>> -> memref<156x128xi32, #tpu.memory_space<hbm>>
      tpu.enqueue_dma source(%dma_start3A_768 : memref<156x128xi32, #tpu.memory_space<hbm>>) target(%dma_start3A_762 : memref<156x128xi32, #tpu.memory_space<vmem>>) target_semaphore(%run_scoped3A_750 : memref<!tpu.dma_semaphore, #tpu.memory_space<semaphore_mem>>)
      %dma_wait3A = arith.constant 0 : i32
      %dma_wait3A_769 = arith.constant 0 : i32
      %dma_wait3A_770 = tpu.memref_slice %arg8[%dma_wait3A, %dma_wait3A_769] : memref<157x128xi32, #tpu.memory_space<vmem>> -> memref<156x128xi32, #tpu.memory_space<vmem>>
      %dma_wait3A_771 = arith.constant 0 : i32
      %dma_wait3A_772 = arith.constant 0 : i32
      %dma_wait3A_773 = tpu.memref_slice %arg3[%run_scoped3A_81, %dma_wait3A_771, %dma_wait3A_772] : memref<2x2500x128xi32, #tpu.memory_space<hbm>> -> memref<1x2500x128xi32, #tpu.memory_space<hbm>>
      %dma_wait3A_774 = tpu.memref_squeeze %dma_wait3A_773 : memref<1x2500x128xi32, #tpu.memory_space<hbm>> -> memref<2500x128xi32, #tpu.memory_space<hbm>>
      %dma_wait3A_775 = arith.constant 0 : i32
      %dma_wait3A_776 = tpu.memref_slice %dma_wait3A_774[%add3A_76, %dma_wait3A_775] : memref<2500x128xi32, #tpu.memory_space<hbm>> -> memref<156x128xi32, #tpu.memory_space<hbm>>
      %dma_wait3A_777 = arith.constant 0 : i32
      %dma_wait3A_778 = arith.constant 0 : i32
      %dma_wait3A_779 = tpu.memref_slice %arg8[%dma_wait3A_777, %dma_wait3A_778] : memref<157x128xi32, #tpu.memory_space<vmem>> -> memref<156x128xi32, #tpu.memory_space<vmem>>
      %dma_wait3A_780 = arith.constant 0 : i32
      %dma_wait3A_781 = arith.constant 0 : i32
      %dma_wait3A_782 = tpu.memref_slice %arg3[%run_scoped3A_81, %dma_wait3A_780, %dma_wait3A_781] : memref<2x2500x128xi32, #tpu.memory_space<hbm>> -> memref<1x2500x128xi32, #tpu.memory_space<hbm>>
      %dma_wait3A_783 = tpu.memref_squeeze %dma_wait3A_782 : memref<1x2500x128xi32, #tpu.memory_space<hbm>> -> memref<2500x128xi32, #tpu.memory_space<hbm>>
      %dma_wait3A_784 = arith.constant 0 : i32
      %dma_wait3A_785 = tpu.memref_slice %dma_wait3A_783[%add3A_76, %dma_wait3A_784] : memref<2500x128xi32, #tpu.memory_space<hbm>> -> memref<156x128xi32, #tpu.memory_space<hbm>>
      tpu.wait_dma2 semaphore(%run_scoped3A_750 : memref<!tpu.dma_semaphore, #tpu.memory_space<semaphore_mem>>) src(%dma_wait3A_785 : memref<156x128xi32, #tpu.memory_space<hbm>>) dst(%dma_wait3A_779 : memref<156x128xi32, #tpu.memory_space<vmem>>)
      tpu.yield
    }) : () -> ()
    %lt3A_82 = arith.constant 4 : i32
    %lt3A_83 = arith.cmpi slt, %arg1, %lt3A_82 : i32
    %convert_element_type3A_84 = arith.extui %lt3A_83 : i1 to i32
    %cond3A_85 = arith.constant 0 : i32
    %cond3A_86 = arith.constant 1 : i32
    %cond3A_87 = arith.constant 0 : i32
    %cond3A_88 = arith.cmpi ne, %convert_element_type3A_84, %cond3A_87 : i32
    scf.if %cond3A_88 {
      %add3A_750 = arith.constant 156 : i32
      %add3A_751 = arith.addi %add3A_76, %add3A_750 : i32
      "tpu.region"() ({
        %run_scoped3A_754 = tpu.sem_alloc : memref<!tpu.dma_semaphore, #tpu.memory_space<semaphore_mem>>
        %dma_start3A_755 = arith.constant 156 : i32
        %dma_start3A_756 = arith.constant 0 : i32
        %dma_start3A_757 = tpu.memref_slice %arg7[%dma_start3A_755, %dma_start3A_756] : memref<157x128xi32, #tpu.memory_space<vmem>> -> memref<1x128xi32, #tpu.memory_space<vmem>>
        %dma_start3A_758 = arith.constant 0 : i32
        %dma_start3A_759 = arith.constant 0 : i32
        %dma_start3A_760 = tpu.memref_slice %arg3[%cond3A_85, %dma_start3A_758, %dma_start3A_759] : memref<2x2500x128xi32, #tpu.memory_space<hbm>> -> memref<1x2500x128xi32, #tpu.memory_space<hbm>>
        %dma_start3A_761 = tpu.memref_squeeze %dma_start3A_760 : memref<1x2500x128xi32, #tpu.memory_space<hbm>> -> memref<2500x128xi32, #tpu.memory_space<hbm>>
        %dma_start3A_762 = arith.constant 0 : i32
        %dma_start3A_763 = tpu.memref_slice %dma_start3A_761[%add3A_751, %dma_start3A_762] : memref<2500x128xi32, #tpu.memory_space<hbm>> -> memref<1x128xi32, #tpu.memory_space<hbm>>
        %dma_start3A_764 = arith.constant 156 : i32
        %dma_start3A_765 = arith.constant 0 : i32
        %dma_start3A_766 = tpu.memref_slice %arg7[%dma_start3A_764, %dma_start3A_765] : memref<157x128xi32, #tpu.memory_space<vmem>> -> memref<1x128xi32, #tpu.memory_space<vmem>>
        %dma_start3A_767 = arith.constant 0 : i32
        %dma_start3A_768 = arith.constant 0 : i32
        %dma_start3A_769 = tpu.memref_slice %arg3[%cond3A_85, %dma_start3A_767, %dma_start3A_768] : memref<2x2500x128xi32, #tpu.memory_space<hbm>> -> memref<1x2500x128xi32, #tpu.memory_space<hbm>>
        %dma_start3A_770 = tpu.memref_squeeze %dma_start3A_769 : memref<1x2500x128xi32, #tpu.memory_space<hbm>> -> memref<2500x128xi32, #tpu.memory_space<hbm>>
        %dma_start3A_771 = arith.constant 0 : i32
        %dma_start3A_772 = tpu.memref_slice %dma_start3A_770[%add3A_751, %dma_start3A_771] : memref<2500x128xi32, #tpu.memory_space<hbm>> -> memref<1x128xi32, #tpu.memory_space<hbm>>
        tpu.enqueue_dma source(%dma_start3A_772 : memref<1x128xi32, #tpu.memory_space<hbm>>) target(%dma_start3A_766 : memref<1x128xi32, #tpu.memory_space<vmem>>) target_semaphore(%run_scoped3A_754 : memref<!tpu.dma_semaphore, #tpu.memory_space<semaphore_mem>>)
        %dma_wait3A = arith.constant 156 : i32
        %dma_wait3A_773 = arith.constant 0 : i32
        %dma_wait3A_774 = tpu.memref_slice %arg7[%dma_wait3A, %dma_wait3A_773] : memref<157x128xi32, #tpu.memory_space<vmem>> -> memref<1x128xi32, #tpu.memory_space<vmem>>
        %dma_wait3A_775 = arith.constant 0 : i32
        %dma_wait3A_776 = arith.constant 0 : i32
        %dma_wait3A_777 = tpu.memref_slice %arg3[%cond3A_85, %dma_wait3A_775, %dma_wait3A_776] : memref<2x2500x128xi32, #tpu.memory_space<hbm>> -> memref<1x2500x128xi32, #tpu.memory_space<hbm>>
        %dma_wait3A_778 = tpu.memref_squeeze %dma_wait3A_777 : memref<1x2500x128xi32, #tpu.memory_space<hbm>> -> memref<2500x128xi32, #tpu.memory_space<hbm>>
        %dma_wait3A_779 = arith.constant 0 : i32
        %dma_wait3A_780 = tpu.memref_slice %dma_wait3A_778[%add3A_751, %dma_wait3A_779] : memref<2500x128xi32, #tpu.memory_space<hbm>> -> memref<1x128xi32, #tpu.memory_space<hbm>>
        %dma_wait3A_781 = arith.constant 156 : i32
        %dma_wait3A_782 = arith.constant 0 : i32
        %dma_wait3A_783 = tpu.memref_slice %arg7[%dma_wait3A_781, %dma_wait3A_782] : memref<157x128xi32, #tpu.memory_space<vmem>> -> memref<1x128xi32, #tpu.memory_space<vmem>>
        %dma_wait3A_784 = arith.constant 0 : i32
        %dma_wait3A_785 = arith.constant 0 : i32
        %dma_wait3A_786 = tpu.memref_slice %arg3[%cond3A_85, %dma_wait3A_784, %dma_wait3A_785] : memref<2x2500x128xi32, #tpu.memory_space<hbm>> -> memref<1x2500x128xi32, #tpu.memory_space<hbm>>
        %dma_wait3A_787 = tpu.memref_squeeze %dma_wait3A_786 : memref<1x2500x128xi32, #tpu.memory_space<hbm>> -> memref<2500x128xi32, #tpu.memory_space<hbm>>
        %dma_wait3A_788 = arith.constant 0 : i32
        %dma_wait3A_789 = tpu.memref_slice %dma_wait3A_787[%add3A_751, %dma_wait3A_788] : memref<2500x128xi32, #tpu.memory_space<hbm>> -> memref<1x128xi32, #tpu.memory_space<hbm>>
        tpu.wait_dma2 semaphore(%run_scoped3A_754 : memref<!tpu.dma_semaphore, #tpu.memory_space<semaphore_mem>>) src(%dma_wait3A_789 : memref<1x128xi32, #tpu.memory_space<hbm>>) dst(%dma_wait3A_783 : memref<1x128xi32, #tpu.memory_space<vmem>>)
        tpu.yield
      }) : () -> ()
      %add3A_752 = arith.constant 156 : i32
      %add3A_753 = arith.addi %add3A_76, %add3A_752 : i32
      "tpu.region"() ({
        %run_scoped3A_754 = tpu.sem_alloc : memref<!tpu.dma_semaphore, #tpu.memory_space<semaphore_mem>>
        %dma_start3A_755 = arith.constant 156 : i32
        %dma_start3A_756 = arith.constant 0 : i32
        %dma_start3A_757 = tpu.memref_slice %arg8[%dma_start3A_755, %dma_start3A_756] : memref<157x128xi32, #tpu.memory_space<vmem>> -> memref<1x128xi32, #tpu.memory_space<vmem>>
        %dma_start3A_758 = arith.constant 0 : i32
        %dma_start3A_759 = arith.constant 0 : i32
        %dma_start3A_760 = tpu.memref_slice %arg3[%cond3A_86, %dma_start3A_758, %dma_start3A_759] : memref<2x2500x128xi32, #tpu.memory_space<hbm>> -> memref<1x2500x128xi32, #tpu.memory_space<hbm>>
        %dma_start3A_761 = tpu.memref_squeeze %dma_start3A_760 : memref<1x2500x128xi32, #tpu.memory_space<hbm>> -> memref<2500x128xi32, #tpu.memory_space<hbm>>
        %dma_start3A_762 = arith.constant 0 : i32
        %dma_start3A_763 = tpu.memref_slice %dma_start3A_761[%add3A_753, %dma_start3A_762] : memref<2500x128xi32, #tpu.memory_space<hbm>> -> memref<1x128xi32, #tpu.memory_space<hbm>>
        %dma_start3A_764 = arith.constant 156 : i32
        %dma_start3A_765 = arith.constant 0 : i32
        %dma_start3A_766 = tpu.memref_slice %arg8[%dma_start3A_764, %dma_start3A_765] : memref<157x128xi32, #tpu.memory_space<vmem>> -> memref<1x128xi32, #tpu.memory_space<vmem>>
        %dma_start3A_767 = arith.constant 0 : i32
        %dma_start3A_768 = arith.constant 0 : i32
        %dma_start3A_769 = tpu.memref_slice %arg3[%cond3A_86, %dma_start3A_767, %dma_start3A_768] : memref<2x2500x128xi32, #tpu.memory_space<hbm>> -> memref<1x2500x128xi32, #tpu.memory_space<hbm>>
        %dma_start3A_770 = tpu.memref_squeeze %dma_start3A_769 : memref<1x2500x128xi32, #tpu.memory_space<hbm>> -> memref<2500x128xi32, #tpu.memory_space<hbm>>
        %dma_start3A_771 = arith.constant 0 : i32
        %dma_start3A_772 = tpu.memref_slice %dma_start3A_770[%add3A_753, %dma_start3A_771] : memref<2500x128xi32, #tpu.memory_space<hbm>> -> memref<1x128xi32, #tpu.memory_space<hbm>>
        tpu.enqueue_dma source(%dma_start3A_772 : memref<1x128xi32, #tpu.memory_space<hbm>>) target(%dma_start3A_766 : memref<1x128xi32, #tpu.memory_space<vmem>>) target_semaphore(%run_scoped3A_754 : memref<!tpu.dma_semaphore, #tpu.memory_space<semaphore_mem>>)
        %dma_wait3A = arith.constant 156 : i32
        %dma_wait3A_773 = arith.constant 0 : i32
        %dma_wait3A_774 = tpu.memref_slice %arg8[%dma_wait3A, %dma_wait3A_773] : memref<157x128xi32, #tpu.memory_space<vmem>> -> memref<1x128xi32, #tpu.memory_space<vmem>>
        %dma_wait3A_775 = arith.constant 0 : i32
        %dma_wait3A_776 = arith.constant 0 : i32
        %dma_wait3A_777 = tpu.memref_slice %arg3[%cond3A_86, %dma_wait3A_775, %dma_wait3A_776] : memref<2x2500x128xi32, #tpu.memory_space<hbm>> -> memref<1x2500x128xi32, #tpu.memory_space<hbm>>
        %dma_wait3A_778 = tpu.memref_squeeze %dma_wait3A_777 : memref<1x2500x128xi32, #tpu.memory_space<hbm>> -> memref<2500x128xi32, #tpu.memory_space<hbm>>
        %dma_wait3A_779 = arith.constant 0 : i32
        %dma_wait3A_780 = tpu.memref_slice %dma_wait3A_778[%add3A_753, %dma_wait3A_779] : memref<2500x128xi32, #tpu.memory_space<hbm>> -> memref<1x128xi32, #tpu.memory_space<hbm>>
        %dma_wait3A_781 = arith.constant 156 : i32
        %dma_wait3A_782 = arith.constant 0 : i32
        %dma_wait3A_783 = tpu.memref_slice %arg8[%dma_wait3A_781, %dma_wait3A_782] : memref<157x128xi32, #tpu.memory_space<vmem>> -> memref<1x128xi32, #tpu.memory_space<vmem>>
        %dma_wait3A_784 = arith.constant 0 : i32
        %dma_wait3A_785 = arith.constant 0 : i32
        %dma_wait3A_786 = tpu.memref_slice %arg3[%cond3A_86, %dma_wait3A_784, %dma_wait3A_785] : memref<2x2500x128xi32, #tpu.memory_space<hbm>> -> memref<1x2500x128xi32, #tpu.memory_space<hbm>>
        %dma_wait3A_787 = tpu.memref_squeeze %dma_wait3A_786 : memref<1x2500x128xi32, #tpu.memory_space<hbm>> -> memref<2500x128xi32, #tpu.memory_space<hbm>>
        %dma_wait3A_788 = arith.constant 0 : i32
        %dma_wait3A_789 = tpu.memref_slice %dma_wait3A_787[%add3A_753, %dma_wait3A_788] : memref<2500x128xi32, #tpu.memory_space<hbm>> -> memref<1x128xi32, #tpu.memory_space<hbm>>
        tpu.wait_dma2 semaphore(%run_scoped3A_754 : memref<!tpu.dma_semaphore, #tpu.memory_space<semaphore_mem>>) src(%dma_wait3A_789 : memref<1x128xi32, #tpu.memory_space<hbm>>) dst(%dma_wait3A_783 : memref<1x128xi32, #tpu.memory_space<vmem>>)
        tpu.yield
      }) : () -> ()
    } else {
    }
    %get3A = arith.constant 0 : i32
    %get3A_89 = arith.index_cast %get3A : i32 to index
    %get3A_90 = arith.constant 0 : index
    %get3A_91 = tpu.vector_load %arg7[%get3A_89, %get3A_90] {strides = array<i32>} : memref<157x128xi32, #tpu.memory_space<vmem>>, vector<1x16xi32>,
    %get3A_92 = vector.shape_cast %get3A_91 : vector<1x16xi32> to vector<16xi32>
    %mul3A_93 = arith.constant 2 : i32
    %mul3A_94 = vector.broadcast %mul3A_93 : i32 to vector<16xi32>
    %mul3A_95 = arith.muli %get3A_92, %mul3A_94 : vector<16xi32>
    %add3A_96 = vector.broadcast %arg0 : i32 to vector<16xi32>
    %add3A_97 = arith.addi %mul3A_95, %add3A_96 : vector<16xi32>
    %swap3A = arith.constant 0 : i32
    %swap3A_98 = arith.index_cast %swap3A : i32 to index
    %swap3A_99 = arith.constant 0 : index
    %swap3A_100 = tpu.vector_load %arg10[%swap3A_98, %swap3A_99] {strides = array<i32>} : memref<4x128xi32, #tpu.memory_space<vmem>>, vector<1x16xi32>,
    %swap3A_101 = vector.shape_cast %swap3A_100 : vector<1x16xi32> to vector<16xi32>
    %swap3A_102 = vector.shape_cast %add3A_97 : vector<16xi32> to vector<1x16xi32>
    tpu.vector_store %arg10[%swap3A_98, %swap3A_99], %swap3A_102 {strides = array<i32>} : memref<4x128xi32, #tpu.memory_space<vmem>>, vector<1x16xi32>,
    %get3A_103 = arith.constant 0 : i32
    %get3A_104 = arith.index_cast %get3A_103 : i32 to index
    %get3A_105 = arith.constant 16 : index
    %get3A_106 = tpu.vector_load %arg7[%get3A_104, %get3A_105] {strides = array<i32>} : memref<157x128xi32, #tpu.memory_space<vmem>>, vector<1x16xi32>,
    %get3A_107 = vector.shape_cast %get3A_106 : vector<1x16xi32> to vector<16xi32>
    %mul3A_108 = arith.constant 2 : i32
    %mul3A_109 = vector.broadcast %mul3A_108 : i32 to vector<16xi32>
    %mul3A_110 = arith.muli %get3A_107, %mul3A_109 : vector<16xi32>
    %add3A_111 = vector.broadcast %arg0 : i32 to vector<16xi32>
    %add3A_112 = arith.addi %mul3A_110, %add3A_111 : vector<16xi32>
    %swap3A_113 = arith.constant 0 : i32
    %swap3A_114 = arith.index_cast %swap3A_113 : i32 to index
    %swap3A_115 = arith.constant 16 : index
    %swap3A_116 = tpu.vector_load %arg10[%swap3A_114, %swap3A_115] {strides = array<i32>} : memref<4x128xi32, #tpu.memory_space<vmem>>, vector<1x16xi32>,
    %swap3A_117 = vector.shape_cast %swap3A_116 : vector<1x16xi32> to vector<16xi32>
    %swap3A_118 = vector.shape_cast %add3A_112 : vector<16xi32> to vector<1x16xi32>
    tpu.vector_store %arg10[%swap3A_114, %swap3A_115], %swap3A_118 {strides = array<i32>} : memref<4x128xi32, #tpu.memory_space<vmem>>, vector<1x16xi32>,
    %get3A_119 = arith.constant 0 : i32
    %get3A_120 = arith.index_cast %get3A_119 : i32 to index
    %get3A_121 = arith.constant 32 : index
    %get3A_122 = tpu.vector_load %arg7[%get3A_120, %get3A_121] {strides = array<i32>} : memref<157x128xi32, #tpu.memory_space<vmem>>, vector<1x16xi32>,
    %get3A_123 = vector.shape_cast %get3A_122 : vector<1x16xi32> to vector<16xi32>
    %mul3A_124 = arith.constant 2 : i32
    %mul3A_125 = vector.broadcast %mul3A_124 : i32 to vector<16xi32>
    %mul3A_126 = arith.muli %get3A_123, %mul3A_125 : vector<16xi32>
    %add3A_127 = vector.broadcast %arg0 : i32 to vector<16xi32>
    %add3A_128 = arith.addi %mul3A_126, %add3A_127 : vector<16xi32>
    %swap3A_129 = arith.constant 0 : i32
    %swap3A_130 = arith.index_cast %swap3A_129 : i32 to index
    %swap3A_131 = arith.constant 32 : index
    %swap3A_132 = tpu.vector_load %arg10[%swap3A_130, %swap3A_131] {strides = array<i32>} : memref<4x128xi32, #tpu.memory_space<vmem>>, vector<1x16xi32>,
    %swap3A_133 = vector.shape_cast %swap3A_132 : vector<1x16xi32> to vector<16xi32>
    %swap3A_134 = vector.shape_cast %add3A_128 : vector<16xi32> to vector<1x16xi32>
    tpu.vector_store %arg10[%swap3A_130, %swap3A_131], %swap3A_134 {strides = array<i32>} : memref<4x128xi32, #tpu.memory_space<vmem>>, vector<1x16xi32>,
    %get3A_135 = arith.constant 0 : i32
    %get3A_136 = arith.index_cast %get3A_135 : i32 to index
    %get3A_137 = arith.constant 48 : index
    %get3A_138 = tpu.vector_load %arg7[%get3A_136, %get3A_137] {strides = array<i32>} : memref<157x128xi32, #tpu.memory_space<vmem>>, vector<1x16xi32>,
    %get3A_139 = vector.shape_cast %get3A_138 : vector<1x16xi32> to vector<16xi32>
    %mul3A_140 = arith.constant 2 : i32
    %mul3A_141 = vector.broadcast %mul3A_140 : i32 to vector<16xi32>
    %mul3A_142 = arith.muli %get3A_139, %mul3A_141 : vector<16xi32>
    %add3A_143 = vector.broadcast %arg0 : i32 to vector<16xi32>
    %add3A_144 = arith.addi %mul3A_142, %add3A_143 : vector<16xi32>
    %swap3A_145 = arith.constant 0 : i32
    %swap3A_146 = arith.index_cast %swap3A_145 : i32 to index
    %swap3A_147 = arith.constant 48 : index
    %swap3A_148 = tpu.vector_load %arg10[%swap3A_146, %swap3A_147] {strides = array<i32>} : memref<4x128xi32, #tpu.memory_space<vmem>>, vector<1x16xi32>,
    %swap3A_149 = vector.shape_cast %swap3A_148 : vector<1x16xi32> to vector<16xi32>
    %swap3A_150 = vector.shape_cast %add3A_144 : vector<16xi32> to vector<1x16xi32>
    tpu.vector_store %arg10[%swap3A_146, %swap3A_147], %swap3A_150 {strides = array<i32>} : memref<4x128xi32, #tpu.memory_space<vmem>>, vector<1x16xi32>,
    %get3A_151 = arith.constant 0 : i32
    %get3A_152 = arith.index_cast %get3A_151 : i32 to index
    %get3A_153 = arith.constant 64 : index
    %get3A_154 = tpu.vector_load %arg7[%get3A_152, %get3A_153] {strides = array<i32>} : memref<157x128xi32, #tpu.memory_space<vmem>>, vector<1x16xi32>,
    %get3A_155 = vector.shape_cast %get3A_154 : vector<1x16xi32> to vector<16xi32>
    %mul3A_156 = arith.constant 2 : i32
    %mul3A_157 = vector.broadcast %mul3A_156 : i32 to vector<16xi32>
    %mul3A_158 = arith.muli %get3A_155, %mul3A_157 : vector<16xi32>
    %add3A_159 = vector.broadcast %arg0 : i32 to vector<16xi32>
    %add3A_160 = arith.addi %mul3A_158, %add3A_159 : vector<16xi32>
    %swap3A_161 = arith.constant 0 : i32
    %swap3A_162 = arith.index_cast %swap3A_161 : i32 to index
    %swap3A_163 = arith.constant 64 : index
    %swap3A_164 = tpu.vector_load %arg10[%swap3A_162, %swap3A_163] {strides = array<i32>} : memref<4x128xi32, #tpu.memory_space<vmem>>, vector<1x16xi32>,
    %swap3A_165 = vector.shape_cast %swap3A_164 : vector<1x16xi32> to vector<16xi32>
    %swap3A_166 = vector.shape_cast %add3A_160 : vector<16xi32> to vector<1x16xi32>
    tpu.vector_store %arg10[%swap3A_162, %swap3A_163], %swap3A_166 {strides = array<i32>} : memref<4x128xi32, #tpu.memory_space<vmem>>, vector<1x16xi32>,
    %get3A_167 = arith.constant 0 : i32
    %get3A_168 = arith.index_cast %get3A_167 : i32 to index
    %get3A_169 = arith.constant 80 : index
    %get3A_170 = tpu.vector_load %arg7[%get3A_168, %get3A_169] {strides = array<i32>} : memref<157x128xi32, #tpu.memory_space<vmem>>, vector<1x16xi32>,
    %get3A_171 = vector.shape_cast %get3A_170 : vector<1x16xi32> to vector<16xi32>
    %mul3A_172 = arith.constant 2 : i32
    %mul3A_173 = vector.broadcast %mul3A_172 : i32 to vector<16xi32>
    %mul3A_174 = arith.muli %get3A_171, %mul3A_173 : vector<16xi32>
    %add3A_175 = vector.broadcast %arg0 : i32 to vector<16xi32>
    %add3A_176 = arith.addi %mul3A_174, %add3A_175 : vector<16xi32>
    %swap3A_177 = arith.constant 0 : i32
    %swap3A_178 = arith.index_cast %swap3A_177 : i32 to index
    %swap3A_179 = arith.constant 80 : index
    %swap3A_180 = tpu.vector_load %arg10[%swap3A_178, %swap3A_179] {strides = array<i32>} : memref<4x128xi32, #tpu.memory_space<vmem>>, vector<1x16xi32>,
    %swap3A_181 = vector.shape_cast %swap3A_180 : vector<1x16xi32> to vector<16xi32>
    %swap3A_182 = vector.shape_cast %add3A_176 : vector<16xi32> to vector<1x16xi32>
    tpu.vector_store %arg10[%swap3A_178, %swap3A_179], %swap3A_182 {strides = array<i32>} : memref<4x128xi32, #tpu.memory_space<vmem>>, vector<1x16xi32>,
    %get3A_183 = arith.constant 0 : i32
    %get3A_184 = arith.index_cast %get3A_183 : i32 to index
    %get3A_185 = arith.constant 96 : index
    %get3A_186 = tpu.vector_load %arg7[%get3A_184, %get3A_185] {strides = array<i32>} : memref<157x128xi32, #tpu.memory_space<vmem>>, vector<1x16xi32>,
    %get3A_187 = vector.shape_cast %get3A_186 : vector<1x16xi32> to vector<16xi32>
    %mul3A_188 = arith.constant 2 : i32
    %mul3A_189 = vector.broadcast %mul3A_188 : i32 to vector<16xi32>
    %mul3A_190 = arith.muli %get3A_187, %mul3A_189 : vector<16xi32>
    %add3A_191 = vector.broadcast %arg0 : i32 to vector<16xi32>
    %add3A_192 = arith.addi %mul3A_190, %add3A_191 : vector<16xi32>
    %swap3A_193 = arith.constant 0 : i32
    %swap3A_194 = arith.index_cast %swap3A_193 : i32 to index
    %swap3A_195 = arith.constant 96 : index
    %swap3A_196 = tpu.vector_load %arg10[%swap3A_194, %swap3A_195] {strides = array<i32>} : memref<4x128xi32, #tpu.memory_space<vmem>>, vector<1x16xi32>,
    %swap3A_197 = vector.shape_cast %swap3A_196 : vector<1x16xi32> to vector<16xi32>
    %swap3A_198 = vector.shape_cast %add3A_192 : vector<16xi32> to vector<1x16xi32>
    tpu.vector_store %arg10[%swap3A_194, %swap3A_195], %swap3A_198 {strides = array<i32>} : memref<4x128xi32, #tpu.memory_space<vmem>>, vector<1x16xi32>,
    %get3A_199 = arith.constant 0 : i32
    %get3A_200 = arith.index_cast %get3A_199 : i32 to index
    %get3A_201 = arith.constant 112 : index
    %get3A_202 = tpu.vector_load %arg7[%get3A_200, %get3A_201] {strides = array<i32>} : memref<157x128xi32, #tpu.memory_space<vmem>>, vector<1x16xi32>,
    %get3A_203 = vector.shape_cast %get3A_202 : vector<1x16xi32> to vector<16xi32>
    %mul3A_204 = arith.constant 2 : i32
    %mul3A_205 = vector.broadcast %mul3A_204 : i32 to vector<16xi32>
    %mul3A_206 = arith.muli %get3A_203, %mul3A_205 : vector<16xi32>
    %add3A_207 = vector.broadcast %arg0 : i32 to vector<16xi32>
    %add3A_208 = arith.addi %mul3A_206, %add3A_207 : vector<16xi32>
    %swap3A_209 = arith.constant 0 : i32
    %swap3A_210 = arith.index_cast %swap3A_209 : i32 to index
    %swap3A_211 = arith.constant 112 : index
    %swap3A_212 = tpu.vector_load %arg10[%swap3A_210, %swap3A_211] {strides = array<i32>} : memref<4x128xi32, #tpu.memory_space<vmem>>, vector<1x16xi32>,
    %swap3A_213 = vector.shape_cast %swap3A_212 : vector<1x16xi32> to vector<16xi32>
    %swap3A_214 = vector.shape_cast %add3A_208 : vector<16xi32> to vector<1x16xi32>
    tpu.vector_store %arg10[%swap3A_210, %swap3A_211], %swap3A_214 {strides = array<i32>} : memref<4x128xi32, #tpu.memory_space<vmem>>, vector<1x16xi32>,
    %dma_start3A = arith.constant 0 : i32
    %dma_start3A_215 = arith.constant 0 : i32
    %dma_start3A_216 = arith.constant 0 : i32
    %dma_start3A_217 = arith.constant 0 : i32
    %dma_start3A_218 = tpu.memref_slice %arg9[%dma_start3A_215, %dma_start3A_216, %dma_start3A_217] : memref<4x128x64xf32, #tpu.memory_space<vmem>> -> memref<1x128x64xf32, #tpu.memory_space<vmem>>
    %dma_start3A_219 = tpu.memref_squeeze %dma_start3A_218 : memref<1x128x64xf32, #tpu.memory_space<vmem>> -> memref<128x64xf32, #tpu.memory_space<vmem>>
    %dma_start3A_220 = arith.constant 0 : i32
    %dma_start3A_221 = tpu.memref_slice %arg10[%dma_start3A, %dma_start3A_220] : memref<4x128xi32, #tpu.memory_space<vmem>> -> memref<1x128xi32, #tpu.memory_space<vmem>>
    %dma_start3A_222 = tpu.memref_squeeze %dma_start3A_221 : memref<1x128xi32, #tpu.memory_space<vmem>> -> memref<128xi32, #tpu.memory_space<vmem>>
    %dma_start3A_223 = arith.constant 0 : i32
    %dma_start3A_224 = arith.constant 0 : i32
    %dma_start3A_225 = tpu.memref_slice %arg2[%dma_start3A_223, %dma_start3A_224] : memref<20000x64xf32, #tpu.memory_space<hbm>> -> memref<20000x64xf32, #tpu.memory_space<hbm>>
    tpu.enqueue_indirect_dma source(%dma_start3A_225 : memref<20000x64xf32, #tpu.memory_space<hbm>>) target(%dma_start3A_219 : memref<128x64xf32, #tpu.memory_space<vmem>>) offsets(%dma_start3A_222 : memref<128xi32, #tpu.memory_space<vmem>>) semaphore(%arg12 : memref<!tpu.dma_semaphore, #tpu.memory_space<semaphore_mem>>)
    %get3A_226 = arith.constant 1 : i32
    %get3A_227 = arith.index_cast %get3A_226 : i32 to index
    %get3A_228 = arith.constant 0 : index
    %get3A_229 = tpu.vector_load %arg7[%get3A_227, %get3A_228] {strides = array<i32>} : memref<157x128xi32, #tpu.memory_space<vmem>>, vector<1x16xi32>,
    %get3A_230 = vector.shape_cast %get3A_229 : vector<1x16xi32> to vector<16xi32>
    %mul3A_231 = arith.constant 2 : i32
    %mul3A_232 = vector.broadcast %mul3A_231 : i32 to vector<16xi32>
    %mul3A_233 = arith.muli %get3A_230, %mul3A_232 : vector<16xi32>
    %add3A_234 = vector.broadcast %arg0 : i32 to vector<16xi32>
    %add3A_235 = arith.addi %mul3A_233, %add3A_234 : vector<16xi32>
    %swap3A_236 = arith.constant 1 : i32
    %swap3A_237 = arith.index_cast %swap3A_236 : i32 to index
    %swap3A_238 = arith.constant 0 : index
    %swap3A_239 = tpu.vector_load %arg10[%swap3A_237, %swap3A_238] {strides = array<i32>} : memref<4x128xi32, #tpu.memory_space<vmem>>, vector<1x16xi32>,
    %swap3A_240 = vector.shape_cast %swap3A_239 : vector<1x16xi32> to vector<16xi32>
    %swap3A_241 = vector.shape_cast %add3A_235 : vector<16xi32> to vector<1x16xi32>
    tpu.vector_store %arg10[%swap3A_237, %swap3A_238], %swap3A_241 {strides = array<i32>} : memref<4x128xi32, #tpu.memory_space<vmem>>, vector<1x16xi32>,
    %get3A_242 = arith.constant 1 : i32
    %get3A_243 = arith.index_cast %get3A_242 : i32 to index
    %get3A_244 = arith.constant 16 : index
    %get3A_245 = tpu.vector_load %arg7[%get3A_243, %get3A_244] {strides = array<i32>} : memref<157x128xi32, #tpu.memory_space<vmem>>, vector<1x16xi32>,
    %get3A_246 = vector.shape_cast %get3A_245 : vector<1x16xi32> to vector<16xi32>
    %mul3A_247 = arith.constant 2 : i32
    %mul3A_248 = vector.broadcast %mul3A_247 : i32 to vector<16xi32>
    %mul3A_249 = arith.muli %get3A_246, %mul3A_248 : vector<16xi32>
    %add3A_250 = vector.broadcast %arg0 : i32 to vector<16xi32>
    %add3A_251 = arith.addi %mul3A_249, %add3A_250 : vector<16xi32>
    %swap3A_252 = arith.constant 1 : i32
    %swap3A_253 = arith.index_cast %swap3A_252 : i32 to index
    %swap3A_254 = arith.constant 16 : index
    %swap3A_255 = tpu.vector_load %arg10[%swap3A_253, %swap3A_254] {strides = array<i32>} : memref<4x128xi32, #tpu.memory_space<vmem>>, vector<1x16xi32>,
    %swap3A_256 = vector.shape_cast %swap3A_255 : vector<1x16xi32> to vector<16xi32>
    %swap3A_257 = vector.shape_cast %add3A_251 : vector<16xi32> to vector<1x16xi32>
    tpu.vector_store %arg10[%swap3A_253, %swap3A_254], %swap3A_257 {strides = array<i32>} : memref<4x128xi32, #tpu.memory_space<vmem>>, vector<1x16xi32>,
    %get3A_258 = arith.constant 1 : i32
    %get3A_259 = arith.index_cast %get3A_258 : i32 to index
    %get3A_260 = arith.constant 32 : index
    %get3A_261 = tpu.vector_load %arg7[%get3A_259, %get3A_260] {strides = array<i32>} : memref<157x128xi32, #tpu.memory_space<vmem>>, vector<1x16xi32>,
    %get3A_262 = vector.shape_cast %get3A_261 : vector<1x16xi32> to vector<16xi32>
    %mul3A_263 = arith.constant 2 : i32
    %mul3A_264 = vector.broadcast %mul3A_263 : i32 to vector<16xi32>
    %mul3A_265 = arith.muli %get3A_262, %mul3A_264 : vector<16xi32>
    %add3A_266 = vector.broadcast %arg0 : i32 to vector<16xi32>
    %add3A_267 = arith.addi %mul3A_265, %add3A_266 : vector<16xi32>
    %swap3A_268 = arith.constant 1 : i32
    %swap3A_269 = arith.index_cast %swap3A_268 : i32 to index
    %swap3A_270 = arith.constant 32 : index
    %swap3A_271 = tpu.vector_load %arg10[%swap3A_269, %swap3A_270] {strides = array<i32>} : memref<4x128xi32, #tpu.memory_space<vmem>>, vector<1x16xi32>,
    %swap3A_272 = vector.shape_cast %swap3A_271 : vector<1x16xi32> to vector<16xi32>
    %swap3A_273 = vector.shape_cast %add3A_267 : vector<16xi32> to vector<1x16xi32>
    tpu.vector_store %arg10[%swap3A_269, %swap3A_270], %swap3A_273 {strides = array<i32>} : memref<4x128xi32, #tpu.memory_space<vmem>>, vector<1x16xi32>,
    %get3A_274 = arith.constant 1 : i32
    %get3A_275 = arith.index_cast %get3A_274 : i32 to index
    %get3A_276 = arith.constant 48 : index
    %get3A_277 = tpu.vector_load %arg7[%get3A_275, %get3A_276] {strides = array<i32>} : memref<157x128xi32, #tpu.memory_space<vmem>>, vector<1x16xi32>,
    %get3A_278 = vector.shape_cast %get3A_277 : vector<1x16xi32> to vector<16xi32>
    %mul3A_279 = arith.constant 2 : i32
    %mul3A_280 = vector.broadcast %mul3A_279 : i32 to vector<16xi32>
    %mul3A_281 = arith.muli %get3A_278, %mul3A_280 : vector<16xi32>
    %add3A_282 = vector.broadcast %arg0 : i32 to vector<16xi32>
    %add3A_283 = arith.addi %mul3A_281, %add3A_282 : vector<16xi32>
    %swap3A_284 = arith.constant 1 : i32
    %swap3A_285 = arith.index_cast %swap3A_284 : i32 to index
    %swap3A_286 = arith.constant 48 : index
    %swap3A_287 = tpu.vector_load %arg10[%swap3A_285, %swap3A_286] {strides = array<i32>} : memref<4x128xi32, #tpu.memory_space<vmem>>, vector<1x16xi32>,
    %swap3A_288 = vector.shape_cast %swap3A_287 : vector<1x16xi32> to vector<16xi32>
    %swap3A_289 = vector.shape_cast %add3A_283 : vector<16xi32> to vector<1x16xi32>
    tpu.vector_store %arg10[%swap3A_285, %swap3A_286], %swap3A_289 {strides = array<i32>} : memref<4x128xi32, #tpu.memory_space<vmem>>, vector<1x16xi32>,
    %get3A_290 = arith.constant 1 : i32
    %get3A_291 = arith.index_cast %get3A_290 : i32 to index
    %get3A_292 = arith.constant 64 : index
    %get3A_293 = tpu.vector_load %arg7[%get3A_291, %get3A_292] {strides = array<i32>} : memref<157x128xi32, #tpu.memory_space<vmem>>, vector<1x16xi32>,
    %get3A_294 = vector.shape_cast %get3A_293 : vector<1x16xi32> to vector<16xi32>
    %mul3A_295 = arith.constant 2 : i32
    %mul3A_296 = vector.broadcast %mul3A_295 : i32 to vector<16xi32>
    %mul3A_297 = arith.muli %get3A_294, %mul3A_296 : vector<16xi32>
    %add3A_298 = vector.broadcast %arg0 : i32 to vector<16xi32>
    %add3A_299 = arith.addi %mul3A_297, %add3A_298 : vector<16xi32>
    %swap3A_300 = arith.constant 1 : i32
    %swap3A_301 = arith.index_cast %swap3A_300 : i32 to index
    %swap3A_302 = arith.constant 64 : index
    %swap3A_303 = tpu.vector_load %arg10[%swap3A_301, %swap3A_302] {strides = array<i32>} : memref<4x128xi32, #tpu.memory_space<vmem>>, vector<1x16xi32>,
    %swap3A_304 = vector.shape_cast %swap3A_303 : vector<1x16xi32> to vector<16xi32>
    %swap3A_305 = vector.shape_cast %add3A_299 : vector<16xi32> to vector<1x16xi32>
    tpu.vector_store %arg10[%swap3A_301, %swap3A_302], %swap3A_305 {strides = array<i32>} : memref<4x128xi32, #tpu.memory_space<vmem>>, vector<1x16xi32>,
    %get3A_306 = arith.constant 1 : i32
    %get3A_307 = arith.index_cast %get3A_306 : i32 to index
    %get3A_308 = arith.constant 80 : index
    %get3A_309 = tpu.vector_load %arg7[%get3A_307, %get3A_308] {strides = array<i32>} : memref<157x128xi32, #tpu.memory_space<vmem>>, vector<1x16xi32>,
    %get3A_310 = vector.shape_cast %get3A_309 : vector<1x16xi32> to vector<16xi32>
    %mul3A_311 = arith.constant 2 : i32
    %mul3A_312 = vector.broadcast %mul3A_311 : i32 to vector<16xi32>
    %mul3A_313 = arith.muli %get3A_310, %mul3A_312 : vector<16xi32>
    %add3A_314 = vector.broadcast %arg0 : i32 to vector<16xi32>
    %add3A_315 = arith.addi %mul3A_313, %add3A_314 : vector<16xi32>
    %swap3A_316 = arith.constant 1 : i32
    %swap3A_317 = arith.index_cast %swap3A_316 : i32 to index
    %swap3A_318 = arith.constant 80 : index
    %swap3A_319 = tpu.vector_load %arg10[%swap3A_317, %swap3A_318] {strides = array<i32>} : memref<4x128xi32, #tpu.memory_space<vmem>>, vector<1x16xi32>,
    %swap3A_320 = vector.shape_cast %swap3A_319 : vector<1x16xi32> to vector<16xi32>
    %swap3A_321 = vector.shape_cast %add3A_315 : vector<16xi32> to vector<1x16xi32>
    tpu.vector_store %arg10[%swap3A_317, %swap3A_318], %swap3A_321 {strides = array<i32>} : memref<4x128xi32, #tpu.memory_space<vmem>>, vector<1x16xi32>,
    %get3A_322 = arith.constant 1 : i32
    %get3A_323 = arith.index_cast %get3A_322 : i32 to index
    %get3A_324 = arith.constant 96 : index
    %get3A_325 = tpu.vector_load %arg7[%get3A_323, %get3A_324] {strides = array<i32>} : memref<157x128xi32, #tpu.memory_space<vmem>>, vector<1x16xi32>,
    %get3A_326 = vector.shape_cast %get3A_325 : vector<1x16xi32> to vector<16xi32>
    %mul3A_327 = arith.constant 2 : i32
    %mul3A_328 = vector.broadcast %mul3A_327 : i32 to vector<16xi32>
    %mul3A_329 = arith.muli %get3A_326, %mul3A_328 : vector<16xi32>
    %add3A_330 = vector.broadcast %arg0 : i32 to vector<16xi32>
    %add3A_331 = arith.addi %mul3A_329, %add3A_330 : vector<16xi32>
    %swap3A_332 = arith.constant 1 : i32
    %swap3A_333 = arith.index_cast %swap3A_332 : i32 to index
    %swap3A_334 = arith.constant 96 : index
    %swap3A_335 = tpu.vector_load %arg10[%swap3A_333, %swap3A_334] {strides = array<i32>} : memref<4x128xi32, #tpu.memory_space<vmem>>, vector<1x16xi32>,
    %swap3A_336 = vector.shape_cast %swap3A_335 : vector<1x16xi32> to vector<16xi32>
    %swap3A_337 = vector.shape_cast %add3A_331 : vector<16xi32> to vector<1x16xi32>
    tpu.vector_store %arg10[%swap3A_333, %swap3A_334], %swap3A_337 {strides = array<i32>} : memref<4x128xi32, #tpu.memory_space<vmem>>, vector<1x16xi32>,
    %get3A_338 = arith.constant 1 : i32
    %get3A_339 = arith.index_cast %get3A_338 : i32 to index
    %get3A_340 = arith.constant 112 : index
    %get3A_341 = tpu.vector_load %arg7[%get3A_339, %get3A_340] {strides = array<i32>} : memref<157x128xi32, #tpu.memory_space<vmem>>, vector<1x16xi32>,
    %get3A_342 = vector.shape_cast %get3A_341 : vector<1x16xi32> to vector<16xi32>
    %mul3A_343 = arith.constant 2 : i32
    %mul3A_344 = vector.broadcast %mul3A_343 : i32 to vector<16xi32>
    %mul3A_345 = arith.muli %get3A_342, %mul3A_344 : vector<16xi32>
    %add3A_346 = vector.broadcast %arg0 : i32 to vector<16xi32>
    %add3A_347 = arith.addi %mul3A_345, %add3A_346 : vector<16xi32>
    %swap3A_348 = arith.constant 1 : i32
    %swap3A_349 = arith.index_cast %swap3A_348 : i32 to index
    %swap3A_350 = arith.constant 112 : index
    %swap3A_351 = tpu.vector_load %arg10[%swap3A_349, %swap3A_350] {strides = array<i32>} : memref<4x128xi32, #tpu.memory_space<vmem>>, vector<1x16xi32>,
    %swap3A_352 = vector.shape_cast %swap3A_351 : vector<1x16xi32> to vector<16xi32>
    %swap3A_353 = vector.shape_cast %add3A_347 : vector<16xi32> to vector<1x16xi32>
    tpu.vector_store %arg10[%swap3A_349, %swap3A_350], %swap3A_353 {strides = array<i32>} : memref<4x128xi32, #tpu.memory_space<vmem>>, vector<1x16xi32>,
    %dma_start3A_354 = arith.constant 1 : i32
    %dma_start3A_355 = arith.constant 1 : i32
    %dma_start3A_356 = arith.constant 0 : i32
    %dma_start3A_357 = arith.constant 0 : i32
    %dma_start3A_358 = tpu.memref_slice %arg9[%dma_start3A_355, %dma_start3A_356, %dma_start3A_357] : memref<4x128x64xf32, #tpu.memory_space<vmem>> -> memref<1x128x64xf32, #tpu.memory_space<vmem>>
    %dma_start3A_359 = tpu.memref_squeeze %dma_start3A_358 : memref<1x128x64xf32, #tpu.memory_space<vmem>> -> memref<128x64xf32, #tpu.memory_space<vmem>>
    %dma_start3A_360 = arith.constant 0 : i32
    %dma_start3A_361 = tpu.memref_slice %arg10[%dma_start3A_354, %dma_start3A_360] : memref<4x128xi32, #tpu.memory_space<vmem>> -> memref<1x128xi32, #tpu.memory_space<vmem>>
    %dma_start3A_362 = tpu.memref_squeeze %dma_start3A_361 : memref<1x128xi32, #tpu.memory_space<vmem>> -> memref<128xi32, #tpu.memory_space<vmem>>
    %dma_start3A_363 = arith.constant 0 : i32
    %dma_start3A_364 = arith.constant 0 : i32
    %dma_start3A_365 = tpu.memref_slice %arg2[%dma_start3A_363, %dma_start3A_364] : memref<20000x64xf32, #tpu.memory_space<hbm>> -> memref<20000x64xf32, #tpu.memory_space<hbm>>
    tpu.enqueue_indirect_dma source(%dma_start3A_365 : memref<20000x64xf32, #tpu.memory_space<hbm>>) target(%dma_start3A_359 : memref<128x64xf32, #tpu.memory_space<vmem>>) offsets(%dma_start3A_362 : memref<128xi32, #tpu.memory_space<vmem>>) semaphore(%arg13 : memref<!tpu.dma_semaphore, #tpu.memory_space<semaphore_mem>>)
    %get3A_366 = arith.constant 2 : i32
    %get3A_367 = arith.index_cast %get3A_366 : i32 to index
    %get3A_368 = arith.constant 0 : index
    %get3A_369 = tpu.vector_load %arg7[%get3A_367, %get3A_368] {strides = array<i32>} : memref<157x128xi32, #tpu.memory_space<vmem>>, vector<1x16xi32>,
    %get3A_370 = vector.shape_cast %get3A_369 : vector<1x16xi32> to vector<16xi32>
    %mul3A_371 = arith.constant 2 : i32
    %mul3A_372 = vector.broadcast %mul3A_371 : i32 to vector<16xi32>
    %mul3A_373 = arith.muli %get3A_370, %mul3A_372 : vector<16xi32>
    %add3A_374 = vector.broadcast %arg0 : i32 to vector<16xi32>
    %add3A_375 = arith.addi %mul3A_373, %add3A_374 : vector<16xi32>
    %swap3A_376 = arith.constant 2 : i32
    %swap3A_377 = arith.index_cast %swap3A_376 : i32 to index
    %swap3A_378 = arith.constant 0 : index
    %swap3A_379 = tpu.vector_load %arg10[%swap3A_377, %swap3A_378] {strides = array<i32>} : memref<4x128xi32, #tpu.memory_space<vmem>>, vector<1x16xi32>,
    %swap3A_380 = vector.shape_cast %swap3A_379 : vector<1x16xi32> to vector<16xi32>
    %swap3A_381 = vector.shape_cast %add3A_375 : vector<16xi32> to vector<1x16xi32>
    tpu.vector_store %arg10[%swap3A_377, %swap3A_378], %swap3A_381 {strides = array<i32>} : memref<4x128xi32, #tpu.memory_space<vmem>>, vector<1x16xi32>,
    %get3A_382 = arith.constant 2 : i32
    %get3A_383 = arith.index_cast %get3A_382 : i32 to index
    %get3A_384 = arith.constant 16 : index
    %get3A_385 = tpu.vector_load %arg7[%get3A_383, %get3A_384] {strides = array<i32>} : memref<157x128xi32, #tpu.memory_space<vmem>>, vector<1x16xi32>,
    %get3A_386 = vector.shape_cast %get3A_385 : vector<1x16xi32> to vector<16xi32>
    %mul3A_387 = arith.constant 2 : i32
    %mul3A_388 = vector.broadcast %mul3A_387 : i32 to vector<16xi32>
    %mul3A_389 = arith.muli %get3A_386, %mul3A_388 : vector<16xi32>
    %add3A_390 = vector.broadcast %arg0 : i32 to vector<16xi32>
    %add3A_391 = arith.addi %mul3A_389, %add3A_390 : vector<16xi32>
    %swap3A_392 = arith.constant 2 : i32
    %swap3A_393 = arith.index_cast %swap3A_392 : i32 to index
    %swap3A_394 = arith.constant 16 : index
    %swap3A_395 = tpu.vector_load %arg10[%swap3A_393, %swap3A_394] {strides = array<i32>} : memref<4x128xi32, #tpu.memory_space<vmem>>, vector<1x16xi32>,
    %swap3A_396 = vector.shape_cast %swap3A_395 : vector<1x16xi32> to vector<16xi32>
    %swap3A_397 = vector.shape_cast %add3A_391 : vector<16xi32> to vector<1x16xi32>
    tpu.vector_store %arg10[%swap3A_393, %swap3A_394], %swap3A_397 {strides = array<i32>} : memref<4x128xi32, #tpu.memory_space<vmem>>, vector<1x16xi32>,
    %get3A_398 = arith.constant 2 : i32
    %get3A_399 = arith.index_cast %get3A_398 : i32 to index
    %get3A_400 = arith.constant 32 : index
    %get3A_401 = tpu.vector_load %arg7[%get3A_399, %get3A_400] {strides = array<i32>} : memref<157x128xi32, #tpu.memory_space<vmem>>, vector<1x16xi32>,
    %get3A_402 = vector.shape_cast %get3A_401 : vector<1x16xi32> to vector<16xi32>
    %mul3A_403 = arith.constant 2 : i32
    %mul3A_404 = vector.broadcast %mul3A_403 : i32 to vector<16xi32>
    %mul3A_405 = arith.muli %get3A_402, %mul3A_404 : vector<16xi32>
    %add3A_406 = vector.broadcast %arg0 : i32 to vector<16xi32>
    %add3A_407 = arith.addi %mul3A_405, %add3A_406 : vector<16xi32>
    %swap3A_408 = arith.constant 2 : i32
    %swap3A_409 = arith.index_cast %swap3A_408 : i32 to index
    %swap3A_410 = arith.constant 32 : index
    %swap3A_411 = tpu.vector_load %arg10[%swap3A_409, %swap3A_410] {strides = array<i32>} : memref<4x128xi32, #tpu.memory_space<vmem>>, vector<1x16xi32>,
    %swap3A_412 = vector.shape_cast %swap3A_411 : vector<1x16xi32> to vector<16xi32>
    %swap3A_413 = vector.shape_cast %add3A_407 : vector<16xi32> to vector<1x16xi32>
    tpu.vector_store %arg10[%swap3A_409, %swap3A_410], %swap3A_413 {strides = array<i32>} : memref<4x128xi32, #tpu.memory_space<vmem>>, vector<1x16xi32>,
    %get3A_414 = arith.constant 2 : i32
    %get3A_415 = arith.index_cast %get3A_414 : i32 to index
    %get3A_416 = arith.constant 48 : index
    %get3A_417 = tpu.vector_load %arg7[%get3A_415, %get3A_416] {strides = array<i32>} : memref<157x128xi32, #tpu.memory_space<vmem>>, vector<1x16xi32>,
    %get3A_418 = vector.shape_cast %get3A_417 : vector<1x16xi32> to vector<16xi32>
    %mul3A_419 = arith.constant 2 : i32
    %mul3A_420 = vector.broadcast %mul3A_419 : i32 to vector<16xi32>
    %mul3A_421 = arith.muli %get3A_418, %mul3A_420 : vector<16xi32>
    %add3A_422 = vector.broadcast %arg0 : i32 to vector<16xi32>
    %add3A_423 = arith.addi %mul3A_421, %add3A_422 : vector<16xi32>
    %swap3A_424 = arith.constant 2 : i32
    %swap3A_425 = arith.index_cast %swap3A_424 : i32 to index
    %swap3A_426 = arith.constant 48 : index
    %swap3A_427 = tpu.vector_load %arg10[%swap3A_425, %swap3A_426] {strides = array<i32>} : memref<4x128xi32, #tpu.memory_space<vmem>>, vector<1x16xi32>,
    %swap3A_428 = vector.shape_cast %swap3A_427 : vector<1x16xi32> to vector<16xi32>
    %swap3A_429 = vector.shape_cast %add3A_423 : vector<16xi32> to vector<1x16xi32>
    tpu.vector_store %arg10[%swap3A_425, %swap3A_426], %swap3A_429 {strides = array<i32>} : memref<4x128xi32, #tpu.memory_space<vmem>>, vector<1x16xi32>,
    %get3A_430 = arith.constant 2 : i32
    %get3A_431 = arith.index_cast %get3A_430 : i32 to index
    %get3A_432 = arith.constant 64 : index
    %get3A_433 = tpu.vector_load %arg7[%get3A_431, %get3A_432] {strides = array<i32>} : memref<157x128xi32, #tpu.memory_space<vmem>>, vector<1x16xi32>,
    %get3A_434 = vector.shape_cast %get3A_433 : vector<1x16xi32> to vector<16xi32>
    %mul3A_435 = arith.constant 2 : i32
    %mul3A_436 = vector.broadcast %mul3A_435 : i32 to vector<16xi32>
    %mul3A_437 = arith.muli %get3A_434, %mul3A_436 : vector<16xi32>
    %add3A_438 = vector.broadcast %arg0 : i32 to vector<16xi32>
    %add3A_439 = arith.addi %mul3A_437, %add3A_438 : vector<16xi32>
    %swap3A_440 = arith.constant 2 : i32
    %swap3A_441 = arith.index_cast %swap3A_440 : i32 to index
    %swap3A_442 = arith.constant 64 : index
    %swap3A_443 = tpu.vector_load %arg10[%swap3A_441, %swap3A_442] {strides = array<i32>} : memref<4x128xi32, #tpu.memory_space<vmem>>, vector<1x16xi32>,
    %swap3A_444 = vector.shape_cast %swap3A_443 : vector<1x16xi32> to vector<16xi32>
    %swap3A_445 = vector.shape_cast %add3A_439 : vector<16xi32> to vector<1x16xi32>
    tpu.vector_store %arg10[%swap3A_441, %swap3A_442], %swap3A_445 {strides = array<i32>} : memref<4x128xi32, #tpu.memory_space<vmem>>, vector<1x16xi32>,
    %get3A_446 = arith.constant 2 : i32
    %get3A_447 = arith.index_cast %get3A_446 : i32 to index
    %get3A_448 = arith.constant 80 : index
    %get3A_449 = tpu.vector_load %arg7[%get3A_447, %get3A_448] {strides = array<i32>} : memref<157x128xi32, #tpu.memory_space<vmem>>, vector<1x16xi32>,
    %get3A_450 = vector.shape_cast %get3A_449 : vector<1x16xi32> to vector<16xi32>
    %mul3A_451 = arith.constant 2 : i32
    %mul3A_452 = vector.broadcast %mul3A_451 : i32 to vector<16xi32>
    %mul3A_453 = arith.muli %get3A_450, %mul3A_452 : vector<16xi32>
    %add3A_454 = vector.broadcast %arg0 : i32 to vector<16xi32>
    %add3A_455 = arith.addi %mul3A_453, %add3A_454 : vector<16xi32>
    %swap3A_456 = arith.constant 2 : i32
    %swap3A_457 = arith.index_cast %swap3A_456 : i32 to index
    %swap3A_458 = arith.constant 80 : index
    %swap3A_459 = tpu.vector_load %arg10[%swap3A_457, %swap3A_458] {strides = array<i32>} : memref<4x128xi32, #tpu.memory_space<vmem>>, vector<1x16xi32>,
    %swap3A_460 = vector.shape_cast %swap3A_459 : vector<1x16xi32> to vector<16xi32>
    %swap3A_461 = vector.shape_cast %add3A_455 : vector<16xi32> to vector<1x16xi32>
    tpu.vector_store %arg10[%swap3A_457, %swap3A_458], %swap3A_461 {strides = array<i32>} : memref<4x128xi32, #tpu.memory_space<vmem>>, vector<1x16xi32>,
    %get3A_462 = arith.constant 2 : i32
    %get3A_463 = arith.index_cast %get3A_462 : i32 to index
    %get3A_464 = arith.constant 96 : index
    %get3A_465 = tpu.vector_load %arg7[%get3A_463, %get3A_464] {strides = array<i32>} : memref<157x128xi32, #tpu.memory_space<vmem>>, vector<1x16xi32>,
    %get3A_466 = vector.shape_cast %get3A_465 : vector<1x16xi32> to vector<16xi32>
    %mul3A_467 = arith.constant 2 : i32
    %mul3A_468 = vector.broadcast %mul3A_467 : i32 to vector<16xi32>
    %mul3A_469 = arith.muli %get3A_466, %mul3A_468 : vector<16xi32>
    %add3A_470 = vector.broadcast %arg0 : i32 to vector<16xi32>
    %add3A_471 = arith.addi %mul3A_469, %add3A_470 : vector<16xi32>
    %swap3A_472 = arith.constant 2 : i32
    %swap3A_473 = arith.index_cast %swap3A_472 : i32 to index
    %swap3A_474 = arith.constant 96 : index
    %swap3A_475 = tpu.vector_load %arg10[%swap3A_473, %swap3A_474] {strides = array<i32>} : memref<4x128xi32, #tpu.memory_space<vmem>>, vector<1x16xi32>,
    %swap3A_476 = vector.shape_cast %swap3A_475 : vector<1x16xi32> to vector<16xi32>
    %swap3A_477 = vector.shape_cast %add3A_471 : vector<16xi32> to vector<1x16xi32>
    tpu.vector_store %arg10[%swap3A_473, %swap3A_474], %swap3A_477 {strides = array<i32>} : memref<4x128xi32, #tpu.memory_space<vmem>>, vector<1x16xi32>,
    %get3A_478 = arith.constant 2 : i32
    %get3A_479 = arith.index_cast %get3A_478 : i32 to index
    %get3A_480 = arith.constant 112 : index
    %get3A_481 = tpu.vector_load %arg7[%get3A_479, %get3A_480] {strides = array<i32>} : memref<157x128xi32, #tpu.memory_space<vmem>>, vector<1x16xi32>,
    %get3A_482 = vector.shape_cast %get3A_481 : vector<1x16xi32> to vector<16xi32>
    %mul3A_483 = arith.constant 2 : i32
    %mul3A_484 = vector.broadcast %mul3A_483 : i32 to vector<16xi32>
    %mul3A_485 = arith.muli %get3A_482, %mul3A_484 : vector<16xi32>
    %add3A_486 = vector.broadcast %arg0 : i32 to vector<16xi32>
    %add3A_487 = arith.addi %mul3A_485, %add3A_486 : vector<16xi32>
    %swap3A_488 = arith.constant 2 : i32
    %swap3A_489 = arith.index_cast %swap3A_488 : i32 to index
    %swap3A_490 = arith.constant 112 : index
    %swap3A_491 = tpu.vector_load %arg10[%swap3A_489, %swap3A_490] {strides = array<i32>} : memref<4x128xi32, #tpu.memory_space<vmem>>, vector<1x16xi32>,
    %swap3A_492 = vector.shape_cast %swap3A_491 : vector<1x16xi32> to vector<16xi32>
    %swap3A_493 = vector.shape_cast %add3A_487 : vector<16xi32> to vector<1x16xi32>
    tpu.vector_store %arg10[%swap3A_489, %swap3A_490], %swap3A_493 {strides = array<i32>} : memref<4x128xi32, #tpu.memory_space<vmem>>, vector<1x16xi32>,
    %dma_start3A_494 = arith.constant 2 : i32
    %dma_start3A_495 = arith.constant 2 : i32
    %dma_start3A_496 = arith.constant 0 : i32
    %dma_start3A_497 = arith.constant 0 : i32
    %dma_start3A_498 = tpu.memref_slice %arg9[%dma_start3A_495, %dma_start3A_496, %dma_start3A_497] : memref<4x128x64xf32, #tpu.memory_space<vmem>> -> memref<1x128x64xf32, #tpu.memory_space<vmem>>
    %dma_start3A_499 = tpu.memref_squeeze %dma_start3A_498 : memref<1x128x64xf32, #tpu.memory_space<vmem>> -> memref<128x64xf32, #tpu.memory_space<vmem>>
    %dma_start3A_500 = arith.constant 0 : i32
    %dma_start3A_501 = tpu.memref_slice %arg10[%dma_start3A_494, %dma_start3A_500] : memref<4x128xi32, #tpu.memory_space<vmem>> -> memref<1x128xi32, #tpu.memory_space<vmem>>
    %dma_start3A_502 = tpu.memref_squeeze %dma_start3A_501 : memref<1x128xi32, #tpu.memory_space<vmem>> -> memref<128xi32, #tpu.memory_space<vmem>>
    %dma_start3A_503 = arith.constant 0 : i32
    %dma_start3A_504 = arith.constant 0 : i32
    %dma_start3A_505 = tpu.memref_slice %arg2[%dma_start3A_503, %dma_start3A_504] : memref<20000x64xf32, #tpu.memory_space<hbm>> -> memref<20000x64xf32, #tpu.memory_space<hbm>>
    tpu.enqueue_indirect_dma source(%dma_start3A_505 : memref<20000x64xf32, #tpu.memory_space<hbm>>) target(%dma_start3A_499 : memref<128x64xf32, #tpu.memory_space<vmem>>) offsets(%dma_start3A_502 : memref<128xi32, #tpu.memory_space<vmem>>) semaphore(%arg14 : memref<!tpu.dma_semaphore, #tpu.memory_space<semaphore_mem>>)
    %get3A_506 = arith.constant 3 : i32
    %get3A_507 = arith.index_cast %get3A_506 : i32 to index
    %get3A_508 = arith.constant 0 : index
    %get3A_509 = tpu.vector_load %arg7[%get3A_507, %get3A_508] {strides = array<i32>} : memref<157x128xi32, #tpu.memory_space<vmem>>, vector<1x16xi32>,
    %get3A_510 = vector.shape_cast %get3A_509 : vector<1x16xi32> to vector<16xi32>
    %mul3A_511 = arith.constant 2 : i32
    %mul3A_512 = vector.broadcast %mul3A_511 : i32 to vector<16xi32>
    %mul3A_513 = arith.muli %get3A_510, %mul3A_512 : vector<16xi32>
    %add3A_514 = vector.broadcast %arg0 : i32 to vector<16xi32>
    %add3A_515 = arith.addi %mul3A_513, %add3A_514 : vector<16xi32>
    %swap3A_516 = arith.constant 3 : i32
    %swap3A_517 = arith.index_cast %swap3A_516 : i32 to index
    %swap3A_518 = arith.constant 0 : index
    %swap3A_519 = tpu.vector_load %arg10[%swap3A_517, %swap3A_518] {strides = array<i32>} : memref<4x128xi32, #tpu.memory_space<vmem>>, vector<1x16xi32>,
    %swap3A_520 = vector.shape_cast %swap3A_519 : vector<1x16xi32> to vector<16xi32>
    %swap3A_521 = vector.shape_cast %add3A_515 : vector<16xi32> to vector<1x16xi32>
    tpu.vector_store %arg10[%swap3A_517, %swap3A_518], %swap3A_521 {strides = array<i32>} : memref<4x128xi32, #tpu.memory_space<vmem>>, vector<1x16xi32>,
    %get3A_522 = arith.constant 3 : i32
    %get3A_523 = arith.index_cast %get3A_522 : i32 to index
    %get3A_524 = arith.constant 16 : index
    %get3A_525 = tpu.vector_load %arg7[%get3A_523, %get3A_524] {strides = array<i32>} : memref<157x128xi32, #tpu.memory_space<vmem>>, vector<1x16xi32>,
    %get3A_526 = vector.shape_cast %get3A_525 : vector<1x16xi32> to vector<16xi32>
    %mul3A_527 = arith.constant 2 : i32
    %mul3A_528 = vector.broadcast %mul3A_527 : i32 to vector<16xi32>
    %mul3A_529 = arith.muli %get3A_526, %mul3A_528 : vector<16xi32>
    %add3A_530 = vector.broadcast %arg0 : i32 to vector<16xi32>
    %add3A_531 = arith.addi %mul3A_529, %add3A_530 : vector<16xi32>
    %swap3A_532 = arith.constant 3 : i32
    %swap3A_533 = arith.index_cast %swap3A_532 : i32 to index
    %swap3A_534 = arith.constant 16 : index
    %swap3A_535 = tpu.vector_load %arg10[%swap3A_533, %swap3A_534] {strides = array<i32>} : memref<4x128xi32, #tpu.memory_space<vmem>>, vector<1x16xi32>,
    %swap3A_536 = vector.shape_cast %swap3A_535 : vector<1x16xi32> to vector<16xi32>
    %swap3A_537 = vector.shape_cast %add3A_531 : vector<16xi32> to vector<1x16xi32>
    tpu.vector_store %arg10[%swap3A_533, %swap3A_534], %swap3A_537 {strides = array<i32>} : memref<4x128xi32, #tpu.memory_space<vmem>>, vector<1x16xi32>,
    %get3A_538 = arith.constant 3 : i32
    %get3A_539 = arith.index_cast %get3A_538 : i32 to index
    %get3A_540 = arith.constant 32 : index
    %get3A_541 = tpu.vector_load %arg7[%get3A_539, %get3A_540] {strides = array<i32>} : memref<157x128xi32, #tpu.memory_space<vmem>>, vector<1x16xi32>,
    %get3A_542 = vector.shape_cast %get3A_541 : vector<1x16xi32> to vector<16xi32>
    %mul3A_543 = arith.constant 2 : i32
    %mul3A_544 = vector.broadcast %mul3A_543 : i32 to vector<16xi32>
    %mul3A_545 = arith.muli %get3A_542, %mul3A_544 : vector<16xi32>
    %add3A_546 = vector.broadcast %arg0 : i32 to vector<16xi32>
    %add3A_547 = arith.addi %mul3A_545, %add3A_546 : vector<16xi32>
    %swap3A_548 = arith.constant 3 : i32
    %swap3A_549 = arith.index_cast %swap3A_548 : i32 to index
    %swap3A_550 = arith.constant 32 : index
    %swap3A_551 = tpu.vector_load %arg10[%swap3A_549, %swap3A_550] {strides = array<i32>} : memref<4x128xi32, #tpu.memory_space<vmem>>, vector<1x16xi32>,
    %swap3A_552 = vector.shape_cast %swap3A_551 : vector<1x16xi32> to vector<16xi32>
    %swap3A_553 = vector.shape_cast %add3A_547 : vector<16xi32> to vector<1x16xi32>
    tpu.vector_store %arg10[%swap3A_549, %swap3A_550], %swap3A_553 {strides = array<i32>} : memref<4x128xi32, #tpu.memory_space<vmem>>, vector<1x16xi32>,
    %get3A_554 = arith.constant 3 : i32
    %get3A_555 = arith.index_cast %get3A_554 : i32 to index
    %get3A_556 = arith.constant 48 : index
    %get3A_557 = tpu.vector_load %arg7[%get3A_555, %get3A_556] {strides = array<i32>} : memref<157x128xi32, #tpu.memory_space<vmem>>, vector<1x16xi32>,
    %get3A_558 = vector.shape_cast %get3A_557 : vector<1x16xi32> to vector<16xi32>
    %mul3A_559 = arith.constant 2 : i32
    %mul3A_560 = vector.broadcast %mul3A_559 : i32 to vector<16xi32>
    %mul3A_561 = arith.muli %get3A_558, %mul3A_560 : vector<16xi32>
    %add3A_562 = vector.broadcast %arg0 : i32 to vector<16xi32>
    %add3A_563 = arith.addi %mul3A_561, %add3A_562 : vector<16xi32>
    %swap3A_564 = arith.constant 3 : i32
    %swap3A_565 = arith.index_cast %swap3A_564 : i32 to index
    %swap3A_566 = arith.constant 48 : index
    %swap3A_567 = tpu.vector_load %arg10[%swap3A_565, %swap3A_566] {strides = array<i32>} : memref<4x128xi32, #tpu.memory_space<vmem>>, vector<1x16xi32>,
    %swap3A_568 = vector.shape_cast %swap3A_567 : vector<1x16xi32> to vector<16xi32>
    %swap3A_569 = vector.shape_cast %add3A_563 : vector<16xi32> to vector<1x16xi32>
    tpu.vector_store %arg10[%swap3A_565, %swap3A_566], %swap3A_569 {strides = array<i32>} : memref<4x128xi32, #tpu.memory_space<vmem>>, vector<1x16xi32>,
    %get3A_570 = arith.constant 3 : i32
    %get3A_571 = arith.index_cast %get3A_570 : i32 to index
    %get3A_572 = arith.constant 64 : index
    %get3A_573 = tpu.vector_load %arg7[%get3A_571, %get3A_572] {strides = array<i32>} : memref<157x128xi32, #tpu.memory_space<vmem>>, vector<1x16xi32>,
    %get3A_574 = vector.shape_cast %get3A_573 : vector<1x16xi32> to vector<16xi32>
    %mul3A_575 = arith.constant 2 : i32
    %mul3A_576 = vector.broadcast %mul3A_575 : i32 to vector<16xi32>
    %mul3A_577 = arith.muli %get3A_574, %mul3A_576 : vector<16xi32>
    %add3A_578 = vector.broadcast %arg0 : i32 to vector<16xi32>
    %add3A_579 = arith.addi %mul3A_577, %add3A_578 : vector<16xi32>
    %swap3A_580 = arith.constant 3 : i32
    %swap3A_581 = arith.index_cast %swap3A_580 : i32 to index
    %swap3A_582 = arith.constant 64 : index
    %swap3A_583 = tpu.vector_load %arg10[%swap3A_581, %swap3A_582] {strides = array<i32>} : memref<4x128xi32, #tpu.memory_space<vmem>>, vector<1x16xi32>,
    %swap3A_584 = vector.shape_cast %swap3A_583 : vector<1x16xi32> to vector<16xi32>
    %swap3A_585 = vector.shape_cast %add3A_579 : vector<16xi32> to vector<1x16xi32>
    tpu.vector_store %arg10[%swap3A_581, %swap3A_582], %swap3A_585 {strides = array<i32>} : memref<4x128xi32, #tpu.memory_space<vmem>>, vector<1x16xi32>,
    %get3A_586 = arith.constant 3 : i32
    %get3A_587 = arith.index_cast %get3A_586 : i32 to index
    %get3A_588 = arith.constant 80 : index
    %get3A_589 = tpu.vector_load %arg7[%get3A_587, %get3A_588] {strides = array<i32>} : memref<157x128xi32, #tpu.memory_space<vmem>>, vector<1x16xi32>,
    %get3A_590 = vector.shape_cast %get3A_589 : vector<1x16xi32> to vector<16xi32>
    %mul3A_591 = arith.constant 2 : i32
    %mul3A_592 = vector.broadcast %mul3A_591 : i32 to vector<16xi32>
    %mul3A_593 = arith.muli %get3A_590, %mul3A_592 : vector<16xi32>
    %add3A_594 = vector.broadcast %arg0 : i32 to vector<16xi32>
    %add3A_595 = arith.addi %mul3A_593, %add3A_594 : vector<16xi32>
    %swap3A_596 = arith.constant 3 : i32
    %swap3A_597 = arith.index_cast %swap3A_596 : i32 to index
    %swap3A_598 = arith.constant 80 : index
    %swap3A_599 = tpu.vector_load %arg10[%swap3A_597, %swap3A_598] {strides = array<i32>} : memref<4x128xi32, #tpu.memory_space<vmem>>, vector<1x16xi32>,
    %swap3A_600 = vector.shape_cast %swap3A_599 : vector<1x16xi32> to vector<16xi32>
    %swap3A_601 = vector.shape_cast %add3A_595 : vector<16xi32> to vector<1x16xi32>
    tpu.vector_store %arg10[%swap3A_597, %swap3A_598], %swap3A_601 {strides = array<i32>} : memref<4x128xi32, #tpu.memory_space<vmem>>, vector<1x16xi32>,
    %get3A_602 = arith.constant 3 : i32
    %get3A_603 = arith.index_cast %get3A_602 : i32 to index
    %get3A_604 = arith.constant 96 : index
    %get3A_605 = tpu.vector_load %arg7[%get3A_603, %get3A_604] {strides = array<i32>} : memref<157x128xi32, #tpu.memory_space<vmem>>, vector<1x16xi32>,
    %get3A_606 = vector.shape_cast %get3A_605 : vector<1x16xi32> to vector<16xi32>
    %mul3A_607 = arith.constant 2 : i32
    %mul3A_608 = vector.broadcast %mul3A_607 : i32 to vector<16xi32>
    %mul3A_609 = arith.muli %get3A_606, %mul3A_608 : vector<16xi32>
    %add3A_610 = vector.broadcast %arg0 : i32 to vector<16xi32>
    %add3A_611 = arith.addi %mul3A_609, %add3A_610 : vector<16xi32>
    %swap3A_612 = arith.constant 3 : i32
    %swap3A_613 = arith.index_cast %swap3A_612 : i32 to index
    %swap3A_614 = arith.constant 96 : index
    %swap3A_615 = tpu.vector_load %arg10[%swap3A_613, %swap3A_614] {strides = array<i32>} : memref<4x128xi32, #tpu.memory_space<vmem>>, vector<1x16xi32>,
    %swap3A_616 = vector.shape_cast %swap3A_615 : vector<1x16xi32> to vector<16xi32>
    %swap3A_617 = vector.shape_cast %add3A_611 : vector<16xi32> to vector<1x16xi32>
    tpu.vector_store %arg10[%swap3A_613, %swap3A_614], %swap3A_617 {strides = array<i32>} : memref<4x128xi32, #tpu.memory_space<vmem>>, vector<1x16xi32>,
    %get3A_618 = arith.constant 3 : i32
    %get3A_619 = arith.index_cast %get3A_618 : i32 to index
    %get3A_620 = arith.constant 112 : index
    %get3A_621 = tpu.vector_load %arg7[%get3A_619, %get3A_620] {strides = array<i32>} : memref<157x128xi32, #tpu.memory_space<vmem>>, vector<1x16xi32>,
    %get3A_622 = vector.shape_cast %get3A_621 : vector<1x16xi32> to vector<16xi32>
    %mul3A_623 = arith.constant 2 : i32
    %mul3A_624 = vector.broadcast %mul3A_623 : i32 to vector<16xi32>
    %mul3A_625 = arith.muli %get3A_622, %mul3A_624 : vector<16xi32>
    %add3A_626 = vector.broadcast %arg0 : i32 to vector<16xi32>
    %add3A_627 = arith.addi %mul3A_625, %add3A_626 : vector<16xi32>
    %swap3A_628 = arith.constant 3 : i32
    %swap3A_629 = arith.index_cast %swap3A_628 : i32 to index
    %swap3A_630 = arith.constant 112 : index
    %swap3A_631 = tpu.vector_load %arg10[%swap3A_629, %swap3A_630] {strides = array<i32>} : memref<4x128xi32, #tpu.memory_space<vmem>>, vector<1x16xi32>,
    %swap3A_632 = vector.shape_cast %swap3A_631 : vector<1x16xi32> to vector<16xi32>
    %swap3A_633 = vector.shape_cast %add3A_627 : vector<16xi32> to vector<1x16xi32>
    tpu.vector_store %arg10[%swap3A_629, %swap3A_630], %swap3A_633 {strides = array<i32>} : memref<4x128xi32, #tpu.memory_space<vmem>>, vector<1x16xi32>,
    %dma_start3A_634 = arith.constant 3 : i32
    %dma_start3A_635 = arith.constant 3 : i32
    %dma_start3A_636 = arith.constant 0 : i32
    %dma_start3A_637 = arith.constant 0 : i32
    %dma_start3A_638 = tpu.memref_slice %arg9[%dma_start3A_635, %dma_start3A_636, %dma_start3A_637] : memref<4x128x64xf32, #tpu.memory_space<vmem>> -> memref<1x128x64xf32, #tpu.memory_space<vmem>>
    %dma_start3A_639 = tpu.memref_squeeze %dma_start3A_638 : memref<1x128x64xf32, #tpu.memory_space<vmem>> -> memref<128x64xf32, #tpu.memory_space<vmem>>
    %dma_start3A_640 = arith.constant 0 : i32
    %dma_start3A_641 = tpu.memref_slice %arg10[%dma_start3A_634, %dma_start3A_640] : memref<4x128xi32, #tpu.memory_space<vmem>> -> memref<1x128xi32, #tpu.memory_space<vmem>>
    %dma_start3A_642 = tpu.memref_squeeze %dma_start3A_641 : memref<1x128xi32, #tpu.memory_space<vmem>> -> memref<128xi32, #tpu.memory_space<vmem>>
    %dma_start3A_643 = arith.constant 0 : i32
    %dma_start3A_644 = arith.constant 0 : i32
    %dma_start3A_645 = tpu.memref_slice %arg2[%dma_start3A_643, %dma_start3A_644] : memref<20000x64xf32, #tpu.memory_space<hbm>> -> memref<20000x64xf32, #tpu.memory_space<hbm>>
    tpu.enqueue_indirect_dma source(%dma_start3A_645 : memref<20000x64xf32, #tpu.memory_space<hbm>>) target(%dma_start3A_639 : memref<128x64xf32, #tpu.memory_space<vmem>>) offsets(%dma_start3A_642 : memref<128xi32, #tpu.memory_space<vmem>>) semaphore(%arg15 : memref<!tpu.dma_semaphore, #tpu.memory_space<semaphore_mem>>)
    %scan3A_646 = arith.constant 0 : i32
    %scan3A_647 = arith.constant 0 : i32
    %scan3A_648 = arith.constant 40 : i32
    %scan3A_649 = arith.addi %scan3A_647, %scan3A_648 : i32
    %scan3A_650 = arith.constant 1 : i32
    %scan3A_651 = scf.for %scan3A_750 = %scan3A_647 to %scan3A_649 step %scan3A_650 iter_args(%scan3A_751 = %scan3A_646) -> (i32)  : i32 {
      %mul3A_752 = arith.constant 4 : i32
      %mul3A_753 = arith.muli %scan3A_750, %mul3A_752 : i32
      %add3A_754 = arith.constant 0 : i32
      %add3A_755 = arith.addi %mul3A_753, %add3A_754 : i32
      %lt3A_756 = arith.cmpi slt, %add3A_755, %add3A_80 : i32
      %convert_element_type3A_757 = arith.extui %lt3A_756 : i1 to i32
      %cond3A_758 = arith.constant 0 : i32
      %cond3A_759 = arith.cmpi ne, %convert_element_type3A_757, %cond3A_758 : i32
      scf.if %cond3A_759 {
        %dma_wait3A = arith.constant 0 : i32
        %dma_wait3A_779 = arith.constant 0 : i32
        %dma_wait3A_780 = arith.constant 0 : i32
        %dma_wait3A_781 = arith.constant 0 : i32
        %dma_wait3A_782 = tpu.memref_slice %arg9[%dma_wait3A_779, %dma_wait3A_780, %dma_wait3A_781] : memref<4x128x64xf32, #tpu.memory_space<vmem>> -> memref<1x128x64xf32, #tpu.memory_space<vmem>>
        %dma_wait3A_783 = tpu.memref_squeeze %dma_wait3A_782 : memref<1x128x64xf32, #tpu.memory_space<vmem>> -> memref<128x64xf32, #tpu.memory_space<vmem>>
        %dma_wait3A_784 = arith.constant 0 : i32
        %dma_wait3A_785 = tpu.memref_slice %arg10[%dma_wait3A, %dma_wait3A_784] : memref<4x128xi32, #tpu.memory_space<vmem>> -> memref<1x128xi32, #tpu.memory_space<vmem>>
        %dma_wait3A_786 = tpu.memref_squeeze %dma_wait3A_785 : memref<1x128xi32, #tpu.memory_space<vmem>> -> memref<128xi32, #tpu.memory_space<vmem>>
        %dma_wait3A_787 = arith.constant 0 : i32
        %dma_wait3A_788 = arith.constant 0 : i32
        %dma_wait3A_789 = tpu.memref_slice %arg2[%dma_wait3A_787, %dma_wait3A_788] : memref<20000x64xf32, #tpu.memory_space<hbm>> -> memref<20000x64xf32, #tpu.memory_space<hbm>>
        tpu.wait_indirect_dma semaphore(%arg12 : memref<!tpu.dma_semaphore, #tpu.memory_space<semaphore_mem>>) src(%dma_wait3A_789 : memref<20000x64xf32, #tpu.memory_space<hbm>>) dst(%dma_wait3A_783 : memref<128x64xf32, #tpu.memory_space<vmem>>)
        %ge3A = arith.constant 1 : i32
        %ge3A_790 = arith.cmpi sge, %add3A_755, %ge3A : i32
        %convert_element_type3A_791 = arith.extui %ge3A_790 : i1 to i32
        %cond3A_792 = arith.constant 0 : i32
        %cond3A_793 = arith.cmpi ne, %convert_element_type3A_791, %cond3A_792 : i32
        scf.if %cond3A_793 {
          %sub3A_825 = arith.constant 1 : i32
          %sub3A_826 = arith.subi %add3A_755, %sub3A_825 : i32
          %dma_wait3A_827 = arith.constant 3 : i32
          %dma_wait3A_828 = arith.constant 0 : i32
          %dma_wait3A_829 = arith.constant 0 : i32
          %dma_wait3A_830 = tpu.memref_slice %arg9[%dma_wait3A_827, %dma_wait3A_828, %dma_wait3A_829] : memref<4x128x64xf32, #tpu.memory_space<vmem>> -> memref<1x128x64xf32, #tpu.memory_space<vmem>>
          %dma_wait3A_831 = tpu.memref_squeeze %dma_wait3A_830 : memref<1x128x64xf32, #tpu.memory_space<vmem>> -> memref<128x64xf32, #tpu.memory_space<vmem>>
          %dma_wait3A_832 = arith.constant 0 : i32
          %dma_wait3A_833 = tpu.memref_slice %arg8[%sub3A_826, %dma_wait3A_832] : memref<157x128xi32, #tpu.memory_space<vmem>> -> memref<1x128xi32, #tpu.memory_space<vmem>>
          %dma_wait3A_834 = tpu.memref_squeeze %dma_wait3A_833 : memref<1x128xi32, #tpu.memory_space<vmem>> -> memref<128xi32, #tpu.memory_space<vmem>>
          %dma_wait3A_835 = arith.constant 0 : i32
          %dma_wait3A_836 = arith.constant 0 : i32
          %dma_wait3A_837 = tpu.memref_slice %arg6[%dma_wait3A_835, %dma_wait3A_836] : memref<10000x64xf32, #tpu.memory_space<vmem_shared>> -> memref<10000x64xf32, #tpu.memory_space<vmem_shared>>
          tpu.wait_indirect_dma semaphore(%arg19 : memref<!tpu.dma_semaphore, #tpu.memory_space<semaphore_mem>>) src(%dma_wait3A_831 : memref<128x64xf32, #tpu.memory_space<vmem>>) dst(%dma_wait3A_837 : memref<10000x64xf32, #tpu.memory_space<vmem_shared>>)
          %sub3A_838 = arith.constant 1 : i32
          %sub3A_839 = arith.subi %add3A_755, %sub3A_838 : i32
          %add3A_840 = arith.constant 4 : i32
          %add3A_841 = arith.addi %sub3A_839, %add3A_840 : i32
          %lt3A_842 = arith.cmpi slt, %add3A_841, %add3A_80 : i32
          %convert_element_type3A_843 = arith.extui %lt3A_842 : i1 to i32
          %cond3A_844 = arith.constant 0 : i32
          %cond3A_845 = arith.cmpi ne, %convert_element_type3A_843, %cond3A_844 : i32
          scf.if %cond3A_845 {
            %sub3A_846 = arith.constant 1 : i32
            %sub3A_847 = arith.subi %add3A_755, %sub3A_846 : i32
            %add3A_848 = arith.constant 4 : i32
            %add3A_849 = arith.addi %sub3A_847, %add3A_848 : i32
            %get3A_850 = arith.index_cast %add3A_849 : i32 to index
            %get3A_851 = arith.constant 0 : index
            %get3A_852 = tpu.vector_load %arg7[%get3A_850, %get3A_851] {strides = array<i32>} : memref<157x128xi32, #tpu.memory_space<vmem>>, vector<1x16xi32>,
            %get3A_853 = vector.shape_cast %get3A_852 : vector<1x16xi32> to vector<16xi32>
            %mul3A_854 = arith.constant 2 : i32
            %mul3A_855 = vector.broadcast %mul3A_854 : i32 to vector<16xi32>
            %mul3A_856 = arith.muli %get3A_853, %mul3A_855 : vector<16xi32>
            %add3A_857 = vector.broadcast %arg0 : i32 to vector<16xi32>
            %add3A_858 = arith.addi %mul3A_856, %add3A_857 : vector<16xi32>
            %swap3A_859 = arith.constant 3 : i32
            %swap3A_860 = arith.index_cast %swap3A_859 : i32 to index
            %swap3A_861 = arith.constant 0 : index
            %swap3A_862 = tpu.vector_load %arg10[%swap3A_860, %swap3A_861] {strides = array<i32>} : memref<4x128xi32, #tpu.memory_space<vmem>>, vector<1x16xi32>,
            %swap3A_863 = vector.shape_cast %swap3A_862 : vector<1x16xi32> to vector<16xi32>
            %swap3A_864 = vector.shape_cast %add3A_858 : vector<16xi32> to vector<1x16xi32>
            tpu.vector_store %arg10[%swap3A_860, %swap3A_861], %swap3A_864 {strides = array<i32>} : memref<4x128xi32, #tpu.memory_space<vmem>>, vector<1x16xi32>,
            %get3A_865 = arith.index_cast %add3A_849 : i32 to index
            %get3A_866 = arith.constant 16 : index
            %get3A_867 = tpu.vector_load %arg7[%get3A_865, %get3A_866] {strides = array<i32>} : memref<157x128xi32, #tpu.memory_space<vmem>>, vector<1x16xi32>,
            %get3A_868 = vector.shape_cast %get3A_867 : vector<1x16xi32> to vector<16xi32>
            %mul3A_869 = arith.constant 2 : i32
            %mul3A_870 = vector.broadcast %mul3A_869 : i32 to vector<16xi32>
            %mul3A_871 = arith.muli %get3A_868, %mul3A_870 : vector<16xi32>
            %add3A_872 = vector.broadcast %arg0 : i32 to vector<16xi32>
            %add3A_873 = arith.addi %mul3A_871, %add3A_872 : vector<16xi32>
            %swap3A_874 = arith.constant 3 : i32
            %swap3A_875 = arith.index_cast %swap3A_874 : i32 to index
            %swap3A_876 = arith.constant 16 : index
            %swap3A_877 = tpu.vector_load %arg10[%swap3A_875, %swap3A_876] {strides = array<i32>} : memref<4x128xi32, #tpu.memory_space<vmem>>, vector<1x16xi32>,
            %swap3A_878 = vector.shape_cast %swap3A_877 : vector<1x16xi32> to vector<16xi32>
            %swap3A_879 = vector.shape_cast %add3A_873 : vector<16xi32> to vector<1x16xi32>
            tpu.vector_store %arg10[%swap3A_875, %swap3A_876], %swap3A_879 {strides = array<i32>} : memref<4x128xi32, #tpu.memory_space<vmem>>, vector<1x16xi32>,
            %get3A_880 = arith.index_cast %add3A_849 : i32 to index
            %get3A_881 = arith.constant 32 : index
            %get3A_882 = tpu.vector_load %arg7[%get3A_880, %get3A_881] {strides = array<i32>} : memref<157x128xi32, #tpu.memory_space<vmem>>, vector<1x16xi32>,
            %get3A_883 = vector.shape_cast %get3A_882 : vector<1x16xi32> to vector<16xi32>
            %mul3A_884 = arith.constant 2 : i32
            %mul3A_885 = vector.broadcast %mul3A_884 : i32 to vector<16xi32>
            %mul3A_886 = arith.muli %get3A_883, %mul3A_885 : vector<16xi32>
            %add3A_887 = vector.broadcast %arg0 : i32 to vector<16xi32>
            %add3A_888 = arith.addi %mul3A_886, %add3A_887 : vector<16xi32>
            %swap3A_889 = arith.constant 3 : i32
            %swap3A_890 = arith.index_cast %swap3A_889 : i32 to index
            %swap3A_891 = arith.constant 32 : index
            %swap3A_892 = tpu.vector_load %arg10[%swap3A_890, %swap3A_891] {strides = array<i32>} : memref<4x128xi32, #tpu.memory_space<vmem>>, vector<1x16xi32>,
            %swap3A_893 = vector.shape_cast %swap3A_892 : vector<1x16xi32> to vector<16xi32>
            %swap3A_894 = vector.shape_cast %add3A_888 : vector<16xi32> to vector<1x16xi32>
            tpu.vector_store %arg10[%swap3A_890, %swap3A_891], %swap3A_894 {strides = array<i32>} : memref<4x128xi32, #tpu.memory_space<vmem>>, vector<1x16xi32>,
            %get3A_895 = arith.index_cast %add3A_849 : i32 to index
            %get3A_896 = arith.constant 48 : index
            %get3A_897 = tpu.vector_load %arg7[%get3A_895, %get3A_896] {strides = array<i32>} : memref<157x128xi32, #tpu.memory_space<vmem>>, vector<1x16xi32>,
            %get3A_898 = vector.shape_cast %get3A_897 : vector<1x16xi32> to vector<16xi32>
            %mul3A_899 = arith.constant 2 : i32
            %mul3A_900 = vector.broadcast %mul3A_899 : i32 to vector<16xi32>
            %mul3A_901 = arith.muli %get3A_898, %mul3A_900 : vector<16xi32>
            %add3A_902 = vector.broadcast %arg0 : i32 to vector<16xi32>
            %add3A_903 = arith.addi %mul3A_901, %add3A_902 : vector<16xi32>
            %swap3A_904 = arith.constant 3 : i32
            %swap3A_905 = arith.index_cast %swap3A_904 : i32 to index
            %swap3A_906 = arith.constant 48 : index
            %swap3A_907 = tpu.vector_load %arg10[%swap3A_905, %swap3A_906] {strides = array<i32>} : memref<4x128xi32, #tpu.memory_space<vmem>>, vector<1x16xi32>,
            %swap3A_908 = vector.shape_cast %swap3A_907 : vector<1x16xi32> to vector<16xi32>
            %swap3A_909 = vector.shape_cast %add3A_903 : vector<16xi32> to vector<1x16xi32>
            tpu.vector_store %arg10[%swap3A_905, %swap3A_906], %swap3A_909 {strides = array<i32>} : memref<4x128xi32, #tpu.memory_space<vmem>>, vector<1x16xi32>,
            %get3A_910 = arith.index_cast %add3A_849 : i32 to index
            %get3A_911 = arith.constant 64 : index
            %get3A_912 = tpu.vector_load %arg7[%get3A_910, %get3A_911] {strides = array<i32>} : memref<157x128xi32, #tpu.memory_space<vmem>>, vector<1x16xi32>,
            %get3A_913 = vector.shape_cast %get3A_912 : vector<1x16xi32> to vector<16xi32>
            %mul3A_914 = arith.constant 2 : i32
            %mul3A_915 = vector.broadcast %mul3A_914 : i32 to vector<16xi32>
            %mul3A_916 = arith.muli %get3A_913, %mul3A_915 : vector<16xi32>
            %add3A_917 = vector.broadcast %arg0 : i32 to vector<16xi32>
            %add3A_918 = arith.addi %mul3A_916, %add3A_917 : vector<16xi32>
            %swap3A_919 = arith.constant 3 : i32
            %swap3A_920 = arith.index_cast %swap3A_919 : i32 to index
            %swap3A_921 = arith.constant 64 : index
            %swap3A_922 = tpu.vector_load %arg10[%swap3A_920, %swap3A_921] {strides = array<i32>} : memref<4x128xi32, #tpu.memory_space<vmem>>, vector<1x16xi32>,
            %swap3A_923 = vector.shape_cast %swap3A_922 : vector<1x16xi32> to vector<16xi32>
            %swap3A_924 = vector.shape_cast %add3A_918 : vector<16xi32> to vector<1x16xi32>
            tpu.vector_store %arg10[%swap3A_920, %swap3A_921], %swap3A_924 {strides = array<i32>} : memref<4x128xi32, #tpu.memory_space<vmem>>, vector<1x16xi32>,
            %get3A_925 = arith.index_cast %add3A_849 : i32 to index
            %get3A_926 = arith.constant 80 : index
            %get3A_927 = tpu.vector_load %arg7[%get3A_925, %get3A_926] {strides = array<i32>} : memref<157x128xi32, #tpu.memory_space<vmem>>, vector<1x16xi32>,
            %get3A_928 = vector.shape_cast %get3A_927 : vector<1x16xi32> to vector<16xi32>
            %mul3A_929 = arith.constant 2 : i32
            %mul3A_930 = vector.broadcast %mul3A_929 : i32 to vector<16xi32>
            %mul3A_931 = arith.muli %get3A_928, %mul3A_930 : vector<16xi32>
            %add3A_932 = vector.broadcast %arg0 : i32 to vector<16xi32>
            %add3A_933 = arith.addi %mul3A_931, %add3A_932 : vector<16xi32>
            %swap3A_934 = arith.constant 3 : i32
            %swap3A_935 = arith.index_cast %swap3A_934 : i32 to index
            %swap3A_936 = arith.constant 80 : index
            %swap3A_937 = tpu.vector_load %arg10[%swap3A_935, %swap3A_936] {strides = array<i32>} : memref<4x128xi32, #tpu.memory_space<vmem>>, vector<1x16xi32>,
            %swap3A_938 = vector.shape_cast %swap3A_937 : vector<1x16xi32> to vector<16xi32>
            %swap3A_939 = vector.shape_cast %add3A_933 : vector<16xi32> to vector<1x16xi32>
            tpu.vector_store %arg10[%swap3A_935, %swap3A_936], %swap3A_939 {strides = array<i32>} : memref<4x128xi32, #tpu.memory_space<vmem>>, vector<1x16xi32>,
            %get3A_940 = arith.index_cast %add3A_849 : i32 to index
            %get3A_941 = arith.constant 96 : index
            %get3A_942 = tpu.vector_load %arg7[%get3A_940, %get3A_941] {strides = array<i32>} : memref<157x128xi32, #tpu.memory_space<vmem>>, vector<1x16xi32>,
            %get3A_943 = vector.shape_cast %get3A_942 : vector<1x16xi32> to vector<16xi32>
            %mul3A_944 = arith.constant 2 : i32
            %mul3A_945 = vector.broadcast %mul3A_944 : i32 to vector<16xi32>
            %mul3A_946 = arith.muli %get3A_943, %mul3A_945 : vector<16xi32>
            %add3A_947 = vector.broadcast %arg0 : i32 to vector<16xi32>
            %add3A_948 = arith.addi %mul3A_946, %add3A_947 : vector<16xi32>
            %swap3A_949 = arith.constant 3 : i32
            %swap3A_950 = arith.index_cast %swap3A_949 : i32 to index
            %swap3A_951 = arith.constant 96 : index
            %swap3A_952 = tpu.vector_load %arg10[%swap3A_950, %swap3A_951] {strides = array<i32>} : memref<4x128xi32, #tpu.memory_space<vmem>>, vector<1x16xi32>,
            %swap3A_953 = vector.shape_cast %swap3A_952 : vector<1x16xi32> to vector<16xi32>
            %swap3A_954 = vector.shape_cast %add3A_948 : vector<16xi32> to vector<1x16xi32>
            tpu.vector_store %arg10[%swap3A_950, %swap3A_951], %swap3A_954 {strides = array<i32>} : memref<4x128xi32, #tpu.memory_space<vmem>>, vector<1x16xi32>,
            %get3A_955 = arith.index_cast %add3A_849 : i32 to index
            %get3A_956 = arith.constant 112 : index
            %get3A_957 = tpu.vector_load %arg7[%get3A_955, %get3A_956] {strides = array<i32>} : memref<157x128xi32, #tpu.memory_space<vmem>>, vector<1x16xi32>,
            %get3A_958 = vector.shape_cast %get3A_957 : vector<1x16xi32> to vector<16xi32>
            %mul3A_959 = arith.constant 2 : i32
            %mul3A_960 = vector.broadcast %mul3A_959 : i32 to vector<16xi32>
            %mul3A_961 = arith.muli %get3A_958, %mul3A_960 : vector<16xi32>
            %add3A_962 = vector.broadcast %arg0 : i32 to vector<16xi32>
            %add3A_963 = arith.addi %mul3A_961, %add3A_962 : vector<16xi32>
            %swap3A_964 = arith.constant 3 : i32
            %swap3A_965 = arith.index_cast %swap3A_964 : i32 to index
            %swap3A_966 = arith.constant 112 : index
            %swap3A_967 = tpu.vector_load %arg10[%swap3A_965, %swap3A_966] {strides = array<i32>} : memref<4x128xi32, #tpu.memory_space<vmem>>, vector<1x16xi32>,
            %swap3A_968 = vector.shape_cast %swap3A_967 : vector<1x16xi32> to vector<16xi32>
            %swap3A_969 = vector.shape_cast %add3A_963 : vector<16xi32> to vector<1x16xi32>
            tpu.vector_store %arg10[%swap3A_965, %swap3A_966], %swap3A_969 {strides = array<i32>} : memref<4x128xi32, #tpu.memory_space<vmem>>, vector<1x16xi32>,
            %dma_start3A_970 = arith.constant 3 : i32
            %dma_start3A_971 = arith.constant 3 : i32
            %dma_start3A_972 = arith.constant 0 : i32
            %dma_start3A_973 = arith.constant 0 : i32
            %dma_start3A_974 = tpu.memref_slice %arg9[%dma_start3A_971, %dma_start3A_972, %dma_start3A_973] : memref<4x128x64xf32, #tpu.memory_space<vmem>> -> memref<1x128x64xf32, #tpu.memory_space<vmem>>
            %dma_start3A_975 = tpu.memref_squeeze %dma_start3A_974 : memref<1x128x64xf32, #tpu.memory_space<vmem>> -> memref<128x64xf32, #tpu.memory_space<vmem>>
            %dma_start3A_976 = arith.constant 0 : i32
            %dma_start3A_977 = tpu.memref_slice %arg10[%dma_start3A_970, %dma_start3A_976] : memref<4x128xi32, #tpu.memory_space<vmem>> -> memref<1x128xi32, #tpu.memory_space<vmem>>
            %dma_start3A_978 = tpu.memref_squeeze %dma_start3A_977 : memref<1x128xi32, #tpu.memory_space<vmem>> -> memref<128xi32, #tpu.memory_space<vmem>>
            %dma_start3A_979 = arith.constant 0 : i32
            %dma_start3A_980 = arith.constant 0 : i32
            %dma_start3A_981 = tpu.memref_slice %arg2[%dma_start3A_979, %dma_start3A_980] : memref<20000x64xf32, #tpu.memory_space<hbm>> -> memref<20000x64xf32, #tpu.memory_space<hbm>>
            tpu.enqueue_indirect_dma source(%dma_start3A_981 : memref<20000x64xf32, #tpu.memory_space<hbm>>) target(%dma_start3A_975 : memref<128x64xf32, #tpu.memory_space<vmem>>) offsets(%dma_start3A_978 : memref<128xi32, #tpu.memory_space<vmem>>) semaphore(%arg15 : memref<!tpu.dma_semaphore, #tpu.memory_space<semaphore_mem>>)
          } else {
          }
        } else {
        }
        %dma_start3A_794 = arith.constant 0 : i32
        %dma_start3A_795 = arith.constant 0 : i32
        %dma_start3A_796 = arith.constant 0 : i32
        %dma_start3A_797 = tpu.memref_slice %arg9[%dma_start3A_794, %dma_start3A_795, %dma_start3A_796] : memref<4x128x64xf32, #tpu.memory_space<vmem>> -> memref<1x128x64xf32, #tpu.memory_space<vmem>>
        %dma_start3A_798 = tpu.memref_squeeze %dma_start3A_797 : memref<1x128x64xf32, #tpu.memory_space<vmem>> -> memref<128x64xf32, #tpu.memory_space<vmem>>
        %dma_start3A_799 = arith.constant 0 : i32
        %dma_start3A_800 = tpu.memref_slice %arg8[%add3A_755, %dma_start3A_799] : memref<157x128xi32, #tpu.memory_space<vmem>> -> memref<1x128xi32, #tpu.memory_space<vmem>>
        %dma_start3A_801 = tpu.memref_squeeze %dma_start3A_800 : memref<1x128xi32, #tpu.memory_space<vmem>> -> memref<128xi32, #tpu.memory_space<vmem>>
        %dma_start3A_802 = arith.constant 0 : i32
        %dma_start3A_803 = arith.constant 0 : i32
        %dma_start3A_804 = tpu.memref_slice %arg6[%dma_start3A_802, %dma_start3A_803] : memref<10000x64xf32, #tpu.memory_space<vmem_shared>> -> memref<10000x64xf32, #tpu.memory_space<vmem_shared>>
        tpu.enqueue_indirect_dma source(%dma_start3A_798 : memref<128x64xf32, #tpu.memory_space<vmem>>) target(%dma_start3A_804 : memref<10000x64xf32, #tpu.memory_space<vmem_shared>>) offsets(%dma_start3A_801 : memref<128xi32, #tpu.memory_space<vmem>>) semaphore(%arg16 : memref<!tpu.dma_semaphore, #tpu.memory_space<semaphore_mem>>) {add = true}
        %jit3A_805 = arith.constant 2 : i32
        %eq3A_806 = arith.constant 0 : i32
        %eq3A_807 = arith.cmpi eq, %jit3A_805, %eq3A_806 : i32
        %jit3A_808 = arith.constant 1 : i32
        %select_n3A_809 = arith.select %eq3A_807, %jit3A_808, %jit3A_805 : i32
        %rem3A_810 = arith.remsi %add3A_755, %select_n3A_809 : i32
        %ne3A_811 = arith.constant 0 : i32
        %ne3A_812 = arith.cmpi ne, %rem3A_810, %ne3A_811 : i32
        %lt3A_813 = arith.constant 0 : i32
        %lt3A_814 = arith.cmpi slt, %rem3A_810, %lt3A_813 : i32
        %lt3A_815 = arith.constant 0 : i32
        %lt3A_816 = arith.cmpi slt, %select_n3A_809, %lt3A_815 : i32
        %ne3A_817 = arith.xori %lt3A_814, %lt3A_816 : i1
        %and3A_818 = arith.andi %ne3A_817, %ne3A_812 : i1
        %add3A_819 = arith.addi %rem3A_810, %select_n3A_809 : i32
        %select_n3A_820 = arith.select %and3A_818, %add3A_819, %rem3A_810 : i32
        %eq3A_821 = arith.cmpi eq, %select_n3A_820, %arg0 : i32
        %convert_element_type3A_822 = arith.extui %eq3A_821 : i1 to i32
        %cond3A_823 = arith.constant 0 : i32
        %cond3A_824 = arith.cmpi ne, %convert_element_type3A_822, %cond3A_823 : i32
        scf.if %cond3A_824 {
          "tpu.region"() ({
            %run_scoped3A_825 = tpu.sem_alloc : memref<!tpu.dma_semaphore, #tpu.memory_space<semaphore_mem>>
            %dma_start3A_826 = arith.constant 0 : i32
            %dma_start3A_827 = tpu.memref_slice %arg8[%add3A_755, %dma_start3A_826] : memref<157x128xi32, #tpu.memory_space<vmem>> -> memref<1x128xi32, #tpu.memory_space<vmem>>
            %dma_start3A_828 = tpu.memref_squeeze %dma_start3A_827 : memref<1x128xi32, #tpu.memory_space<vmem>> -> memref<128xi32, #tpu.memory_space<vmem>>
            %dma_start3A_829 = arith.constant 0 : i32
            %dma_start3A_830 = arith.constant 0 : i32
            %dma_start3A_831 = tpu.memref_slice %arg20[%dma_start3A_829, %dma_start3A_830] : memref<10000x16xf32, #tpu.memory_space<vmem_shared>> -> memref<10000x16xf32, #tpu.memory_space<vmem_shared>>
            tpu.enqueue_indirect_dma source(%arg21 : memref<128x16xf32, #tpu.memory_space<vmem>>) target(%dma_start3A_831 : memref<10000x16xf32, #tpu.memory_space<vmem_shared>>) offsets(%dma_start3A_828 : memref<128xi32, #tpu.memory_space<vmem>>) semaphore(%run_scoped3A_825 : memref<!tpu.dma_semaphore, #tpu.memory_space<semaphore_mem>>) {add = true}
            %dma_wait3A_832 = arith.constant 0 : i32
            %dma_wait3A_833 = tpu.memref_slice %arg8[%add3A_755, %dma_wait3A_832] : memref<157x128xi32, #tpu.memory_space<vmem>> -> memref<1x128xi32, #tpu.memory_space<vmem>>
            %dma_wait3A_834 = tpu.memref_squeeze %dma_wait3A_833 : memref<1x128xi32, #tpu.memory_space<vmem>> -> memref<128xi32, #tpu.memory_space<vmem>>
            %dma_wait3A_835 = arith.constant 0 : i32
            %dma_wait3A_836 = arith.constant 0 : i32
            %dma_wait3A_837 = tpu.memref_slice %arg20[%dma_wait3A_835, %dma_wait3A_836] : memref<10000x16xf32, #tpu.memory_space<vmem_shared>> -> memref<10000x16xf32, #tpu.memory_space<vmem_shared>>
            tpu.wait_indirect_dma semaphore(%run_scoped3A_825 : memref<!tpu.dma_semaphore, #tpu.memory_space<semaphore_mem>>) src(%arg21 : memref<128x16xf32, #tpu.memory_space<vmem>>) dst(%dma_wait3A_837 : memref<10000x16xf32, #tpu.memory_space<vmem_shared>>)
            tpu.yield
          }) : () -> ()
        } else {
        }
      } else {
      }
      %add3A_760 = arith.constant 1 : i32
      %add3A_761 = arith.addi %mul3A_753, %add3A_760 : i32
      %lt3A_762 = arith.cmpi slt, %add3A_761, %add3A_80 : i32
      %convert_element_type3A_763 = arith.extui %lt3A_762 : i1 to i32
      %cond3A_764 = arith.constant 0 : i32
      %cond3A_765 = arith.cmpi ne, %convert_element_type3A_763, %cond3A_764 : i32
      scf.if %cond3A_765 {
        %dma_wait3A = arith.constant 1 : i32
        %dma_wait3A_779 = arith.constant 1 : i32
        %dma_wait3A_780 = arith.constant 0 : i32
        %dma_wait3A_781 = arith.constant 0 : i32
        %dma_wait3A_782 = tpu.memref_slice %arg9[%dma_wait3A_779, %dma_wait3A_780, %dma_wait3A_781] : memref<4x128x64xf32, #tpu.memory_space<vmem>> -> memref<1x128x64xf32, #tpu.memory_space<vmem>>
        %dma_wait3A_783 = tpu.memref_squeeze %dma_wait3A_782 : memref<1x128x64xf32, #tpu.memory_space<vmem>> -> memref<128x64xf32, #tpu.memory_space<vmem>>
        %dma_wait3A_784 = arith.constant 0 : i32
        %dma_wait3A_785 = tpu.memref_slice %arg10[%dma_wait3A, %dma_wait3A_784] : memref<4x128xi32, #tpu.memory_space<vmem>> -> memref<1x128xi32, #tpu.memory_space<vmem>>
        %dma_wait3A_786 = tpu.memref_squeeze %dma_wait3A_785 : memref<1x128xi32, #tpu.memory_space<vmem>> -> memref<128xi32, #tpu.memory_space<vmem>>
        %dma_wait3A_787 = arith.constant 0 : i32
        %dma_wait3A_788 = arith.constant 0 : i32
        %dma_wait3A_789 = tpu.memref_slice %arg2[%dma_wait3A_787, %dma_wait3A_788] : memref<20000x64xf32, #tpu.memory_space<hbm>> -> memref<20000x64xf32, #tpu.memory_space<hbm>>
        tpu.wait_indirect_dma semaphore(%arg13 : memref<!tpu.dma_semaphore, #tpu.memory_space<semaphore_mem>>) src(%dma_wait3A_789 : memref<20000x64xf32, #tpu.memory_space<hbm>>) dst(%dma_wait3A_783 : memref<128x64xf32, #tpu.memory_space<vmem>>)
        %ge3A = arith.constant 1 : i32
        %ge3A_790 = arith.cmpi sge, %add3A_761, %ge3A : i32
        %convert_element_type3A_791 = arith.extui %ge3A_790 : i1 to i32
        %cond3A_792 = arith.constant 0 : i32
        %cond3A_793 = arith.cmpi ne, %convert_element_type3A_791, %cond3A_792 : i32
        scf.if %cond3A_793 {
          %sub3A_825 = arith.constant 1 : i32
          %sub3A_826 = arith.subi %add3A_761, %sub3A_825 : i32
          %dma_wait3A_827 = arith.constant 0 : i32
          %dma_wait3A_828 = arith.constant 0 : i32
          %dma_wait3A_829 = arith.constant 0 : i32
          %dma_wait3A_830 = tpu.memref_slice %arg9[%dma_wait3A_827, %dma_wait3A_828, %dma_wait3A_829] : memref<4x128x64xf32, #tpu.memory_space<vmem>> -> memref<1x128x64xf32, #tpu.memory_space<vmem>>
          %dma_wait3A_831 = tpu.memref_squeeze %dma_wait3A_830 : memref<1x128x64xf32, #tpu.memory_space<vmem>> -> memref<128x64xf32, #tpu.memory_space<vmem>>
          %dma_wait3A_832 = arith.constant 0 : i32
          %dma_wait3A_833 = tpu.memref_slice %arg8[%sub3A_826, %dma_wait3A_832] : memref<157x128xi32, #tpu.memory_space<vmem>> -> memref<1x128xi32, #tpu.memory_space<vmem>>
          %dma_wait3A_834 = tpu.memref_squeeze %dma_wait3A_833 : memref<1x128xi32, #tpu.memory_space<vmem>> -> memref<128xi32, #tpu.memory_space<vmem>>
          %dma_wait3A_835 = arith.constant 0 : i32
          %dma_wait3A_836 = arith.constant 0 : i32
          %dma_wait3A_837 = tpu.memref_slice %arg6[%dma_wait3A_835, %dma_wait3A_836] : memref<10000x64xf32, #tpu.memory_space<vmem_shared>> -> memref<10000x64xf32, #tpu.memory_space<vmem_shared>>
          tpu.wait_indirect_dma semaphore(%arg16 : memref<!tpu.dma_semaphore, #tpu.memory_space<semaphore_mem>>) src(%dma_wait3A_831 : memref<128x64xf32, #tpu.memory_space<vmem>>) dst(%dma_wait3A_837 : memref<10000x64xf32, #tpu.memory_space<vmem_shared>>)
          %sub3A_838 = arith.constant 1 : i32
          %sub3A_839 = arith.subi %add3A_761, %sub3A_838 : i32
          %add3A_840 = arith.constant 4 : i32
          %add3A_841 = arith.addi %sub3A_839, %add3A_840 : i32
          %lt3A_842 = arith.cmpi slt, %add3A_841, %add3A_80 : i32
          %convert_element_type3A_843 = arith.extui %lt3A_842 : i1 to i32
          %cond3A_844 = arith.constant 0 : i32
          %cond3A_845 = arith.cmpi ne, %convert_element_type3A_843, %cond3A_844 : i32
          scf.if %cond3A_845 {
            %sub3A_846 = arith.constant 1 : i32
            %sub3A_847 = arith.subi %add3A_761, %sub3A_846 : i32
            %add3A_848 = arith.constant 4 : i32
            %add3A_849 = arith.addi %sub3A_847, %add3A_848 : i32
            %get3A_850 = arith.index_cast %add3A_849 : i32 to index
            %get3A_851 = arith.constant 0 : index
            %get3A_852 = tpu.vector_load %arg7[%get3A_850, %get3A_851] {strides = array<i32>} : memref<157x128xi32, #tpu.memory_space<vmem>>, vector<1x16xi32>,
            %get3A_853 = vector.shape_cast %get3A_852 : vector<1x16xi32> to vector<16xi32>
            %mul3A_854 = arith.constant 2 : i32
            %mul3A_855 = vector.broadcast %mul3A_854 : i32 to vector<16xi32>
            %mul3A_856 = arith.muli %get3A_853, %mul3A_855 : vector<16xi32>
            %add3A_857 = vector.broadcast %arg0 : i32 to vector<16xi32>
            %add3A_858 = arith.addi %mul3A_856, %add3A_857 : vector<16xi32>
            %swap3A_859 = arith.constant 0 : i32
            %swap3A_860 = arith.index_cast %swap3A_859 : i32 to index
            %swap3A_861 = arith.constant 0 : index
            %swap3A_862 = tpu.vector_load %arg10[%swap3A_860, %swap3A_861] {strides = array<i32>} : memref<4x128xi32, #tpu.memory_space<vmem>>, vector<1x16xi32>,
            %swap3A_863 = vector.shape_cast %swap3A_862 : vector<1x16xi32> to vector<16xi32>
            %swap3A_864 = vector.shape_cast %add3A_858 : vector<16xi32> to vector<1x16xi32>
            tpu.vector_store %arg10[%swap3A_860, %swap3A_861], %swap3A_864 {strides = array<i32>} : memref<4x128xi32, #tpu.memory_space<vmem>>, vector<1x16xi32>,
            %get3A_865 = arith.index_cast %add3A_849 : i32 to index
            %get3A_866 = arith.constant 16 : index
            %get3A_867 = tpu.vector_load %arg7[%get3A_865, %get3A_866] {strides = array<i32>} : memref<157x128xi32, #tpu.memory_space<vmem>>, vector<1x16xi32>,
            %get3A_868 = vector.shape_cast %get3A_867 : vector<1x16xi32> to vector<16xi32>
            %mul3A_869 = arith.constant 2 : i32
            %mul3A_870 = vector.broadcast %mul3A_869 : i32 to vector<16xi32>
            %mul3A_871 = arith.muli %get3A_868, %mul3A_870 : vector<16xi32>
            %add3A_872 = vector.broadcast %arg0 : i32 to vector<16xi32>
            %add3A_873 = arith.addi %mul3A_871, %add3A_872 : vector<16xi32>
            %swap3A_874 = arith.constant 0 : i32
            %swap3A_875 = arith.index_cast %swap3A_874 : i32 to index
            %swap3A_876 = arith.constant 16 : index
            %swap3A_877 = tpu.vector_load %arg10[%swap3A_875, %swap3A_876] {strides = array<i32>} : memref<4x128xi32, #tpu.memory_space<vmem>>, vector<1x16xi32>,
            %swap3A_878 = vector.shape_cast %swap3A_877 : vector<1x16xi32> to vector<16xi32>
            %swap3A_879 = vector.shape_cast %add3A_873 : vector<16xi32> to vector<1x16xi32>
            tpu.vector_store %arg10[%swap3A_875, %swap3A_876], %swap3A_879 {strides = array<i32>} : memref<4x128xi32, #tpu.memory_space<vmem>>, vector<1x16xi32>,
            %get3A_880 = arith.index_cast %add3A_849 : i32 to index
            %get3A_881 = arith.constant 32 : index
            %get3A_882 = tpu.vector_load %arg7[%get3A_880, %get3A_881] {strides = array<i32>} : memref<157x128xi32, #tpu.memory_space<vmem>>, vector<1x16xi32>,
            %get3A_883 = vector.shape_cast %get3A_882 : vector<1x16xi32> to vector<16xi32>
            %mul3A_884 = arith.constant 2 : i32
            %mul3A_885 = vector.broadcast %mul3A_884 : i32 to vector<16xi32>
            %mul3A_886 = arith.muli %get3A_883, %mul3A_885 : vector<16xi32>
            %add3A_887 = vector.broadcast %arg0 : i32 to vector<16xi32>
            %add3A_888 = arith.addi %mul3A_886, %add3A_887 : vector<16xi32>
            %swap3A_889 = arith.constant 0 : i32
            %swap3A_890 = arith.index_cast %swap3A_889 : i32 to index
            %swap3A_891 = arith.constant 32 : index
            %swap3A_892 = tpu.vector_load %arg10[%swap3A_890, %swap3A_891] {strides = array<i32>} : memref<4x128xi32, #tpu.memory_space<vmem>>, vector<1x16xi32>,
            %swap3A_893 = vector.shape_cast %swap3A_892 : vector<1x16xi32> to vector<16xi32>
            %swap3A_894 = vector.shape_cast %add3A_888 : vector<16xi32> to vector<1x16xi32>
            tpu.vector_store %arg10[%swap3A_890, %swap3A_891], %swap3A_894 {strides = array<i32>} : memref<4x128xi32, #tpu.memory_space<vmem>>, vector<1x16xi32>,
            %get3A_895 = arith.index_cast %add3A_849 : i32 to index
            %get3A_896 = arith.constant 48 : index
            %get3A_897 = tpu.vector_load %arg7[%get3A_895, %get3A_896] {strides = array<i32>} : memref<157x128xi32, #tpu.memory_space<vmem>>, vector<1x16xi32>,
            %get3A_898 = vector.shape_cast %get3A_897 : vector<1x16xi32> to vector<16xi32>
            %mul3A_899 = arith.constant 2 : i32
            %mul3A_900 = vector.broadcast %mul3A_899 : i32 to vector<16xi32>
            %mul3A_901 = arith.muli %get3A_898, %mul3A_900 : vector<16xi32>
            %add3A_902 = vector.broadcast %arg0 : i32 to vector<16xi32>
            %add3A_903 = arith.addi %mul3A_901, %add3A_902 : vector<16xi32>
            %swap3A_904 = arith.constant 0 : i32
            %swap3A_905 = arith.index_cast %swap3A_904 : i32 to index
            %swap3A_906 = arith.constant 48 : index
            %swap3A_907 = tpu.vector_load %arg10[%swap3A_905, %swap3A_906] {strides = array<i32>} : memref<4x128xi32, #tpu.memory_space<vmem>>, vector<1x16xi32>,
            %swap3A_908 = vector.shape_cast %swap3A_907 : vector<1x16xi32> to vector<16xi32>
            %swap3A_909 = vector.shape_cast %add3A_903 : vector<16xi32> to vector<1x16xi32>
            tpu.vector_store %arg10[%swap3A_905, %swap3A_906], %swap3A_909 {strides = array<i32>} : memref<4x128xi32, #tpu.memory_space<vmem>>, vector<1x16xi32>,
            %get3A_910 = arith.index_cast %add3A_849 : i32 to index
            %get3A_911 = arith.constant 64 : index
            %get3A_912 = tpu.vector_load %arg7[%get3A_910, %get3A_911] {strides = array<i32>} : memref<157x128xi32, #tpu.memory_space<vmem>>, vector<1x16xi32>,
            %get3A_913 = vector.shape_cast %get3A_912 : vector<1x16xi32> to vector<16xi32>
            %mul3A_914 = arith.constant 2 : i32
            %mul3A_915 = vector.broadcast %mul3A_914 : i32 to vector<16xi32>
            %mul3A_916 = arith.muli %get3A_913, %mul3A_915 : vector<16xi32>
            %add3A_917 = vector.broadcast %arg0 : i32 to vector<16xi32>
            %add3A_918 = arith.addi %mul3A_916, %add3A_917 : vector<16xi32>
            %swap3A_919 = arith.constant 0 : i32
            %swap3A_920 = arith.index_cast %swap3A_919 : i32 to index
            %swap3A_921 = arith.constant 64 : index
            %swap3A_922 = tpu.vector_load %arg10[%swap3A_920, %swap3A_921] {strides = array<i32>} : memref<4x128xi32, #tpu.memory_space<vmem>>, vector<1x16xi32>,
            %swap3A_923 = vector.shape_cast %swap3A_922 : vector<1x16xi32> to vector<16xi32>
            %swap3A_924 = vector.shape_cast %add3A_918 : vector<16xi32> to vector<1x16xi32>
            tpu.vector_store %arg10[%swap3A_920, %swap3A_921], %swap3A_924 {strides = array<i32>} : memref<4x128xi32, #tpu.memory_space<vmem>>, vector<1x16xi32>,
            %get3A_925 = arith.index_cast %add3A_849 : i32 to index
            %get3A_926 = arith.constant 80 : index
            %get3A_927 = tpu.vector_load %arg7[%get3A_925, %get3A_926] {strides = array<i32>} : memref<157x128xi32, #tpu.memory_space<vmem>>, vector<1x16xi32>,
            %get3A_928 = vector.shape_cast %get3A_927 : vector<1x16xi32> to vector<16xi32>
            %mul3A_929 = arith.constant 2 : i32
            %mul3A_930 = vector.broadcast %mul3A_929 : i32 to vector<16xi32>
            %mul3A_931 = arith.muli %get3A_928, %mul3A_930 : vector<16xi32>
            %add3A_932 = vector.broadcast %arg0 : i32 to vector<16xi32>
            %add3A_933 = arith.addi %mul3A_931, %add3A_932 : vector<16xi32>
            %swap3A_934 = arith.constant 0 : i32
            %swap3A_935 = arith.index_cast %swap3A_934 : i32 to index
            %swap3A_936 = arith.constant 80 : index
            %swap3A_937 = tpu.vector_load %arg10[%swap3A_935, %swap3A_936] {strides = array<i32>} : memref<4x128xi32, #tpu.memory_space<vmem>>, vector<1x16xi32>,
            %swap3A_938 = vector.shape_cast %swap3A_937 : vector<1x16xi32> to vector<16xi32>
            %swap3A_939 = vector.shape_cast %add3A_933 : vector<16xi32> to vector<1x16xi32>
            tpu.vector_store %arg10[%swap3A_935, %swap3A_936], %swap3A_939 {strides = array<i32>} : memref<4x128xi32, #tpu.memory_space<vmem>>, vector<1x16xi32>,
            %get3A_940 = arith.index_cast %add3A_849 : i32 to index
            %get3A_941 = arith.constant 96 : index
            %get3A_942 = tpu.vector_load %arg7[%get3A_940, %get3A_941] {strides = array<i32>} : memref<157x128xi32, #tpu.memory_space<vmem>>, vector<1x16xi32>,
            %get3A_943 = vector.shape_cast %get3A_942 : vector<1x16xi32> to vector<16xi32>
            %mul3A_944 = arith.constant 2 : i32
            %mul3A_945 = vector.broadcast %mul3A_944 : i32 to vector<16xi32>
            %mul3A_946 = arith.muli %get3A_943, %mul3A_945 : vector<16xi32>
            %add3A_947 = vector.broadcast %arg0 : i32 to vector<16xi32>
            %add3A_948 = arith.addi %mul3A_946, %add3A_947 : vector<16xi32>
            %swap3A_949 = arith.constant 0 : i32
            %swap3A_950 = arith.index_cast %swap3A_949 : i32 to index
            %swap3A_951 = arith.constant 96 : index
            %swap3A_952 = tpu.vector_load %arg10[%swap3A_950, %swap3A_951] {strides = array<i32>} : memref<4x128xi32, #tpu.memory_space<vmem>>, vector<1x16xi32>,
            %swap3A_953 = vector.shape_cast %swap3A_952 : vector<1x16xi32> to vector<16xi32>
            %swap3A_954 = vector.shape_cast %add3A_948 : vector<16xi32> to vector<1x16xi32>
            tpu.vector_store %arg10[%swap3A_950, %swap3A_951], %swap3A_954 {strides = array<i32>} : memref<4x128xi32, #tpu.memory_space<vmem>>, vector<1x16xi32>,
            %get3A_955 = arith.index_cast %add3A_849 : i32 to index
            %get3A_956 = arith.constant 112 : index
            %get3A_957 = tpu.vector_load %arg7[%get3A_955, %get3A_956] {strides = array<i32>} : memref<157x128xi32, #tpu.memory_space<vmem>>, vector<1x16xi32>,
            %get3A_958 = vector.shape_cast %get3A_957 : vector<1x16xi32> to vector<16xi32>
            %mul3A_959 = arith.constant 2 : i32
            %mul3A_960 = vector.broadcast %mul3A_959 : i32 to vector<16xi32>
            %mul3A_961 = arith.muli %get3A_958, %mul3A_960 : vector<16xi32>
            %add3A_962 = vector.broadcast %arg0 : i32 to vector<16xi32>
            %add3A_963 = arith.addi %mul3A_961, %add3A_962 : vector<16xi32>
            %swap3A_964 = arith.constant 0 : i32
            %swap3A_965 = arith.index_cast %swap3A_964 : i32 to index
            %swap3A_966 = arith.constant 112 : index
            %swap3A_967 = tpu.vector_load %arg10[%swap3A_965, %swap3A_966] {strides = array<i32>} : memref<4x128xi32, #tpu.memory_space<vmem>>, vector<1x16xi32>,
            %swap3A_968 = vector.shape_cast %swap3A_967 : vector<1x16xi32> to vector<16xi32>
            %swap3A_969 = vector.shape_cast %add3A_963 : vector<16xi32> to vector<1x16xi32>
            tpu.vector_store %arg10[%swap3A_965, %swap3A_966], %swap3A_969 {strides = array<i32>} : memref<4x128xi32, #tpu.memory_space<vmem>>, vector<1x16xi32>,
            %dma_start3A_970 = arith.constant 0 : i32
            %dma_start3A_971 = arith.constant 0 : i32
            %dma_start3A_972 = arith.constant 0 : i32
            %dma_start3A_973 = arith.constant 0 : i32
            %dma_start3A_974 = tpu.memref_slice %arg9[%dma_start3A_971, %dma_start3A_972, %dma_start3A_973] : memref<4x128x64xf32, #tpu.memory_space<vmem>> -> memref<1x128x64xf32, #tpu.memory_space<vmem>>
            %dma_start3A_975 = tpu.memref_squeeze %dma_start3A_974 : memref<1x128x64xf32, #tpu.memory_space<vmem>> -> memref<128x64xf32, #tpu.memory_space<vmem>>
            %dma_start3A_976 = arith.constant 0 : i32
            %dma_start3A_977 = tpu.memref_slice %arg10[%dma_start3A_970, %dma_start3A_976] : memref<4x128xi32, #tpu.memory_space<vmem>> -> memref<1x128xi32, #tpu.memory_space<vmem>>
            %dma_start3A_978 = tpu.memref_squeeze %dma_start3A_977 : memref<1x128xi32, #tpu.memory_space<vmem>> -> memref<128xi32, #tpu.memory_space<vmem>>
            %dma_start3A_979 = arith.constant 0 : i32
            %dma_start3A_980 = arith.constant 0 : i32
            %dma_start3A_981 = tpu.memref_slice %arg2[%dma_start3A_979, %dma_start3A_980] : memref<20000x64xf32, #tpu.memory_space<hbm>> -> memref<20000x64xf32, #tpu.memory_space<hbm>>
            tpu.enqueue_indirect_dma source(%dma_start3A_981 : memref<20000x64xf32, #tpu.memory_space<hbm>>) target(%dma_start3A_975 : memref<128x64xf32, #tpu.memory_space<vmem>>) offsets(%dma_start3A_978 : memref<128xi32, #tpu.memory_space<vmem>>) semaphore(%arg12 : memref<!tpu.dma_semaphore, #tpu.memory_space<semaphore_mem>>)
          } else {
          }
        } else {
        }
        %dma_start3A_794 = arith.constant 1 : i32
        %dma_start3A_795 = arith.constant 0 : i32
        %dma_start3A_796 = arith.constant 0 : i32
        %dma_start3A_797 = tpu.memref_slice %arg9[%dma_start3A_794, %dma_start3A_795, %dma_start3A_796] : memref<4x128x64xf32, #tpu.memory_space<vmem>> -> memref<1x128x64xf32, #tpu.memory_space<vmem>>
        %dma_start3A_798 = tpu.memref_squeeze %dma_start3A_797 : memref<1x128x64xf32, #tpu.memory_space<vmem>> -> memref<128x64xf32, #tpu.memory_space<vmem>>
        %dma_start3A_799 = arith.constant 0 : i32
        %dma_start3A_800 = tpu.memref_slice %arg8[%add3A_761, %dma_start3A_799] : memref<157x128xi32, #tpu.memory_space<vmem>> -> memref<1x128xi32, #tpu.memory_space<vmem>>
        %dma_start3A_801 = tpu.memref_squeeze %dma_start3A_800 : memref<1x128xi32, #tpu.memory_space<vmem>> -> memref<128xi32, #tpu.memory_space<vmem>>
        %dma_start3A_802 = arith.constant 0 : i32
        %dma_start3A_803 = arith.constant 0 : i32
        %dma_start3A_804 = tpu.memref_slice %arg6[%dma_start3A_802, %dma_start3A_803] : memref<10000x64xf32, #tpu.memory_space<vmem_shared>> -> memref<10000x64xf32, #tpu.memory_space<vmem_shared>>
        tpu.enqueue_indirect_dma source(%dma_start3A_798 : memref<128x64xf32, #tpu.memory_space<vmem>>) target(%dma_start3A_804 : memref<10000x64xf32, #tpu.memory_space<vmem_shared>>) offsets(%dma_start3A_801 : memref<128xi32, #tpu.memory_space<vmem>>) semaphore(%arg17 : memref<!tpu.dma_semaphore, #tpu.memory_space<semaphore_mem>>) {add = true}
        %jit3A_805 = arith.constant 2 : i32
        %eq3A_806 = arith.constant 0 : i32
        %eq3A_807 = arith.cmpi eq, %jit3A_805, %eq3A_806 : i32
        %jit3A_808 = arith.constant 1 : i32
        %select_n3A_809 = arith.select %eq3A_807, %jit3A_808, %jit3A_805 : i32
        %rem3A_810 = arith.remsi %add3A_761, %select_n3A_809 : i32
        %ne3A_811 = arith.constant 0 : i32
        %ne3A_812 = arith.cmpi ne, %rem3A_810, %ne3A_811 : i32
        %lt3A_813 = arith.constant 0 : i32
        %lt3A_814 = arith.cmpi slt, %rem3A_810, %lt3A_813 : i32
        %lt3A_815 = arith.constant 0 : i32
        %lt3A_816 = arith.cmpi slt, %select_n3A_809, %lt3A_815 : i32
        %ne3A_817 = arith.xori %lt3A_814, %lt3A_816 : i1
        %and3A_818 = arith.andi %ne3A_817, %ne3A_812 : i1
        %add3A_819 = arith.addi %rem3A_810, %select_n3A_809 : i32
        %select_n3A_820 = arith.select %and3A_818, %add3A_819, %rem3A_810 : i32
        %eq3A_821 = arith.cmpi eq, %select_n3A_820, %arg0 : i32
        %convert_element_type3A_822 = arith.extui %eq3A_821 : i1 to i32
        %cond3A_823 = arith.constant 0 : i32
        %cond3A_824 = arith.cmpi ne, %convert_element_type3A_822, %cond3A_823 : i32
        scf.if %cond3A_824 {
          "tpu.region"() ({
            %run_scoped3A_825 = tpu.sem_alloc : memref<!tpu.dma_semaphore, #tpu.memory_space<semaphore_mem>>
            %dma_start3A_826 = arith.constant 0 : i32
            %dma_start3A_827 = tpu.memref_slice %arg8[%add3A_761, %dma_start3A_826] : memref<157x128xi32, #tpu.memory_space<vmem>> -> memref<1x128xi32, #tpu.memory_space<vmem>>
            %dma_start3A_828 = tpu.memref_squeeze %dma_start3A_827 : memref<1x128xi32, #tpu.memory_space<vmem>> -> memref<128xi32, #tpu.memory_space<vmem>>
            %dma_start3A_829 = arith.constant 0 : i32
            %dma_start3A_830 = arith.constant 0 : i32
            %dma_start3A_831 = tpu.memref_slice %arg20[%dma_start3A_829, %dma_start3A_830] : memref<10000x16xf32, #tpu.memory_space<vmem_shared>> -> memref<10000x16xf32, #tpu.memory_space<vmem_shared>>
            tpu.enqueue_indirect_dma source(%arg21 : memref<128x16xf32, #tpu.memory_space<vmem>>) target(%dma_start3A_831 : memref<10000x16xf32, #tpu.memory_space<vmem_shared>>) offsets(%dma_start3A_828 : memref<128xi32, #tpu.memory_space<vmem>>) semaphore(%run_scoped3A_825 : memref<!tpu.dma_semaphore, #tpu.memory_space<semaphore_mem>>) {add = true}
            %dma_wait3A_832 = arith.constant 0 : i32
            %dma_wait3A_833 = tpu.memref_slice %arg8[%add3A_761, %dma_wait3A_832] : memref<157x128xi32, #tpu.memory_space<vmem>> -> memref<1x128xi32, #tpu.memory_space<vmem>>
            %dma_wait3A_834 = tpu.memref_squeeze %dma_wait3A_833 : memref<1x128xi32, #tpu.memory_space<vmem>> -> memref<128xi32, #tpu.memory_space<vmem>>
            %dma_wait3A_835 = arith.constant 0 : i32
            %dma_wait3A_836 = arith.constant 0 : i32
            %dma_wait3A_837 = tpu.memref_slice %arg20[%dma_wait3A_835, %dma_wait3A_836] : memref<10000x16xf32, #tpu.memory_space<vmem_shared>> -> memref<10000x16xf32, #tpu.memory_space<vmem_shared>>
            tpu.wait_indirect_dma semaphore(%run_scoped3A_825 : memref<!tpu.dma_semaphore, #tpu.memory_space<semaphore_mem>>) src(%arg21 : memref<128x16xf32, #tpu.memory_space<vmem>>) dst(%dma_wait3A_837 : memref<10000x16xf32, #tpu.memory_space<vmem_shared>>)
            tpu.yield
          }) : () -> ()
        } else {
        }
      } else {
      }
      %add3A_766 = arith.constant 2 : i32
      %add3A_767 = arith.addi %mul3A_753, %add3A_766 : i32
      %lt3A_768 = arith.cmpi slt, %add3A_767, %add3A_80 : i32
      %convert_element_type3A_769 = arith.extui %lt3A_768 : i1 to i32
      %cond3A_770 = arith.constant 0 : i32
      %cond3A_771 = arith.cmpi ne, %convert_element_type3A_769, %cond3A_770 : i32
      scf.if %cond3A_771 {
        %dma_wait3A = arith.constant 2 : i32
        %dma_wait3A_779 = arith.constant 2 : i32
        %dma_wait3A_780 = arith.constant 0 : i32
        %dma_wait3A_781 = arith.constant 0 : i32
        %dma_wait3A_782 = tpu.memref_slice %arg9[%dma_wait3A_779, %dma_wait3A_780, %dma_wait3A_781] : memref<4x128x64xf32, #tpu.memory_space<vmem>> -> memref<1x128x64xf32, #tpu.memory_space<vmem>>
        %dma_wait3A_783 = tpu.memref_squeeze %dma_wait3A_782 : memref<1x128x64xf32, #tpu.memory_space<vmem>> -> memref<128x64xf32, #tpu.memory_space<vmem>>
        %dma_wait3A_784 = arith.constant 0 : i32
        %dma_wait3A_785 = tpu.memref_slice %arg10[%dma_wait3A, %dma_wait3A_784] : memref<4x128xi32, #tpu.memory_space<vmem>> -> memref<1x128xi32, #tpu.memory_space<vmem>>
        %dma_wait3A_786 = tpu.memref_squeeze %dma_wait3A_785 : memref<1x128xi32, #tpu.memory_space<vmem>> -> memref<128xi32, #tpu.memory_space<vmem>>
        %dma_wait3A_787 = arith.constant 0 : i32
        %dma_wait3A_788 = arith.constant 0 : i32
        %dma_wait3A_789 = tpu.memref_slice %arg2[%dma_wait3A_787, %dma_wait3A_788] : memref<20000x64xf32, #tpu.memory_space<hbm>> -> memref<20000x64xf32, #tpu.memory_space<hbm>>
        tpu.wait_indirect_dma semaphore(%arg14 : memref<!tpu.dma_semaphore, #tpu.memory_space<semaphore_mem>>) src(%dma_wait3A_789 : memref<20000x64xf32, #tpu.memory_space<hbm>>) dst(%dma_wait3A_783 : memref<128x64xf32, #tpu.memory_space<vmem>>)
        %ge3A = arith.constant 1 : i32
        %ge3A_790 = arith.cmpi sge, %add3A_767, %ge3A : i32
        %convert_element_type3A_791 = arith.extui %ge3A_790 : i1 to i32
        %cond3A_792 = arith.constant 0 : i32
        %cond3A_793 = arith.cmpi ne, %convert_element_type3A_791, %cond3A_792 : i32
        scf.if %cond3A_793 {
          %sub3A_825 = arith.constant 1 : i32
          %sub3A_826 = arith.subi %add3A_767, %sub3A_825 : i32
          %dma_wait3A_827 = arith.constant 1 : i32
          %dma_wait3A_828 = arith.constant 0 : i32
          %dma_wait3A_829 = arith.constant 0 : i32
          %dma_wait3A_830 = tpu.memref_slice %arg9[%dma_wait3A_827, %dma_wait3A_828, %dma_wait3A_829] : memref<4x128x64xf32, #tpu.memory_space<vmem>> -> memref<1x128x64xf32, #tpu.memory_space<vmem>>
          %dma_wait3A_831 = tpu.memref_squeeze %dma_wait3A_830 : memref<1x128x64xf32, #tpu.memory_space<vmem>> -> memref<128x64xf32, #tpu.memory_space<vmem>>
          %dma_wait3A_832 = arith.constant 0 : i32
          %dma_wait3A_833 = tpu.memref_slice %arg8[%sub3A_826, %dma_wait3A_832] : memref<157x128xi32, #tpu.memory_space<vmem>> -> memref<1x128xi32, #tpu.memory_space<vmem>>
          %dma_wait3A_834 = tpu.memref_squeeze %dma_wait3A_833 : memref<1x128xi32, #tpu.memory_space<vmem>> -> memref<128xi32, #tpu.memory_space<vmem>>
          %dma_wait3A_835 = arith.constant 0 : i32
          %dma_wait3A_836 = arith.constant 0 : i32
          %dma_wait3A_837 = tpu.memref_slice %arg6[%dma_wait3A_835, %dma_wait3A_836] : memref<10000x64xf32, #tpu.memory_space<vmem_shared>> -> memref<10000x64xf32, #tpu.memory_space<vmem_shared>>
          tpu.wait_indirect_dma semaphore(%arg17 : memref<!tpu.dma_semaphore, #tpu.memory_space<semaphore_mem>>) src(%dma_wait3A_831 : memref<128x64xf32, #tpu.memory_space<vmem>>) dst(%dma_wait3A_837 : memref<10000x64xf32, #tpu.memory_space<vmem_shared>>)
          %sub3A_838 = arith.constant 1 : i32
          %sub3A_839 = arith.subi %add3A_767, %sub3A_838 : i32
          %add3A_840 = arith.constant 4 : i32
          %add3A_841 = arith.addi %sub3A_839, %add3A_840 : i32
          %lt3A_842 = arith.cmpi slt, %add3A_841, %add3A_80 : i32
          %convert_element_type3A_843 = arith.extui %lt3A_842 : i1 to i32
          %cond3A_844 = arith.constant 0 : i32
          %cond3A_845 = arith.cmpi ne, %convert_element_type3A_843, %cond3A_844 : i32
          scf.if %cond3A_845 {
            %sub3A_846 = arith.constant 1 : i32
            %sub3A_847 = arith.subi %add3A_767, %sub3A_846 : i32
            %add3A_848 = arith.constant 4 : i32
            %add3A_849 = arith.addi %sub3A_847, %add3A_848 : i32
            %get3A_850 = arith.index_cast %add3A_849 : i32 to index
            %get3A_851 = arith.constant 0 : index
            %get3A_852 = tpu.vector_load %arg7[%get3A_850, %get3A_851] {strides = array<i32>} : memref<157x128xi32, #tpu.memory_space<vmem>>, vector<1x16xi32>,
            %get3A_853 = vector.shape_cast %get3A_852 : vector<1x16xi32> to vector<16xi32>
            %mul3A_854 = arith.constant 2 : i32
            %mul3A_855 = vector.broadcast %mul3A_854 : i32 to vector<16xi32>
            %mul3A_856 = arith.muli %get3A_853, %mul3A_855 : vector<16xi32>
            %add3A_857 = vector.broadcast %arg0 : i32 to vector<16xi32>
            %add3A_858 = arith.addi %mul3A_856, %add3A_857 : vector<16xi32>
            %swap3A_859 = arith.constant 1 : i32
            %swap3A_860 = arith.index_cast %swap3A_859 : i32 to index
            %swap3A_861 = arith.constant 0 : index
            %swap3A_862 = tpu.vector_load %arg10[%swap3A_860, %swap3A_861] {strides = array<i32>} : memref<4x128xi32, #tpu.memory_space<vmem>>, vector<1x16xi32>,
            %swap3A_863 = vector.shape_cast %swap3A_862 : vector<1x16xi32> to vector<16xi32>
            %swap3A_864 = vector.shape_cast %add3A_858 : vector<16xi32> to vector<1x16xi32>
            tpu.vector_store %arg10[%swap3A_860, %swap3A_861], %swap3A_864 {strides = array<i32>} : memref<4x128xi32, #tpu.memory_space<vmem>>, vector<1x16xi32>,
            %get3A_865 = arith.index_cast %add3A_849 : i32 to index
            %get3A_866 = arith.constant 16 : index
            %get3A_867 = tpu.vector_load %arg7[%get3A_865, %get3A_866] {strides = array<i32>} : memref<157x128xi32, #tpu.memory_space<vmem>>, vector<1x16xi32>,
            %get3A_868 = vector.shape_cast %get3A_867 : vector<1x16xi32> to vector<16xi32>
            %mul3A_869 = arith.constant 2 : i32
            %mul3A_870 = vector.broadcast %mul3A_869 : i32 to vector<16xi32>
            %mul3A_871 = arith.muli %get3A_868, %mul3A_870 : vector<16xi32>
            %add3A_872 = vector.broadcast %arg0 : i32 to vector<16xi32>
            %add3A_873 = arith.addi %mul3A_871, %add3A_872 : vector<16xi32>
            %swap3A_874 = arith.constant 1 : i32
            %swap3A_875 = arith.index_cast %swap3A_874 : i32 to index
            %swap3A_876 = arith.constant 16 : index
            %swap3A_877 = tpu.vector_load %arg10[%swap3A_875, %swap3A_876] {strides = array<i32>} : memref<4x128xi32, #tpu.memory_space<vmem>>, vector<1x16xi32>,
            %swap3A_878 = vector.shape_cast %swap3A_877 : vector<1x16xi32> to vector<16xi32>
            %swap3A_879 = vector.shape_cast %add3A_873 : vector<16xi32> to vector<1x16xi32>
            tpu.vector_store %arg10[%swap3A_875, %swap3A_876], %swap3A_879 {strides = array<i32>} : memref<4x128xi32, #tpu.memory_space<vmem>>, vector<1x16xi32>,
            %get3A_880 = arith.index_cast %add3A_849 : i32 to index
            %get3A_881 = arith.constant 32 : index
            %get3A_882 = tpu.vector_load %arg7[%get3A_880, %get3A_881] {strides = array<i32>} : memref<157x128xi32, #tpu.memory_space<vmem>>, vector<1x16xi32>,
            %get3A_883 = vector.shape_cast %get3A_882 : vector<1x16xi32> to vector<16xi32>
            %mul3A_884 = arith.constant 2 : i32
            %mul3A_885 = vector.broadcast %mul3A_884 : i32 to vector<16xi32>
            %mul3A_886 = arith.muli %get3A_883, %mul3A_885 : vector<16xi32>
            %add3A_887 = vector.broadcast %arg0 : i32 to vector<16xi32>
            %add3A_888 = arith.addi %mul3A_886, %add3A_887 : vector<16xi32>
            %swap3A_889 = arith.constant 1 : i32
            %swap3A_890 = arith.index_cast %swap3A_889 : i32 to index
            %swap3A_891 = arith.constant 32 : index
            %swap3A_892 = tpu.vector_load %arg10[%swap3A_890, %swap3A_891] {strides = array<i32>} : memref<4x128xi32, #tpu.memory_space<vmem>>, vector<1x16xi32>,
            %swap3A_893 = vector.shape_cast %swap3A_892 : vector<1x16xi32> to vector<16xi32>
            %swap3A_894 = vector.shape_cast %add3A_888 : vector<16xi32> to vector<1x16xi32>
            tpu.vector_store %arg10[%swap3A_890, %swap3A_891], %swap3A_894 {strides = array<i32>} : memref<4x128xi32, #tpu.memory_space<vmem>>, vector<1x16xi32>,
            %get3A_895 = arith.index_cast %add3A_849 : i32 to index
            %get3A_896 = arith.constant 48 : index
            %get3A_897 = tpu.vector_load %arg7[%get3A_895, %get3A_896] {strides = array<i32>} : memref<157x128xi32, #tpu.memory_space<vmem>>, vector<1x16xi32>,
            %get3A_898 = vector.shape_cast %get3A_897 : vector<1x16xi32> to vector<16xi32>
            %mul3A_899 = arith.constant 2 : i32
            %mul3A_900 = vector.broadcast %mul3A_899 : i32 to vector<16xi32>
            %mul3A_901 = arith.muli %get3A_898, %mul3A_900 : vector<16xi32>
            %add3A_902 = vector.broadcast %arg0 : i32 to vector<16xi32>
            %add3A_903 = arith.addi %mul3A_901, %add3A_902 : vector<16xi32>
            %swap3A_904 = arith.constant 1 : i32
            %swap3A_905 = arith.index_cast %swap3A_904 : i32 to index
            %swap3A_906 = arith.constant 48 : index
            %swap3A_907 = tpu.vector_load %arg10[%swap3A_905, %swap3A_906] {strides = array<i32>} : memref<4x128xi32, #tpu.memory_space<vmem>>, vector<1x16xi32>,
            %swap3A_908 = vector.shape_cast %swap3A_907 : vector<1x16xi32> to vector<16xi32>
            %swap3A_909 = vector.shape_cast %add3A_903 : vector<16xi32> to vector<1x16xi32>
            tpu.vector_store %arg10[%swap3A_905, %swap3A_906], %swap3A_909 {strides = array<i32>} : memref<4x128xi32, #tpu.memory_space<vmem>>, vector<1x16xi32>,
            %get3A_910 = arith.index_cast %add3A_849 : i32 to index
            %get3A_911 = arith.constant 64 : index
            %get3A_912 = tpu.vector_load %arg7[%get3A_910, %get3A_911] {strides = array<i32>} : memref<157x128xi32, #tpu.memory_space<vmem>>, vector<1x16xi32>,
            %get3A_913 = vector.shape_cast %get3A_912 : vector<1x16xi32> to vector<16xi32>
            %mul3A_914 = arith.constant 2 : i32
            %mul3A_915 = vector.broadcast %mul3A_914 : i32 to vector<16xi32>
            %mul3A_916 = arith.muli %get3A_913, %mul3A_915 : vector<16xi32>
            %add3A_917 = vector.broadcast %arg0 : i32 to vector<16xi32>
            %add3A_918 = arith.addi %mul3A_916, %add3A_917 : vector<16xi32>
            %swap3A_919 = arith.constant 1 : i32
            %swap3A_920 = arith.index_cast %swap3A_919 : i32 to index
            %swap3A_921 = arith.constant 64 : index
            %swap3A_922 = tpu.vector_load %arg10[%swap3A_920, %swap3A_921] {strides = array<i32>} : memref<4x128xi32, #tpu.memory_space<vmem>>, vector<1x16xi32>,
            %swap3A_923 = vector.shape_cast %swap3A_922 : vector<1x16xi32> to vector<16xi32>
            %swap3A_924 = vector.shape_cast %add3A_918 : vector<16xi32> to vector<1x16xi32>
            tpu.vector_store %arg10[%swap3A_920, %swap3A_921], %swap3A_924 {strides = array<i32>} : memref<4x128xi32, #tpu.memory_space<vmem>>, vector<1x16xi32>,
            %get3A_925 = arith.index_cast %add3A_849 : i32 to index
            %get3A_926 = arith.constant 80 : index
            %get3A_927 = tpu.vector_load %arg7[%get3A_925, %get3A_926] {strides = array<i32>} : memref<157x128xi32, #tpu.memory_space<vmem>>, vector<1x16xi32>,
            %get3A_928 = vector.shape_cast %get3A_927 : vector<1x16xi32> to vector<16xi32>
            %mul3A_929 = arith.constant 2 : i32
            %mul3A_930 = vector.broadcast %mul3A_929 : i32 to vector<16xi32>
            %mul3A_931 = arith.muli %get3A_928, %mul3A_930 : vector<16xi32>
            %add3A_932 = vector.broadcast %arg0 : i32 to vector<16xi32>
            %add3A_933 = arith.addi %mul3A_931, %add3A_932 : vector<16xi32>
            %swap3A_934 = arith.constant 1 : i32
            %swap3A_935 = arith.index_cast %swap3A_934 : i32 to index
            %swap3A_936 = arith.constant 80 : index
            %swap3A_937 = tpu.vector_load %arg10[%swap3A_935, %swap3A_936] {strides = array<i32>} : memref<4x128xi32, #tpu.memory_space<vmem>>, vector<1x16xi32>,
            %swap3A_938 = vector.shape_cast %swap3A_937 : vector<1x16xi32> to vector<16xi32>
            %swap3A_939 = vector.shape_cast %add3A_933 : vector<16xi32> to vector<1x16xi32>
            tpu.vector_store %arg10[%swap3A_935, %swap3A_936], %swap3A_939 {strides = array<i32>} : memref<4x128xi32, #tpu.memory_space<vmem>>, vector<1x16xi32>,
            %get3A_940 = arith.index_cast %add3A_849 : i32 to index
            %get3A_941 = arith.constant 96 : index
            %get3A_942 = tpu.vector_load %arg7[%get3A_940, %get3A_941] {strides = array<i32>} : memref<157x128xi32, #tpu.memory_space<vmem>>, vector<1x16xi32>,
            %get3A_943 = vector.shape_cast %get3A_942 : vector<1x16xi32> to vector<16xi32>
            %mul3A_944 = arith.constant 2 : i32
            %mul3A_945 = vector.broadcast %mul3A_944 : i32 to vector<16xi32>
            %mul3A_946 = arith.muli %get3A_943, %mul3A_945 : vector<16xi32>
            %add3A_947 = vector.broadcast %arg0 : i32 to vector<16xi32>
            %add3A_948 = arith.addi %mul3A_946, %add3A_947 : vector<16xi32>
            %swap3A_949 = arith.constant 1 : i32
            %swap3A_950 = arith.index_cast %swap3A_949 : i32 to index
            %swap3A_951 = arith.constant 96 : index
            %swap3A_952 = tpu.vector_load %arg10[%swap3A_950, %swap3A_951] {strides = array<i32>} : memref<4x128xi32, #tpu.memory_space<vmem>>, vector<1x16xi32>,
            %swap3A_953 = vector.shape_cast %swap3A_952 : vector<1x16xi32> to vector<16xi32>
            %swap3A_954 = vector.shape_cast %add3A_948 : vector<16xi32> to vector<1x16xi32>
            tpu.vector_store %arg10[%swap3A_950, %swap3A_951], %swap3A_954 {strides = array<i32>} : memref<4x128xi32, #tpu.memory_space<vmem>>, vector<1x16xi32>,
            %get3A_955 = arith.index_cast %add3A_849 : i32 to index
            %get3A_956 = arith.constant 112 : index
            %get3A_957 = tpu.vector_load %arg7[%get3A_955, %get3A_956] {strides = array<i32>} : memref<157x128xi32, #tpu.memory_space<vmem>>, vector<1x16xi32>,
            %get3A_958 = vector.shape_cast %get3A_957 : vector<1x16xi32> to vector<16xi32>
            %mul3A_959 = arith.constant 2 : i32
            %mul3A_960 = vector.broadcast %mul3A_959 : i32 to vector<16xi32>
            %mul3A_961 = arith.muli %get3A_958, %mul3A_960 : vector<16xi32>
            %add3A_962 = vector.broadcast %arg0 : i32 to vector<16xi32>
            %add3A_963 = arith.addi %mul3A_961, %add3A_962 : vector<16xi32>
            %swap3A_964 = arith.constant 1 : i32
            %swap3A_965 = arith.index_cast %swap3A_964 : i32 to index
            %swap3A_966 = arith.constant 112 : index
            %swap3A_967 = tpu.vector_load %arg10[%swap3A_965, %swap3A_966] {strides = array<i32>} : memref<4x128xi32, #tpu.memory_space<vmem>>, vector<1x16xi32>,
            %swap3A_968 = vector.shape_cast %swap3A_967 : vector<1x16xi32> to vector<16xi32>
            %swap3A_969 = vector.shape_cast %add3A_963 : vector<16xi32> to vector<1x16xi32>
            tpu.vector_store %arg10[%swap3A_965, %swap3A_966], %swap3A_969 {strides = array<i32>} : memref<4x128xi32, #tpu.memory_space<vmem>>, vector<1x16xi32>,
            %dma_start3A_970 = arith.constant 1 : i32
            %dma_start3A_971 = arith.constant 1 : i32
            %dma_start3A_972 = arith.constant 0 : i32
            %dma_start3A_973 = arith.constant 0 : i32
            %dma_start3A_974 = tpu.memref_slice %arg9[%dma_start3A_971, %dma_start3A_972, %dma_start3A_973] : memref<4x128x64xf32, #tpu.memory_space<vmem>> -> memref<1x128x64xf32, #tpu.memory_space<vmem>>
            %dma_start3A_975 = tpu.memref_squeeze %dma_start3A_974 : memref<1x128x64xf32, #tpu.memory_space<vmem>> -> memref<128x64xf32, #tpu.memory_space<vmem>>
            %dma_start3A_976 = arith.constant 0 : i32
            %dma_start3A_977 = tpu.memref_slice %arg10[%dma_start3A_970, %dma_start3A_976] : memref<4x128xi32, #tpu.memory_space<vmem>> -> memref<1x128xi32, #tpu.memory_space<vmem>>
            %dma_start3A_978 = tpu.memref_squeeze %dma_start3A_977 : memref<1x128xi32, #tpu.memory_space<vmem>> -> memref<128xi32, #tpu.memory_space<vmem>>
            %dma_start3A_979 = arith.constant 0 : i32
            %dma_start3A_980 = arith.constant 0 : i32
            %dma_start3A_981 = tpu.memref_slice %arg2[%dma_start3A_979, %dma_start3A_980] : memref<20000x64xf32, #tpu.memory_space<hbm>> -> memref<20000x64xf32, #tpu.memory_space<hbm>>
            tpu.enqueue_indirect_dma source(%dma_start3A_981 : memref<20000x64xf32, #tpu.memory_space<hbm>>) target(%dma_start3A_975 : memref<128x64xf32, #tpu.memory_space<vmem>>) offsets(%dma_start3A_978 : memref<128xi32, #tpu.memory_space<vmem>>) semaphore(%arg13 : memref<!tpu.dma_semaphore, #tpu.memory_space<semaphore_mem>>)
          } else {
          }
        } else {
        }
        %dma_start3A_794 = arith.constant 2 : i32
        %dma_start3A_795 = arith.constant 0 : i32
        %dma_start3A_796 = arith.constant 0 : i32
        %dma_start3A_797 = tpu.memref_slice %arg9[%dma_start3A_794, %dma_start3A_795, %dma_start3A_796] : memref<4x128x64xf32, #tpu.memory_space<vmem>> -> memref<1x128x64xf32, #tpu.memory_space<vmem>>
        %dma_start3A_798 = tpu.memref_squeeze %dma_start3A_797 : memref<1x128x64xf32, #tpu.memory_space<vmem>> -> memref<128x64xf32, #tpu.memory_space<vmem>>
        %dma_start3A_799 = arith.constant 0 : i32
        %dma_start3A_800 = tpu.memref_slice %arg8[%add3A_767, %dma_start3A_799] : memref<157x128xi32, #tpu.memory_space<vmem>> -> memref<1x128xi32, #tpu.memory_space<vmem>>
        %dma_start3A_801 = tpu.memref_squeeze %dma_start3A_800 : memref<1x128xi32, #tpu.memory_space<vmem>> -> memref<128xi32, #tpu.memory_space<vmem>>
        %dma_start3A_802 = arith.constant 0 : i32
        %dma_start3A_803 = arith.constant 0 : i32
        %dma_start3A_804 = tpu.memref_slice %arg6[%dma_start3A_802, %dma_start3A_803] : memref<10000x64xf32, #tpu.memory_space<vmem_shared>> -> memref<10000x64xf32, #tpu.memory_space<vmem_shared>>
        tpu.enqueue_indirect_dma source(%dma_start3A_798 : memref<128x64xf32, #tpu.memory_space<vmem>>) target(%dma_start3A_804 : memref<10000x64xf32, #tpu.memory_space<vmem_shared>>) offsets(%dma_start3A_801 : memref<128xi32, #tpu.memory_space<vmem>>) semaphore(%arg18 : memref<!tpu.dma_semaphore, #tpu.memory_space<semaphore_mem>>) {add = true}
        %jit3A_805 = arith.constant 2 : i32
        %eq3A_806 = arith.constant 0 : i32
        %eq3A_807 = arith.cmpi eq, %jit3A_805, %eq3A_806 : i32
        %jit3A_808 = arith.constant 1 : i32
        %select_n3A_809 = arith.select %eq3A_807, %jit3A_808, %jit3A_805 : i32
        %rem3A_810 = arith.remsi %add3A_767, %select_n3A_809 : i32
        %ne3A_811 = arith.constant 0 : i32
        %ne3A_812 = arith.cmpi ne, %rem3A_810, %ne3A_811 : i32
        %lt3A_813 = arith.constant 0 : i32
        %lt3A_814 = arith.cmpi slt, %rem3A_810, %lt3A_813 : i32
        %lt3A_815 = arith.constant 0 : i32
        %lt3A_816 = arith.cmpi slt, %select_n3A_809, %lt3A_815 : i32
        %ne3A_817 = arith.xori %lt3A_814, %lt3A_816 : i1
        %and3A_818 = arith.andi %ne3A_817, %ne3A_812 : i1
        %add3A_819 = arith.addi %rem3A_810, %select_n3A_809 : i32
        %select_n3A_820 = arith.select %and3A_818, %add3A_819, %rem3A_810 : i32
        %eq3A_821 = arith.cmpi eq, %select_n3A_820, %arg0 : i32
        %convert_element_type3A_822 = arith.extui %eq3A_821 : i1 to i32
        %cond3A_823 = arith.constant 0 : i32
        %cond3A_824 = arith.cmpi ne, %convert_element_type3A_822, %cond3A_823 : i32
        scf.if %cond3A_824 {
          "tpu.region"() ({
            %run_scoped3A_825 = tpu.sem_alloc : memref<!tpu.dma_semaphore, #tpu.memory_space<semaphore_mem>>
            %dma_start3A_826 = arith.constant 0 : i32
            %dma_start3A_827 = tpu.memref_slice %arg8[%add3A_767, %dma_start3A_826] : memref<157x128xi32, #tpu.memory_space<vmem>> -> memref<1x128xi32, #tpu.memory_space<vmem>>
            %dma_start3A_828 = tpu.memref_squeeze %dma_start3A_827 : memref<1x128xi32, #tpu.memory_space<vmem>> -> memref<128xi32, #tpu.memory_space<vmem>>
            %dma_start3A_829 = arith.constant 0 : i32
            %dma_start3A_830 = arith.constant 0 : i32
            %dma_start3A_831 = tpu.memref_slice %arg20[%dma_start3A_829, %dma_start3A_830] : memref<10000x16xf32, #tpu.memory_space<vmem_shared>> -> memref<10000x16xf32, #tpu.memory_space<vmem_shared>>
            tpu.enqueue_indirect_dma source(%arg21 : memref<128x16xf32, #tpu.memory_space<vmem>>) target(%dma_start3A_831 : memref<10000x16xf32, #tpu.memory_space<vmem_shared>>) offsets(%dma_start3A_828 : memref<128xi32, #tpu.memory_space<vmem>>) semaphore(%run_scoped3A_825 : memref<!tpu.dma_semaphore, #tpu.memory_space<semaphore_mem>>) {add = true}
            %dma_wait3A_832 = arith.constant 0 : i32
            %dma_wait3A_833 = tpu.memref_slice %arg8[%add3A_767, %dma_wait3A_832] : memref<157x128xi32, #tpu.memory_space<vmem>> -> memref<1x128xi32, #tpu.memory_space<vmem>>
            %dma_wait3A_834 = tpu.memref_squeeze %dma_wait3A_833 : memref<1x128xi32, #tpu.memory_space<vmem>> -> memref<128xi32, #tpu.memory_space<vmem>>
            %dma_wait3A_835 = arith.constant 0 : i32
            %dma_wait3A_836 = arith.constant 0 : i32
            %dma_wait3A_837 = tpu.memref_slice %arg20[%dma_wait3A_835, %dma_wait3A_836] : memref<10000x16xf32, #tpu.memory_space<vmem_shared>> -> memref<10000x16xf32, #tpu.memory_space<vmem_shared>>
            tpu.wait_indirect_dma semaphore(%run_scoped3A_825 : memref<!tpu.dma_semaphore, #tpu.memory_space<semaphore_mem>>) src(%arg21 : memref<128x16xf32, #tpu.memory_space<vmem>>) dst(%dma_wait3A_837 : memref<10000x16xf32, #tpu.memory_space<vmem_shared>>)
            tpu.yield
          }) : () -> ()
        } else {
        }
      } else {
      }
      %add3A_772 = arith.constant 3 : i32
      %add3A_773 = arith.addi %mul3A_753, %add3A_772 : i32
      %lt3A_774 = arith.cmpi slt, %add3A_773, %add3A_80 : i32
      %convert_element_type3A_775 = arith.extui %lt3A_774 : i1 to i32
      %cond3A_776 = arith.constant 0 : i32
      %cond3A_777 = arith.cmpi ne, %convert_element_type3A_775, %cond3A_776 : i32
      scf.if %cond3A_777 {
        %dma_wait3A = arith.constant 3 : i32
        %dma_wait3A_779 = arith.constant 3 : i32
        %dma_wait3A_780 = arith.constant 0 : i32
        %dma_wait3A_781 = arith.constant 0 : i32
        %dma_wait3A_782 = tpu.memref_slice %arg9[%dma_wait3A_779, %dma_wait3A_780, %dma_wait3A_781] : memref<4x128x64xf32, #tpu.memory_space<vmem>> -> memref<1x128x64xf32, #tpu.memory_space<vmem>>
        %dma_wait3A_783 = tpu.memref_squeeze %dma_wait3A_782 : memref<1x128x64xf32, #tpu.memory_space<vmem>> -> memref<128x64xf32, #tpu.memory_space<vmem>>
        %dma_wait3A_784 = arith.constant 0 : i32
        %dma_wait3A_785 = tpu.memref_slice %arg10[%dma_wait3A, %dma_wait3A_784] : memref<4x128xi32, #tpu.memory_space<vmem>> -> memref<1x128xi32, #tpu.memory_space<vmem>>
        %dma_wait3A_786 = tpu.memref_squeeze %dma_wait3A_785 : memref<1x128xi32, #tpu.memory_space<vmem>> -> memref<128xi32, #tpu.memory_space<vmem>>
        %dma_wait3A_787 = arith.constant 0 : i32
        %dma_wait3A_788 = arith.constant 0 : i32
        %dma_wait3A_789 = tpu.memref_slice %arg2[%dma_wait3A_787, %dma_wait3A_788] : memref<20000x64xf32, #tpu.memory_space<hbm>> -> memref<20000x64xf32, #tpu.memory_space<hbm>>
        tpu.wait_indirect_dma semaphore(%arg15 : memref<!tpu.dma_semaphore, #tpu.memory_space<semaphore_mem>>) src(%dma_wait3A_789 : memref<20000x64xf32, #tpu.memory_space<hbm>>) dst(%dma_wait3A_783 : memref<128x64xf32, #tpu.memory_space<vmem>>)
        %ge3A = arith.constant 1 : i32
        %ge3A_790 = arith.cmpi sge, %add3A_773, %ge3A : i32
        %convert_element_type3A_791 = arith.extui %ge3A_790 : i1 to i32
        %cond3A_792 = arith.constant 0 : i32
        %cond3A_793 = arith.cmpi ne, %convert_element_type3A_791, %cond3A_792 : i32
        scf.if %cond3A_793 {
          %sub3A_825 = arith.constant 1 : i32
          %sub3A_826 = arith.subi %add3A_773, %sub3A_825 : i32
          %dma_wait3A_827 = arith.constant 2 : i32
          %dma_wait3A_828 = arith.constant 0 : i32
          %dma_wait3A_829 = arith.constant 0 : i32
          %dma_wait3A_830 = tpu.memref_slice %arg9[%dma_wait3A_827, %dma_wait3A_828, %dma_wait3A_829] : memref<4x128x64xf32, #tpu.memory_space<vmem>> -> memref<1x128x64xf32, #tpu.memory_space<vmem>>
          %dma_wait3A_831 = tpu.memref_squeeze %dma_wait3A_830 : memref<1x128x64xf32, #tpu.memory_space<vmem>> -> memref<128x64xf32, #tpu.memory_space<vmem>>
          %dma_wait3A_832 = arith.constant 0 : i32
          %dma_wait3A_833 = tpu.memref_slice %arg8[%sub3A_826, %dma_wait3A_832] : memref<157x128xi32, #tpu.memory_space<vmem>> -> memref<1x128xi32, #tpu.memory_space<vmem>>
          %dma_wait3A_834 = tpu.memref_squeeze %dma_wait3A_833 : memref<1x128xi32, #tpu.memory_space<vmem>> -> memref<128xi32, #tpu.memory_space<vmem>>
          %dma_wait3A_835 = arith.constant 0 : i32
          %dma_wait3A_836 = arith.constant 0 : i32
          %dma_wait3A_837 = tpu.memref_slice %arg6[%dma_wait3A_835, %dma_wait3A_836] : memref<10000x64xf32, #tpu.memory_space<vmem_shared>> -> memref<10000x64xf32, #tpu.memory_space<vmem_shared>>
          tpu.wait_indirect_dma semaphore(%arg18 : memref<!tpu.dma_semaphore, #tpu.memory_space<semaphore_mem>>) src(%dma_wait3A_831 : memref<128x64xf32, #tpu.memory_space<vmem>>) dst(%dma_wait3A_837 : memref<10000x64xf32, #tpu.memory_space<vmem_shared>>)
          %sub3A_838 = arith.constant 1 : i32
          %sub3A_839 = arith.subi %add3A_773, %sub3A_838 : i32
          %add3A_840 = arith.constant 4 : i32
          %add3A_841 = arith.addi %sub3A_839, %add3A_840 : i32
          %lt3A_842 = arith.cmpi slt, %add3A_841, %add3A_80 : i32
          %convert_element_type3A_843 = arith.extui %lt3A_842 : i1 to i32
          %cond3A_844 = arith.constant 0 : i32
          %cond3A_845 = arith.cmpi ne, %convert_element_type3A_843, %cond3A_844 : i32
          scf.if %cond3A_845 {
            %sub3A_846 = arith.constant 1 : i32
            %sub3A_847 = arith.subi %add3A_773, %sub3A_846 : i32
            %add3A_848 = arith.constant 4 : i32
            %add3A_849 = arith.addi %sub3A_847, %add3A_848 : i32
            %get3A_850 = arith.index_cast %add3A_849 : i32 to index
            %get3A_851 = arith.constant 0 : index
            %get3A_852 = tpu.vector_load %arg7[%get3A_850, %get3A_851] {strides = array<i32>} : memref<157x128xi32, #tpu.memory_space<vmem>>, vector<1x16xi32>,
            %get3A_853 = vector.shape_cast %get3A_852 : vector<1x16xi32> to vector<16xi32>
            %mul3A_854 = arith.constant 2 : i32
            %mul3A_855 = vector.broadcast %mul3A_854 : i32 to vector<16xi32>
            %mul3A_856 = arith.muli %get3A_853, %mul3A_855 : vector<16xi32>
            %add3A_857 = vector.broadcast %arg0 : i32 to vector<16xi32>
            %add3A_858 = arith.addi %mul3A_856, %add3A_857 : vector<16xi32>
            %swap3A_859 = arith.constant 2 : i32
            %swap3A_860 = arith.index_cast %swap3A_859 : i32 to index
            %swap3A_861 = arith.constant 0 : index
            %swap3A_862 = tpu.vector_load %arg10[%swap3A_860, %swap3A_861] {strides = array<i32>} : memref<4x128xi32, #tpu.memory_space<vmem>>, vector<1x16xi32>,
            %swap3A_863 = vector.shape_cast %swap3A_862 : vector<1x16xi32> to vector<16xi32>
            %swap3A_864 = vector.shape_cast %add3A_858 : vector<16xi32> to vector<1x16xi32>
            tpu.vector_store %arg10[%swap3A_860, %swap3A_861], %swap3A_864 {strides = array<i32>} : memref<4x128xi32, #tpu.memory_space<vmem>>, vector<1x16xi32>,
            %get3A_865 = arith.index_cast %add3A_849 : i32 to index
            %get3A_866 = arith.constant 16 : index
            %get3A_867 = tpu.vector_load %arg7[%get3A_865, %get3A_866] {strides = array<i32>} : memref<157x128xi32, #tpu.memory_space<vmem>>, vector<1x16xi32>,
            %get3A_868 = vector.shape_cast %get3A_867 : vector<1x16xi32> to vector<16xi32>
            %mul3A_869 = arith.constant 2 : i32
            %mul3A_870 = vector.broadcast %mul3A_869 : i32 to vector<16xi32>
            %mul3A_871 = arith.muli %get3A_868, %mul3A_870 : vector<16xi32>
            %add3A_872 = vector.broadcast %arg0 : i32 to vector<16xi32>
            %add3A_873 = arith.addi %mul3A_871, %add3A_872 : vector<16xi32>
            %swap3A_874 = arith.constant 2 : i32
            %swap3A_875 = arith.index_cast %swap3A_874 : i32 to index
            %swap3A_876 = arith.constant 16 : index
            %swap3A_877 = tpu.vector_load %arg10[%swap3A_875, %swap3A_876] {strides = array<i32>} : memref<4x128xi32, #tpu.memory_space<vmem>>, vector<1x16xi32>,
            %swap3A_878 = vector.shape_cast %swap3A_877 : vector<1x16xi32> to vector<16xi32>
            %swap3A_879 = vector.shape_cast %add3A_873 : vector<16xi32> to vector<1x16xi32>
            tpu.vector_store %arg10[%swap3A_875, %swap3A_876], %swap3A_879 {strides = array<i32>} : memref<4x128xi32, #tpu.memory_space<vmem>>, vector<1x16xi32>,
            %get3A_880 = arith.index_cast %add3A_849 : i32 to index
            %get3A_881 = arith.constant 32 : index
            %get3A_882 = tpu.vector_load %arg7[%get3A_880, %get3A_881] {strides = array<i32>} : memref<157x128xi32, #tpu.memory_space<vmem>>, vector<1x16xi32>,
            %get3A_883 = vector.shape_cast %get3A_882 : vector<1x16xi32> to vector<16xi32>
            %mul3A_884 = arith.constant 2 : i32
            %mul3A_885 = vector.broadcast %mul3A_884 : i32 to vector<16xi32>
            %mul3A_886 = arith.muli %get3A_883, %mul3A_885 : vector<16xi32>
            %add3A_887 = vector.broadcast %arg0 : i32 to vector<16xi32>
            %add3A_888 = arith.addi %mul3A_886, %add3A_887 : vector<16xi32>
            %swap3A_889 = arith.constant 2 : i32
            %swap3A_890 = arith.index_cast %swap3A_889 : i32 to index
            %swap3A_891 = arith.constant 32 : index
            %swap3A_892 = tpu.vector_load %arg10[%swap3A_890, %swap3A_891] {strides = array<i32>} : memref<4x128xi32, #tpu.memory_space<vmem>>, vector<1x16xi32>,
            %swap3A_893 = vector.shape_cast %swap3A_892 : vector<1x16xi32> to vector<16xi32>
            %swap3A_894 = vector.shape_cast %add3A_888 : vector<16xi32> to vector<1x16xi32>
            tpu.vector_store %arg10[%swap3A_890, %swap3A_891], %swap3A_894 {strides = array<i32>} : memref<4x128xi32, #tpu.memory_space<vmem>>, vector<1x16xi32>,
            %get3A_895 = arith.index_cast %add3A_849 : i32 to index
            %get3A_896 = arith.constant 48 : index
            %get3A_897 = tpu.vector_load %arg7[%get3A_895, %get3A_896] {strides = array<i32>} : memref<157x128xi32, #tpu.memory_space<vmem>>, vector<1x16xi32>,
            %get3A_898 = vector.shape_cast %get3A_897 : vector<1x16xi32> to vector<16xi32>
            %mul3A_899 = arith.constant 2 : i32
            %mul3A_900 = vector.broadcast %mul3A_899 : i32 to vector<16xi32>
            %mul3A_901 = arith.muli %get3A_898, %mul3A_900 : vector<16xi32>
            %add3A_902 = vector.broadcast %arg0 : i32 to vector<16xi32>
            %add3A_903 = arith.addi %mul3A_901, %add3A_902 : vector<16xi32>
            %swap3A_904 = arith.constant 2 : i32
            %swap3A_905 = arith.index_cast %swap3A_904 : i32 to index
            %swap3A_906 = arith.constant 48 : index
            %swap3A_907 = tpu.vector_load %arg10[%swap3A_905, %swap3A_906] {strides = array<i32>} : memref<4x128xi32, #tpu.memory_space<vmem>>, vector<1x16xi32>,
            %swap3A_908 = vector.shape_cast %swap3A_907 : vector<1x16xi32> to vector<16xi32>
            %swap3A_909 = vector.shape_cast %add3A_903 : vector<16xi32> to vector<1x16xi32>
            tpu.vector_store %arg10[%swap3A_905, %swap3A_906], %swap3A_909 {strides = array<i32>} : memref<4x128xi32, #tpu.memory_space<vmem>>, vector<1x16xi32>,
            %get3A_910 = arith.index_cast %add3A_849 : i32 to index
            %get3A_911 = arith.constant 64 : index
            %get3A_912 = tpu.vector_load %arg7[%get3A_910, %get3A_911] {strides = array<i32>} : memref<157x128xi32, #tpu.memory_space<vmem>>, vector<1x16xi32>,
            %get3A_913 = vector.shape_cast %get3A_912 : vector<1x16xi32> to vector<16xi32>
            %mul3A_914 = arith.constant 2 : i32
            %mul3A_915 = vector.broadcast %mul3A_914 : i32 to vector<16xi32>
            %mul3A_916 = arith.muli %get3A_913, %mul3A_915 : vector<16xi32>
            %add3A_917 = vector.broadcast %arg0 : i32 to vector<16xi32>
            %add3A_918 = arith.addi %mul3A_916, %add3A_917 : vector<16xi32>
            %swap3A_919 = arith.constant 2 : i32
            %swap3A_920 = arith.index_cast %swap3A_919 : i32 to index
            %swap3A_921 = arith.constant 64 : index
            %swap3A_922 = tpu.vector_load %arg10[%swap3A_920, %swap3A_921] {strides = array<i32>} : memref<4x128xi32, #tpu.memory_space<vmem>>, vector<1x16xi32>,
            %swap3A_923 = vector.shape_cast %swap3A_922 : vector<1x16xi32> to vector<16xi32>
            %swap3A_924 = vector.shape_cast %add3A_918 : vector<16xi32> to vector<1x16xi32>
            tpu.vector_store %arg10[%swap3A_920, %swap3A_921], %swap3A_924 {strides = array<i32>} : memref<4x128xi32, #tpu.memory_space<vmem>>, vector<1x16xi32>,
            %get3A_925 = arith.index_cast %add3A_849 : i32 to index
            %get3A_926 = arith.constant 80 : index
            %get3A_927 = tpu.vector_load %arg7[%get3A_925, %get3A_926] {strides = array<i32>} : memref<157x128xi32, #tpu.memory_space<vmem>>, vector<1x16xi32>,
            %get3A_928 = vector.shape_cast %get3A_927 : vector<1x16xi32> to vector<16xi32>
            %mul3A_929 = arith.constant 2 : i32
            %mul3A_930 = vector.broadcast %mul3A_929 : i32 to vector<16xi32>
            %mul3A_931 = arith.muli %get3A_928, %mul3A_930 : vector<16xi32>
            %add3A_932 = vector.broadcast %arg0 : i32 to vector<16xi32>
            %add3A_933 = arith.addi %mul3A_931, %add3A_932 : vector<16xi32>
            %swap3A_934 = arith.constant 2 : i32
            %swap3A_935 = arith.index_cast %swap3A_934 : i32 to index
            %swap3A_936 = arith.constant 80 : index
            %swap3A_937 = tpu.vector_load %arg10[%swap3A_935, %swap3A_936] {strides = array<i32>} : memref<4x128xi32, #tpu.memory_space<vmem>>, vector<1x16xi32>,
            %swap3A_938 = vector.shape_cast %swap3A_937 : vector<1x16xi32> to vector<16xi32>
            %swap3A_939 = vector.shape_cast %add3A_933 : vector<16xi32> to vector<1x16xi32>
            tpu.vector_store %arg10[%swap3A_935, %swap3A_936], %swap3A_939 {strides = array<i32>} : memref<4x128xi32, #tpu.memory_space<vmem>>, vector<1x16xi32>,
            %get3A_940 = arith.index_cast %add3A_849 : i32 to index
            %get3A_941 = arith.constant 96 : index
            %get3A_942 = tpu.vector_load %arg7[%get3A_940, %get3A_941] {strides = array<i32>} : memref<157x128xi32, #tpu.memory_space<vmem>>, vector<1x16xi32>,
            %get3A_943 = vector.shape_cast %get3A_942 : vector<1x16xi32> to vector<16xi32>
            %mul3A_944 = arith.constant 2 : i32
            %mul3A_945 = vector.broadcast %mul3A_944 : i32 to vector<16xi32>
            %mul3A_946 = arith.muli %get3A_943, %mul3A_945 : vector<16xi32>
            %add3A_947 = vector.broadcast %arg0 : i32 to vector<16xi32>
            %add3A_948 = arith.addi %mul3A_946, %add3A_947 : vector<16xi32>
            %swap3A_949 = arith.constant 2 : i32
            %swap3A_950 = arith.index_cast %swap3A_949 : i32 to index
            %swap3A_951 = arith.constant 96 : index
            %swap3A_952 = tpu.vector_load %arg10[%swap3A_950, %swap3A_951] {strides = array<i32>} : memref<4x128xi32, #tpu.memory_space<vmem>>, vector<1x16xi32>,
            %swap3A_953 = vector.shape_cast %swap3A_952 : vector<1x16xi32> to vector<16xi32>
            %swap3A_954 = vector.shape_cast %add3A_948 : vector<16xi32> to vector<1x16xi32>
            tpu.vector_store %arg10[%swap3A_950, %swap3A_951], %swap3A_954 {strides = array<i32>} : memref<4x128xi32, #tpu.memory_space<vmem>>, vector<1x16xi32>,
            %get3A_955 = arith.index_cast %add3A_849 : i32 to index
            %get3A_956 = arith.constant 112 : index
            %get3A_957 = tpu.vector_load %arg7[%get3A_955, %get3A_956] {strides = array<i32>} : memref<157x128xi32, #tpu.memory_space<vmem>>, vector<1x16xi32>,
            %get3A_958 = vector.shape_cast %get3A_957 : vector<1x16xi32> to vector<16xi32>
            %mul3A_959 = arith.constant 2 : i32
            %mul3A_960 = vector.broadcast %mul3A_959 : i32 to vector<16xi32>
            %mul3A_961 = arith.muli %get3A_958, %mul3A_960 : vector<16xi32>
            %add3A_962 = vector.broadcast %arg0 : i32 to vector<16xi32>
            %add3A_963 = arith.addi %mul3A_961, %add3A_962 : vector<16xi32>
            %swap3A_964 = arith.constant 2 : i32
            %swap3A_965 = arith.index_cast %swap3A_964 : i32 to index
            %swap3A_966 = arith.constant 112 : index
            %swap3A_967 = tpu.vector_load %arg10[%swap3A_965, %swap3A_966] {strides = array<i32>} : memref<4x128xi32, #tpu.memory_space<vmem>>, vector<1x16xi32>,
            %swap3A_968 = vector.shape_cast %swap3A_967 : vector<1x16xi32> to vector<16xi32>
            %swap3A_969 = vector.shape_cast %add3A_963 : vector<16xi32> to vector<1x16xi32>
            tpu.vector_store %arg10[%swap3A_965, %swap3A_966], %swap3A_969 {strides = array<i32>} : memref<4x128xi32, #tpu.memory_space<vmem>>, vector<1x16xi32>,
            %dma_start3A_970 = arith.constant 2 : i32
            %dma_start3A_971 = arith.constant 2 : i32
            %dma_start3A_972 = arith.constant 0 : i32
            %dma_start3A_973 = arith.constant 0 : i32
            %dma_start3A_974 = tpu.memref_slice %arg9[%dma_start3A_971, %dma_start3A_972, %dma_start3A_973] : memref<4x128x64xf32, #tpu.memory_space<vmem>> -> memref<1x128x64xf32, #tpu.memory_space<vmem>>
            %dma_start3A_975 = tpu.memref_squeeze %dma_start3A_974 : memref<1x128x64xf32, #tpu.memory_space<vmem>> -> memref<128x64xf32, #tpu.memory_space<vmem>>
            %dma_start3A_976 = arith.constant 0 : i32
            %dma_start3A_977 = tpu.memref_slice %arg10[%dma_start3A_970, %dma_start3A_976] : memref<4x128xi32, #tpu.memory_space<vmem>> -> memref<1x128xi32, #tpu.memory_space<vmem>>
            %dma_start3A_978 = tpu.memref_squeeze %dma_start3A_977 : memref<1x128xi32, #tpu.memory_space<vmem>> -> memref<128xi32, #tpu.memory_space<vmem>>
            %dma_start3A_979 = arith.constant 0 : i32
            %dma_start3A_980 = arith.constant 0 : i32
            %dma_start3A_981 = tpu.memref_slice %arg2[%dma_start3A_979, %dma_start3A_980] : memref<20000x64xf32, #tpu.memory_space<hbm>> -> memref<20000x64xf32, #tpu.memory_space<hbm>>
            tpu.enqueue_indirect_dma source(%dma_start3A_981 : memref<20000x64xf32, #tpu.memory_space<hbm>>) target(%dma_start3A_975 : memref<128x64xf32, #tpu.memory_space<vmem>>) offsets(%dma_start3A_978 : memref<128xi32, #tpu.memory_space<vmem>>) semaphore(%arg14 : memref<!tpu.dma_semaphore, #tpu.memory_space<semaphore_mem>>)
          } else {
          }
        } else {
        }
        %dma_start3A_794 = arith.constant 3 : i32
        %dma_start3A_795 = arith.constant 0 : i32
        %dma_start3A_796 = arith.constant 0 : i32
        %dma_start3A_797 = tpu.memref_slice %arg9[%dma_start3A_794, %dma_start3A_795, %dma_start3A_796] : memref<4x128x64xf32, #tpu.memory_space<vmem>> -> memref<1x128x64xf32, #tpu.memory_space<vmem>>
        %dma_start3A_798 = tpu.memref_squeeze %dma_start3A_797 : memref<1x128x64xf32, #tpu.memory_space<vmem>> -> memref<128x64xf32, #tpu.memory_space<vmem>>
        %dma_start3A_799 = arith.constant 0 : i32
        %dma_start3A_800 = tpu.memref_slice %arg8[%add3A_773, %dma_start3A_799] : memref<157x128xi32, #tpu.memory_space<vmem>> -> memref<1x128xi32, #tpu.memory_space<vmem>>
        %dma_start3A_801 = tpu.memref_squeeze %dma_start3A_800 : memref<1x128xi32, #tpu.memory_space<vmem>> -> memref<128xi32, #tpu.memory_space<vmem>>
        %dma_start3A_802 = arith.constant 0 : i32
        %dma_start3A_803 = arith.constant 0 : i32
        %dma_start3A_804 = tpu.memref_slice %arg6[%dma_start3A_802, %dma_start3A_803] : memref<10000x64xf32, #tpu.memory_space<vmem_shared>> -> memref<10000x64xf32, #tpu.memory_space<vmem_shared>>
        tpu.enqueue_indirect_dma source(%dma_start3A_798 : memref<128x64xf32, #tpu.memory_space<vmem>>) target(%dma_start3A_804 : memref<10000x64xf32, #tpu.memory_space<vmem_shared>>) offsets(%dma_start3A_801 : memref<128xi32, #tpu.memory_space<vmem>>) semaphore(%arg19 : memref<!tpu.dma_semaphore, #tpu.memory_space<semaphore_mem>>) {add = true}
        %jit3A_805 = arith.constant 2 : i32
        %eq3A_806 = arith.constant 0 : i32
        %eq3A_807 = arith.cmpi eq, %jit3A_805, %eq3A_806 : i32
        %jit3A_808 = arith.constant 1 : i32
        %select_n3A_809 = arith.select %eq3A_807, %jit3A_808, %jit3A_805 : i32
        %rem3A_810 = arith.remsi %add3A_773, %select_n3A_809 : i32
        %ne3A_811 = arith.constant 0 : i32
        %ne3A_812 = arith.cmpi ne, %rem3A_810, %ne3A_811 : i32
        %lt3A_813 = arith.constant 0 : i32
        %lt3A_814 = arith.cmpi slt, %rem3A_810, %lt3A_813 : i32
        %lt3A_815 = arith.constant 0 : i32
        %lt3A_816 = arith.cmpi slt, %select_n3A_809, %lt3A_815 : i32
        %ne3A_817 = arith.xori %lt3A_814, %lt3A_816 : i1
        %and3A_818 = arith.andi %ne3A_817, %ne3A_812 : i1
        %add3A_819 = arith.addi %rem3A_810, %select_n3A_809 : i32
        %select_n3A_820 = arith.select %and3A_818, %add3A_819, %rem3A_810 : i32
        %eq3A_821 = arith.cmpi eq, %select_n3A_820, %arg0 : i32
        %convert_element_type3A_822 = arith.extui %eq3A_821 : i1 to i32
        %cond3A_823 = arith.constant 0 : i32
        %cond3A_824 = arith.cmpi ne, %convert_element_type3A_822, %cond3A_823 : i32
        scf.if %cond3A_824 {
          "tpu.region"() ({
            %run_scoped3A_825 = tpu.sem_alloc : memref<!tpu.dma_semaphore, #tpu.memory_space<semaphore_mem>>
            %dma_start3A_826 = arith.constant 0 : i32
            %dma_start3A_827 = tpu.memref_slice %arg8[%add3A_773, %dma_start3A_826] : memref<157x128xi32, #tpu.memory_space<vmem>> -> memref<1x128xi32, #tpu.memory_space<vmem>>
            %dma_start3A_828 = tpu.memref_squeeze %dma_start3A_827 : memref<1x128xi32, #tpu.memory_space<vmem>> -> memref<128xi32, #tpu.memory_space<vmem>>
            %dma_start3A_829 = arith.constant 0 : i32
            %dma_start3A_830 = arith.constant 0 : i32
            %dma_start3A_831 = tpu.memref_slice %arg20[%dma_start3A_829, %dma_start3A_830] : memref<10000x16xf32, #tpu.memory_space<vmem_shared>> -> memref<10000x16xf32, #tpu.memory_space<vmem_shared>>
            tpu.enqueue_indirect_dma source(%arg21 : memref<128x16xf32, #tpu.memory_space<vmem>>) target(%dma_start3A_831 : memref<10000x16xf32, #tpu.memory_space<vmem_shared>>) offsets(%dma_start3A_828 : memref<128xi32, #tpu.memory_space<vmem>>) semaphore(%run_scoped3A_825 : memref<!tpu.dma_semaphore, #tpu.memory_space<semaphore_mem>>) {add = true}
            %dma_wait3A_832 = arith.constant 0 : i32
            %dma_wait3A_833 = tpu.memref_slice %arg8[%add3A_773, %dma_wait3A_832] : memref<157x128xi32, #tpu.memory_space<vmem>> -> memref<1x128xi32, #tpu.memory_space<vmem>>
            %dma_wait3A_834 = tpu.memref_squeeze %dma_wait3A_833 : memref<1x128xi32, #tpu.memory_space<vmem>> -> memref<128xi32, #tpu.memory_space<vmem>>
            %dma_wait3A_835 = arith.constant 0 : i32
            %dma_wait3A_836 = arith.constant 0 : i32
            %dma_wait3A_837 = tpu.memref_slice %arg20[%dma_wait3A_835, %dma_wait3A_836] : memref<10000x16xf32, #tpu.memory_space<vmem_shared>> -> memref<10000x16xf32, #tpu.memory_space<vmem_shared>>
            tpu.wait_indirect_dma semaphore(%run_scoped3A_825 : memref<!tpu.dma_semaphore, #tpu.memory_space<semaphore_mem>>) src(%arg21 : memref<128x16xf32, #tpu.memory_space<vmem>>) dst(%dma_wait3A_837 : memref<10000x16xf32, #tpu.memory_space<vmem_shared>>)
            tpu.yield
          }) : () -> ()
        } else {
        }
      } else {
      }
      %scan3A_778 = arith.constant 0 : i32
      scf.yield %scan3A_778 : i32
    }
    %scan3A_652 = arith.constant 40 : i32
    %sub3A = arith.constant 1 : i32
    %sub3A_653 = arith.subi %add3A_80, %sub3A : i32
    %jit3A_654 = arith.constant 4 : i32
    %eq3A_655 = arith.constant 0 : i32
    %eq3A_656 = arith.cmpi eq, %jit3A_654, %eq3A_655 : i32
    %jit3A_657 = arith.constant 1 : i32
    %select_n3A_658 = arith.select %eq3A_656, %jit3A_657, %jit3A_654 : i32
    %rem3A = arith.remsi %sub3A_653, %select_n3A_658 : i32
    %ne3A = arith.constant 0 : i32
    %ne3A_659 = arith.cmpi ne, %rem3A, %ne3A : i32
    %lt3A_660 = arith.constant 0 : i32
    %lt3A_661 = arith.cmpi slt, %rem3A, %lt3A_660 : i32
    %lt3A_662 = arith.constant 0 : i32
    %lt3A_663 = arith.cmpi slt, %select_n3A_658, %lt3A_662 : i32
    %ne3A_664 = arith.xori %lt3A_661, %lt3A_663 : i1
    %and3A = arith.andi %ne3A_664, %ne3A_659 : i1
    %add3A_665 = arith.addi %rem3A, %select_n3A_658 : i32
    %select_n3A_666 = arith.select %and3A, %add3A_665, %rem3A : i32
    %eq3A_667 = arith.constant 0 : i32
    %eq3A_668 = arith.cmpi eq, %select_n3A_666, %eq3A_667 : i32
    %convert_element_type3A_669 = arith.extui %eq3A_668 : i1 to i32
    %cond3A_670 = arith.constant 0 : i32
    %cond3A_671 = arith.cmpi ne, %convert_element_type3A_669, %cond3A_670 : i32
    scf.if %cond3A_671 {
      %sub3A_750 = arith.constant 1 : i32
      %sub3A_751 = arith.subi %add3A_80, %sub3A_750 : i32
      %dma_wait3A = arith.constant 0 : i32
      %dma_wait3A_752 = arith.constant 0 : i32
      %dma_wait3A_753 = arith.constant 0 : i32
      %dma_wait3A_754 = tpu.memref_slice %arg9[%dma_wait3A, %dma_wait3A_752, %dma_wait3A_753] : memref<4x128x64xf32, #tpu.memory_space<vmem>> -> memref<1x128x64xf32, #tpu.memory_space<vmem>>
      %dma_wait3A_755 = tpu.memref_squeeze %dma_wait3A_754 : memref<1x128x64xf32, #tpu.memory_space<vmem>> -> memref<128x64xf32, #tpu.memory_space<vmem>>
      %dma_wait3A_756 = arith.constant 0 : i32
      %dma_wait3A_757 = tpu.memref_slice %arg8[%sub3A_751, %dma_wait3A_756] : memref<157x128xi32, #tpu.memory_space<vmem>> -> memref<1x128xi32, #tpu.memory_space<vmem>>
      %dma_wait3A_758 = tpu.memref_squeeze %dma_wait3A_757 : memref<1x128xi32, #tpu.memory_space<vmem>> -> memref<128xi32, #tpu.memory_space<vmem>>
      %dma_wait3A_759 = arith.constant 0 : i32
      %dma_wait3A_760 = arith.constant 0 : i32
      %dma_wait3A_761 = tpu.memref_slice %arg6[%dma_wait3A_759, %dma_wait3A_760] : memref<10000x64xf32, #tpu.memory_space<vmem_shared>> -> memref<10000x64xf32, #tpu.memory_space<vmem_shared>>
      tpu.wait_indirect_dma semaphore(%arg16 : memref<!tpu.dma_semaphore, #tpu.memory_space<semaphore_mem>>) src(%dma_wait3A_755 : memref<128x64xf32, #tpu.memory_space<vmem>>) dst(%dma_wait3A_761 : memref<10000x64xf32, #tpu.memory_space<vmem_shared>>)
    } else {
    }
    %sub3A_672 = arith.constant 1 : i32
    %sub3A_673 = arith.subi %add3A_80, %sub3A_672 : i32
    %jit3A_674 = arith.constant 4 : i32
    %eq3A_675 = arith.constant 0 : i32
    %eq3A_676 = arith.cmpi eq, %jit3A_674, %eq3A_675 : i32
    %jit3A_677 = arith.constant 1 : i32
    %select_n3A_678 = arith.select %eq3A_676, %jit3A_677, %jit3A_674 : i32
    %rem3A_679 = arith.remsi %sub3A_673, %select_n3A_678 : i32
    %ne3A_680 = arith.constant 0 : i32
    %ne3A_681 = arith.cmpi ne, %rem3A_679, %ne3A_680 : i32
    %lt3A_682 = arith.constant 0 : i32
    %lt3A_683 = arith.cmpi slt, %rem3A_679, %lt3A_682 : i32
    %lt3A_684 = arith.constant 0 : i32
    %lt3A_685 = arith.cmpi slt, %select_n3A_678, %lt3A_684 : i32
    %ne3A_686 = arith.xori %lt3A_683, %lt3A_685 : i1
    %and3A_687 = arith.andi %ne3A_686, %ne3A_681 : i1
    %add3A_688 = arith.addi %rem3A_679, %select_n3A_678 : i32
    %select_n3A_689 = arith.select %and3A_687, %add3A_688, %rem3A_679 : i32
    %eq3A_690 = arith.constant 1 : i32
    %eq3A_691 = arith.cmpi eq, %select_n3A_689, %eq3A_690 : i32
    %convert_element_type3A_692 = arith.extui %eq3A_691 : i1 to i32
    %cond3A_693 = arith.constant 0 : i32
    %cond3A_694 = arith.cmpi ne, %convert_element_type3A_692, %cond3A_693 : i32
    scf.if %cond3A_694 {
      %sub3A_750 = arith.constant 1 : i32
      %sub3A_751 = arith.subi %add3A_80, %sub3A_750 : i32
      %dma_wait3A = arith.constant 1 : i32
      %dma_wait3A_752 = arith.constant 0 : i32
      %dma_wait3A_753 = arith.constant 0 : i32
      %dma_wait3A_754 = tpu.memref_slice %arg9[%dma_wait3A, %dma_wait3A_752, %dma_wait3A_753] : memref<4x128x64xf32, #tpu.memory_space<vmem>> -> memref<1x128x64xf32, #tpu.memory_space<vmem>>
      %dma_wait3A_755 = tpu.memref_squeeze %dma_wait3A_754 : memref<1x128x64xf32, #tpu.memory_space<vmem>> -> memref<128x64xf32, #tpu.memory_space<vmem>>
      %dma_wait3A_756 = arith.constant 0 : i32
      %dma_wait3A_757 = tpu.memref_slice %arg8[%sub3A_751, %dma_wait3A_756] : memref<157x128xi32, #tpu.memory_space<vmem>> -> memref<1x128xi32, #tpu.memory_space<vmem>>
      %dma_wait3A_758 = tpu.memref_squeeze %dma_wait3A_757 : memref<1x128xi32, #tpu.memory_space<vmem>> -> memref<128xi32, #tpu.memory_space<vmem>>
      %dma_wait3A_759 = arith.constant 0 : i32
      %dma_wait3A_760 = arith.constant 0 : i32
      %dma_wait3A_761 = tpu.memref_slice %arg6[%dma_wait3A_759, %dma_wait3A_760] : memref<10000x64xf32, #tpu.memory_space<vmem_shared>> -> memref<10000x64xf32, #tpu.memory_space<vmem_shared>>
      tpu.wait_indirect_dma semaphore(%arg17 : memref<!tpu.dma_semaphore, #tpu.memory_space<semaphore_mem>>) src(%dma_wait3A_755 : memref<128x64xf32, #tpu.memory_space<vmem>>) dst(%dma_wait3A_761 : memref<10000x64xf32, #tpu.memory_space<vmem_shared>>)
    } else {
    }
    %sub3A_695 = arith.constant 1 : i32
    %sub3A_696 = arith.subi %add3A_80, %sub3A_695 : i32
    %jit3A_697 = arith.constant 4 : i32
    %eq3A_698 = arith.constant 0 : i32
    %eq3A_699 = arith.cmpi eq, %jit3A_697, %eq3A_698 : i32
    %jit3A_700 = arith.constant 1 : i32
    %select_n3A_701 = arith.select %eq3A_699, %jit3A_700, %jit3A_697 : i32
    %rem3A_702 = arith.remsi %sub3A_696, %select_n3A_701 : i32
    %ne3A_703 = arith.constant 0 : i32
    %ne3A_704 = arith.cmpi ne, %rem3A_702, %ne3A_703 : i32
    %lt3A_705 = arith.constant 0 : i32
    %lt3A_706 = arith.cmpi slt, %rem3A_702, %lt3A_705 : i32
    %lt3A_707 = arith.constant 0 : i32
    %lt3A_708 = arith.cmpi slt, %select_n3A_701, %lt3A_707 : i32
    %ne3A_709 = arith.xori %lt3A_706, %lt3A_708 : i1
    %and3A_710 = arith.andi %ne3A_709, %ne3A_704 : i1
    %add3A_711 = arith.addi %rem3A_702, %select_n3A_701 : i32
    %select_n3A_712 = arith.select %and3A_710, %add3A_711, %rem3A_702 : i32
    %eq3A_713 = arith.constant 2 : i32
    %eq3A_714 = arith.cmpi eq, %select_n3A_712, %eq3A_713 : i32
    %convert_element_type3A_715 = arith.extui %eq3A_714 : i1 to i32
    %cond3A_716 = arith.constant 0 : i32
    %cond3A_717 = arith.cmpi ne, %convert_element_type3A_715, %cond3A_716 : i32
    scf.if %cond3A_717 {
      %sub3A_750 = arith.constant 1 : i32
      %sub3A_751 = arith.subi %add3A_80, %sub3A_750 : i32
      %dma_wait3A = arith.constant 2 : i32
      %dma_wait3A_752 = arith.constant 0 : i32
      %dma_wait3A_753 = arith.constant 0 : i32
      %dma_wait3A_754 = tpu.memref_slice %arg9[%dma_wait3A, %dma_wait3A_752, %dma_wait3A_753] : memref<4x128x64xf32, #tpu.memory_space<vmem>> -> memref<1x128x64xf32, #tpu.memory_space<vmem>>
      %dma_wait3A_755 = tpu.memref_squeeze %dma_wait3A_754 : memref<1x128x64xf32, #tpu.memory_space<vmem>> -> memref<128x64xf32, #tpu.memory_space<vmem>>
      %dma_wait3A_756 = arith.constant 0 : i32
      %dma_wait3A_757 = tpu.memref_slice %arg8[%sub3A_751, %dma_wait3A_756] : memref<157x128xi32, #tpu.memory_space<vmem>> -> memref<1x128xi32, #tpu.memory_space<vmem>>
      %dma_wait3A_758 = tpu.memref_squeeze %dma_wait3A_757 : memref<1x128xi32, #tpu.memory_space<vmem>> -> memref<128xi32, #tpu.memory_space<vmem>>
      %dma_wait3A_759 = arith.constant 0 : i32
      %dma_wait3A_760 = arith.constant 0 : i32
      %dma_wait3A_761 = tpu.memref_slice %arg6[%dma_wait3A_759, %dma_wait3A_760] : memref<10000x64xf32, #tpu.memory_space<vmem_shared>> -> memref<10000x64xf32, #tpu.memory_space<vmem_shared>>
      tpu.wait_indirect_dma semaphore(%arg18 : memref<!tpu.dma_semaphore, #tpu.memory_space<semaphore_mem>>) src(%dma_wait3A_755 : memref<128x64xf32, #tpu.memory_space<vmem>>) dst(%dma_wait3A_761 : memref<10000x64xf32, #tpu.memory_space<vmem_shared>>)
    } else {
    }
    %sub3A_718 = arith.constant 1 : i32
    %sub3A_719 = arith.subi %add3A_80, %sub3A_718 : i32
    %jit3A_720 = arith.constant 4 : i32
    %eq3A_721 = arith.constant 0 : i32
    %eq3A_722 = arith.cmpi eq, %jit3A_720, %eq3A_721 : i32
    %jit3A_723 = arith.constant 1 : i32
    %select_n3A_724 = arith.select %eq3A_722, %jit3A_723, %jit3A_720 : i32
    %rem3A_725 = arith.remsi %sub3A_719, %select_n3A_724 : i32
    %ne3A_726 = arith.constant 0 : i32
    %ne3A_727 = arith.cmpi ne, %rem3A_725, %ne3A_726 : i32
    %lt3A_728 = arith.constant 0 : i32
    %lt3A_729 = arith.cmpi slt, %rem3A_725, %lt3A_728 : i32
    %lt3A_730 = arith.constant 0 : i32
    %lt3A_731 = arith.cmpi slt, %select_n3A_724, %lt3A_730 : i32
    %ne3A_732 = arith.xori %lt3A_729, %lt3A_731 : i1
    %and3A_733 = arith.andi %ne3A_732, %ne3A_727 : i1
    %add3A_734 = arith.addi %rem3A_725, %select_n3A_724 : i32
    %select_n3A_735 = arith.select %and3A_733, %add3A_734, %rem3A_725 : i32
    %eq3A_736 = arith.constant 3 : i32
    %eq3A_737 = arith.cmpi eq, %select_n3A_735, %eq3A_736 : i32
    %convert_element_type3A_738 = arith.extui %eq3A_737 : i1 to i32
    %cond3A_739 = arith.constant 0 : i32
    %cond3A_740 = arith.cmpi ne, %convert_element_type3A_738, %cond3A_739 : i32
    scf.if %cond3A_740 {
      %sub3A_750 = arith.constant 1 : i32
      %sub3A_751 = arith.subi %add3A_80, %sub3A_750 : i32
      %dma_wait3A = arith.constant 3 : i32
      %dma_wait3A_752 = arith.constant 0 : i32
      %dma_wait3A_753 = arith.constant 0 : i32
      %dma_wait3A_754 = tpu.memref_slice %arg9[%dma_wait3A, %dma_wait3A_752, %dma_wait3A_753] : memref<4x128x64xf32, #tpu.memory_space<vmem>> -> memref<1x128x64xf32, #tpu.memory_space<vmem>>
      %dma_wait3A_755 = tpu.memref_squeeze %dma_wait3A_754 : memref<1x128x64xf32, #tpu.memory_space<vmem>> -> memref<128x64xf32, #tpu.memory_space<vmem>>
      %dma_wait3A_756 = arith.constant 0 : i32
      %dma_wait3A_757 = tpu.memref_slice %arg8[%sub3A_751, %dma_wait3A_756] : memref<157x128xi32, #tpu.memory_space<vmem>> -> memref<1x128xi32, #tpu.memory_space<vmem>>
      %dma_wait3A_758 = tpu.memref_squeeze %dma_wait3A_757 : memref<1x128xi32, #tpu.memory_space<vmem>> -> memref<128xi32, #tpu.memory_space<vmem>>
      %dma_wait3A_759 = arith.constant 0 : i32
      %dma_wait3A_760 = arith.constant 0 : i32
      %dma_wait3A_761 = tpu.memref_slice %arg6[%dma_wait3A_759, %dma_wait3A_760] : memref<10000x64xf32, #tpu.memory_space<vmem_shared>> -> memref<10000x64xf32, #tpu.memory_space<vmem_shared>>
      tpu.wait_indirect_dma semaphore(%arg19 : memref<!tpu.dma_semaphore, #tpu.memory_space<semaphore_mem>>) src(%dma_wait3A_755 : memref<128x64xf32, #tpu.memory_space<vmem>>) dst(%dma_wait3A_761 : memref<10000x64xf32, #tpu.memory_space<vmem_shared>>)
    } else {
    }
    %barrier3A_741 = arith.constant 0 : index
    tpu.barrier barrier_id(%barrier3A_741)
    %mul3A_742 = arith.constant 64 : i32
    %mul3A_743 = arith.muli %arg0, %mul3A_742 : i32
    "tpu.region"() ({
      %run_scoped3A_750 = tpu.sem_alloc : memref<!tpu.dma_semaphore, #tpu.memory_space<semaphore_mem>>
      %dma_start3A_751 = tpu.memref_slice %arg4[%mul3A_0, %mul3A_743] : memref<10000x128xf32, #tpu.memory_space<hbm>> -> memref<624x64xf32, #tpu.memory_space<hbm>>
      %dma_start3A_752 = arith.constant 0 : i32
      %dma_start3A_753 = tpu.memref_slice %arg6[%mul3A_0, %dma_start3A_752] : memref<10000x64xf32, #tpu.memory_space<vmem_shared>> -> memref<624x64xf32, #tpu.memory_space<vmem_shared>>
      tpu.enqueue_dma source(%dma_start3A_753 : memref<624x64xf32, #tpu.memory_space<vmem_shared>>) target(%dma_start3A_751 : memref<624x64xf32, #tpu.memory_space<hbm>>) target_semaphore(%run_scoped3A_750 : memref<!tpu.dma_semaphore, #tpu.memory_space<semaphore_mem>>)
      %dma_wait3A = tpu.memref_slice %arg4[%mul3A_0, %mul3A_743] : memref<10000x128xf32, #tpu.memory_space<hbm>> -> memref<624x64xf32, #tpu.memory_space<hbm>>
      %dma_wait3A_754 = arith.constant 0 : i32
      %dma_wait3A_755 = tpu.memref_slice %arg6[%mul3A_0, %dma_wait3A_754] : memref<10000x64xf32, #tpu.memory_space<vmem_shared>> -> memref<624x64xf32, #tpu.memory_space<vmem_shared>>
      tpu.wait_dma2 semaphore(%run_scoped3A_750 : memref<!tpu.dma_semaphore, #tpu.memory_space<semaphore_mem>>) src(%dma_wait3A_755 : memref<624x64xf32, #tpu.memory_space<vmem_shared>>) dst(%dma_wait3A : memref<624x64xf32, #tpu.memory_space<hbm>>)
      tpu.yield
    }) : () -> ()
    %convert_element_type3A_744 = arith.extui %eq3A_1 : i1 to i32
    %cond3A_745 = arith.constant 0 : i32
    %cond3A_746 = arith.cmpi ne, %convert_element_type3A_744, %cond3A_745 : i32
    scf.if %cond3A_746 {
      "tpu.region"() ({
        %run_scoped3A_750 = tpu.sem_alloc : memref<!tpu.dma_semaphore, #tpu.memory_space<semaphore_mem>>
        %dma_start3A_751 = arith.constant 9984 : i32
        %dma_start3A_752 = tpu.memref_slice %arg4[%dma_start3A_751, %mul3A_743] : memref<10000x128xf32, #tpu.memory_space<hbm>> -> memref<16x64xf32, #tpu.memory_space<hbm>>
        %dma_start3A_753 = arith.constant 9984 : i32
        %dma_start3A_754 = arith.constant 0 : i32
        %dma_start3A_755 = tpu.memref_slice %arg6[%dma_start3A_753, %dma_start3A_754] : memref<10000x64xf32, #tpu.memory_space<vmem_shared>> -> memref<16x64xf32, #tpu.memory_space<vmem_shared>>
        tpu.enqueue_dma source(%dma_start3A_755 : memref<16x64xf32, #tpu.memory_space<vmem_shared>>) target(%dma_start3A_752 : memref<16x64xf32, #tpu.memory_space<hbm>>) target_semaphore(%run_scoped3A_750 : memref<!tpu.dma_semaphore, #tpu.memory_space<semaphore_mem>>)
        %dma_wait3A = arith.constant 9984 : i32
        %dma_wait3A_756 = tpu.memref_slice %arg4[%dma_wait3A, %mul3A_743] : memref<10000x128xf32, #tpu.memory_space<hbm>> -> memref<16x64xf32, #tpu.memory_space<hbm>>
        %dma_wait3A_757 = arith.constant 9984 : i32
        %dma_wait3A_758 = arith.constant 0 : i32
        %dma_wait3A_759 = tpu.memref_slice %arg6[%dma_wait3A_757, %dma_wait3A_758] : memref<10000x64xf32, #tpu.memory_space<vmem_shared>> -> memref<16x64xf32, #tpu.memory_space<vmem_shared>>
        tpu.wait_dma2 semaphore(%run_scoped3A_750 : memref<!tpu.dma_semaphore, #tpu.memory_space<semaphore_mem>>) src(%dma_wait3A_759 : memref<16x64xf32, #tpu.memory_space<vmem_shared>>) dst(%dma_wait3A_756 : memref<16x64xf32, #tpu.memory_space<hbm>>)
        tpu.yield
      }) : () -> ()
    } else {
    }
    "tpu.region"() ({
      %run_scoped3A_750 = tpu.sem_alloc : memref<!tpu.dma_semaphore, #tpu.memory_space<semaphore_mem>>
      %dma_start3A_751 = tpu.memref_slice %arg5[%mul3A_0, %mul3A_743] : memref<10000x128xf32, #tpu.memory_space<hbm>> -> memref<624x16xf32, #tpu.memory_space<hbm>>
      %dma_start3A_752 = arith.constant 0 : i32
      %dma_start3A_753 = tpu.memref_slice %arg20[%mul3A_0, %dma_start3A_752] : memref<10000x16xf32, #tpu.memory_space<vmem_shared>> -> memref<624x16xf32, #tpu.memory_space<vmem_shared>>
      tpu.enqueue_dma source(%dma_start3A_753 : memref<624x16xf32, #tpu.memory_space<vmem_shared>>) target(%dma_start3A_751 : memref<624x16xf32, #tpu.memory_space<hbm>>) target_semaphore(%run_scoped3A_750 : memref<!tpu.dma_semaphore, #tpu.memory_space<semaphore_mem>>)
      %dma_wait3A = tpu.memref_slice %arg5[%mul3A_0, %mul3A_743] : memref<10000x128xf32, #tpu.memory_space<hbm>> -> memref<624x16xf32, #tpu.memory_space<hbm>>
      %dma_wait3A_754 = arith.constant 0 : i32
      %dma_wait3A_755 = tpu.memref_slice %arg20[%mul3A_0, %dma_wait3A_754] : memref<10000x16xf32, #tpu.memory_space<vmem_shared>> -> memref<624x16xf32, #tpu.memory_space<vmem_shared>>
      tpu.wait_dma2 semaphore(%run_scoped3A_750 : memref<!tpu.dma_semaphore, #tpu.memory_space<semaphore_mem>>) src(%dma_wait3A_755 : memref<624x16xf32, #tpu.memory_space<vmem_shared>>) dst(%dma_wait3A : memref<624x16xf32, #tpu.memory_space<hbm>>)
      tpu.yield
    }) : () -> ()
    %convert_element_type3A_747 = arith.extui %eq3A_1 : i1 to i32
    %cond3A_748 = arith.constant 0 : i32
    %cond3A_749 = arith.cmpi ne, %convert_element_type3A_747, %cond3A_748 : i32
    scf.if %cond3A_749 {
      "tpu.region"() ({
        %run_scoped3A_750 = tpu.sem_alloc : memref<!tpu.dma_semaphore, #tpu.memory_space<semaphore_mem>>
        %dma_start3A_751 = arith.constant 9984 : i32
        %dma_start3A_752 = tpu.memref_slice %arg5[%dma_start3A_751, %mul3A_743] : memref<10000x128xf32, #tpu.memory_space<hbm>> -> memref<16x16xf32, #tpu.memory_space<hbm>>
        %dma_start3A_753 = arith.constant 9984 : i32
        %dma_start3A_754 = arith.constant 0 : i32
        %dma_start3A_755 = tpu.memref_slice %arg20[%dma_start3A_753, %dma_start3A_754] : memref<10000x16xf32, #tpu.memory_space<vmem_shared>> -> memref<16x16xf32, #tpu.memory_space<vmem_shared>>
        tpu.enqueue_dma source(%dma_start3A_755 : memref<16x16xf32, #tpu.memory_space<vmem_shared>>) target(%dma_start3A_752 : memref<16x16xf32, #tpu.memory_space<hbm>>) target_semaphore(%run_scoped3A_750 : memref<!tpu.dma_semaphore, #tpu.memory_space<semaphore_mem>>)
        %dma_wait3A = arith.constant 9984 : i32
        %dma_wait3A_756 = tpu.memref_slice %arg5[%dma_wait3A, %mul3A_743] : memref<10000x128xf32, #tpu.memory_space<hbm>> -> memref<16x16xf32, #tpu.memory_space<hbm>>
        %dma_wait3A_757 = arith.constant 9984 : i32
        %dma_wait3A_758 = arith.constant 0 : i32
        %dma_wait3A_759 = tpu.memref_slice %arg20[%dma_wait3A_757, %dma_wait3A_758] : memref<10000x16xf32, #tpu.memory_space<vmem_shared>> -> memref<16x16xf32, #tpu.memory_space<vmem_shared>>
        tpu.wait_dma2 semaphore(%run_scoped3A_750 : memref<!tpu.dma_semaphore, #tpu.memory_space<semaphore_mem>>) src(%dma_wait3A_759 : memref<16x16xf32, #tpu.memory_space<vmem_shared>>) dst(%dma_wait3A_756 : memref<16x16xf32, #tpu.memory_space<hbm>>)
        tpu.yield
      }) : () -> ()
    } else {
    }
    return
  }
}

#map = affine_map<(d0, d1) -> (0, 0)>
#map1 = affine_map<(d0, d1) -> (0, 0, 0)>
module attributes {stable_mosaic.version = 14 : i64} {
  func.func @body(%arg0: i32, %arg1: i32, %arg2: memref<20000x64xf32, #tpu.memory_space<hbm>>, %arg3: memref<2x2500x128xi32, #tpu.memory_space<hbm>>, %arg4: memref<10000x128xf32, #tpu.memory_space<hbm>>, %arg5: memref<10000x64xf32, #tpu.memory_space<vmem_shared>>, %arg6: memref<157x128xi32, #tpu.memory_space<vmem>>, %arg7: memref<157x128xi32, #tpu.memory_space<vmem>>, %arg8: memref<4x128x64xf32, #tpu.memory_space<vmem>>, %arg9: memref<4x128xi32, #tpu.memory_space<vmem>>, %arg10: memref<52x64xf32, #tpu.memory_space<vmem>>, %arg11: memref<!tpu.dma_semaphore, #tpu.memory_space<semaphore_mem>>, %arg12: memref<!tpu.dma_semaphore, #tpu.memory_space<semaphore_mem>>, %arg13: memref<!tpu.dma_semaphore, #tpu.memory_space<semaphore_mem>>, %arg14: memref<!tpu.dma_semaphore, #tpu.memory_space<semaphore_mem>>, %arg15: memref<!tpu.dma_semaphore, #tpu.memory_space<semaphore_mem>>, %arg16: memref<!tpu.dma_semaphore, #tpu.memory_space<semaphore_mem>>, %arg17: memref<!tpu.dma_semaphore, #tpu.memory_space<semaphore_mem>>, %arg18: memref<!tpu.dma_semaphore, #tpu.memory_space<semaphore_mem>>) attributes {dimension_semantics = [#tpu.dimension_semantics<core_parallel>, #tpu.dimension_semantics<subcore_parallel>], iteration_bounds = array<i64: 2, 16>, scalar_prefetch = 0 : i64, scratch_operands = 14 : i64, tpu.core_type = #tpu.core_type<sc_vector_subcore>, window_params = [{transform_indices = #map}, {transform_indices = #map1}, {transform_indices = #map}]} {
    %mul3A = arith.constant 624 : i32
    %mul3A_0 = arith.muli %arg1, %mul3A : i32
    %eq3A = arith.constant 15 : i32
    %eq3A_1 = arith.cmpi eq, %arg1, %eq3A : i32
    %scan3A = arith.constant 0 : i32
    %scan3A_2 = arith.constant 0 : i32
    %scan3A_3 = arith.constant 52 : i32
    %scan3A_4 = arith.addi %scan3A_2, %scan3A_3 : i32
    %scan3A_5 = arith.constant 1 : i32
    %scan3A_6 = scf.for %scan3A_706 = %scan3A_2 to %scan3A_4 step %scan3A_5 iter_args(%scan3A_707 = %scan3A) -> (i32)  : i32 {
      %broadcast_in_dim3A = arith.constant 0.000000e+00 : f32
      %broadcast_in_dim3A_708 = vector.broadcast %broadcast_in_dim3A : f32 to vector<64xf32>
      %swap3A_709 = arith.index_cast %scan3A_706 : i32 to index
      %swap3A_710 = arith.constant 0 : index
      %swap3A_711 = tpu.vector_load %arg10[%swap3A_709, %swap3A_710] {strides = array<i32>} : memref<52x64xf32, #tpu.memory_space<vmem>>, vector<1x64xf32>,
      %swap3A_712 = vector.shape_cast %swap3A_711 : vector<1x64xf32> to vector<64xf32>
      %swap3A_713 = vector.shape_cast %broadcast_in_dim3A_708 : vector<64xf32> to vector<1x64xf32>
      tpu.vector_store %arg10[%swap3A_709, %swap3A_710], %swap3A_713 {strides = array<i32>} : memref<52x64xf32, #tpu.memory_space<vmem>>, vector<1x64xf32>,
      %scan3A_714 = arith.constant 0 : i32
      scf.yield %scan3A_714 : i32
    }
    %scan3A_7 = arith.constant 52 : i32
    %add3A = arith.constant 0 : i32
    %add3A_8 = arith.addi %mul3A_0, %add3A : i32
    "tpu.region"() ({
      %run_scoped3A_706 = tpu.sem_alloc : memref<!tpu.dma_semaphore, #tpu.memory_space<semaphore_mem>>
      %dma_start3A_707 = arith.constant 0 : i32
      %dma_start3A_708 = tpu.memref_slice %arg5[%add3A_8, %dma_start3A_707] : memref<10000x64xf32, #tpu.memory_space<vmem_shared>> -> memref<52x64xf32, #tpu.memory_space<vmem_shared>>
      %dma_start3A_709 = arith.constant 0 : i32
      %dma_start3A_710 = tpu.memref_slice %arg5[%add3A_8, %dma_start3A_709] : memref<10000x64xf32, #tpu.memory_space<vmem_shared>> -> memref<52x64xf32, #tpu.memory_space<vmem_shared>>
      tpu.enqueue_dma source(%arg10 : memref<52x64xf32, #tpu.memory_space<vmem>>) target(%dma_start3A_710 : memref<52x64xf32, #tpu.memory_space<vmem_shared>>) target_semaphore(%run_scoped3A_706 : memref<!tpu.dma_semaphore, #tpu.memory_space<semaphore_mem>>)
      %dma_wait3A = arith.constant 0 : i32
      %dma_wait3A_711 = tpu.memref_slice %arg5[%add3A_8, %dma_wait3A] : memref<10000x64xf32, #tpu.memory_space<vmem_shared>> -> memref<52x64xf32, #tpu.memory_space<vmem_shared>>
      %dma_wait3A_712 = arith.constant 0 : i32
      %dma_wait3A_713 = tpu.memref_slice %arg5[%add3A_8, %dma_wait3A_712] : memref<10000x64xf32, #tpu.memory_space<vmem_shared>> -> memref<52x64xf32, #tpu.memory_space<vmem_shared>>
      tpu.wait_dma2 semaphore(%run_scoped3A_706 : memref<!tpu.dma_semaphore, #tpu.memory_space<semaphore_mem>>) src(%arg10 : memref<52x64xf32, #tpu.memory_space<vmem>>) dst(%dma_wait3A_713 : memref<52x64xf32, #tpu.memory_space<vmem_shared>>)
      tpu.yield
    }) : () -> ()
    %add3A_9 = arith.constant 52 : i32
    %add3A_10 = arith.addi %mul3A_0, %add3A_9 : i32
    "tpu.region"() ({
      %run_scoped3A_706 = tpu.sem_alloc : memref<!tpu.dma_semaphore, #tpu.memory_space<semaphore_mem>>
      %dma_start3A_707 = arith.constant 0 : i32
      %dma_start3A_708 = tpu.memref_slice %arg5[%add3A_10, %dma_start3A_707] : memref<10000x64xf32, #tpu.memory_space<vmem_shared>> -> memref<52x64xf32, #tpu.memory_space<vmem_shared>>
      %dma_start3A_709 = arith.constant 0 : i32
      %dma_start3A_710 = tpu.memref_slice %arg5[%add3A_10, %dma_start3A_709] : memref<10000x64xf32, #tpu.memory_space<vmem_shared>> -> memref<52x64xf32, #tpu.memory_space<vmem_shared>>
      tpu.enqueue_dma source(%arg10 : memref<52x64xf32, #tpu.memory_space<vmem>>) target(%dma_start3A_710 : memref<52x64xf32, #tpu.memory_space<vmem_shared>>) target_semaphore(%run_scoped3A_706 : memref<!tpu.dma_semaphore, #tpu.memory_space<semaphore_mem>>)
      %dma_wait3A = arith.constant 0 : i32
      %dma_wait3A_711 = tpu.memref_slice %arg5[%add3A_10, %dma_wait3A] : memref<10000x64xf32, #tpu.memory_space<vmem_shared>> -> memref<52x64xf32, #tpu.memory_space<vmem_shared>>
      %dma_wait3A_712 = arith.constant 0 : i32
      %dma_wait3A_713 = tpu.memref_slice %arg5[%add3A_10, %dma_wait3A_712] : memref<10000x64xf32, #tpu.memory_space<vmem_shared>> -> memref<52x64xf32, #tpu.memory_space<vmem_shared>>
      tpu.wait_dma2 semaphore(%run_scoped3A_706 : memref<!tpu.dma_semaphore, #tpu.memory_space<semaphore_mem>>) src(%arg10 : memref<52x64xf32, #tpu.memory_space<vmem>>) dst(%dma_wait3A_713 : memref<52x64xf32, #tpu.memory_space<vmem_shared>>)
      tpu.yield
    }) : () -> ()
    %add3A_11 = arith.constant 104 : i32
    %add3A_12 = arith.addi %mul3A_0, %add3A_11 : i32
    "tpu.region"() ({
      %run_scoped3A_706 = tpu.sem_alloc : memref<!tpu.dma_semaphore, #tpu.memory_space<semaphore_mem>>
      %dma_start3A_707 = arith.constant 0 : i32
      %dma_start3A_708 = tpu.memref_slice %arg5[%add3A_12, %dma_start3A_707] : memref<10000x64xf32, #tpu.memory_space<vmem_shared>> -> memref<52x64xf32, #tpu.memory_space<vmem_shared>>
      %dma_start3A_709 = arith.constant 0 : i32
      %dma_start3A_710 = tpu.memref_slice %arg5[%add3A_12, %dma_start3A_709] : memref<10000x64xf32, #tpu.memory_space<vmem_shared>> -> memref<52x64xf32, #tpu.memory_space<vmem_shared>>
      tpu.enqueue_dma source(%arg10 : memref<52x64xf32, #tpu.memory_space<vmem>>) target(%dma_start3A_710 : memref<52x64xf32, #tpu.memory_space<vmem_shared>>) target_semaphore(%run_scoped3A_706 : memref<!tpu.dma_semaphore, #tpu.memory_space<semaphore_mem>>)
      %dma_wait3A = arith.constant 0 : i32
      %dma_wait3A_711 = tpu.memref_slice %arg5[%add3A_12, %dma_wait3A] : memref<10000x64xf32, #tpu.memory_space<vmem_shared>> -> memref<52x64xf32, #tpu.memory_space<vmem_shared>>
      %dma_wait3A_712 = arith.constant 0 : i32
      %dma_wait3A_713 = tpu.memref_slice %arg5[%add3A_12, %dma_wait3A_712] : memref<10000x64xf32, #tpu.memory_space<vmem_shared>> -> memref<52x64xf32, #tpu.memory_space<vmem_shared>>
      tpu.wait_dma2 semaphore(%run_scoped3A_706 : memref<!tpu.dma_semaphore, #tpu.memory_space<semaphore_mem>>) src(%arg10 : memref<52x64xf32, #tpu.memory_space<vmem>>) dst(%dma_wait3A_713 : memref<52x64xf32, #tpu.memory_space<vmem_shared>>)
      tpu.yield
    }) : () -> ()
    %add3A_13 = arith.constant 156 : i32
    %add3A_14 = arith.addi %mul3A_0, %add3A_13 : i32
    "tpu.region"() ({
      %run_scoped3A_706 = tpu.sem_alloc : memref<!tpu.dma_semaphore, #tpu.memory_space<semaphore_mem>>
      %dma_start3A_707 = arith.constant 0 : i32
      %dma_start3A_708 = tpu.memref_slice %arg5[%add3A_14, %dma_start3A_707] : memref<10000x64xf32, #tpu.memory_space<vmem_shared>> -> memref<52x64xf32, #tpu.memory_space<vmem_shared>>
      %dma_start3A_709 = arith.constant 0 : i32
      %dma_start3A_710 = tpu.memref_slice %arg5[%add3A_14, %dma_start3A_709] : memref<10000x64xf32, #tpu.memory_space<vmem_shared>> -> memref<52x64xf32, #tpu.memory_space<vmem_shared>>
      tpu.enqueue_dma source(%arg10 : memref<52x64xf32, #tpu.memory_space<vmem>>) target(%dma_start3A_710 : memref<52x64xf32, #tpu.memory_space<vmem_shared>>) target_semaphore(%run_scoped3A_706 : memref<!tpu.dma_semaphore, #tpu.memory_space<semaphore_mem>>)
      %dma_wait3A = arith.constant 0 : i32
      %dma_wait3A_711 = tpu.memref_slice %arg5[%add3A_14, %dma_wait3A] : memref<10000x64xf32, #tpu.memory_space<vmem_shared>> -> memref<52x64xf32, #tpu.memory_space<vmem_shared>>
      %dma_wait3A_712 = arith.constant 0 : i32
      %dma_wait3A_713 = tpu.memref_slice %arg5[%add3A_14, %dma_wait3A_712] : memref<10000x64xf32, #tpu.memory_space<vmem_shared>> -> memref<52x64xf32, #tpu.memory_space<vmem_shared>>
      tpu.wait_dma2 semaphore(%run_scoped3A_706 : memref<!tpu.dma_semaphore, #tpu.memory_space<semaphore_mem>>) src(%arg10 : memref<52x64xf32, #tpu.memory_space<vmem>>) dst(%dma_wait3A_713 : memref<52x64xf32, #tpu.memory_space<vmem_shared>>)
      tpu.yield
    }) : () -> ()
    %add3A_15 = arith.constant 208 : i32
    %add3A_16 = arith.addi %mul3A_0, %add3A_15 : i32
    "tpu.region"() ({
      %run_scoped3A_706 = tpu.sem_alloc : memref<!tpu.dma_semaphore, #tpu.memory_space<semaphore_mem>>
      %dma_start3A_707 = arith.constant 0 : i32
      %dma_start3A_708 = tpu.memref_slice %arg5[%add3A_16, %dma_start3A_707] : memref<10000x64xf32, #tpu.memory_space<vmem_shared>> -> memref<52x64xf32, #tpu.memory_space<vmem_shared>>
      %dma_start3A_709 = arith.constant 0 : i32
      %dma_start3A_710 = tpu.memref_slice %arg5[%add3A_16, %dma_start3A_709] : memref<10000x64xf32, #tpu.memory_space<vmem_shared>> -> memref<52x64xf32, #tpu.memory_space<vmem_shared>>
      tpu.enqueue_dma source(%arg10 : memref<52x64xf32, #tpu.memory_space<vmem>>) target(%dma_start3A_710 : memref<52x64xf32, #tpu.memory_space<vmem_shared>>) target_semaphore(%run_scoped3A_706 : memref<!tpu.dma_semaphore, #tpu.memory_space<semaphore_mem>>)
      %dma_wait3A = arith.constant 0 : i32
      %dma_wait3A_711 = tpu.memref_slice %arg5[%add3A_16, %dma_wait3A] : memref<10000x64xf32, #tpu.memory_space<vmem_shared>> -> memref<52x64xf32, #tpu.memory_space<vmem_shared>>
      %dma_wait3A_712 = arith.constant 0 : i32
      %dma_wait3A_713 = tpu.memref_slice %arg5[%add3A_16, %dma_wait3A_712] : memref<10000x64xf32, #tpu.memory_space<vmem_shared>> -> memref<52x64xf32, #tpu.memory_space<vmem_shared>>
      tpu.wait_dma2 semaphore(%run_scoped3A_706 : memref<!tpu.dma_semaphore, #tpu.memory_space<semaphore_mem>>) src(%arg10 : memref<52x64xf32, #tpu.memory_space<vmem>>) dst(%dma_wait3A_713 : memref<52x64xf32, #tpu.memory_space<vmem_shared>>)
      tpu.yield
    }) : () -> ()
    %add3A_17 = arith.constant 260 : i32
    %add3A_18 = arith.addi %mul3A_0, %add3A_17 : i32
    "tpu.region"() ({
      %run_scoped3A_706 = tpu.sem_alloc : memref<!tpu.dma_semaphore, #tpu.memory_space<semaphore_mem>>
      %dma_start3A_707 = arith.constant 0 : i32
      %dma_start3A_708 = tpu.memref_slice %arg5[%add3A_18, %dma_start3A_707] : memref<10000x64xf32, #tpu.memory_space<vmem_shared>> -> memref<52x64xf32, #tpu.memory_space<vmem_shared>>
      %dma_start3A_709 = arith.constant 0 : i32
      %dma_start3A_710 = tpu.memref_slice %arg5[%add3A_18, %dma_start3A_709] : memref<10000x64xf32, #tpu.memory_space<vmem_shared>> -> memref<52x64xf32, #tpu.memory_space<vmem_shared>>
      tpu.enqueue_dma source(%arg10 : memref<52x64xf32, #tpu.memory_space<vmem>>) target(%dma_start3A_710 : memref<52x64xf32, #tpu.memory_space<vmem_shared>>) target_semaphore(%run_scoped3A_706 : memref<!tpu.dma_semaphore, #tpu.memory_space<semaphore_mem>>)
      %dma_wait3A = arith.constant 0 : i32
      %dma_wait3A_711 = tpu.memref_slice %arg5[%add3A_18, %dma_wait3A] : memref<10000x64xf32, #tpu.memory_space<vmem_shared>> -> memref<52x64xf32, #tpu.memory_space<vmem_shared>>
      %dma_wait3A_712 = arith.constant 0 : i32
      %dma_wait3A_713 = tpu.memref_slice %arg5[%add3A_18, %dma_wait3A_712] : memref<10000x64xf32, #tpu.memory_space<vmem_shared>> -> memref<52x64xf32, #tpu.memory_space<vmem_shared>>
      tpu.wait_dma2 semaphore(%run_scoped3A_706 : memref<!tpu.dma_semaphore, #tpu.memory_space<semaphore_mem>>) src(%arg10 : memref<52x64xf32, #tpu.memory_space<vmem>>) dst(%dma_wait3A_713 : memref<52x64xf32, #tpu.memory_space<vmem_shared>>)
      tpu.yield
    }) : () -> ()
    %add3A_19 = arith.constant 312 : i32
    %add3A_20 = arith.addi %mul3A_0, %add3A_19 : i32
    "tpu.region"() ({
      %run_scoped3A_706 = tpu.sem_alloc : memref<!tpu.dma_semaphore, #tpu.memory_space<semaphore_mem>>
      %dma_start3A_707 = arith.constant 0 : i32
      %dma_start3A_708 = tpu.memref_slice %arg5[%add3A_20, %dma_start3A_707] : memref<10000x64xf32, #tpu.memory_space<vmem_shared>> -> memref<52x64xf32, #tpu.memory_space<vmem_shared>>
      %dma_start3A_709 = arith.constant 0 : i32
      %dma_start3A_710 = tpu.memref_slice %arg5[%add3A_20, %dma_start3A_709] : memref<10000x64xf32, #tpu.memory_space<vmem_shared>> -> memref<52x64xf32, #tpu.memory_space<vmem_shared>>
      tpu.enqueue_dma source(%arg10 : memref<52x64xf32, #tpu.memory_space<vmem>>) target(%dma_start3A_710 : memref<52x64xf32, #tpu.memory_space<vmem_shared>>) target_semaphore(%run_scoped3A_706 : memref<!tpu.dma_semaphore, #tpu.memory_space<semaphore_mem>>)
      %dma_wait3A = arith.constant 0 : i32
      %dma_wait3A_711 = tpu.memref_slice %arg5[%add3A_20, %dma_wait3A] : memref<10000x64xf32, #tpu.memory_space<vmem_shared>> -> memref<52x64xf32, #tpu.memory_space<vmem_shared>>
      %dma_wait3A_712 = arith.constant 0 : i32
      %dma_wait3A_713 = tpu.memref_slice %arg5[%add3A_20, %dma_wait3A_712] : memref<10000x64xf32, #tpu.memory_space<vmem_shared>> -> memref<52x64xf32, #tpu.memory_space<vmem_shared>>
      tpu.wait_dma2 semaphore(%run_scoped3A_706 : memref<!tpu.dma_semaphore, #tpu.memory_space<semaphore_mem>>) src(%arg10 : memref<52x64xf32, #tpu.memory_space<vmem>>) dst(%dma_wait3A_713 : memref<52x64xf32, #tpu.memory_space<vmem_shared>>)
      tpu.yield
    }) : () -> ()
    %add3A_21 = arith.constant 364 : i32
    %add3A_22 = arith.addi %mul3A_0, %add3A_21 : i32
    "tpu.region"() ({
      %run_scoped3A_706 = tpu.sem_alloc : memref<!tpu.dma_semaphore, #tpu.memory_space<semaphore_mem>>
      %dma_start3A_707 = arith.constant 0 : i32
      %dma_start3A_708 = tpu.memref_slice %arg5[%add3A_22, %dma_start3A_707] : memref<10000x64xf32, #tpu.memory_space<vmem_shared>> -> memref<52x64xf32, #tpu.memory_space<vmem_shared>>
      %dma_start3A_709 = arith.constant 0 : i32
      %dma_start3A_710 = tpu.memref_slice %arg5[%add3A_22, %dma_start3A_709] : memref<10000x64xf32, #tpu.memory_space<vmem_shared>> -> memref<52x64xf32, #tpu.memory_space<vmem_shared>>
      tpu.enqueue_dma source(%arg10 : memref<52x64xf32, #tpu.memory_space<vmem>>) target(%dma_start3A_710 : memref<52x64xf32, #tpu.memory_space<vmem_shared>>) target_semaphore(%run_scoped3A_706 : memref<!tpu.dma_semaphore, #tpu.memory_space<semaphore_mem>>)
      %dma_wait3A = arith.constant 0 : i32
      %dma_wait3A_711 = tpu.memref_slice %arg5[%add3A_22, %dma_wait3A] : memref<10000x64xf32, #tpu.memory_space<vmem_shared>> -> memref<52x64xf32, #tpu.memory_space<vmem_shared>>
      %dma_wait3A_712 = arith.constant 0 : i32
      %dma_wait3A_713 = tpu.memref_slice %arg5[%add3A_22, %dma_wait3A_712] : memref<10000x64xf32, #tpu.memory_space<vmem_shared>> -> memref<52x64xf32, #tpu.memory_space<vmem_shared>>
      tpu.wait_dma2 semaphore(%run_scoped3A_706 : memref<!tpu.dma_semaphore, #tpu.memory_space<semaphore_mem>>) src(%arg10 : memref<52x64xf32, #tpu.memory_space<vmem>>) dst(%dma_wait3A_713 : memref<52x64xf32, #tpu.memory_space<vmem_shared>>)
      tpu.yield
    }) : () -> ()
    %add3A_23 = arith.constant 416 : i32
    %add3A_24 = arith.addi %mul3A_0, %add3A_23 : i32
    "tpu.region"() ({
      %run_scoped3A_706 = tpu.sem_alloc : memref<!tpu.dma_semaphore, #tpu.memory_space<semaphore_mem>>
      %dma_start3A_707 = arith.constant 0 : i32
      %dma_start3A_708 = tpu.memref_slice %arg5[%add3A_24, %dma_start3A_707] : memref<10000x64xf32, #tpu.memory_space<vmem_shared>> -> memref<52x64xf32, #tpu.memory_space<vmem_shared>>
      %dma_start3A_709 = arith.constant 0 : i32
      %dma_start3A_710 = tpu.memref_slice %arg5[%add3A_24, %dma_start3A_709] : memref<10000x64xf32, #tpu.memory_space<vmem_shared>> -> memref<52x64xf32, #tpu.memory_space<vmem_shared>>
      tpu.enqueue_dma source(%arg10 : memref<52x64xf32, #tpu.memory_space<vmem>>) target(%dma_start3A_710 : memref<52x64xf32, #tpu.memory_space<vmem_shared>>) target_semaphore(%run_scoped3A_706 : memref<!tpu.dma_semaphore, #tpu.memory_space<semaphore_mem>>)
      %dma_wait3A = arith.constant 0 : i32
      %dma_wait3A_711 = tpu.memref_slice %arg5[%add3A_24, %dma_wait3A] : memref<10000x64xf32, #tpu.memory_space<vmem_shared>> -> memref<52x64xf32, #tpu.memory_space<vmem_shared>>
      %dma_wait3A_712 = arith.constant 0 : i32
      %dma_wait3A_713 = tpu.memref_slice %arg5[%add3A_24, %dma_wait3A_712] : memref<10000x64xf32, #tpu.memory_space<vmem_shared>> -> memref<52x64xf32, #tpu.memory_space<vmem_shared>>
      tpu.wait_dma2 semaphore(%run_scoped3A_706 : memref<!tpu.dma_semaphore, #tpu.memory_space<semaphore_mem>>) src(%arg10 : memref<52x64xf32, #tpu.memory_space<vmem>>) dst(%dma_wait3A_713 : memref<52x64xf32, #tpu.memory_space<vmem_shared>>)
      tpu.yield
    }) : () -> ()
    %add3A_25 = arith.constant 468 : i32
    %add3A_26 = arith.addi %mul3A_0, %add3A_25 : i32
    "tpu.region"() ({
      %run_scoped3A_706 = tpu.sem_alloc : memref<!tpu.dma_semaphore, #tpu.memory_space<semaphore_mem>>
      %dma_start3A_707 = arith.constant 0 : i32
      %dma_start3A_708 = tpu.memref_slice %arg5[%add3A_26, %dma_start3A_707] : memref<10000x64xf32, #tpu.memory_space<vmem_shared>> -> memref<52x64xf32, #tpu.memory_space<vmem_shared>>
      %dma_start3A_709 = arith.constant 0 : i32
      %dma_start3A_710 = tpu.memref_slice %arg5[%add3A_26, %dma_start3A_709] : memref<10000x64xf32, #tpu.memory_space<vmem_shared>> -> memref<52x64xf32, #tpu.memory_space<vmem_shared>>
      tpu.enqueue_dma source(%arg10 : memref<52x64xf32, #tpu.memory_space<vmem>>) target(%dma_start3A_710 : memref<52x64xf32, #tpu.memory_space<vmem_shared>>) target_semaphore(%run_scoped3A_706 : memref<!tpu.dma_semaphore, #tpu.memory_space<semaphore_mem>>)
      %dma_wait3A = arith.constant 0 : i32
      %dma_wait3A_711 = tpu.memref_slice %arg5[%add3A_26, %dma_wait3A] : memref<10000x64xf32, #tpu.memory_space<vmem_shared>> -> memref<52x64xf32, #tpu.memory_space<vmem_shared>>
      %dma_wait3A_712 = arith.constant 0 : i32
      %dma_wait3A_713 = tpu.memref_slice %arg5[%add3A_26, %dma_wait3A_712] : memref<10000x64xf32, #tpu.memory_space<vmem_shared>> -> memref<52x64xf32, #tpu.memory_space<vmem_shared>>
      tpu.wait_dma2 semaphore(%run_scoped3A_706 : memref<!tpu.dma_semaphore, #tpu.memory_space<semaphore_mem>>) src(%arg10 : memref<52x64xf32, #tpu.memory_space<vmem>>) dst(%dma_wait3A_713 : memref<52x64xf32, #tpu.memory_space<vmem_shared>>)
      tpu.yield
    }) : () -> ()
    %add3A_27 = arith.constant 520 : i32
    %add3A_28 = arith.addi %mul3A_0, %add3A_27 : i32
    "tpu.region"() ({
      %run_scoped3A_706 = tpu.sem_alloc : memref<!tpu.dma_semaphore, #tpu.memory_space<semaphore_mem>>
      %dma_start3A_707 = arith.constant 0 : i32
      %dma_start3A_708 = tpu.memref_slice %arg5[%add3A_28, %dma_start3A_707] : memref<10000x64xf32, #tpu.memory_space<vmem_shared>> -> memref<52x64xf32, #tpu.memory_space<vmem_shared>>
      %dma_start3A_709 = arith.constant 0 : i32
      %dma_start3A_710 = tpu.memref_slice %arg5[%add3A_28, %dma_start3A_709] : memref<10000x64xf32, #tpu.memory_space<vmem_shared>> -> memref<52x64xf32, #tpu.memory_space<vmem_shared>>
      tpu.enqueue_dma source(%arg10 : memref<52x64xf32, #tpu.memory_space<vmem>>) target(%dma_start3A_710 : memref<52x64xf32, #tpu.memory_space<vmem_shared>>) target_semaphore(%run_scoped3A_706 : memref<!tpu.dma_semaphore, #tpu.memory_space<semaphore_mem>>)
      %dma_wait3A = arith.constant 0 : i32
      %dma_wait3A_711 = tpu.memref_slice %arg5[%add3A_28, %dma_wait3A] : memref<10000x64xf32, #tpu.memory_space<vmem_shared>> -> memref<52x64xf32, #tpu.memory_space<vmem_shared>>
      %dma_wait3A_712 = arith.constant 0 : i32
      %dma_wait3A_713 = tpu.memref_slice %arg5[%add3A_28, %dma_wait3A_712] : memref<10000x64xf32, #tpu.memory_space<vmem_shared>> -> memref<52x64xf32, #tpu.memory_space<vmem_shared>>
      tpu.wait_dma2 semaphore(%run_scoped3A_706 : memref<!tpu.dma_semaphore, #tpu.memory_space<semaphore_mem>>) src(%arg10 : memref<52x64xf32, #tpu.memory_space<vmem>>) dst(%dma_wait3A_713 : memref<52x64xf32, #tpu.memory_space<vmem_shared>>)
      tpu.yield
    }) : () -> ()
    %add3A_29 = arith.constant 572 : i32
    %add3A_30 = arith.addi %mul3A_0, %add3A_29 : i32
    "tpu.region"() ({
      %run_scoped3A_706 = tpu.sem_alloc : memref<!tpu.dma_semaphore, #tpu.memory_space<semaphore_mem>>
      %dma_start3A_707 = arith.constant 0 : i32
      %dma_start3A_708 = tpu.memref_slice %arg5[%add3A_30, %dma_start3A_707] : memref<10000x64xf32, #tpu.memory_space<vmem_shared>> -> memref<52x64xf32, #tpu.memory_space<vmem_shared>>
      %dma_start3A_709 = arith.constant 0 : i32
      %dma_start3A_710 = tpu.memref_slice %arg5[%add3A_30, %dma_start3A_709] : memref<10000x64xf32, #tpu.memory_space<vmem_shared>> -> memref<52x64xf32, #tpu.memory_space<vmem_shared>>
      tpu.enqueue_dma source(%arg10 : memref<52x64xf32, #tpu.memory_space<vmem>>) target(%dma_start3A_710 : memref<52x64xf32, #tpu.memory_space<vmem_shared>>) target_semaphore(%run_scoped3A_706 : memref<!tpu.dma_semaphore, #tpu.memory_space<semaphore_mem>>)
      %dma_wait3A = arith.constant 0 : i32
      %dma_wait3A_711 = tpu.memref_slice %arg5[%add3A_30, %dma_wait3A] : memref<10000x64xf32, #tpu.memory_space<vmem_shared>> -> memref<52x64xf32, #tpu.memory_space<vmem_shared>>
      %dma_wait3A_712 = arith.constant 0 : i32
      %dma_wait3A_713 = tpu.memref_slice %arg5[%add3A_30, %dma_wait3A_712] : memref<10000x64xf32, #tpu.memory_space<vmem_shared>> -> memref<52x64xf32, #tpu.memory_space<vmem_shared>>
      tpu.wait_dma2 semaphore(%run_scoped3A_706 : memref<!tpu.dma_semaphore, #tpu.memory_space<semaphore_mem>>) src(%arg10 : memref<52x64xf32, #tpu.memory_space<vmem>>) dst(%dma_wait3A_713 : memref<52x64xf32, #tpu.memory_space<vmem_shared>>)
      tpu.yield
    }) : () -> ()
    %convert_element_type3A = arith.extui %eq3A_1 : i1 to i32
    %cond3A = arith.constant 0 : i32
    %cond3A_31 = arith.cmpi ne, %convert_element_type3A, %cond3A : i32
    scf.if %cond3A_31 {
      "tpu.region"() ({
        %run_scoped3A_706 = tpu.sem_alloc : memref<!tpu.dma_semaphore, #tpu.memory_space<semaphore_mem>>
        %dma_start3A_707 = arith.constant 0 : i32
        %dma_start3A_708 = arith.constant 0 : i32
        %dma_start3A_709 = tpu.memref_slice %arg10[%dma_start3A_707, %dma_start3A_708] : memref<52x64xf32, #tpu.memory_space<vmem>> -> memref<16x64xf32, #tpu.memory_space<vmem>>
        %dma_start3A_710 = arith.constant 9984 : i32
        %dma_start3A_711 = arith.constant 0 : i32
        %dma_start3A_712 = tpu.memref_slice %arg5[%dma_start3A_710, %dma_start3A_711] : memref<10000x64xf32, #tpu.memory_space<vmem_shared>> -> memref<16x64xf32, #tpu.memory_space<vmem_shared>>
        %dma_start3A_713 = arith.constant 9984 : i32
        %dma_start3A_714 = arith.constant 0 : i32
        %dma_start3A_715 = tpu.memref_slice %arg5[%dma_start3A_713, %dma_start3A_714] : memref<10000x64xf32, #tpu.memory_space<vmem_shared>> -> memref<16x64xf32, #tpu.memory_space<vmem_shared>>
        %dma_start3A_716 = arith.constant 0 : i32
        %dma_start3A_717 = arith.constant 0 : i32
        %dma_start3A_718 = tpu.memref_slice %arg10[%dma_start3A_716, %dma_start3A_717] : memref<52x64xf32, #tpu.memory_space<vmem>> -> memref<16x64xf32, #tpu.memory_space<vmem>>
        tpu.enqueue_dma source(%dma_start3A_718 : memref<16x64xf32, #tpu.memory_space<vmem>>) target(%dma_start3A_715 : memref<16x64xf32, #tpu.memory_space<vmem_shared>>) target_semaphore(%run_scoped3A_706 : memref<!tpu.dma_semaphore, #tpu.memory_space<semaphore_mem>>)
        %dma_wait3A = arith.constant 0 : i32
        %dma_wait3A_719 = arith.constant 0 : i32
        %dma_wait3A_720 = tpu.memref_slice %arg10[%dma_wait3A, %dma_wait3A_719] : memref<52x64xf32, #tpu.memory_space<vmem>> -> memref<16x64xf32, #tpu.memory_space<vmem>>
        %dma_wait3A_721 = arith.constant 9984 : i32
        %dma_wait3A_722 = arith.constant 0 : i32
        %dma_wait3A_723 = tpu.memref_slice %arg5[%dma_wait3A_721, %dma_wait3A_722] : memref<10000x64xf32, #tpu.memory_space<vmem_shared>> -> memref<16x64xf32, #tpu.memory_space<vmem_shared>>
        %dma_wait3A_724 = arith.constant 9984 : i32
        %dma_wait3A_725 = arith.constant 0 : i32
        %dma_wait3A_726 = tpu.memref_slice %arg5[%dma_wait3A_724, %dma_wait3A_725] : memref<10000x64xf32, #tpu.memory_space<vmem_shared>> -> memref<16x64xf32, #tpu.memory_space<vmem_shared>>
        %dma_wait3A_727 = arith.constant 0 : i32
        %dma_wait3A_728 = arith.constant 0 : i32
        %dma_wait3A_729 = tpu.memref_slice %arg10[%dma_wait3A_727, %dma_wait3A_728] : memref<52x64xf32, #tpu.memory_space<vmem>> -> memref<16x64xf32, #tpu.memory_space<vmem>>
        tpu.wait_dma2 semaphore(%run_scoped3A_706 : memref<!tpu.dma_semaphore, #tpu.memory_space<semaphore_mem>>) src(%dma_wait3A_729 : memref<16x64xf32, #tpu.memory_space<vmem>>) dst(%dma_wait3A_726 : memref<16x64xf32, #tpu.memory_space<vmem_shared>>)
        tpu.yield
      }) : () -> ()
    } else {
    }
    %barrier3A = arith.constant 0 : index
    tpu.barrier barrier_id(%barrier3A)
    %mul3A_32 = arith.constant 156 : i32
    %mul3A_33 = arith.muli %arg1, %mul3A_32 : i32
    %min3A = arith.constant 4 : i32
    %min3A_34 = arith.minsi %arg1, %min3A : i32
    %add3A_35 = arith.addi %mul3A_33, %min3A_34 : i32
    %lt3A = arith.constant 4 : i32
    %lt3A_36 = arith.cmpi slt, %arg1, %lt3A : i32
    %jit3A = arith.constant 1 : i32
    %jit3A_37 = arith.constant 0 : i32
    %select_n3A = arith.select %lt3A_36, %jit3A, %jit3A_37 : i32
    %add3A_38 = arith.constant 156 : i32
    %add3A_39 = arith.addi %add3A_38, %select_n3A : i32
    %run_scoped3A = arith.constant 0 : i32
    "tpu.region"() ({
      %run_scoped3A_706 = tpu.sem_alloc : memref<!tpu.dma_semaphore, #tpu.memory_space<semaphore_mem>>
      %dma_start3A_707 = arith.constant 0 : i32
      %dma_start3A_708 = arith.constant 0 : i32
      %dma_start3A_709 = tpu.memref_slice %arg6[%dma_start3A_707, %dma_start3A_708] : memref<157x128xi32, #tpu.memory_space<vmem>> -> memref<156x128xi32, #tpu.memory_space<vmem>>
      %dma_start3A_710 = arith.constant 0 : i32
      %dma_start3A_711 = arith.constant 0 : i32
      %dma_start3A_712 = tpu.memref_slice %arg3[%run_scoped3A, %dma_start3A_710, %dma_start3A_711] : memref<2x2500x128xi32, #tpu.memory_space<hbm>> -> memref<1x2500x128xi32, #tpu.memory_space<hbm>>
      %dma_start3A_713 = tpu.memref_squeeze %dma_start3A_712 : memref<1x2500x128xi32, #tpu.memory_space<hbm>> -> memref<2500x128xi32, #tpu.memory_space<hbm>>
      %dma_start3A_714 = arith.constant 0 : i32
      %dma_start3A_715 = tpu.memref_slice %dma_start3A_713[%add3A_35, %dma_start3A_714] : memref<2500x128xi32, #tpu.memory_space<hbm>> -> memref<156x128xi32, #tpu.memory_space<hbm>>
      %dma_start3A_716 = arith.constant 0 : i32
      %dma_start3A_717 = arith.constant 0 : i32
      %dma_start3A_718 = tpu.memref_slice %arg6[%dma_start3A_716, %dma_start3A_717] : memref<157x128xi32, #tpu.memory_space<vmem>> -> memref<156x128xi32, #tpu.memory_space<vmem>>
      %dma_start3A_719 = arith.constant 0 : i32
      %dma_start3A_720 = arith.constant 0 : i32
      %dma_start3A_721 = tpu.memref_slice %arg3[%run_scoped3A, %dma_start3A_719, %dma_start3A_720] : memref<2x2500x128xi32, #tpu.memory_space<hbm>> -> memref<1x2500x128xi32, #tpu.memory_space<hbm>>
      %dma_start3A_722 = tpu.memref_squeeze %dma_start3A_721 : memref<1x2500x128xi32, #tpu.memory_space<hbm>> -> memref<2500x128xi32, #tpu.memory_space<hbm>>
      %dma_start3A_723 = arith.constant 0 : i32
      %dma_start3A_724 = tpu.memref_slice %dma_start3A_722[%add3A_35, %dma_start3A_723] : memref<2500x128xi32, #tpu.memory_space<hbm>> -> memref<156x128xi32, #tpu.memory_space<hbm>>
      tpu.enqueue_dma source(%dma_start3A_724 : memref<156x128xi32, #tpu.memory_space<hbm>>) target(%dma_start3A_718 : memref<156x128xi32, #tpu.memory_space<vmem>>) target_semaphore(%run_scoped3A_706 : memref<!tpu.dma_semaphore, #tpu.memory_space<semaphore_mem>>)
      %dma_wait3A = arith.constant 0 : i32
      %dma_wait3A_725 = arith.constant 0 : i32
      %dma_wait3A_726 = tpu.memref_slice %arg6[%dma_wait3A, %dma_wait3A_725] : memref<157x128xi32, #tpu.memory_space<vmem>> -> memref<156x128xi32, #tpu.memory_space<vmem>>
      %dma_wait3A_727 = arith.constant 0 : i32
      %dma_wait3A_728 = arith.constant 0 : i32
      %dma_wait3A_729 = tpu.memref_slice %arg3[%run_scoped3A, %dma_wait3A_727, %dma_wait3A_728] : memref<2x2500x128xi32, #tpu.memory_space<hbm>> -> memref<1x2500x128xi32, #tpu.memory_space<hbm>>
      %dma_wait3A_730 = tpu.memref_squeeze %dma_wait3A_729 : memref<1x2500x128xi32, #tpu.memory_space<hbm>> -> memref<2500x128xi32, #tpu.memory_space<hbm>>
      %dma_wait3A_731 = arith.constant 0 : i32
      %dma_wait3A_732 = tpu.memref_slice %dma_wait3A_730[%add3A_35, %dma_wait3A_731] : memref<2500x128xi32, #tpu.memory_space<hbm>> -> memref<156x128xi32, #tpu.memory_space<hbm>>
      %dma_wait3A_733 = arith.constant 0 : i32
      %dma_wait3A_734 = arith.constant 0 : i32
      %dma_wait3A_735 = tpu.memref_slice %arg6[%dma_wait3A_733, %dma_wait3A_734] : memref<157x128xi32, #tpu.memory_space<vmem>> -> memref<156x128xi32, #tpu.memory_space<vmem>>
      %dma_wait3A_736 = arith.constant 0 : i32
      %dma_wait3A_737 = arith.constant 0 : i32
      %dma_wait3A_738 = tpu.memref_slice %arg3[%run_scoped3A, %dma_wait3A_736, %dma_wait3A_737] : memref<2x2500x128xi32, #tpu.memory_space<hbm>> -> memref<1x2500x128xi32, #tpu.memory_space<hbm>>
      %dma_wait3A_739 = tpu.memref_squeeze %dma_wait3A_738 : memref<1x2500x128xi32, #tpu.memory_space<hbm>> -> memref<2500x128xi32, #tpu.memory_space<hbm>>
      %dma_wait3A_740 = arith.constant 0 : i32
      %dma_wait3A_741 = tpu.memref_slice %dma_wait3A_739[%add3A_35, %dma_wait3A_740] : memref<2500x128xi32, #tpu.memory_space<hbm>> -> memref<156x128xi32, #tpu.memory_space<hbm>>
      tpu.wait_dma2 semaphore(%run_scoped3A_706 : memref<!tpu.dma_semaphore, #tpu.memory_space<semaphore_mem>>) src(%dma_wait3A_741 : memref<156x128xi32, #tpu.memory_space<hbm>>) dst(%dma_wait3A_735 : memref<156x128xi32, #tpu.memory_space<vmem>>)
      tpu.yield
    }) : () -> ()
    %run_scoped3A_40 = arith.constant 1 : i32
    "tpu.region"() ({
      %run_scoped3A_706 = tpu.sem_alloc : memref<!tpu.dma_semaphore, #tpu.memory_space<semaphore_mem>>
      %dma_start3A_707 = arith.constant 0 : i32
      %dma_start3A_708 = arith.constant 0 : i32
      %dma_start3A_709 = tpu.memref_slice %arg7[%dma_start3A_707, %dma_start3A_708] : memref<157x128xi32, #tpu.memory_space<vmem>> -> memref<156x128xi32, #tpu.memory_space<vmem>>
      %dma_start3A_710 = arith.constant 0 : i32
      %dma_start3A_711 = arith.constant 0 : i32
      %dma_start3A_712 = tpu.memref_slice %arg3[%run_scoped3A_40, %dma_start3A_710, %dma_start3A_711] : memref<2x2500x128xi32, #tpu.memory_space<hbm>> -> memref<1x2500x128xi32, #tpu.memory_space<hbm>>
      %dma_start3A_713 = tpu.memref_squeeze %dma_start3A_712 : memref<1x2500x128xi32, #tpu.memory_space<hbm>> -> memref<2500x128xi32, #tpu.memory_space<hbm>>
      %dma_start3A_714 = arith.constant 0 : i32
      %dma_start3A_715 = tpu.memref_slice %dma_start3A_713[%add3A_35, %dma_start3A_714] : memref<2500x128xi32, #tpu.memory_space<hbm>> -> memref<156x128xi32, #tpu.memory_space<hbm>>
      %dma_start3A_716 = arith.constant 0 : i32
      %dma_start3A_717 = arith.constant 0 : i32
      %dma_start3A_718 = tpu.memref_slice %arg7[%dma_start3A_716, %dma_start3A_717] : memref<157x128xi32, #tpu.memory_space<vmem>> -> memref<156x128xi32, #tpu.memory_space<vmem>>
      %dma_start3A_719 = arith.constant 0 : i32
      %dma_start3A_720 = arith.constant 0 : i32
      %dma_start3A_721 = tpu.memref_slice %arg3[%run_scoped3A_40, %dma_start3A_719, %dma_start3A_720] : memref<2x2500x128xi32, #tpu.memory_space<hbm>> -> memref<1x2500x128xi32, #tpu.memory_space<hbm>>
      %dma_start3A_722 = tpu.memref_squeeze %dma_start3A_721 : memref<1x2500x128xi32, #tpu.memory_space<hbm>> -> memref<2500x128xi32, #tpu.memory_space<hbm>>
      %dma_start3A_723 = arith.constant 0 : i32
      %dma_start3A_724 = tpu.memref_slice %dma_start3A_722[%add3A_35, %dma_start3A_723] : memref<2500x128xi32, #tpu.memory_space<hbm>> -> memref<156x128xi32, #tpu.memory_space<hbm>>
      tpu.enqueue_dma source(%dma_start3A_724 : memref<156x128xi32, #tpu.memory_space<hbm>>) target(%dma_start3A_718 : memref<156x128xi32, #tpu.memory_space<vmem>>) target_semaphore(%run_scoped3A_706 : memref<!tpu.dma_semaphore, #tpu.memory_space<semaphore_mem>>)
      %dma_wait3A = arith.constant 0 : i32
      %dma_wait3A_725 = arith.constant 0 : i32
      %dma_wait3A_726 = tpu.memref_slice %arg7[%dma_wait3A, %dma_wait3A_725] : memref<157x128xi32, #tpu.memory_space<vmem>> -> memref<156x128xi32, #tpu.memory_space<vmem>>
      %dma_wait3A_727 = arith.constant 0 : i32
      %dma_wait3A_728 = arith.constant 0 : i32
      %dma_wait3A_729 = tpu.memref_slice %arg3[%run_scoped3A_40, %dma_wait3A_727, %dma_wait3A_728] : memref<2x2500x128xi32, #tpu.memory_space<hbm>> -> memref<1x2500x128xi32, #tpu.memory_space<hbm>>
      %dma_wait3A_730 = tpu.memref_squeeze %dma_wait3A_729 : memref<1x2500x128xi32, #tpu.memory_space<hbm>> -> memref<2500x128xi32, #tpu.memory_space<hbm>>
      %dma_wait3A_731 = arith.constant 0 : i32
      %dma_wait3A_732 = tpu.memref_slice %dma_wait3A_730[%add3A_35, %dma_wait3A_731] : memref<2500x128xi32, #tpu.memory_space<hbm>> -> memref<156x128xi32, #tpu.memory_space<hbm>>
      %dma_wait3A_733 = arith.constant 0 : i32
      %dma_wait3A_734 = arith.constant 0 : i32
      %dma_wait3A_735 = tpu.memref_slice %arg7[%dma_wait3A_733, %dma_wait3A_734] : memref<157x128xi32, #tpu.memory_space<vmem>> -> memref<156x128xi32, #tpu.memory_space<vmem>>
      %dma_wait3A_736 = arith.constant 0 : i32
      %dma_wait3A_737 = arith.constant 0 : i32
      %dma_wait3A_738 = tpu.memref_slice %arg3[%run_scoped3A_40, %dma_wait3A_736, %dma_wait3A_737] : memref<2x2500x128xi32, #tpu.memory_space<hbm>> -> memref<1x2500x128xi32, #tpu.memory_space<hbm>>
      %dma_wait3A_739 = tpu.memref_squeeze %dma_wait3A_738 : memref<1x2500x128xi32, #tpu.memory_space<hbm>> -> memref<2500x128xi32, #tpu.memory_space<hbm>>
      %dma_wait3A_740 = arith.constant 0 : i32
      %dma_wait3A_741 = tpu.memref_slice %dma_wait3A_739[%add3A_35, %dma_wait3A_740] : memref<2500x128xi32, #tpu.memory_space<hbm>> -> memref<156x128xi32, #tpu.memory_space<hbm>>
      tpu.wait_dma2 semaphore(%run_scoped3A_706 : memref<!tpu.dma_semaphore, #tpu.memory_space<semaphore_mem>>) src(%dma_wait3A_741 : memref<156x128xi32, #tpu.memory_space<hbm>>) dst(%dma_wait3A_735 : memref<156x128xi32, #tpu.memory_space<vmem>>)
      tpu.yield
    }) : () -> ()
    %lt3A_41 = arith.constant 4 : i32
    %lt3A_42 = arith.cmpi slt, %arg1, %lt3A_41 : i32
    %convert_element_type3A_43 = arith.extui %lt3A_42 : i1 to i32
    %cond3A_44 = arith.constant 0 : i32
    %cond3A_45 = arith.constant 1 : i32
    %cond3A_46 = arith.constant 0 : i32
    %cond3A_47 = arith.cmpi ne, %convert_element_type3A_43, %cond3A_46 : i32
    scf.if %cond3A_47 {
      %add3A_706 = arith.constant 156 : i32
      %add3A_707 = arith.addi %add3A_35, %add3A_706 : i32
      "tpu.region"() ({
        %run_scoped3A_710 = tpu.sem_alloc : memref<!tpu.dma_semaphore, #tpu.memory_space<semaphore_mem>>
        %dma_start3A_711 = arith.constant 156 : i32
        %dma_start3A_712 = arith.constant 0 : i32
        %dma_start3A_713 = tpu.memref_slice %arg6[%dma_start3A_711, %dma_start3A_712] : memref<157x128xi32, #tpu.memory_space<vmem>> -> memref<1x128xi32, #tpu.memory_space<vmem>>
        %dma_start3A_714 = arith.constant 0 : i32
        %dma_start3A_715 = arith.constant 0 : i32
        %dma_start3A_716 = tpu.memref_slice %arg3[%cond3A_44, %dma_start3A_714, %dma_start3A_715] : memref<2x2500x128xi32, #tpu.memory_space<hbm>> -> memref<1x2500x128xi32, #tpu.memory_space<hbm>>
        %dma_start3A_717 = tpu.memref_squeeze %dma_start3A_716 : memref<1x2500x128xi32, #tpu.memory_space<hbm>> -> memref<2500x128xi32, #tpu.memory_space<hbm>>
        %dma_start3A_718 = arith.constant 0 : i32
        %dma_start3A_719 = tpu.memref_slice %dma_start3A_717[%add3A_707, %dma_start3A_718] : memref<2500x128xi32, #tpu.memory_space<hbm>> -> memref<1x128xi32, #tpu.memory_space<hbm>>
        %dma_start3A_720 = arith.constant 156 : i32
        %dma_start3A_721 = arith.constant 0 : i32
        %dma_start3A_722 = tpu.memref_slice %arg6[%dma_start3A_720, %dma_start3A_721] : memref<157x128xi32, #tpu.memory_space<vmem>> -> memref<1x128xi32, #tpu.memory_space<vmem>>
        %dma_start3A_723 = arith.constant 0 : i32
        %dma_start3A_724 = arith.constant 0 : i32
        %dma_start3A_725 = tpu.memref_slice %arg3[%cond3A_44, %dma_start3A_723, %dma_start3A_724] : memref<2x2500x128xi32, #tpu.memory_space<hbm>> -> memref<1x2500x128xi32, #tpu.memory_space<hbm>>
        %dma_start3A_726 = tpu.memref_squeeze %dma_start3A_725 : memref<1x2500x128xi32, #tpu.memory_space<hbm>> -> memref<2500x128xi32, #tpu.memory_space<hbm>>
        %dma_start3A_727 = arith.constant 0 : i32
        %dma_start3A_728 = tpu.memref_slice %dma_start3A_726[%add3A_707, %dma_start3A_727] : memref<2500x128xi32, #tpu.memory_space<hbm>> -> memref<1x128xi32, #tpu.memory_space<hbm>>
        tpu.enqueue_dma source(%dma_start3A_728 : memref<1x128xi32, #tpu.memory_space<hbm>>) target(%dma_start3A_722 : memref<1x128xi32, #tpu.memory_space<vmem>>) target_semaphore(%run_scoped3A_710 : memref<!tpu.dma_semaphore, #tpu.memory_space<semaphore_mem>>)
        %dma_wait3A = arith.constant 156 : i32
        %dma_wait3A_729 = arith.constant 0 : i32
        %dma_wait3A_730 = tpu.memref_slice %arg6[%dma_wait3A, %dma_wait3A_729] : memref<157x128xi32, #tpu.memory_space<vmem>> -> memref<1x128xi32, #tpu.memory_space<vmem>>
        %dma_wait3A_731 = arith.constant 0 : i32
        %dma_wait3A_732 = arith.constant 0 : i32
        %dma_wait3A_733 = tpu.memref_slice %arg3[%cond3A_44, %dma_wait3A_731, %dma_wait3A_732] : memref<2x2500x128xi32, #tpu.memory_space<hbm>> -> memref<1x2500x128xi32, #tpu.memory_space<hbm>>
        %dma_wait3A_734 = tpu.memref_squeeze %dma_wait3A_733 : memref<1x2500x128xi32, #tpu.memory_space<hbm>> -> memref<2500x128xi32, #tpu.memory_space<hbm>>
        %dma_wait3A_735 = arith.constant 0 : i32
        %dma_wait3A_736 = tpu.memref_slice %dma_wait3A_734[%add3A_707, %dma_wait3A_735] : memref<2500x128xi32, #tpu.memory_space<hbm>> -> memref<1x128xi32, #tpu.memory_space<hbm>>
        %dma_wait3A_737 = arith.constant 156 : i32
        %dma_wait3A_738 = arith.constant 0 : i32
        %dma_wait3A_739 = tpu.memref_slice %arg6[%dma_wait3A_737, %dma_wait3A_738] : memref<157x128xi32, #tpu.memory_space<vmem>> -> memref<1x128xi32, #tpu.memory_space<vmem>>
        %dma_wait3A_740 = arith.constant 0 : i32
        %dma_wait3A_741 = arith.constant 0 : i32
        %dma_wait3A_742 = tpu.memref_slice %arg3[%cond3A_44, %dma_wait3A_740, %dma_wait3A_741] : memref<2x2500x128xi32, #tpu.memory_space<hbm>> -> memref<1x2500x128xi32, #tpu.memory_space<hbm>>
        %dma_wait3A_743 = tpu.memref_squeeze %dma_wait3A_742 : memref<1x2500x128xi32, #tpu.memory_space<hbm>> -> memref<2500x128xi32, #tpu.memory_space<hbm>>
        %dma_wait3A_744 = arith.constant 0 : i32
        %dma_wait3A_745 = tpu.memref_slice %dma_wait3A_743[%add3A_707, %dma_wait3A_744] : memref<2500x128xi32, #tpu.memory_space<hbm>> -> memref<1x128xi32, #tpu.memory_space<hbm>>
        tpu.wait_dma2 semaphore(%run_scoped3A_710 : memref<!tpu.dma_semaphore, #tpu.memory_space<semaphore_mem>>) src(%dma_wait3A_745 : memref<1x128xi32, #tpu.memory_space<hbm>>) dst(%dma_wait3A_739 : memref<1x128xi32, #tpu.memory_space<vmem>>)
        tpu.yield
      }) : () -> ()
      %add3A_708 = arith.constant 156 : i32
      %add3A_709 = arith.addi %add3A_35, %add3A_708 : i32
      "tpu.region"() ({
        %run_scoped3A_710 = tpu.sem_alloc : memref<!tpu.dma_semaphore, #tpu.memory_space<semaphore_mem>>
        %dma_start3A_711 = arith.constant 156 : i32
        %dma_start3A_712 = arith.constant 0 : i32
        %dma_start3A_713 = tpu.memref_slice %arg7[%dma_start3A_711, %dma_start3A_712] : memref<157x128xi32, #tpu.memory_space<vmem>> -> memref<1x128xi32, #tpu.memory_space<vmem>>
        %dma_start3A_714 = arith.constant 0 : i32
        %dma_start3A_715 = arith.constant 0 : i32
        %dma_start3A_716 = tpu.memref_slice %arg3[%cond3A_45, %dma_start3A_714, %dma_start3A_715] : memref<2x2500x128xi32, #tpu.memory_space<hbm>> -> memref<1x2500x128xi32, #tpu.memory_space<hbm>>
        %dma_start3A_717 = tpu.memref_squeeze %dma_start3A_716 : memref<1x2500x128xi32, #tpu.memory_space<hbm>> -> memref<2500x128xi32, #tpu.memory_space<hbm>>
        %dma_start3A_718 = arith.constant 0 : i32
        %dma_start3A_719 = tpu.memref_slice %dma_start3A_717[%add3A_709, %dma_start3A_718] : memref<2500x128xi32, #tpu.memory_space<hbm>> -> memref<1x128xi32, #tpu.memory_space<hbm>>
        %dma_start3A_720 = arith.constant 156 : i32
        %dma_start3A_721 = arith.constant 0 : i32
        %dma_start3A_722 = tpu.memref_slice %arg7[%dma_start3A_720, %dma_start3A_721] : memref<157x128xi32, #tpu.memory_space<vmem>> -> memref<1x128xi32, #tpu.memory_space<vmem>>
        %dma_start3A_723 = arith.constant 0 : i32
        %dma_start3A_724 = arith.constant 0 : i32
        %dma_start3A_725 = tpu.memref_slice %arg3[%cond3A_45, %dma_start3A_723, %dma_start3A_724] : memref<2x2500x128xi32, #tpu.memory_space<hbm>> -> memref<1x2500x128xi32, #tpu.memory_space<hbm>>
        %dma_start3A_726 = tpu.memref_squeeze %dma_start3A_725 : memref<1x2500x128xi32, #tpu.memory_space<hbm>> -> memref<2500x128xi32, #tpu.memory_space<hbm>>
        %dma_start3A_727 = arith.constant 0 : i32
        %dma_start3A_728 = tpu.memref_slice %dma_start3A_726[%add3A_709, %dma_start3A_727] : memref<2500x128xi32, #tpu.memory_space<hbm>> -> memref<1x128xi32, #tpu.memory_space<hbm>>
        tpu.enqueue_dma source(%dma_start3A_728 : memref<1x128xi32, #tpu.memory_space<hbm>>) target(%dma_start3A_722 : memref<1x128xi32, #tpu.memory_space<vmem>>) target_semaphore(%run_scoped3A_710 : memref<!tpu.dma_semaphore, #tpu.memory_space<semaphore_mem>>)
        %dma_wait3A = arith.constant 156 : i32
        %dma_wait3A_729 = arith.constant 0 : i32
        %dma_wait3A_730 = tpu.memref_slice %arg7[%dma_wait3A, %dma_wait3A_729] : memref<157x128xi32, #tpu.memory_space<vmem>> -> memref<1x128xi32, #tpu.memory_space<vmem>>
        %dma_wait3A_731 = arith.constant 0 : i32
        %dma_wait3A_732 = arith.constant 0 : i32
        %dma_wait3A_733 = tpu.memref_slice %arg3[%cond3A_45, %dma_wait3A_731, %dma_wait3A_732] : memref<2x2500x128xi32, #tpu.memory_space<hbm>> -> memref<1x2500x128xi32, #tpu.memory_space<hbm>>
        %dma_wait3A_734 = tpu.memref_squeeze %dma_wait3A_733 : memref<1x2500x128xi32, #tpu.memory_space<hbm>> -> memref<2500x128xi32, #tpu.memory_space<hbm>>
        %dma_wait3A_735 = arith.constant 0 : i32
        %dma_wait3A_736 = tpu.memref_slice %dma_wait3A_734[%add3A_709, %dma_wait3A_735] : memref<2500x128xi32, #tpu.memory_space<hbm>> -> memref<1x128xi32, #tpu.memory_space<hbm>>
        %dma_wait3A_737 = arith.constant 156 : i32
        %dma_wait3A_738 = arith.constant 0 : i32
        %dma_wait3A_739 = tpu.memref_slice %arg7[%dma_wait3A_737, %dma_wait3A_738] : memref<157x128xi32, #tpu.memory_space<vmem>> -> memref<1x128xi32, #tpu.memory_space<vmem>>
        %dma_wait3A_740 = arith.constant 0 : i32
        %dma_wait3A_741 = arith.constant 0 : i32
        %dma_wait3A_742 = tpu.memref_slice %arg3[%cond3A_45, %dma_wait3A_740, %dma_wait3A_741] : memref<2x2500x128xi32, #tpu.memory_space<hbm>> -> memref<1x2500x128xi32, #tpu.memory_space<hbm>>
        %dma_wait3A_743 = tpu.memref_squeeze %dma_wait3A_742 : memref<1x2500x128xi32, #tpu.memory_space<hbm>> -> memref<2500x128xi32, #tpu.memory_space<hbm>>
        %dma_wait3A_744 = arith.constant 0 : i32
        %dma_wait3A_745 = tpu.memref_slice %dma_wait3A_743[%add3A_709, %dma_wait3A_744] : memref<2500x128xi32, #tpu.memory_space<hbm>> -> memref<1x128xi32, #tpu.memory_space<hbm>>
        tpu.wait_dma2 semaphore(%run_scoped3A_710 : memref<!tpu.dma_semaphore, #tpu.memory_space<semaphore_mem>>) src(%dma_wait3A_745 : memref<1x128xi32, #tpu.memory_space<hbm>>) dst(%dma_wait3A_739 : memref<1x128xi32, #tpu.memory_space<vmem>>)
        tpu.yield
      }) : () -> ()
    } else {
    }
    %get3A = arith.constant 0 : i32
    %get3A_48 = arith.index_cast %get3A : i32 to index
    %get3A_49 = arith.constant 0 : index
    %get3A_50 = tpu.vector_load %arg6[%get3A_48, %get3A_49] {strides = array<i32>} : memref<157x128xi32, #tpu.memory_space<vmem>>, vector<1x16xi32>,
    %get3A_51 = vector.shape_cast %get3A_50 : vector<1x16xi32> to vector<16xi32>
    %mul3A_52 = arith.constant 2 : i32
    %mul3A_53 = vector.broadcast %mul3A_52 : i32 to vector<16xi32>
    %mul3A_54 = arith.muli %get3A_51, %mul3A_53 : vector<16xi32>
    %add3A_55 = vector.broadcast %arg0 : i32 to vector<16xi32>
    %add3A_56 = arith.addi %mul3A_54, %add3A_55 : vector<16xi32>
    %swap3A = arith.constant 0 : i32
    %swap3A_57 = arith.index_cast %swap3A : i32 to index
    %swap3A_58 = arith.constant 0 : index
    %swap3A_59 = tpu.vector_load %arg9[%swap3A_57, %swap3A_58] {strides = array<i32>} : memref<4x128xi32, #tpu.memory_space<vmem>>, vector<1x16xi32>,
    %swap3A_60 = vector.shape_cast %swap3A_59 : vector<1x16xi32> to vector<16xi32>
    %swap3A_61 = vector.shape_cast %add3A_56 : vector<16xi32> to vector<1x16xi32>
    tpu.vector_store %arg9[%swap3A_57, %swap3A_58], %swap3A_61 {strides = array<i32>} : memref<4x128xi32, #tpu.memory_space<vmem>>, vector<1x16xi32>,
    %get3A_62 = arith.constant 0 : i32
    %get3A_63 = arith.index_cast %get3A_62 : i32 to index
    %get3A_64 = arith.constant 16 : index
    %get3A_65 = tpu.vector_load %arg6[%get3A_63, %get3A_64] {strides = array<i32>} : memref<157x128xi32, #tpu.memory_space<vmem>>, vector<1x16xi32>,
    %get3A_66 = vector.shape_cast %get3A_65 : vector<1x16xi32> to vector<16xi32>
    %mul3A_67 = arith.constant 2 : i32
    %mul3A_68 = vector.broadcast %mul3A_67 : i32 to vector<16xi32>
    %mul3A_69 = arith.muli %get3A_66, %mul3A_68 : vector<16xi32>
    %add3A_70 = vector.broadcast %arg0 : i32 to vector<16xi32>
    %add3A_71 = arith.addi %mul3A_69, %add3A_70 : vector<16xi32>
    %swap3A_72 = arith.constant 0 : i32
    %swap3A_73 = arith.index_cast %swap3A_72 : i32 to index
    %swap3A_74 = arith.constant 16 : index
    %swap3A_75 = tpu.vector_load %arg9[%swap3A_73, %swap3A_74] {strides = array<i32>} : memref<4x128xi32, #tpu.memory_space<vmem>>, vector<1x16xi32>,
    %swap3A_76 = vector.shape_cast %swap3A_75 : vector<1x16xi32> to vector<16xi32>
    %swap3A_77 = vector.shape_cast %add3A_71 : vector<16xi32> to vector<1x16xi32>
    tpu.vector_store %arg9[%swap3A_73, %swap3A_74], %swap3A_77 {strides = array<i32>} : memref<4x128xi32, #tpu.memory_space<vmem>>, vector<1x16xi32>,
    %get3A_78 = arith.constant 0 : i32
    %get3A_79 = arith.index_cast %get3A_78 : i32 to index
    %get3A_80 = arith.constant 32 : index
    %get3A_81 = tpu.vector_load %arg6[%get3A_79, %get3A_80] {strides = array<i32>} : memref<157x128xi32, #tpu.memory_space<vmem>>, vector<1x16xi32>,
    %get3A_82 = vector.shape_cast %get3A_81 : vector<1x16xi32> to vector<16xi32>
    %mul3A_83 = arith.constant 2 : i32
    %mul3A_84 = vector.broadcast %mul3A_83 : i32 to vector<16xi32>
    %mul3A_85 = arith.muli %get3A_82, %mul3A_84 : vector<16xi32>
    %add3A_86 = vector.broadcast %arg0 : i32 to vector<16xi32>
    %add3A_87 = arith.addi %mul3A_85, %add3A_86 : vector<16xi32>
    %swap3A_88 = arith.constant 0 : i32
    %swap3A_89 = arith.index_cast %swap3A_88 : i32 to index
    %swap3A_90 = arith.constant 32 : index
    %swap3A_91 = tpu.vector_load %arg9[%swap3A_89, %swap3A_90] {strides = array<i32>} : memref<4x128xi32, #tpu.memory_space<vmem>>, vector<1x16xi32>,
    %swap3A_92 = vector.shape_cast %swap3A_91 : vector<1x16xi32> to vector<16xi32>
    %swap3A_93 = vector.shape_cast %add3A_87 : vector<16xi32> to vector<1x16xi32>
    tpu.vector_store %arg9[%swap3A_89, %swap3A_90], %swap3A_93 {strides = array<i32>} : memref<4x128xi32, #tpu.memory_space<vmem>>, vector<1x16xi32>,
    %get3A_94 = arith.constant 0 : i32
    %get3A_95 = arith.index_cast %get3A_94 : i32 to index
    %get3A_96 = arith.constant 48 : index
    %get3A_97 = tpu.vector_load %arg6[%get3A_95, %get3A_96] {strides = array<i32>} : memref<157x128xi32, #tpu.memory_space<vmem>>, vector<1x16xi32>,
    %get3A_98 = vector.shape_cast %get3A_97 : vector<1x16xi32> to vector<16xi32>
    %mul3A_99 = arith.constant 2 : i32
    %mul3A_100 = vector.broadcast %mul3A_99 : i32 to vector<16xi32>
    %mul3A_101 = arith.muli %get3A_98, %mul3A_100 : vector<16xi32>
    %add3A_102 = vector.broadcast %arg0 : i32 to vector<16xi32>
    %add3A_103 = arith.addi %mul3A_101, %add3A_102 : vector<16xi32>
    %swap3A_104 = arith.constant 0 : i32
    %swap3A_105 = arith.index_cast %swap3A_104 : i32 to index
    %swap3A_106 = arith.constant 48 : index
    %swap3A_107 = tpu.vector_load %arg9[%swap3A_105, %swap3A_106] {strides = array<i32>} : memref<4x128xi32, #tpu.memory_space<vmem>>, vector<1x16xi32>,
    %swap3A_108 = vector.shape_cast %swap3A_107 : vector<1x16xi32> to vector<16xi32>
    %swap3A_109 = vector.shape_cast %add3A_103 : vector<16xi32> to vector<1x16xi32>
    tpu.vector_store %arg9[%swap3A_105, %swap3A_106], %swap3A_109 {strides = array<i32>} : memref<4x128xi32, #tpu.memory_space<vmem>>, vector<1x16xi32>,
    %get3A_110 = arith.constant 0 : i32
    %get3A_111 = arith.index_cast %get3A_110 : i32 to index
    %get3A_112 = arith.constant 64 : index
    %get3A_113 = tpu.vector_load %arg6[%get3A_111, %get3A_112] {strides = array<i32>} : memref<157x128xi32, #tpu.memory_space<vmem>>, vector<1x16xi32>,
    %get3A_114 = vector.shape_cast %get3A_113 : vector<1x16xi32> to vector<16xi32>
    %mul3A_115 = arith.constant 2 : i32
    %mul3A_116 = vector.broadcast %mul3A_115 : i32 to vector<16xi32>
    %mul3A_117 = arith.muli %get3A_114, %mul3A_116 : vector<16xi32>
    %add3A_118 = vector.broadcast %arg0 : i32 to vector<16xi32>
    %add3A_119 = arith.addi %mul3A_117, %add3A_118 : vector<16xi32>
    %swap3A_120 = arith.constant 0 : i32
    %swap3A_121 = arith.index_cast %swap3A_120 : i32 to index
    %swap3A_122 = arith.constant 64 : index
    %swap3A_123 = tpu.vector_load %arg9[%swap3A_121, %swap3A_122] {strides = array<i32>} : memref<4x128xi32, #tpu.memory_space<vmem>>, vector<1x16xi32>,
    %swap3A_124 = vector.shape_cast %swap3A_123 : vector<1x16xi32> to vector<16xi32>
    %swap3A_125 = vector.shape_cast %add3A_119 : vector<16xi32> to vector<1x16xi32>
    tpu.vector_store %arg9[%swap3A_121, %swap3A_122], %swap3A_125 {strides = array<i32>} : memref<4x128xi32, #tpu.memory_space<vmem>>, vector<1x16xi32>,
    %get3A_126 = arith.constant 0 : i32
    %get3A_127 = arith.index_cast %get3A_126 : i32 to index
    %get3A_128 = arith.constant 80 : index
    %get3A_129 = tpu.vector_load %arg6[%get3A_127, %get3A_128] {strides = array<i32>} : memref<157x128xi32, #tpu.memory_space<vmem>>, vector<1x16xi32>,
    %get3A_130 = vector.shape_cast %get3A_129 : vector<1x16xi32> to vector<16xi32>
    %mul3A_131 = arith.constant 2 : i32
    %mul3A_132 = vector.broadcast %mul3A_131 : i32 to vector<16xi32>
    %mul3A_133 = arith.muli %get3A_130, %mul3A_132 : vector<16xi32>
    %add3A_134 = vector.broadcast %arg0 : i32 to vector<16xi32>
    %add3A_135 = arith.addi %mul3A_133, %add3A_134 : vector<16xi32>
    %swap3A_136 = arith.constant 0 : i32
    %swap3A_137 = arith.index_cast %swap3A_136 : i32 to index
    %swap3A_138 = arith.constant 80 : index
    %swap3A_139 = tpu.vector_load %arg9[%swap3A_137, %swap3A_138] {strides = array<i32>} : memref<4x128xi32, #tpu.memory_space<vmem>>, vector<1x16xi32>,
    %swap3A_140 = vector.shape_cast %swap3A_139 : vector<1x16xi32> to vector<16xi32>
    %swap3A_141 = vector.shape_cast %add3A_135 : vector<16xi32> to vector<1x16xi32>
    tpu.vector_store %arg9[%swap3A_137, %swap3A_138], %swap3A_141 {strides = array<i32>} : memref<4x128xi32, #tpu.memory_space<vmem>>, vector<1x16xi32>,
    %get3A_142 = arith.constant 0 : i32
    %get3A_143 = arith.index_cast %get3A_142 : i32 to index
    %get3A_144 = arith.constant 96 : index
    %get3A_145 = tpu.vector_load %arg6[%get3A_143, %get3A_144] {strides = array<i32>} : memref<157x128xi32, #tpu.memory_space<vmem>>, vector<1x16xi32>,
    %get3A_146 = vector.shape_cast %get3A_145 : vector<1x16xi32> to vector<16xi32>
    %mul3A_147 = arith.constant 2 : i32
    %mul3A_148 = vector.broadcast %mul3A_147 : i32 to vector<16xi32>
    %mul3A_149 = arith.muli %get3A_146, %mul3A_148 : vector<16xi32>
    %add3A_150 = vector.broadcast %arg0 : i32 to vector<16xi32>
    %add3A_151 = arith.addi %mul3A_149, %add3A_150 : vector<16xi32>
    %swap3A_152 = arith.constant 0 : i32
    %swap3A_153 = arith.index_cast %swap3A_152 : i32 to index
    %swap3A_154 = arith.constant 96 : index
    %swap3A_155 = tpu.vector_load %arg9[%swap3A_153, %swap3A_154] {strides = array<i32>} : memref<4x128xi32, #tpu.memory_space<vmem>>, vector<1x16xi32>,
    %swap3A_156 = vector.shape_cast %swap3A_155 : vector<1x16xi32> to vector<16xi32>
    %swap3A_157 = vector.shape_cast %add3A_151 : vector<16xi32> to vector<1x16xi32>
    tpu.vector_store %arg9[%swap3A_153, %swap3A_154], %swap3A_157 {strides = array<i32>} : memref<4x128xi32, #tpu.memory_space<vmem>>, vector<1x16xi32>,
    %get3A_158 = arith.constant 0 : i32
    %get3A_159 = arith.index_cast %get3A_158 : i32 to index
    %get3A_160 = arith.constant 112 : index
    %get3A_161 = tpu.vector_load %arg6[%get3A_159, %get3A_160] {strides = array<i32>} : memref<157x128xi32, #tpu.memory_space<vmem>>, vector<1x16xi32>,
    %get3A_162 = vector.shape_cast %get3A_161 : vector<1x16xi32> to vector<16xi32>
    %mul3A_163 = arith.constant 2 : i32
    %mul3A_164 = vector.broadcast %mul3A_163 : i32 to vector<16xi32>
    %mul3A_165 = arith.muli %get3A_162, %mul3A_164 : vector<16xi32>
    %add3A_166 = vector.broadcast %arg0 : i32 to vector<16xi32>
    %add3A_167 = arith.addi %mul3A_165, %add3A_166 : vector<16xi32>
    %swap3A_168 = arith.constant 0 : i32
    %swap3A_169 = arith.index_cast %swap3A_168 : i32 to index
    %swap3A_170 = arith.constant 112 : index
    %swap3A_171 = tpu.vector_load %arg9[%swap3A_169, %swap3A_170] {strides = array<i32>} : memref<4x128xi32, #tpu.memory_space<vmem>>, vector<1x16xi32>,
    %swap3A_172 = vector.shape_cast %swap3A_171 : vector<1x16xi32> to vector<16xi32>
    %swap3A_173 = vector.shape_cast %add3A_167 : vector<16xi32> to vector<1x16xi32>
    tpu.vector_store %arg9[%swap3A_169, %swap3A_170], %swap3A_173 {strides = array<i32>} : memref<4x128xi32, #tpu.memory_space<vmem>>, vector<1x16xi32>,
    %dma_start3A = arith.constant 0 : i32
    %dma_start3A_174 = arith.constant 0 : i32
    %dma_start3A_175 = arith.constant 0 : i32
    %dma_start3A_176 = arith.constant 0 : i32
    %dma_start3A_177 = tpu.memref_slice %arg8[%dma_start3A_174, %dma_start3A_175, %dma_start3A_176] : memref<4x128x64xf32, #tpu.memory_space<vmem>> -> memref<1x128x64xf32, #tpu.memory_space<vmem>>
    %dma_start3A_178 = tpu.memref_squeeze %dma_start3A_177 : memref<1x128x64xf32, #tpu.memory_space<vmem>> -> memref<128x64xf32, #tpu.memory_space<vmem>>
    %dma_start3A_179 = arith.constant 0 : i32
    %dma_start3A_180 = tpu.memref_slice %arg9[%dma_start3A, %dma_start3A_179] : memref<4x128xi32, #tpu.memory_space<vmem>> -> memref<1x128xi32, #tpu.memory_space<vmem>>
    %dma_start3A_181 = tpu.memref_squeeze %dma_start3A_180 : memref<1x128xi32, #tpu.memory_space<vmem>> -> memref<128xi32, #tpu.memory_space<vmem>>
    %dma_start3A_182 = arith.constant 0 : i32
    %dma_start3A_183 = arith.constant 0 : i32
    %dma_start3A_184 = tpu.memref_slice %arg2[%dma_start3A_182, %dma_start3A_183] : memref<20000x64xf32, #tpu.memory_space<hbm>> -> memref<20000x64xf32, #tpu.memory_space<hbm>>
    tpu.enqueue_indirect_dma source(%dma_start3A_184 : memref<20000x64xf32, #tpu.memory_space<hbm>>) target(%dma_start3A_178 : memref<128x64xf32, #tpu.memory_space<vmem>>) offsets(%dma_start3A_181 : memref<128xi32, #tpu.memory_space<vmem>>) semaphore(%arg11 : memref<!tpu.dma_semaphore, #tpu.memory_space<semaphore_mem>>)
    %get3A_185 = arith.constant 1 : i32
    %get3A_186 = arith.index_cast %get3A_185 : i32 to index
    %get3A_187 = arith.constant 0 : index
    %get3A_188 = tpu.vector_load %arg6[%get3A_186, %get3A_187] {strides = array<i32>} : memref<157x128xi32, #tpu.memory_space<vmem>>, vector<1x16xi32>,
    %get3A_189 = vector.shape_cast %get3A_188 : vector<1x16xi32> to vector<16xi32>
    %mul3A_190 = arith.constant 2 : i32
    %mul3A_191 = vector.broadcast %mul3A_190 : i32 to vector<16xi32>
    %mul3A_192 = arith.muli %get3A_189, %mul3A_191 : vector<16xi32>
    %add3A_193 = vector.broadcast %arg0 : i32 to vector<16xi32>
    %add3A_194 = arith.addi %mul3A_192, %add3A_193 : vector<16xi32>
    %swap3A_195 = arith.constant 1 : i32
    %swap3A_196 = arith.index_cast %swap3A_195 : i32 to index
    %swap3A_197 = arith.constant 0 : index
    %swap3A_198 = tpu.vector_load %arg9[%swap3A_196, %swap3A_197] {strides = array<i32>} : memref<4x128xi32, #tpu.memory_space<vmem>>, vector<1x16xi32>,
    %swap3A_199 = vector.shape_cast %swap3A_198 : vector<1x16xi32> to vector<16xi32>
    %swap3A_200 = vector.shape_cast %add3A_194 : vector<16xi32> to vector<1x16xi32>
    tpu.vector_store %arg9[%swap3A_196, %swap3A_197], %swap3A_200 {strides = array<i32>} : memref<4x128xi32, #tpu.memory_space<vmem>>, vector<1x16xi32>,
    %get3A_201 = arith.constant 1 : i32
    %get3A_202 = arith.index_cast %get3A_201 : i32 to index
    %get3A_203 = arith.constant 16 : index
    %get3A_204 = tpu.vector_load %arg6[%get3A_202, %get3A_203] {strides = array<i32>} : memref<157x128xi32, #tpu.memory_space<vmem>>, vector<1x16xi32>,
    %get3A_205 = vector.shape_cast %get3A_204 : vector<1x16xi32> to vector<16xi32>
    %mul3A_206 = arith.constant 2 : i32
    %mul3A_207 = vector.broadcast %mul3A_206 : i32 to vector<16xi32>
    %mul3A_208 = arith.muli %get3A_205, %mul3A_207 : vector<16xi32>
    %add3A_209 = vector.broadcast %arg0 : i32 to vector<16xi32>
    %add3A_210 = arith.addi %mul3A_208, %add3A_209 : vector<16xi32>
    %swap3A_211 = arith.constant 1 : i32
    %swap3A_212 = arith.index_cast %swap3A_211 : i32 to index
    %swap3A_213 = arith.constant 16 : index
    %swap3A_214 = tpu.vector_load %arg9[%swap3A_212, %swap3A_213] {strides = array<i32>} : memref<4x128xi32, #tpu.memory_space<vmem>>, vector<1x16xi32>,
    %swap3A_215 = vector.shape_cast %swap3A_214 : vector<1x16xi32> to vector<16xi32>
    %swap3A_216 = vector.shape_cast %add3A_210 : vector<16xi32> to vector<1x16xi32>
    tpu.vector_store %arg9[%swap3A_212, %swap3A_213], %swap3A_216 {strides = array<i32>} : memref<4x128xi32, #tpu.memory_space<vmem>>, vector<1x16xi32>,
    %get3A_217 = arith.constant 1 : i32
    %get3A_218 = arith.index_cast %get3A_217 : i32 to index
    %get3A_219 = arith.constant 32 : index
    %get3A_220 = tpu.vector_load %arg6[%get3A_218, %get3A_219] {strides = array<i32>} : memref<157x128xi32, #tpu.memory_space<vmem>>, vector<1x16xi32>,
    %get3A_221 = vector.shape_cast %get3A_220 : vector<1x16xi32> to vector<16xi32>
    %mul3A_222 = arith.constant 2 : i32
    %mul3A_223 = vector.broadcast %mul3A_222 : i32 to vector<16xi32>
    %mul3A_224 = arith.muli %get3A_221, %mul3A_223 : vector<16xi32>
    %add3A_225 = vector.broadcast %arg0 : i32 to vector<16xi32>
    %add3A_226 = arith.addi %mul3A_224, %add3A_225 : vector<16xi32>
    %swap3A_227 = arith.constant 1 : i32
    %swap3A_228 = arith.index_cast %swap3A_227 : i32 to index
    %swap3A_229 = arith.constant 32 : index
    %swap3A_230 = tpu.vector_load %arg9[%swap3A_228, %swap3A_229] {strides = array<i32>} : memref<4x128xi32, #tpu.memory_space<vmem>>, vector<1x16xi32>,
    %swap3A_231 = vector.shape_cast %swap3A_230 : vector<1x16xi32> to vector<16xi32>
    %swap3A_232 = vector.shape_cast %add3A_226 : vector<16xi32> to vector<1x16xi32>
    tpu.vector_store %arg9[%swap3A_228, %swap3A_229], %swap3A_232 {strides = array<i32>} : memref<4x128xi32, #tpu.memory_space<vmem>>, vector<1x16xi32>,
    %get3A_233 = arith.constant 1 : i32
    %get3A_234 = arith.index_cast %get3A_233 : i32 to index
    %get3A_235 = arith.constant 48 : index
    %get3A_236 = tpu.vector_load %arg6[%get3A_234, %get3A_235] {strides = array<i32>} : memref<157x128xi32, #tpu.memory_space<vmem>>, vector<1x16xi32>,
    %get3A_237 = vector.shape_cast %get3A_236 : vector<1x16xi32> to vector<16xi32>
    %mul3A_238 = arith.constant 2 : i32
    %mul3A_239 = vector.broadcast %mul3A_238 : i32 to vector<16xi32>
    %mul3A_240 = arith.muli %get3A_237, %mul3A_239 : vector<16xi32>
    %add3A_241 = vector.broadcast %arg0 : i32 to vector<16xi32>
    %add3A_242 = arith.addi %mul3A_240, %add3A_241 : vector<16xi32>
    %swap3A_243 = arith.constant 1 : i32
    %swap3A_244 = arith.index_cast %swap3A_243 : i32 to index
    %swap3A_245 = arith.constant 48 : index
    %swap3A_246 = tpu.vector_load %arg9[%swap3A_244, %swap3A_245] {strides = array<i32>} : memref<4x128xi32, #tpu.memory_space<vmem>>, vector<1x16xi32>,
    %swap3A_247 = vector.shape_cast %swap3A_246 : vector<1x16xi32> to vector<16xi32>
    %swap3A_248 = vector.shape_cast %add3A_242 : vector<16xi32> to vector<1x16xi32>
    tpu.vector_store %arg9[%swap3A_244, %swap3A_245], %swap3A_248 {strides = array<i32>} : memref<4x128xi32, #tpu.memory_space<vmem>>, vector<1x16xi32>,
    %get3A_249 = arith.constant 1 : i32
    %get3A_250 = arith.index_cast %get3A_249 : i32 to index
    %get3A_251 = arith.constant 64 : index
    %get3A_252 = tpu.vector_load %arg6[%get3A_250, %get3A_251] {strides = array<i32>} : memref<157x128xi32, #tpu.memory_space<vmem>>, vector<1x16xi32>,
    %get3A_253 = vector.shape_cast %get3A_252 : vector<1x16xi32> to vector<16xi32>
    %mul3A_254 = arith.constant 2 : i32
    %mul3A_255 = vector.broadcast %mul3A_254 : i32 to vector<16xi32>
    %mul3A_256 = arith.muli %get3A_253, %mul3A_255 : vector<16xi32>
    %add3A_257 = vector.broadcast %arg0 : i32 to vector<16xi32>
    %add3A_258 = arith.addi %mul3A_256, %add3A_257 : vector<16xi32>
    %swap3A_259 = arith.constant 1 : i32
    %swap3A_260 = arith.index_cast %swap3A_259 : i32 to index
    %swap3A_261 = arith.constant 64 : index
    %swap3A_262 = tpu.vector_load %arg9[%swap3A_260, %swap3A_261] {strides = array<i32>} : memref<4x128xi32, #tpu.memory_space<vmem>>, vector<1x16xi32>,
    %swap3A_263 = vector.shape_cast %swap3A_262 : vector<1x16xi32> to vector<16xi32>
    %swap3A_264 = vector.shape_cast %add3A_258 : vector<16xi32> to vector<1x16xi32>
    tpu.vector_store %arg9[%swap3A_260, %swap3A_261], %swap3A_264 {strides = array<i32>} : memref<4x128xi32, #tpu.memory_space<vmem>>, vector<1x16xi32>,
    %get3A_265 = arith.constant 1 : i32
    %get3A_266 = arith.index_cast %get3A_265 : i32 to index
    %get3A_267 = arith.constant 80 : index
    %get3A_268 = tpu.vector_load %arg6[%get3A_266, %get3A_267] {strides = array<i32>} : memref<157x128xi32, #tpu.memory_space<vmem>>, vector<1x16xi32>,
    %get3A_269 = vector.shape_cast %get3A_268 : vector<1x16xi32> to vector<16xi32>
    %mul3A_270 = arith.constant 2 : i32
    %mul3A_271 = vector.broadcast %mul3A_270 : i32 to vector<16xi32>
    %mul3A_272 = arith.muli %get3A_269, %mul3A_271 : vector<16xi32>
    %add3A_273 = vector.broadcast %arg0 : i32 to vector<16xi32>
    %add3A_274 = arith.addi %mul3A_272, %add3A_273 : vector<16xi32>
    %swap3A_275 = arith.constant 1 : i32
    %swap3A_276 = arith.index_cast %swap3A_275 : i32 to index
    %swap3A_277 = arith.constant 80 : index
    %swap3A_278 = tpu.vector_load %arg9[%swap3A_276, %swap3A_277] {strides = array<i32>} : memref<4x128xi32, #tpu.memory_space<vmem>>, vector<1x16xi32>,
    %swap3A_279 = vector.shape_cast %swap3A_278 : vector<1x16xi32> to vector<16xi32>
    %swap3A_280 = vector.shape_cast %add3A_274 : vector<16xi32> to vector<1x16xi32>
    tpu.vector_store %arg9[%swap3A_276, %swap3A_277], %swap3A_280 {strides = array<i32>} : memref<4x128xi32, #tpu.memory_space<vmem>>, vector<1x16xi32>,
    %get3A_281 = arith.constant 1 : i32
    %get3A_282 = arith.index_cast %get3A_281 : i32 to index
    %get3A_283 = arith.constant 96 : index
    %get3A_284 = tpu.vector_load %arg6[%get3A_282, %get3A_283] {strides = array<i32>} : memref<157x128xi32, #tpu.memory_space<vmem>>, vector<1x16xi32>,
    %get3A_285 = vector.shape_cast %get3A_284 : vector<1x16xi32> to vector<16xi32>
    %mul3A_286 = arith.constant 2 : i32
    %mul3A_287 = vector.broadcast %mul3A_286 : i32 to vector<16xi32>
    %mul3A_288 = arith.muli %get3A_285, %mul3A_287 : vector<16xi32>
    %add3A_289 = vector.broadcast %arg0 : i32 to vector<16xi32>
    %add3A_290 = arith.addi %mul3A_288, %add3A_289 : vector<16xi32>
    %swap3A_291 = arith.constant 1 : i32
    %swap3A_292 = arith.index_cast %swap3A_291 : i32 to index
    %swap3A_293 = arith.constant 96 : index
    %swap3A_294 = tpu.vector_load %arg9[%swap3A_292, %swap3A_293] {strides = array<i32>} : memref<4x128xi32, #tpu.memory_space<vmem>>, vector<1x16xi32>,
    %swap3A_295 = vector.shape_cast %swap3A_294 : vector<1x16xi32> to vector<16xi32>
    %swap3A_296 = vector.shape_cast %add3A_290 : vector<16xi32> to vector<1x16xi32>
    tpu.vector_store %arg9[%swap3A_292, %swap3A_293], %swap3A_296 {strides = array<i32>} : memref<4x128xi32, #tpu.memory_space<vmem>>, vector<1x16xi32>,
    %get3A_297 = arith.constant 1 : i32
    %get3A_298 = arith.index_cast %get3A_297 : i32 to index
    %get3A_299 = arith.constant 112 : index
    %get3A_300 = tpu.vector_load %arg6[%get3A_298, %get3A_299] {strides = array<i32>} : memref<157x128xi32, #tpu.memory_space<vmem>>, vector<1x16xi32>,
    %get3A_301 = vector.shape_cast %get3A_300 : vector<1x16xi32> to vector<16xi32>
    %mul3A_302 = arith.constant 2 : i32
    %mul3A_303 = vector.broadcast %mul3A_302 : i32 to vector<16xi32>
    %mul3A_304 = arith.muli %get3A_301, %mul3A_303 : vector<16xi32>
    %add3A_305 = vector.broadcast %arg0 : i32 to vector<16xi32>
    %add3A_306 = arith.addi %mul3A_304, %add3A_305 : vector<16xi32>
    %swap3A_307 = arith.constant 1 : i32
    %swap3A_308 = arith.index_cast %swap3A_307 : i32 to index
    %swap3A_309 = arith.constant 112 : index
    %swap3A_310 = tpu.vector_load %arg9[%swap3A_308, %swap3A_309] {strides = array<i32>} : memref<4x128xi32, #tpu.memory_space<vmem>>, vector<1x16xi32>,
    %swap3A_311 = vector.shape_cast %swap3A_310 : vector<1x16xi32> to vector<16xi32>
    %swap3A_312 = vector.shape_cast %add3A_306 : vector<16xi32> to vector<1x16xi32>
    tpu.vector_store %arg9[%swap3A_308, %swap3A_309], %swap3A_312 {strides = array<i32>} : memref<4x128xi32, #tpu.memory_space<vmem>>, vector<1x16xi32>,
    %dma_start3A_313 = arith.constant 1 : i32
    %dma_start3A_314 = arith.constant 1 : i32
    %dma_start3A_315 = arith.constant 0 : i32
    %dma_start3A_316 = arith.constant 0 : i32
    %dma_start3A_317 = tpu.memref_slice %arg8[%dma_start3A_314, %dma_start3A_315, %dma_start3A_316] : memref<4x128x64xf32, #tpu.memory_space<vmem>> -> memref<1x128x64xf32, #tpu.memory_space<vmem>>
    %dma_start3A_318 = tpu.memref_squeeze %dma_start3A_317 : memref<1x128x64xf32, #tpu.memory_space<vmem>> -> memref<128x64xf32, #tpu.memory_space<vmem>>
    %dma_start3A_319 = arith.constant 0 : i32
    %dma_start3A_320 = tpu.memref_slice %arg9[%dma_start3A_313, %dma_start3A_319] : memref<4x128xi32, #tpu.memory_space<vmem>> -> memref<1x128xi32, #tpu.memory_space<vmem>>
    %dma_start3A_321 = tpu.memref_squeeze %dma_start3A_320 : memref<1x128xi32, #tpu.memory_space<vmem>> -> memref<128xi32, #tpu.memory_space<vmem>>
    %dma_start3A_322 = arith.constant 0 : i32
    %dma_start3A_323 = arith.constant 0 : i32
    %dma_start3A_324 = tpu.memref_slice %arg2[%dma_start3A_322, %dma_start3A_323] : memref<20000x64xf32, #tpu.memory_space<hbm>> -> memref<20000x64xf32, #tpu.memory_space<hbm>>
    tpu.enqueue_indirect_dma source(%dma_start3A_324 : memref<20000x64xf32, #tpu.memory_space<hbm>>) target(%dma_start3A_318 : memref<128x64xf32, #tpu.memory_space<vmem>>) offsets(%dma_start3A_321 : memref<128xi32, #tpu.memory_space<vmem>>) semaphore(%arg12 : memref<!tpu.dma_semaphore, #tpu.memory_space<semaphore_mem>>)
    %get3A_325 = arith.constant 2 : i32
    %get3A_326 = arith.index_cast %get3A_325 : i32 to index
    %get3A_327 = arith.constant 0 : index
    %get3A_328 = tpu.vector_load %arg6[%get3A_326, %get3A_327] {strides = array<i32>} : memref<157x128xi32, #tpu.memory_space<vmem>>, vector<1x16xi32>,
    %get3A_329 = vector.shape_cast %get3A_328 : vector<1x16xi32> to vector<16xi32>
    %mul3A_330 = arith.constant 2 : i32
    %mul3A_331 = vector.broadcast %mul3A_330 : i32 to vector<16xi32>
    %mul3A_332 = arith.muli %get3A_329, %mul3A_331 : vector<16xi32>
    %add3A_333 = vector.broadcast %arg0 : i32 to vector<16xi32>
    %add3A_334 = arith.addi %mul3A_332, %add3A_333 : vector<16xi32>
    %swap3A_335 = arith.constant 2 : i32
    %swap3A_336 = arith.index_cast %swap3A_335 : i32 to index
    %swap3A_337 = arith.constant 0 : index
    %swap3A_338 = tpu.vector_load %arg9[%swap3A_336, %swap3A_337] {strides = array<i32>} : memref<4x128xi32, #tpu.memory_space<vmem>>, vector<1x16xi32>,
    %swap3A_339 = vector.shape_cast %swap3A_338 : vector<1x16xi32> to vector<16xi32>
    %swap3A_340 = vector.shape_cast %add3A_334 : vector<16xi32> to vector<1x16xi32>
    tpu.vector_store %arg9[%swap3A_336, %swap3A_337], %swap3A_340 {strides = array<i32>} : memref<4x128xi32, #tpu.memory_space<vmem>>, vector<1x16xi32>,
    %get3A_341 = arith.constant 2 : i32
    %get3A_342 = arith.index_cast %get3A_341 : i32 to index
    %get3A_343 = arith.constant 16 : index
    %get3A_344 = tpu.vector_load %arg6[%get3A_342, %get3A_343] {strides = array<i32>} : memref<157x128xi32, #tpu.memory_space<vmem>>, vector<1x16xi32>,
    %get3A_345 = vector.shape_cast %get3A_344 : vector<1x16xi32> to vector<16xi32>
    %mul3A_346 = arith.constant 2 : i32
    %mul3A_347 = vector.broadcast %mul3A_346 : i32 to vector<16xi32>
    %mul3A_348 = arith.muli %get3A_345, %mul3A_347 : vector<16xi32>
    %add3A_349 = vector.broadcast %arg0 : i32 to vector<16xi32>
    %add3A_350 = arith.addi %mul3A_348, %add3A_349 : vector<16xi32>
    %swap3A_351 = arith.constant 2 : i32
    %swap3A_352 = arith.index_cast %swap3A_351 : i32 to index
    %swap3A_353 = arith.constant 16 : index
    %swap3A_354 = tpu.vector_load %arg9[%swap3A_352, %swap3A_353] {strides = array<i32>} : memref<4x128xi32, #tpu.memory_space<vmem>>, vector<1x16xi32>,
    %swap3A_355 = vector.shape_cast %swap3A_354 : vector<1x16xi32> to vector<16xi32>
    %swap3A_356 = vector.shape_cast %add3A_350 : vector<16xi32> to vector<1x16xi32>
    tpu.vector_store %arg9[%swap3A_352, %swap3A_353], %swap3A_356 {strides = array<i32>} : memref<4x128xi32, #tpu.memory_space<vmem>>, vector<1x16xi32>,
    %get3A_357 = arith.constant 2 : i32
    %get3A_358 = arith.index_cast %get3A_357 : i32 to index
    %get3A_359 = arith.constant 32 : index
    %get3A_360 = tpu.vector_load %arg6[%get3A_358, %get3A_359] {strides = array<i32>} : memref<157x128xi32, #tpu.memory_space<vmem>>, vector<1x16xi32>,
    %get3A_361 = vector.shape_cast %get3A_360 : vector<1x16xi32> to vector<16xi32>
    %mul3A_362 = arith.constant 2 : i32
    %mul3A_363 = vector.broadcast %mul3A_362 : i32 to vector<16xi32>
    %mul3A_364 = arith.muli %get3A_361, %mul3A_363 : vector<16xi32>
    %add3A_365 = vector.broadcast %arg0 : i32 to vector<16xi32>
    %add3A_366 = arith.addi %mul3A_364, %add3A_365 : vector<16xi32>
    %swap3A_367 = arith.constant 2 : i32
    %swap3A_368 = arith.index_cast %swap3A_367 : i32 to index
    %swap3A_369 = arith.constant 32 : index
    %swap3A_370 = tpu.vector_load %arg9[%swap3A_368, %swap3A_369] {strides = array<i32>} : memref<4x128xi32, #tpu.memory_space<vmem>>, vector<1x16xi32>,
    %swap3A_371 = vector.shape_cast %swap3A_370 : vector<1x16xi32> to vector<16xi32>
    %swap3A_372 = vector.shape_cast %add3A_366 : vector<16xi32> to vector<1x16xi32>
    tpu.vector_store %arg9[%swap3A_368, %swap3A_369], %swap3A_372 {strides = array<i32>} : memref<4x128xi32, #tpu.memory_space<vmem>>, vector<1x16xi32>,
    %get3A_373 = arith.constant 2 : i32
    %get3A_374 = arith.index_cast %get3A_373 : i32 to index
    %get3A_375 = arith.constant 48 : index
    %get3A_376 = tpu.vector_load %arg6[%get3A_374, %get3A_375] {strides = array<i32>} : memref<157x128xi32, #tpu.memory_space<vmem>>, vector<1x16xi32>,
    %get3A_377 = vector.shape_cast %get3A_376 : vector<1x16xi32> to vector<16xi32>
    %mul3A_378 = arith.constant 2 : i32
    %mul3A_379 = vector.broadcast %mul3A_378 : i32 to vector<16xi32>
    %mul3A_380 = arith.muli %get3A_377, %mul3A_379 : vector<16xi32>
    %add3A_381 = vector.broadcast %arg0 : i32 to vector<16xi32>
    %add3A_382 = arith.addi %mul3A_380, %add3A_381 : vector<16xi32>
    %swap3A_383 = arith.constant 2 : i32
    %swap3A_384 = arith.index_cast %swap3A_383 : i32 to index
    %swap3A_385 = arith.constant 48 : index
    %swap3A_386 = tpu.vector_load %arg9[%swap3A_384, %swap3A_385] {strides = array<i32>} : memref<4x128xi32, #tpu.memory_space<vmem>>, vector<1x16xi32>,
    %swap3A_387 = vector.shape_cast %swap3A_386 : vector<1x16xi32> to vector<16xi32>
    %swap3A_388 = vector.shape_cast %add3A_382 : vector<16xi32> to vector<1x16xi32>
    tpu.vector_store %arg9[%swap3A_384, %swap3A_385], %swap3A_388 {strides = array<i32>} : memref<4x128xi32, #tpu.memory_space<vmem>>, vector<1x16xi32>,
    %get3A_389 = arith.constant 2 : i32
    %get3A_390 = arith.index_cast %get3A_389 : i32 to index
    %get3A_391 = arith.constant 64 : index
    %get3A_392 = tpu.vector_load %arg6[%get3A_390, %get3A_391] {strides = array<i32>} : memref<157x128xi32, #tpu.memory_space<vmem>>, vector<1x16xi32>,
    %get3A_393 = vector.shape_cast %get3A_392 : vector<1x16xi32> to vector<16xi32>
    %mul3A_394 = arith.constant 2 : i32
    %mul3A_395 = vector.broadcast %mul3A_394 : i32 to vector<16xi32>
    %mul3A_396 = arith.muli %get3A_393, %mul3A_395 : vector<16xi32>
    %add3A_397 = vector.broadcast %arg0 : i32 to vector<16xi32>
    %add3A_398 = arith.addi %mul3A_396, %add3A_397 : vector<16xi32>
    %swap3A_399 = arith.constant 2 : i32
    %swap3A_400 = arith.index_cast %swap3A_399 : i32 to index
    %swap3A_401 = arith.constant 64 : index
    %swap3A_402 = tpu.vector_load %arg9[%swap3A_400, %swap3A_401] {strides = array<i32>} : memref<4x128xi32, #tpu.memory_space<vmem>>, vector<1x16xi32>,
    %swap3A_403 = vector.shape_cast %swap3A_402 : vector<1x16xi32> to vector<16xi32>
    %swap3A_404 = vector.shape_cast %add3A_398 : vector<16xi32> to vector<1x16xi32>
    tpu.vector_store %arg9[%swap3A_400, %swap3A_401], %swap3A_404 {strides = array<i32>} : memref<4x128xi32, #tpu.memory_space<vmem>>, vector<1x16xi32>,
    %get3A_405 = arith.constant 2 : i32
    %get3A_406 = arith.index_cast %get3A_405 : i32 to index
    %get3A_407 = arith.constant 80 : index
    %get3A_408 = tpu.vector_load %arg6[%get3A_406, %get3A_407] {strides = array<i32>} : memref<157x128xi32, #tpu.memory_space<vmem>>, vector<1x16xi32>,
    %get3A_409 = vector.shape_cast %get3A_408 : vector<1x16xi32> to vector<16xi32>
    %mul3A_410 = arith.constant 2 : i32
    %mul3A_411 = vector.broadcast %mul3A_410 : i32 to vector<16xi32>
    %mul3A_412 = arith.muli %get3A_409, %mul3A_411 : vector<16xi32>
    %add3A_413 = vector.broadcast %arg0 : i32 to vector<16xi32>
    %add3A_414 = arith.addi %mul3A_412, %add3A_413 : vector<16xi32>
    %swap3A_415 = arith.constant 2 : i32
    %swap3A_416 = arith.index_cast %swap3A_415 : i32 to index
    %swap3A_417 = arith.constant 80 : index
    %swap3A_418 = tpu.vector_load %arg9[%swap3A_416, %swap3A_417] {strides = array<i32>} : memref<4x128xi32, #tpu.memory_space<vmem>>, vector<1x16xi32>,
    %swap3A_419 = vector.shape_cast %swap3A_418 : vector<1x16xi32> to vector<16xi32>
    %swap3A_420 = vector.shape_cast %add3A_414 : vector<16xi32> to vector<1x16xi32>
    tpu.vector_store %arg9[%swap3A_416, %swap3A_417], %swap3A_420 {strides = array<i32>} : memref<4x128xi32, #tpu.memory_space<vmem>>, vector<1x16xi32>,
    %get3A_421 = arith.constant 2 : i32
    %get3A_422 = arith.index_cast %get3A_421 : i32 to index
    %get3A_423 = arith.constant 96 : index
    %get3A_424 = tpu.vector_load %arg6[%get3A_422, %get3A_423] {strides = array<i32>} : memref<157x128xi32, #tpu.memory_space<vmem>>, vector<1x16xi32>,
    %get3A_425 = vector.shape_cast %get3A_424 : vector<1x16xi32> to vector<16xi32>
    %mul3A_426 = arith.constant 2 : i32
    %mul3A_427 = vector.broadcast %mul3A_426 : i32 to vector<16xi32>
    %mul3A_428 = arith.muli %get3A_425, %mul3A_427 : vector<16xi32>
    %add3A_429 = vector.broadcast %arg0 : i32 to vector<16xi32>
    %add3A_430 = arith.addi %mul3A_428, %add3A_429 : vector<16xi32>
    %swap3A_431 = arith.constant 2 : i32
    %swap3A_432 = arith.index_cast %swap3A_431 : i32 to index
    %swap3A_433 = arith.constant 96 : index
    %swap3A_434 = tpu.vector_load %arg9[%swap3A_432, %swap3A_433] {strides = array<i32>} : memref<4x128xi32, #tpu.memory_space<vmem>>, vector<1x16xi32>,
    %swap3A_435 = vector.shape_cast %swap3A_434 : vector<1x16xi32> to vector<16xi32>
    %swap3A_436 = vector.shape_cast %add3A_430 : vector<16xi32> to vector<1x16xi32>
    tpu.vector_store %arg9[%swap3A_432, %swap3A_433], %swap3A_436 {strides = array<i32>} : memref<4x128xi32, #tpu.memory_space<vmem>>, vector<1x16xi32>,
    %get3A_437 = arith.constant 2 : i32
    %get3A_438 = arith.index_cast %get3A_437 : i32 to index
    %get3A_439 = arith.constant 112 : index
    %get3A_440 = tpu.vector_load %arg6[%get3A_438, %get3A_439] {strides = array<i32>} : memref<157x128xi32, #tpu.memory_space<vmem>>, vector<1x16xi32>,
    %get3A_441 = vector.shape_cast %get3A_440 : vector<1x16xi32> to vector<16xi32>
    %mul3A_442 = arith.constant 2 : i32
    %mul3A_443 = vector.broadcast %mul3A_442 : i32 to vector<16xi32>
    %mul3A_444 = arith.muli %get3A_441, %mul3A_443 : vector<16xi32>
    %add3A_445 = vector.broadcast %arg0 : i32 to vector<16xi32>
    %add3A_446 = arith.addi %mul3A_444, %add3A_445 : vector<16xi32>
    %swap3A_447 = arith.constant 2 : i32
    %swap3A_448 = arith.index_cast %swap3A_447 : i32 to index
    %swap3A_449 = arith.constant 112 : index
    %swap3A_450 = tpu.vector_load %arg9[%swap3A_448, %swap3A_449] {strides = array<i32>} : memref<4x128xi32, #tpu.memory_space<vmem>>, vector<1x16xi32>,
    %swap3A_451 = vector.shape_cast %swap3A_450 : vector<1x16xi32> to vector<16xi32>
    %swap3A_452 = vector.shape_cast %add3A_446 : vector<16xi32> to vector<1x16xi32>
    tpu.vector_store %arg9[%swap3A_448, %swap3A_449], %swap3A_452 {strides = array<i32>} : memref<4x128xi32, #tpu.memory_space<vmem>>, vector<1x16xi32>,
    %dma_start3A_453 = arith.constant 2 : i32
    %dma_start3A_454 = arith.constant 2 : i32
    %dma_start3A_455 = arith.constant 0 : i32
    %dma_start3A_456 = arith.constant 0 : i32
    %dma_start3A_457 = tpu.memref_slice %arg8[%dma_start3A_454, %dma_start3A_455, %dma_start3A_456] : memref<4x128x64xf32, #tpu.memory_space<vmem>> -> memref<1x128x64xf32, #tpu.memory_space<vmem>>
    %dma_start3A_458 = tpu.memref_squeeze %dma_start3A_457 : memref<1x128x64xf32, #tpu.memory_space<vmem>> -> memref<128x64xf32, #tpu.memory_space<vmem>>
    %dma_start3A_459 = arith.constant 0 : i32
    %dma_start3A_460 = tpu.memref_slice %arg9[%dma_start3A_453, %dma_start3A_459] : memref<4x128xi32, #tpu.memory_space<vmem>> -> memref<1x128xi32, #tpu.memory_space<vmem>>
    %dma_start3A_461 = tpu.memref_squeeze %dma_start3A_460 : memref<1x128xi32, #tpu.memory_space<vmem>> -> memref<128xi32, #tpu.memory_space<vmem>>
    %dma_start3A_462 = arith.constant 0 : i32
    %dma_start3A_463 = arith.constant 0 : i32
    %dma_start3A_464 = tpu.memref_slice %arg2[%dma_start3A_462, %dma_start3A_463] : memref<20000x64xf32, #tpu.memory_space<hbm>> -> memref<20000x64xf32, #tpu.memory_space<hbm>>
    tpu.enqueue_indirect_dma source(%dma_start3A_464 : memref<20000x64xf32, #tpu.memory_space<hbm>>) target(%dma_start3A_458 : memref<128x64xf32, #tpu.memory_space<vmem>>) offsets(%dma_start3A_461 : memref<128xi32, #tpu.memory_space<vmem>>) semaphore(%arg13 : memref<!tpu.dma_semaphore, #tpu.memory_space<semaphore_mem>>)
    %get3A_465 = arith.constant 3 : i32
    %get3A_466 = arith.index_cast %get3A_465 : i32 to index
    %get3A_467 = arith.constant 0 : index
    %get3A_468 = tpu.vector_load %arg6[%get3A_466, %get3A_467] {strides = array<i32>} : memref<157x128xi32, #tpu.memory_space<vmem>>, vector<1x16xi32>,
    %get3A_469 = vector.shape_cast %get3A_468 : vector<1x16xi32> to vector<16xi32>
    %mul3A_470 = arith.constant 2 : i32
    %mul3A_471 = vector.broadcast %mul3A_470 : i32 to vector<16xi32>
    %mul3A_472 = arith.muli %get3A_469, %mul3A_471 : vector<16xi32>
    %add3A_473 = vector.broadcast %arg0 : i32 to vector<16xi32>
    %add3A_474 = arith.addi %mul3A_472, %add3A_473 : vector<16xi32>
    %swap3A_475 = arith.constant 3 : i32
    %swap3A_476 = arith.index_cast %swap3A_475 : i32 to index
    %swap3A_477 = arith.constant 0 : index
    %swap3A_478 = tpu.vector_load %arg9[%swap3A_476, %swap3A_477] {strides = array<i32>} : memref<4x128xi32, #tpu.memory_space<vmem>>, vector<1x16xi32>,
    %swap3A_479 = vector.shape_cast %swap3A_478 : vector<1x16xi32> to vector<16xi32>
    %swap3A_480 = vector.shape_cast %add3A_474 : vector<16xi32> to vector<1x16xi32>
    tpu.vector_store %arg9[%swap3A_476, %swap3A_477], %swap3A_480 {strides = array<i32>} : memref<4x128xi32, #tpu.memory_space<vmem>>, vector<1x16xi32>,
    %get3A_481 = arith.constant 3 : i32
    %get3A_482 = arith.index_cast %get3A_481 : i32 to index
    %get3A_483 = arith.constant 16 : index
    %get3A_484 = tpu.vector_load %arg6[%get3A_482, %get3A_483] {strides = array<i32>} : memref<157x128xi32, #tpu.memory_space<vmem>>, vector<1x16xi32>,
    %get3A_485 = vector.shape_cast %get3A_484 : vector<1x16xi32> to vector<16xi32>
    %mul3A_486 = arith.constant 2 : i32
    %mul3A_487 = vector.broadcast %mul3A_486 : i32 to vector<16xi32>
    %mul3A_488 = arith.muli %get3A_485, %mul3A_487 : vector<16xi32>
    %add3A_489 = vector.broadcast %arg0 : i32 to vector<16xi32>
    %add3A_490 = arith.addi %mul3A_488, %add3A_489 : vector<16xi32>
    %swap3A_491 = arith.constant 3 : i32
    %swap3A_492 = arith.index_cast %swap3A_491 : i32 to index
    %swap3A_493 = arith.constant 16 : index
    %swap3A_494 = tpu.vector_load %arg9[%swap3A_492, %swap3A_493] {strides = array<i32>} : memref<4x128xi32, #tpu.memory_space<vmem>>, vector<1x16xi32>,
    %swap3A_495 = vector.shape_cast %swap3A_494 : vector<1x16xi32> to vector<16xi32>
    %swap3A_496 = vector.shape_cast %add3A_490 : vector<16xi32> to vector<1x16xi32>
    tpu.vector_store %arg9[%swap3A_492, %swap3A_493], %swap3A_496 {strides = array<i32>} : memref<4x128xi32, #tpu.memory_space<vmem>>, vector<1x16xi32>,
    %get3A_497 = arith.constant 3 : i32
    %get3A_498 = arith.index_cast %get3A_497 : i32 to index
    %get3A_499 = arith.constant 32 : index
    %get3A_500 = tpu.vector_load %arg6[%get3A_498, %get3A_499] {strides = array<i32>} : memref<157x128xi32, #tpu.memory_space<vmem>>, vector<1x16xi32>,
    %get3A_501 = vector.shape_cast %get3A_500 : vector<1x16xi32> to vector<16xi32>
    %mul3A_502 = arith.constant 2 : i32
    %mul3A_503 = vector.broadcast %mul3A_502 : i32 to vector<16xi32>
    %mul3A_504 = arith.muli %get3A_501, %mul3A_503 : vector<16xi32>
    %add3A_505 = vector.broadcast %arg0 : i32 to vector<16xi32>
    %add3A_506 = arith.addi %mul3A_504, %add3A_505 : vector<16xi32>
    %swap3A_507 = arith.constant 3 : i32
    %swap3A_508 = arith.index_cast %swap3A_507 : i32 to index
    %swap3A_509 = arith.constant 32 : index
    %swap3A_510 = tpu.vector_load %arg9[%swap3A_508, %swap3A_509] {strides = array<i32>} : memref<4x128xi32, #tpu.memory_space<vmem>>, vector<1x16xi32>,
    %swap3A_511 = vector.shape_cast %swap3A_510 : vector<1x16xi32> to vector<16xi32>
    %swap3A_512 = vector.shape_cast %add3A_506 : vector<16xi32> to vector<1x16xi32>
    tpu.vector_store %arg9[%swap3A_508, %swap3A_509], %swap3A_512 {strides = array<i32>} : memref<4x128xi32, #tpu.memory_space<vmem>>, vector<1x16xi32>,
    %get3A_513 = arith.constant 3 : i32
    %get3A_514 = arith.index_cast %get3A_513 : i32 to index
    %get3A_515 = arith.constant 48 : index
    %get3A_516 = tpu.vector_load %arg6[%get3A_514, %get3A_515] {strides = array<i32>} : memref<157x128xi32, #tpu.memory_space<vmem>>, vector<1x16xi32>,
    %get3A_517 = vector.shape_cast %get3A_516 : vector<1x16xi32> to vector<16xi32>
    %mul3A_518 = arith.constant 2 : i32
    %mul3A_519 = vector.broadcast %mul3A_518 : i32 to vector<16xi32>
    %mul3A_520 = arith.muli %get3A_517, %mul3A_519 : vector<16xi32>
    %add3A_521 = vector.broadcast %arg0 : i32 to vector<16xi32>
    %add3A_522 = arith.addi %mul3A_520, %add3A_521 : vector<16xi32>
    %swap3A_523 = arith.constant 3 : i32
    %swap3A_524 = arith.index_cast %swap3A_523 : i32 to index
    %swap3A_525 = arith.constant 48 : index
    %swap3A_526 = tpu.vector_load %arg9[%swap3A_524, %swap3A_525] {strides = array<i32>} : memref<4x128xi32, #tpu.memory_space<vmem>>, vector<1x16xi32>,
    %swap3A_527 = vector.shape_cast %swap3A_526 : vector<1x16xi32> to vector<16xi32>
    %swap3A_528 = vector.shape_cast %add3A_522 : vector<16xi32> to vector<1x16xi32>
    tpu.vector_store %arg9[%swap3A_524, %swap3A_525], %swap3A_528 {strides = array<i32>} : memref<4x128xi32, #tpu.memory_space<vmem>>, vector<1x16xi32>,
    %get3A_529 = arith.constant 3 : i32
    %get3A_530 = arith.index_cast %get3A_529 : i32 to index
    %get3A_531 = arith.constant 64 : index
    %get3A_532 = tpu.vector_load %arg6[%get3A_530, %get3A_531] {strides = array<i32>} : memref<157x128xi32, #tpu.memory_space<vmem>>, vector<1x16xi32>,
    %get3A_533 = vector.shape_cast %get3A_532 : vector<1x16xi32> to vector<16xi32>
    %mul3A_534 = arith.constant 2 : i32
    %mul3A_535 = vector.broadcast %mul3A_534 : i32 to vector<16xi32>
    %mul3A_536 = arith.muli %get3A_533, %mul3A_535 : vector<16xi32>
    %add3A_537 = vector.broadcast %arg0 : i32 to vector<16xi32>
    %add3A_538 = arith.addi %mul3A_536, %add3A_537 : vector<16xi32>
    %swap3A_539 = arith.constant 3 : i32
    %swap3A_540 = arith.index_cast %swap3A_539 : i32 to index
    %swap3A_541 = arith.constant 64 : index
    %swap3A_542 = tpu.vector_load %arg9[%swap3A_540, %swap3A_541] {strides = array<i32>} : memref<4x128xi32, #tpu.memory_space<vmem>>, vector<1x16xi32>,
    %swap3A_543 = vector.shape_cast %swap3A_542 : vector<1x16xi32> to vector<16xi32>
    %swap3A_544 = vector.shape_cast %add3A_538 : vector<16xi32> to vector<1x16xi32>
    tpu.vector_store %arg9[%swap3A_540, %swap3A_541], %swap3A_544 {strides = array<i32>} : memref<4x128xi32, #tpu.memory_space<vmem>>, vector<1x16xi32>,
    %get3A_545 = arith.constant 3 : i32
    %get3A_546 = arith.index_cast %get3A_545 : i32 to index
    %get3A_547 = arith.constant 80 : index
    %get3A_548 = tpu.vector_load %arg6[%get3A_546, %get3A_547] {strides = array<i32>} : memref<157x128xi32, #tpu.memory_space<vmem>>, vector<1x16xi32>,
    %get3A_549 = vector.shape_cast %get3A_548 : vector<1x16xi32> to vector<16xi32>
    %mul3A_550 = arith.constant 2 : i32
    %mul3A_551 = vector.broadcast %mul3A_550 : i32 to vector<16xi32>
    %mul3A_552 = arith.muli %get3A_549, %mul3A_551 : vector<16xi32>
    %add3A_553 = vector.broadcast %arg0 : i32 to vector<16xi32>
    %add3A_554 = arith.addi %mul3A_552, %add3A_553 : vector<16xi32>
    %swap3A_555 = arith.constant 3 : i32
    %swap3A_556 = arith.index_cast %swap3A_555 : i32 to index
    %swap3A_557 = arith.constant 80 : index
    %swap3A_558 = tpu.vector_load %arg9[%swap3A_556, %swap3A_557] {strides = array<i32>} : memref<4x128xi32, #tpu.memory_space<vmem>>, vector<1x16xi32>,
    %swap3A_559 = vector.shape_cast %swap3A_558 : vector<1x16xi32> to vector<16xi32>
    %swap3A_560 = vector.shape_cast %add3A_554 : vector<16xi32> to vector<1x16xi32>
    tpu.vector_store %arg9[%swap3A_556, %swap3A_557], %swap3A_560 {strides = array<i32>} : memref<4x128xi32, #tpu.memory_space<vmem>>, vector<1x16xi32>,
    %get3A_561 = arith.constant 3 : i32
    %get3A_562 = arith.index_cast %get3A_561 : i32 to index
    %get3A_563 = arith.constant 96 : index
    %get3A_564 = tpu.vector_load %arg6[%get3A_562, %get3A_563] {strides = array<i32>} : memref<157x128xi32, #tpu.memory_space<vmem>>, vector<1x16xi32>,
    %get3A_565 = vector.shape_cast %get3A_564 : vector<1x16xi32> to vector<16xi32>
    %mul3A_566 = arith.constant 2 : i32
    %mul3A_567 = vector.broadcast %mul3A_566 : i32 to vector<16xi32>
    %mul3A_568 = arith.muli %get3A_565, %mul3A_567 : vector<16xi32>
    %add3A_569 = vector.broadcast %arg0 : i32 to vector<16xi32>
    %add3A_570 = arith.addi %mul3A_568, %add3A_569 : vector<16xi32>
    %swap3A_571 = arith.constant 3 : i32
    %swap3A_572 = arith.index_cast %swap3A_571 : i32 to index
    %swap3A_573 = arith.constant 96 : index
    %swap3A_574 = tpu.vector_load %arg9[%swap3A_572, %swap3A_573] {strides = array<i32>} : memref<4x128xi32, #tpu.memory_space<vmem>>, vector<1x16xi32>,
    %swap3A_575 = vector.shape_cast %swap3A_574 : vector<1x16xi32> to vector<16xi32>
    %swap3A_576 = vector.shape_cast %add3A_570 : vector<16xi32> to vector<1x16xi32>
    tpu.vector_store %arg9[%swap3A_572, %swap3A_573], %swap3A_576 {strides = array<i32>} : memref<4x128xi32, #tpu.memory_space<vmem>>, vector<1x16xi32>,
    %get3A_577 = arith.constant 3 : i32
    %get3A_578 = arith.index_cast %get3A_577 : i32 to index
    %get3A_579 = arith.constant 112 : index
    %get3A_580 = tpu.vector_load %arg6[%get3A_578, %get3A_579] {strides = array<i32>} : memref<157x128xi32, #tpu.memory_space<vmem>>, vector<1x16xi32>,
    %get3A_581 = vector.shape_cast %get3A_580 : vector<1x16xi32> to vector<16xi32>
    %mul3A_582 = arith.constant 2 : i32
    %mul3A_583 = vector.broadcast %mul3A_582 : i32 to vector<16xi32>
    %mul3A_584 = arith.muli %get3A_581, %mul3A_583 : vector<16xi32>
    %add3A_585 = vector.broadcast %arg0 : i32 to vector<16xi32>
    %add3A_586 = arith.addi %mul3A_584, %add3A_585 : vector<16xi32>
    %swap3A_587 = arith.constant 3 : i32
    %swap3A_588 = arith.index_cast %swap3A_587 : i32 to index
    %swap3A_589 = arith.constant 112 : index
    %swap3A_590 = tpu.vector_load %arg9[%swap3A_588, %swap3A_589] {strides = array<i32>} : memref<4x128xi32, #tpu.memory_space<vmem>>, vector<1x16xi32>,
    %swap3A_591 = vector.shape_cast %swap3A_590 : vector<1x16xi32> to vector<16xi32>
    %swap3A_592 = vector.shape_cast %add3A_586 : vector<16xi32> to vector<1x16xi32>
    tpu.vector_store %arg9[%swap3A_588, %swap3A_589], %swap3A_592 {strides = array<i32>} : memref<4x128xi32, #tpu.memory_space<vmem>>, vector<1x16xi32>,
    %dma_start3A_593 = arith.constant 3 : i32
    %dma_start3A_594 = arith.constant 3 : i32
    %dma_start3A_595 = arith.constant 0 : i32
    %dma_start3A_596 = arith.constant 0 : i32
    %dma_start3A_597 = tpu.memref_slice %arg8[%dma_start3A_594, %dma_start3A_595, %dma_start3A_596] : memref<4x128x64xf32, #tpu.memory_space<vmem>> -> memref<1x128x64xf32, #tpu.memory_space<vmem>>
    %dma_start3A_598 = tpu.memref_squeeze %dma_start3A_597 : memref<1x128x64xf32, #tpu.memory_space<vmem>> -> memref<128x64xf32, #tpu.memory_space<vmem>>
    %dma_start3A_599 = arith.constant 0 : i32
    %dma_start3A_600 = tpu.memref_slice %arg9[%dma_start3A_593, %dma_start3A_599] : memref<4x128xi32, #tpu.memory_space<vmem>> -> memref<1x128xi32, #tpu.memory_space<vmem>>
    %dma_start3A_601 = tpu.memref_squeeze %dma_start3A_600 : memref<1x128xi32, #tpu.memory_space<vmem>> -> memref<128xi32, #tpu.memory_space<vmem>>
    %dma_start3A_602 = arith.constant 0 : i32
    %dma_start3A_603 = arith.constant 0 : i32
    %dma_start3A_604 = tpu.memref_slice %arg2[%dma_start3A_602, %dma_start3A_603] : memref<20000x64xf32, #tpu.memory_space<hbm>> -> memref<20000x64xf32, #tpu.memory_space<hbm>>
    tpu.enqueue_indirect_dma source(%dma_start3A_604 : memref<20000x64xf32, #tpu.memory_space<hbm>>) target(%dma_start3A_598 : memref<128x64xf32, #tpu.memory_space<vmem>>) offsets(%dma_start3A_601 : memref<128xi32, #tpu.memory_space<vmem>>) semaphore(%arg14 : memref<!tpu.dma_semaphore, #tpu.memory_space<semaphore_mem>>)
    %scan3A_605 = arith.constant 0 : i32
    %scan3A_606 = arith.constant 0 : i32
    %scan3A_607 = arith.constant 40 : i32
    %scan3A_608 = arith.addi %scan3A_606, %scan3A_607 : i32
    %scan3A_609 = arith.constant 1 : i32
    %scan3A_610 = scf.for %scan3A_706 = %scan3A_606 to %scan3A_608 step %scan3A_609 iter_args(%scan3A_707 = %scan3A_605) -> (i32)  : i32 {
      %mul3A_708 = arith.constant 4 : i32
      %mul3A_709 = arith.muli %scan3A_706, %mul3A_708 : i32
      %add3A_710 = arith.constant 0 : i32
      %add3A_711 = arith.addi %mul3A_709, %add3A_710 : i32
      %lt3A_712 = arith.cmpi slt, %add3A_711, %add3A_39 : i32
      %convert_element_type3A_713 = arith.extui %lt3A_712 : i1 to i32
      %cond3A_714 = arith.constant 0 : i32
      %cond3A_715 = arith.cmpi ne, %convert_element_type3A_713, %cond3A_714 : i32
      scf.if %cond3A_715 {
        %dma_wait3A = arith.constant 0 : i32
        %dma_wait3A_735 = arith.constant 0 : i32
        %dma_wait3A_736 = arith.constant 0 : i32
        %dma_wait3A_737 = arith.constant 0 : i32
        %dma_wait3A_738 = tpu.memref_slice %arg8[%dma_wait3A_735, %dma_wait3A_736, %dma_wait3A_737] : memref<4x128x64xf32, #tpu.memory_space<vmem>> -> memref<1x128x64xf32, #tpu.memory_space<vmem>>
        %dma_wait3A_739 = tpu.memref_squeeze %dma_wait3A_738 : memref<1x128x64xf32, #tpu.memory_space<vmem>> -> memref<128x64xf32, #tpu.memory_space<vmem>>
        %dma_wait3A_740 = arith.constant 0 : i32
        %dma_wait3A_741 = tpu.memref_slice %arg9[%dma_wait3A, %dma_wait3A_740] : memref<4x128xi32, #tpu.memory_space<vmem>> -> memref<1x128xi32, #tpu.memory_space<vmem>>
        %dma_wait3A_742 = tpu.memref_squeeze %dma_wait3A_741 : memref<1x128xi32, #tpu.memory_space<vmem>> -> memref<128xi32, #tpu.memory_space<vmem>>
        %dma_wait3A_743 = arith.constant 0 : i32
        %dma_wait3A_744 = arith.constant 0 : i32
        %dma_wait3A_745 = tpu.memref_slice %arg2[%dma_wait3A_743, %dma_wait3A_744] : memref<20000x64xf32, #tpu.memory_space<hbm>> -> memref<20000x64xf32, #tpu.memory_space<hbm>>
        tpu.wait_indirect_dma semaphore(%arg11 : memref<!tpu.dma_semaphore, #tpu.memory_space<semaphore_mem>>) src(%dma_wait3A_745 : memref<20000x64xf32, #tpu.memory_space<hbm>>) dst(%dma_wait3A_739 : memref<128x64xf32, #tpu.memory_space<vmem>>)
        %ge3A = arith.constant 1 : i32
        %ge3A_746 = arith.cmpi sge, %add3A_711, %ge3A : i32
        %convert_element_type3A_747 = arith.extui %ge3A_746 : i1 to i32
        %cond3A_748 = arith.constant 0 : i32
        %cond3A_749 = arith.cmpi ne, %convert_element_type3A_747, %cond3A_748 : i32
        scf.if %cond3A_749 {
          %sub3A_761 = arith.constant 1 : i32
          %sub3A_762 = arith.subi %add3A_711, %sub3A_761 : i32
          %dma_wait3A_763 = arith.constant 3 : i32
          %dma_wait3A_764 = arith.constant 0 : i32
          %dma_wait3A_765 = arith.constant 0 : i32
          %dma_wait3A_766 = tpu.memref_slice %arg8[%dma_wait3A_763, %dma_wait3A_764, %dma_wait3A_765] : memref<4x128x64xf32, #tpu.memory_space<vmem>> -> memref<1x128x64xf32, #tpu.memory_space<vmem>>
          %dma_wait3A_767 = tpu.memref_squeeze %dma_wait3A_766 : memref<1x128x64xf32, #tpu.memory_space<vmem>> -> memref<128x64xf32, #tpu.memory_space<vmem>>
          %dma_wait3A_768 = arith.constant 0 : i32
          %dma_wait3A_769 = tpu.memref_slice %arg7[%sub3A_762, %dma_wait3A_768] : memref<157x128xi32, #tpu.memory_space<vmem>> -> memref<1x128xi32, #tpu.memory_space<vmem>>
          %dma_wait3A_770 = tpu.memref_squeeze %dma_wait3A_769 : memref<1x128xi32, #tpu.memory_space<vmem>> -> memref<128xi32, #tpu.memory_space<vmem>>
          %dma_wait3A_771 = arith.constant 0 : i32
          %dma_wait3A_772 = arith.constant 0 : i32
          %dma_wait3A_773 = tpu.memref_slice %arg5[%dma_wait3A_771, %dma_wait3A_772] : memref<10000x64xf32, #tpu.memory_space<vmem_shared>> -> memref<10000x64xf32, #tpu.memory_space<vmem_shared>>
          tpu.wait_indirect_dma semaphore(%arg18 : memref<!tpu.dma_semaphore, #tpu.memory_space<semaphore_mem>>) src(%dma_wait3A_767 : memref<128x64xf32, #tpu.memory_space<vmem>>) dst(%dma_wait3A_773 : memref<10000x64xf32, #tpu.memory_space<vmem_shared>>)
          %sub3A_774 = arith.constant 1 : i32
          %sub3A_775 = arith.subi %add3A_711, %sub3A_774 : i32
          %add3A_776 = arith.constant 4 : i32
          %add3A_777 = arith.addi %sub3A_775, %add3A_776 : i32
          %lt3A_778 = arith.cmpi slt, %add3A_777, %add3A_39 : i32
          %convert_element_type3A_779 = arith.extui %lt3A_778 : i1 to i32
          %cond3A_780 = arith.constant 0 : i32
          %cond3A_781 = arith.cmpi ne, %convert_element_type3A_779, %cond3A_780 : i32
          scf.if %cond3A_781 {
            %sub3A_782 = arith.constant 1 : i32
            %sub3A_783 = arith.subi %add3A_711, %sub3A_782 : i32
            %add3A_784 = arith.constant 4 : i32
            %add3A_785 = arith.addi %sub3A_783, %add3A_784 : i32
            %get3A_786 = arith.index_cast %add3A_785 : i32 to index
            %get3A_787 = arith.constant 0 : index
            %get3A_788 = tpu.vector_load %arg6[%get3A_786, %get3A_787] {strides = array<i32>} : memref<157x128xi32, #tpu.memory_space<vmem>>, vector<1x16xi32>,
            %get3A_789 = vector.shape_cast %get3A_788 : vector<1x16xi32> to vector<16xi32>
            %mul3A_790 = arith.constant 2 : i32
            %mul3A_791 = vector.broadcast %mul3A_790 : i32 to vector<16xi32>
            %mul3A_792 = arith.muli %get3A_789, %mul3A_791 : vector<16xi32>
            %add3A_793 = vector.broadcast %arg0 : i32 to vector<16xi32>
            %add3A_794 = arith.addi %mul3A_792, %add3A_793 : vector<16xi32>
            %swap3A_795 = arith.constant 3 : i32
            %swap3A_796 = arith.index_cast %swap3A_795 : i32 to index
            %swap3A_797 = arith.constant 0 : index
            %swap3A_798 = tpu.vector_load %arg9[%swap3A_796, %swap3A_797] {strides = array<i32>} : memref<4x128xi32, #tpu.memory_space<vmem>>, vector<1x16xi32>,
            %swap3A_799 = vector.shape_cast %swap3A_798 : vector<1x16xi32> to vector<16xi32>
            %swap3A_800 = vector.shape_cast %add3A_794 : vector<16xi32> to vector<1x16xi32>
            tpu.vector_store %arg9[%swap3A_796, %swap3A_797], %swap3A_800 {strides = array<i32>} : memref<4x128xi32, #tpu.memory_space<vmem>>, vector<1x16xi32>,
            %get3A_801 = arith.index_cast %add3A_785 : i32 to index
            %get3A_802 = arith.constant 16 : index
            %get3A_803 = tpu.vector_load %arg6[%get3A_801, %get3A_802] {strides = array<i32>} : memref<157x128xi32, #tpu.memory_space<vmem>>, vector<1x16xi32>,
            %get3A_804 = vector.shape_cast %get3A_803 : vector<1x16xi32> to vector<16xi32>
            %mul3A_805 = arith.constant 2 : i32
            %mul3A_806 = vector.broadcast %mul3A_805 : i32 to vector<16xi32>
            %mul3A_807 = arith.muli %get3A_804, %mul3A_806 : vector<16xi32>
            %add3A_808 = vector.broadcast %arg0 : i32 to vector<16xi32>
            %add3A_809 = arith.addi %mul3A_807, %add3A_808 : vector<16xi32>
            %swap3A_810 = arith.constant 3 : i32
            %swap3A_811 = arith.index_cast %swap3A_810 : i32 to index
            %swap3A_812 = arith.constant 16 : index
            %swap3A_813 = tpu.vector_load %arg9[%swap3A_811, %swap3A_812] {strides = array<i32>} : memref<4x128xi32, #tpu.memory_space<vmem>>, vector<1x16xi32>,
            %swap3A_814 = vector.shape_cast %swap3A_813 : vector<1x16xi32> to vector<16xi32>
            %swap3A_815 = vector.shape_cast %add3A_809 : vector<16xi32> to vector<1x16xi32>
            tpu.vector_store %arg9[%swap3A_811, %swap3A_812], %swap3A_815 {strides = array<i32>} : memref<4x128xi32, #tpu.memory_space<vmem>>, vector<1x16xi32>,
            %get3A_816 = arith.index_cast %add3A_785 : i32 to index
            %get3A_817 = arith.constant 32 : index
            %get3A_818 = tpu.vector_load %arg6[%get3A_816, %get3A_817] {strides = array<i32>} : memref<157x128xi32, #tpu.memory_space<vmem>>, vector<1x16xi32>,
            %get3A_819 = vector.shape_cast %get3A_818 : vector<1x16xi32> to vector<16xi32>
            %mul3A_820 = arith.constant 2 : i32
            %mul3A_821 = vector.broadcast %mul3A_820 : i32 to vector<16xi32>
            %mul3A_822 = arith.muli %get3A_819, %mul3A_821 : vector<16xi32>
            %add3A_823 = vector.broadcast %arg0 : i32 to vector<16xi32>
            %add3A_824 = arith.addi %mul3A_822, %add3A_823 : vector<16xi32>
            %swap3A_825 = arith.constant 3 : i32
            %swap3A_826 = arith.index_cast %swap3A_825 : i32 to index
            %swap3A_827 = arith.constant 32 : index
            %swap3A_828 = tpu.vector_load %arg9[%swap3A_826, %swap3A_827] {strides = array<i32>} : memref<4x128xi32, #tpu.memory_space<vmem>>, vector<1x16xi32>,
            %swap3A_829 = vector.shape_cast %swap3A_828 : vector<1x16xi32> to vector<16xi32>
            %swap3A_830 = vector.shape_cast %add3A_824 : vector<16xi32> to vector<1x16xi32>
            tpu.vector_store %arg9[%swap3A_826, %swap3A_827], %swap3A_830 {strides = array<i32>} : memref<4x128xi32, #tpu.memory_space<vmem>>, vector<1x16xi32>,
            %get3A_831 = arith.index_cast %add3A_785 : i32 to index
            %get3A_832 = arith.constant 48 : index
            %get3A_833 = tpu.vector_load %arg6[%get3A_831, %get3A_832] {strides = array<i32>} : memref<157x128xi32, #tpu.memory_space<vmem>>, vector<1x16xi32>,
            %get3A_834 = vector.shape_cast %get3A_833 : vector<1x16xi32> to vector<16xi32>
            %mul3A_835 = arith.constant 2 : i32
            %mul3A_836 = vector.broadcast %mul3A_835 : i32 to vector<16xi32>
            %mul3A_837 = arith.muli %get3A_834, %mul3A_836 : vector<16xi32>
            %add3A_838 = vector.broadcast %arg0 : i32 to vector<16xi32>
            %add3A_839 = arith.addi %mul3A_837, %add3A_838 : vector<16xi32>
            %swap3A_840 = arith.constant 3 : i32
            %swap3A_841 = arith.index_cast %swap3A_840 : i32 to index
            %swap3A_842 = arith.constant 48 : index
            %swap3A_843 = tpu.vector_load %arg9[%swap3A_841, %swap3A_842] {strides = array<i32>} : memref<4x128xi32, #tpu.memory_space<vmem>>, vector<1x16xi32>,
            %swap3A_844 = vector.shape_cast %swap3A_843 : vector<1x16xi32> to vector<16xi32>
            %swap3A_845 = vector.shape_cast %add3A_839 : vector<16xi32> to vector<1x16xi32>
            tpu.vector_store %arg9[%swap3A_841, %swap3A_842], %swap3A_845 {strides = array<i32>} : memref<4x128xi32, #tpu.memory_space<vmem>>, vector<1x16xi32>,
            %get3A_846 = arith.index_cast %add3A_785 : i32 to index
            %get3A_847 = arith.constant 64 : index
            %get3A_848 = tpu.vector_load %arg6[%get3A_846, %get3A_847] {strides = array<i32>} : memref<157x128xi32, #tpu.memory_space<vmem>>, vector<1x16xi32>,
            %get3A_849 = vector.shape_cast %get3A_848 : vector<1x16xi32> to vector<16xi32>
            %mul3A_850 = arith.constant 2 : i32
            %mul3A_851 = vector.broadcast %mul3A_850 : i32 to vector<16xi32>
            %mul3A_852 = arith.muli %get3A_849, %mul3A_851 : vector<16xi32>
            %add3A_853 = vector.broadcast %arg0 : i32 to vector<16xi32>
            %add3A_854 = arith.addi %mul3A_852, %add3A_853 : vector<16xi32>
            %swap3A_855 = arith.constant 3 : i32
            %swap3A_856 = arith.index_cast %swap3A_855 : i32 to index
            %swap3A_857 = arith.constant 64 : index
            %swap3A_858 = tpu.vector_load %arg9[%swap3A_856, %swap3A_857] {strides = array<i32>} : memref<4x128xi32, #tpu.memory_space<vmem>>, vector<1x16xi32>,
            %swap3A_859 = vector.shape_cast %swap3A_858 : vector<1x16xi32> to vector<16xi32>
            %swap3A_860 = vector.shape_cast %add3A_854 : vector<16xi32> to vector<1x16xi32>
            tpu.vector_store %arg9[%swap3A_856, %swap3A_857], %swap3A_860 {strides = array<i32>} : memref<4x128xi32, #tpu.memory_space<vmem>>, vector<1x16xi32>,
            %get3A_861 = arith.index_cast %add3A_785 : i32 to index
            %get3A_862 = arith.constant 80 : index
            %get3A_863 = tpu.vector_load %arg6[%get3A_861, %get3A_862] {strides = array<i32>} : memref<157x128xi32, #tpu.memory_space<vmem>>, vector<1x16xi32>,
            %get3A_864 = vector.shape_cast %get3A_863 : vector<1x16xi32> to vector<16xi32>
            %mul3A_865 = arith.constant 2 : i32
            %mul3A_866 = vector.broadcast %mul3A_865 : i32 to vector<16xi32>
            %mul3A_867 = arith.muli %get3A_864, %mul3A_866 : vector<16xi32>
            %add3A_868 = vector.broadcast %arg0 : i32 to vector<16xi32>
            %add3A_869 = arith.addi %mul3A_867, %add3A_868 : vector<16xi32>
            %swap3A_870 = arith.constant 3 : i32
            %swap3A_871 = arith.index_cast %swap3A_870 : i32 to index
            %swap3A_872 = arith.constant 80 : index
            %swap3A_873 = tpu.vector_load %arg9[%swap3A_871, %swap3A_872] {strides = array<i32>} : memref<4x128xi32, #tpu.memory_space<vmem>>, vector<1x16xi32>,
            %swap3A_874 = vector.shape_cast %swap3A_873 : vector<1x16xi32> to vector<16xi32>
            %swap3A_875 = vector.shape_cast %add3A_869 : vector<16xi32> to vector<1x16xi32>
            tpu.vector_store %arg9[%swap3A_871, %swap3A_872], %swap3A_875 {strides = array<i32>} : memref<4x128xi32, #tpu.memory_space<vmem>>, vector<1x16xi32>,
            %get3A_876 = arith.index_cast %add3A_785 : i32 to index
            %get3A_877 = arith.constant 96 : index
            %get3A_878 = tpu.vector_load %arg6[%get3A_876, %get3A_877] {strides = array<i32>} : memref<157x128xi32, #tpu.memory_space<vmem>>, vector<1x16xi32>,
            %get3A_879 = vector.shape_cast %get3A_878 : vector<1x16xi32> to vector<16xi32>
            %mul3A_880 = arith.constant 2 : i32
            %mul3A_881 = vector.broadcast %mul3A_880 : i32 to vector<16xi32>
            %mul3A_882 = arith.muli %get3A_879, %mul3A_881 : vector<16xi32>
            %add3A_883 = vector.broadcast %arg0 : i32 to vector<16xi32>
            %add3A_884 = arith.addi %mul3A_882, %add3A_883 : vector<16xi32>
            %swap3A_885 = arith.constant 3 : i32
            %swap3A_886 = arith.index_cast %swap3A_885 : i32 to index
            %swap3A_887 = arith.constant 96 : index
            %swap3A_888 = tpu.vector_load %arg9[%swap3A_886, %swap3A_887] {strides = array<i32>} : memref<4x128xi32, #tpu.memory_space<vmem>>, vector<1x16xi32>,
            %swap3A_889 = vector.shape_cast %swap3A_888 : vector<1x16xi32> to vector<16xi32>
            %swap3A_890 = vector.shape_cast %add3A_884 : vector<16xi32> to vector<1x16xi32>
            tpu.vector_store %arg9[%swap3A_886, %swap3A_887], %swap3A_890 {strides = array<i32>} : memref<4x128xi32, #tpu.memory_space<vmem>>, vector<1x16xi32>,
            %get3A_891 = arith.index_cast %add3A_785 : i32 to index
            %get3A_892 = arith.constant 112 : index
            %get3A_893 = tpu.vector_load %arg6[%get3A_891, %get3A_892] {strides = array<i32>} : memref<157x128xi32, #tpu.memory_space<vmem>>, vector<1x16xi32>,
            %get3A_894 = vector.shape_cast %get3A_893 : vector<1x16xi32> to vector<16xi32>
            %mul3A_895 = arith.constant 2 : i32
            %mul3A_896 = vector.broadcast %mul3A_895 : i32 to vector<16xi32>
            %mul3A_897 = arith.muli %get3A_894, %mul3A_896 : vector<16xi32>
            %add3A_898 = vector.broadcast %arg0 : i32 to vector<16xi32>
            %add3A_899 = arith.addi %mul3A_897, %add3A_898 : vector<16xi32>
            %swap3A_900 = arith.constant 3 : i32
            %swap3A_901 = arith.index_cast %swap3A_900 : i32 to index
            %swap3A_902 = arith.constant 112 : index
            %swap3A_903 = tpu.vector_load %arg9[%swap3A_901, %swap3A_902] {strides = array<i32>} : memref<4x128xi32, #tpu.memory_space<vmem>>, vector<1x16xi32>,
            %swap3A_904 = vector.shape_cast %swap3A_903 : vector<1x16xi32> to vector<16xi32>
            %swap3A_905 = vector.shape_cast %add3A_899 : vector<16xi32> to vector<1x16xi32>
            tpu.vector_store %arg9[%swap3A_901, %swap3A_902], %swap3A_905 {strides = array<i32>} : memref<4x128xi32, #tpu.memory_space<vmem>>, vector<1x16xi32>,
            %dma_start3A_906 = arith.constant 3 : i32
            %dma_start3A_907 = arith.constant 3 : i32
            %dma_start3A_908 = arith.constant 0 : i32
            %dma_start3A_909 = arith.constant 0 : i32
            %dma_start3A_910 = tpu.memref_slice %arg8[%dma_start3A_907, %dma_start3A_908, %dma_start3A_909] : memref<4x128x64xf32, #tpu.memory_space<vmem>> -> memref<1x128x64xf32, #tpu.memory_space<vmem>>
            %dma_start3A_911 = tpu.memref_squeeze %dma_start3A_910 : memref<1x128x64xf32, #tpu.memory_space<vmem>> -> memref<128x64xf32, #tpu.memory_space<vmem>>
            %dma_start3A_912 = arith.constant 0 : i32
            %dma_start3A_913 = tpu.memref_slice %arg9[%dma_start3A_906, %dma_start3A_912] : memref<4x128xi32, #tpu.memory_space<vmem>> -> memref<1x128xi32, #tpu.memory_space<vmem>>
            %dma_start3A_914 = tpu.memref_squeeze %dma_start3A_913 : memref<1x128xi32, #tpu.memory_space<vmem>> -> memref<128xi32, #tpu.memory_space<vmem>>
            %dma_start3A_915 = arith.constant 0 : i32
            %dma_start3A_916 = arith.constant 0 : i32
            %dma_start3A_917 = tpu.memref_slice %arg2[%dma_start3A_915, %dma_start3A_916] : memref<20000x64xf32, #tpu.memory_space<hbm>> -> memref<20000x64xf32, #tpu.memory_space<hbm>>
            tpu.enqueue_indirect_dma source(%dma_start3A_917 : memref<20000x64xf32, #tpu.memory_space<hbm>>) target(%dma_start3A_911 : memref<128x64xf32, #tpu.memory_space<vmem>>) offsets(%dma_start3A_914 : memref<128xi32, #tpu.memory_space<vmem>>) semaphore(%arg14 : memref<!tpu.dma_semaphore, #tpu.memory_space<semaphore_mem>>)
          } else {
          }
        } else {
        }
        %dma_start3A_750 = arith.constant 0 : i32
        %dma_start3A_751 = arith.constant 0 : i32
        %dma_start3A_752 = arith.constant 0 : i32
        %dma_start3A_753 = tpu.memref_slice %arg8[%dma_start3A_750, %dma_start3A_751, %dma_start3A_752] : memref<4x128x64xf32, #tpu.memory_space<vmem>> -> memref<1x128x64xf32, #tpu.memory_space<vmem>>
        %dma_start3A_754 = tpu.memref_squeeze %dma_start3A_753 : memref<1x128x64xf32, #tpu.memory_space<vmem>> -> memref<128x64xf32, #tpu.memory_space<vmem>>
        %dma_start3A_755 = arith.constant 0 : i32
        %dma_start3A_756 = tpu.memref_slice %arg7[%add3A_711, %dma_start3A_755] : memref<157x128xi32, #tpu.memory_space<vmem>> -> memref<1x128xi32, #tpu.memory_space<vmem>>
        %dma_start3A_757 = tpu.memref_squeeze %dma_start3A_756 : memref<1x128xi32, #tpu.memory_space<vmem>> -> memref<128xi32, #tpu.memory_space<vmem>>
        %dma_start3A_758 = arith.constant 0 : i32
        %dma_start3A_759 = arith.constant 0 : i32
        %dma_start3A_760 = tpu.memref_slice %arg5[%dma_start3A_758, %dma_start3A_759] : memref<10000x64xf32, #tpu.memory_space<vmem_shared>> -> memref<10000x64xf32, #tpu.memory_space<vmem_shared>>
        tpu.enqueue_indirect_dma source(%dma_start3A_754 : memref<128x64xf32, #tpu.memory_space<vmem>>) target(%dma_start3A_760 : memref<10000x64xf32, #tpu.memory_space<vmem_shared>>) offsets(%dma_start3A_757 : memref<128xi32, #tpu.memory_space<vmem>>) semaphore(%arg15 : memref<!tpu.dma_semaphore, #tpu.memory_space<semaphore_mem>>) {add = true}
      } else {
      }
      %add3A_716 = arith.constant 1 : i32
      %add3A_717 = arith.addi %mul3A_709, %add3A_716 : i32
      %lt3A_718 = arith.cmpi slt, %add3A_717, %add3A_39 : i32
      %convert_element_type3A_719 = arith.extui %lt3A_718 : i1 to i32
      %cond3A_720 = arith.constant 0 : i32
      %cond3A_721 = arith.cmpi ne, %convert_element_type3A_719, %cond3A_720 : i32
      scf.if %cond3A_721 {
        %dma_wait3A = arith.constant 1 : i32
        %dma_wait3A_735 = arith.constant 1 : i32
        %dma_wait3A_736 = arith.constant 0 : i32
        %dma_wait3A_737 = arith.constant 0 : i32
        %dma_wait3A_738 = tpu.memref_slice %arg8[%dma_wait3A_735, %dma_wait3A_736, %dma_wait3A_737] : memref<4x128x64xf32, #tpu.memory_space<vmem>> -> memref<1x128x64xf32, #tpu.memory_space<vmem>>
        %dma_wait3A_739 = tpu.memref_squeeze %dma_wait3A_738 : memref<1x128x64xf32, #tpu.memory_space<vmem>> -> memref<128x64xf32, #tpu.memory_space<vmem>>
        %dma_wait3A_740 = arith.constant 0 : i32
        %dma_wait3A_741 = tpu.memref_slice %arg9[%dma_wait3A, %dma_wait3A_740] : memref<4x128xi32, #tpu.memory_space<vmem>> -> memref<1x128xi32, #tpu.memory_space<vmem>>
        %dma_wait3A_742 = tpu.memref_squeeze %dma_wait3A_741 : memref<1x128xi32, #tpu.memory_space<vmem>> -> memref<128xi32, #tpu.memory_space<vmem>>
        %dma_wait3A_743 = arith.constant 0 : i32
        %dma_wait3A_744 = arith.constant 0 : i32
        %dma_wait3A_745 = tpu.memref_slice %arg2[%dma_wait3A_743, %dma_wait3A_744] : memref<20000x64xf32, #tpu.memory_space<hbm>> -> memref<20000x64xf32, #tpu.memory_space<hbm>>
        tpu.wait_indirect_dma semaphore(%arg12 : memref<!tpu.dma_semaphore, #tpu.memory_space<semaphore_mem>>) src(%dma_wait3A_745 : memref<20000x64xf32, #tpu.memory_space<hbm>>) dst(%dma_wait3A_739 : memref<128x64xf32, #tpu.memory_space<vmem>>)
        %ge3A = arith.constant 1 : i32
        %ge3A_746 = arith.cmpi sge, %add3A_717, %ge3A : i32
        %convert_element_type3A_747 = arith.extui %ge3A_746 : i1 to i32
        %cond3A_748 = arith.constant 0 : i32
        %cond3A_749 = arith.cmpi ne, %convert_element_type3A_747, %cond3A_748 : i32
        scf.if %cond3A_749 {
          %sub3A_761 = arith.constant 1 : i32
          %sub3A_762 = arith.subi %add3A_717, %sub3A_761 : i32
          %dma_wait3A_763 = arith.constant 0 : i32
          %dma_wait3A_764 = arith.constant 0 : i32
          %dma_wait3A_765 = arith.constant 0 : i32
          %dma_wait3A_766 = tpu.memref_slice %arg8[%dma_wait3A_763, %dma_wait3A_764, %dma_wait3A_765] : memref<4x128x64xf32, #tpu.memory_space<vmem>> -> memref<1x128x64xf32, #tpu.memory_space<vmem>>
          %dma_wait3A_767 = tpu.memref_squeeze %dma_wait3A_766 : memref<1x128x64xf32, #tpu.memory_space<vmem>> -> memref<128x64xf32, #tpu.memory_space<vmem>>
          %dma_wait3A_768 = arith.constant 0 : i32
          %dma_wait3A_769 = tpu.memref_slice %arg7[%sub3A_762, %dma_wait3A_768] : memref<157x128xi32, #tpu.memory_space<vmem>> -> memref<1x128xi32, #tpu.memory_space<vmem>>
          %dma_wait3A_770 = tpu.memref_squeeze %dma_wait3A_769 : memref<1x128xi32, #tpu.memory_space<vmem>> -> memref<128xi32, #tpu.memory_space<vmem>>
          %dma_wait3A_771 = arith.constant 0 : i32
          %dma_wait3A_772 = arith.constant 0 : i32
          %dma_wait3A_773 = tpu.memref_slice %arg5[%dma_wait3A_771, %dma_wait3A_772] : memref<10000x64xf32, #tpu.memory_space<vmem_shared>> -> memref<10000x64xf32, #tpu.memory_space<vmem_shared>>
          tpu.wait_indirect_dma semaphore(%arg15 : memref<!tpu.dma_semaphore, #tpu.memory_space<semaphore_mem>>) src(%dma_wait3A_767 : memref<128x64xf32, #tpu.memory_space<vmem>>) dst(%dma_wait3A_773 : memref<10000x64xf32, #tpu.memory_space<vmem_shared>>)
          %sub3A_774 = arith.constant 1 : i32
          %sub3A_775 = arith.subi %add3A_717, %sub3A_774 : i32
          %add3A_776 = arith.constant 4 : i32
          %add3A_777 = arith.addi %sub3A_775, %add3A_776 : i32
          %lt3A_778 = arith.cmpi slt, %add3A_777, %add3A_39 : i32
          %convert_element_type3A_779 = arith.extui %lt3A_778 : i1 to i32
          %cond3A_780 = arith.constant 0 : i32
          %cond3A_781 = arith.cmpi ne, %convert_element_type3A_779, %cond3A_780 : i32
          scf.if %cond3A_781 {
            %sub3A_782 = arith.constant 1 : i32
            %sub3A_783 = arith.subi %add3A_717, %sub3A_782 : i32
            %add3A_784 = arith.constant 4 : i32
            %add3A_785 = arith.addi %sub3A_783, %add3A_784 : i32
            %get3A_786 = arith.index_cast %add3A_785 : i32 to index
            %get3A_787 = arith.constant 0 : index
            %get3A_788 = tpu.vector_load %arg6[%get3A_786, %get3A_787] {strides = array<i32>} : memref<157x128xi32, #tpu.memory_space<vmem>>, vector<1x16xi32>,
            %get3A_789 = vector.shape_cast %get3A_788 : vector<1x16xi32> to vector<16xi32>
            %mul3A_790 = arith.constant 2 : i32
            %mul3A_791 = vector.broadcast %mul3A_790 : i32 to vector<16xi32>
            %mul3A_792 = arith.muli %get3A_789, %mul3A_791 : vector<16xi32>
            %add3A_793 = vector.broadcast %arg0 : i32 to vector<16xi32>
            %add3A_794 = arith.addi %mul3A_792, %add3A_793 : vector<16xi32>
            %swap3A_795 = arith.constant 0 : i32
            %swap3A_796 = arith.index_cast %swap3A_795 : i32 to index
            %swap3A_797 = arith.constant 0 : index
            %swap3A_798 = tpu.vector_load %arg9[%swap3A_796, %swap3A_797] {strides = array<i32>} : memref<4x128xi32, #tpu.memory_space<vmem>>, vector<1x16xi32>,
            %swap3A_799 = vector.shape_cast %swap3A_798 : vector<1x16xi32> to vector<16xi32>
            %swap3A_800 = vector.shape_cast %add3A_794 : vector<16xi32> to vector<1x16xi32>
            tpu.vector_store %arg9[%swap3A_796, %swap3A_797], %swap3A_800 {strides = array<i32>} : memref<4x128xi32, #tpu.memory_space<vmem>>, vector<1x16xi32>,
            %get3A_801 = arith.index_cast %add3A_785 : i32 to index
            %get3A_802 = arith.constant 16 : index
            %get3A_803 = tpu.vector_load %arg6[%get3A_801, %get3A_802] {strides = array<i32>} : memref<157x128xi32, #tpu.memory_space<vmem>>, vector<1x16xi32>,
            %get3A_804 = vector.shape_cast %get3A_803 : vector<1x16xi32> to vector<16xi32>
            %mul3A_805 = arith.constant 2 : i32
            %mul3A_806 = vector.broadcast %mul3A_805 : i32 to vector<16xi32>
            %mul3A_807 = arith.muli %get3A_804, %mul3A_806 : vector<16xi32>
            %add3A_808 = vector.broadcast %arg0 : i32 to vector<16xi32>
            %add3A_809 = arith.addi %mul3A_807, %add3A_808 : vector<16xi32>
            %swap3A_810 = arith.constant 0 : i32
            %swap3A_811 = arith.index_cast %swap3A_810 : i32 to index
            %swap3A_812 = arith.constant 16 : index
            %swap3A_813 = tpu.vector_load %arg9[%swap3A_811, %swap3A_812] {strides = array<i32>} : memref<4x128xi32, #tpu.memory_space<vmem>>, vector<1x16xi32>,
            %swap3A_814 = vector.shape_cast %swap3A_813 : vector<1x16xi32> to vector<16xi32>
            %swap3A_815 = vector.shape_cast %add3A_809 : vector<16xi32> to vector<1x16xi32>
            tpu.vector_store %arg9[%swap3A_811, %swap3A_812], %swap3A_815 {strides = array<i32>} : memref<4x128xi32, #tpu.memory_space<vmem>>, vector<1x16xi32>,
            %get3A_816 = arith.index_cast %add3A_785 : i32 to index
            %get3A_817 = arith.constant 32 : index
            %get3A_818 = tpu.vector_load %arg6[%get3A_816, %get3A_817] {strides = array<i32>} : memref<157x128xi32, #tpu.memory_space<vmem>>, vector<1x16xi32>,
            %get3A_819 = vector.shape_cast %get3A_818 : vector<1x16xi32> to vector<16xi32>
            %mul3A_820 = arith.constant 2 : i32
            %mul3A_821 = vector.broadcast %mul3A_820 : i32 to vector<16xi32>
            %mul3A_822 = arith.muli %get3A_819, %mul3A_821 : vector<16xi32>
            %add3A_823 = vector.broadcast %arg0 : i32 to vector<16xi32>
            %add3A_824 = arith.addi %mul3A_822, %add3A_823 : vector<16xi32>
            %swap3A_825 = arith.constant 0 : i32
            %swap3A_826 = arith.index_cast %swap3A_825 : i32 to index
            %swap3A_827 = arith.constant 32 : index
            %swap3A_828 = tpu.vector_load %arg9[%swap3A_826, %swap3A_827] {strides = array<i32>} : memref<4x128xi32, #tpu.memory_space<vmem>>, vector<1x16xi32>,
            %swap3A_829 = vector.shape_cast %swap3A_828 : vector<1x16xi32> to vector<16xi32>
            %swap3A_830 = vector.shape_cast %add3A_824 : vector<16xi32> to vector<1x16xi32>
            tpu.vector_store %arg9[%swap3A_826, %swap3A_827], %swap3A_830 {strides = array<i32>} : memref<4x128xi32, #tpu.memory_space<vmem>>, vector<1x16xi32>,
            %get3A_831 = arith.index_cast %add3A_785 : i32 to index
            %get3A_832 = arith.constant 48 : index
            %get3A_833 = tpu.vector_load %arg6[%get3A_831, %get3A_832] {strides = array<i32>} : memref<157x128xi32, #tpu.memory_space<vmem>>, vector<1x16xi32>,
            %get3A_834 = vector.shape_cast %get3A_833 : vector<1x16xi32> to vector<16xi32>
            %mul3A_835 = arith.constant 2 : i32
            %mul3A_836 = vector.broadcast %mul3A_835 : i32 to vector<16xi32>
            %mul3A_837 = arith.muli %get3A_834, %mul3A_836 : vector<16xi32>
            %add3A_838 = vector.broadcast %arg0 : i32 to vector<16xi32>
            %add3A_839 = arith.addi %mul3A_837, %add3A_838 : vector<16xi32>
            %swap3A_840 = arith.constant 0 : i32
            %swap3A_841 = arith.index_cast %swap3A_840 : i32 to index
            %swap3A_842 = arith.constant 48 : index
            %swap3A_843 = tpu.vector_load %arg9[%swap3A_841, %swap3A_842] {strides = array<i32>} : memref<4x128xi32, #tpu.memory_space<vmem>>, vector<1x16xi32>,
            %swap3A_844 = vector.shape_cast %swap3A_843 : vector<1x16xi32> to vector<16xi32>
            %swap3A_845 = vector.shape_cast %add3A_839 : vector<16xi32> to vector<1x16xi32>
            tpu.vector_store %arg9[%swap3A_841, %swap3A_842], %swap3A_845 {strides = array<i32>} : memref<4x128xi32, #tpu.memory_space<vmem>>, vector<1x16xi32>,
            %get3A_846 = arith.index_cast %add3A_785 : i32 to index
            %get3A_847 = arith.constant 64 : index
            %get3A_848 = tpu.vector_load %arg6[%get3A_846, %get3A_847] {strides = array<i32>} : memref<157x128xi32, #tpu.memory_space<vmem>>, vector<1x16xi32>,
            %get3A_849 = vector.shape_cast %get3A_848 : vector<1x16xi32> to vector<16xi32>
            %mul3A_850 = arith.constant 2 : i32
            %mul3A_851 = vector.broadcast %mul3A_850 : i32 to vector<16xi32>
            %mul3A_852 = arith.muli %get3A_849, %mul3A_851 : vector<16xi32>
            %add3A_853 = vector.broadcast %arg0 : i32 to vector<16xi32>
            %add3A_854 = arith.addi %mul3A_852, %add3A_853 : vector<16xi32>
            %swap3A_855 = arith.constant 0 : i32
            %swap3A_856 = arith.index_cast %swap3A_855 : i32 to index
            %swap3A_857 = arith.constant 64 : index
            %swap3A_858 = tpu.vector_load %arg9[%swap3A_856, %swap3A_857] {strides = array<i32>} : memref<4x128xi32, #tpu.memory_space<vmem>>, vector<1x16xi32>,
            %swap3A_859 = vector.shape_cast %swap3A_858 : vector<1x16xi32> to vector<16xi32>
            %swap3A_860 = vector.shape_cast %add3A_854 : vector<16xi32> to vector<1x16xi32>
            tpu.vector_store %arg9[%swap3A_856, %swap3A_857], %swap3A_860 {strides = array<i32>} : memref<4x128xi32, #tpu.memory_space<vmem>>, vector<1x16xi32>,
            %get3A_861 = arith.index_cast %add3A_785 : i32 to index
            %get3A_862 = arith.constant 80 : index
            %get3A_863 = tpu.vector_load %arg6[%get3A_861, %get3A_862] {strides = array<i32>} : memref<157x128xi32, #tpu.memory_space<vmem>>, vector<1x16xi32>,
            %get3A_864 = vector.shape_cast %get3A_863 : vector<1x16xi32> to vector<16xi32>
            %mul3A_865 = arith.constant 2 : i32
            %mul3A_866 = vector.broadcast %mul3A_865 : i32 to vector<16xi32>
            %mul3A_867 = arith.muli %get3A_864, %mul3A_866 : vector<16xi32>
            %add3A_868 = vector.broadcast %arg0 : i32 to vector<16xi32>
            %add3A_869 = arith.addi %mul3A_867, %add3A_868 : vector<16xi32>
            %swap3A_870 = arith.constant 0 : i32
            %swap3A_871 = arith.index_cast %swap3A_870 : i32 to index
            %swap3A_872 = arith.constant 80 : index
            %swap3A_873 = tpu.vector_load %arg9[%swap3A_871, %swap3A_872] {strides = array<i32>} : memref<4x128xi32, #tpu.memory_space<vmem>>, vector<1x16xi32>,
            %swap3A_874 = vector.shape_cast %swap3A_873 : vector<1x16xi32> to vector<16xi32>
            %swap3A_875 = vector.shape_cast %add3A_869 : vector<16xi32> to vector<1x16xi32>
            tpu.vector_store %arg9[%swap3A_871, %swap3A_872], %swap3A_875 {strides = array<i32>} : memref<4x128xi32, #tpu.memory_space<vmem>>, vector<1x16xi32>,
            %get3A_876 = arith.index_cast %add3A_785 : i32 to index
            %get3A_877 = arith.constant 96 : index
            %get3A_878 = tpu.vector_load %arg6[%get3A_876, %get3A_877] {strides = array<i32>} : memref<157x128xi32, #tpu.memory_space<vmem>>, vector<1x16xi32>,
            %get3A_879 = vector.shape_cast %get3A_878 : vector<1x16xi32> to vector<16xi32>
            %mul3A_880 = arith.constant 2 : i32
            %mul3A_881 = vector.broadcast %mul3A_880 : i32 to vector<16xi32>
            %mul3A_882 = arith.muli %get3A_879, %mul3A_881 : vector<16xi32>
            %add3A_883 = vector.broadcast %arg0 : i32 to vector<16xi32>
            %add3A_884 = arith.addi %mul3A_882, %add3A_883 : vector<16xi32>
            %swap3A_885 = arith.constant 0 : i32
            %swap3A_886 = arith.index_cast %swap3A_885 : i32 to index
            %swap3A_887 = arith.constant 96 : index
            %swap3A_888 = tpu.vector_load %arg9[%swap3A_886, %swap3A_887] {strides = array<i32>} : memref<4x128xi32, #tpu.memory_space<vmem>>, vector<1x16xi32>,
            %swap3A_889 = vector.shape_cast %swap3A_888 : vector<1x16xi32> to vector<16xi32>
            %swap3A_890 = vector.shape_cast %add3A_884 : vector<16xi32> to vector<1x16xi32>
            tpu.vector_store %arg9[%swap3A_886, %swap3A_887], %swap3A_890 {strides = array<i32>} : memref<4x128xi32, #tpu.memory_space<vmem>>, vector<1x16xi32>,
            %get3A_891 = arith.index_cast %add3A_785 : i32 to index
            %get3A_892 = arith.constant 112 : index
            %get3A_893 = tpu.vector_load %arg6[%get3A_891, %get3A_892] {strides = array<i32>} : memref<157x128xi32, #tpu.memory_space<vmem>>, vector<1x16xi32>,
            %get3A_894 = vector.shape_cast %get3A_893 : vector<1x16xi32> to vector<16xi32>
            %mul3A_895 = arith.constant 2 : i32
            %mul3A_896 = vector.broadcast %mul3A_895 : i32 to vector<16xi32>
            %mul3A_897 = arith.muli %get3A_894, %mul3A_896 : vector<16xi32>
            %add3A_898 = vector.broadcast %arg0 : i32 to vector<16xi32>
            %add3A_899 = arith.addi %mul3A_897, %add3A_898 : vector<16xi32>
            %swap3A_900 = arith.constant 0 : i32
            %swap3A_901 = arith.index_cast %swap3A_900 : i32 to index
            %swap3A_902 = arith.constant 112 : index
            %swap3A_903 = tpu.vector_load %arg9[%swap3A_901, %swap3A_902] {strides = array<i32>} : memref<4x128xi32, #tpu.memory_space<vmem>>, vector<1x16xi32>,
            %swap3A_904 = vector.shape_cast %swap3A_903 : vector<1x16xi32> to vector<16xi32>
            %swap3A_905 = vector.shape_cast %add3A_899 : vector<16xi32> to vector<1x16xi32>
            tpu.vector_store %arg9[%swap3A_901, %swap3A_902], %swap3A_905 {strides = array<i32>} : memref<4x128xi32, #tpu.memory_space<vmem>>, vector<1x16xi32>,
            %dma_start3A_906 = arith.constant 0 : i32
            %dma_start3A_907 = arith.constant 0 : i32
            %dma_start3A_908 = arith.constant 0 : i32
            %dma_start3A_909 = arith.constant 0 : i32
            %dma_start3A_910 = tpu.memref_slice %arg8[%dma_start3A_907, %dma_start3A_908, %dma_start3A_909] : memref<4x128x64xf32, #tpu.memory_space<vmem>> -> memref<1x128x64xf32, #tpu.memory_space<vmem>>
            %dma_start3A_911 = tpu.memref_squeeze %dma_start3A_910 : memref<1x128x64xf32, #tpu.memory_space<vmem>> -> memref<128x64xf32, #tpu.memory_space<vmem>>
            %dma_start3A_912 = arith.constant 0 : i32
            %dma_start3A_913 = tpu.memref_slice %arg9[%dma_start3A_906, %dma_start3A_912] : memref<4x128xi32, #tpu.memory_space<vmem>> -> memref<1x128xi32, #tpu.memory_space<vmem>>
            %dma_start3A_914 = tpu.memref_squeeze %dma_start3A_913 : memref<1x128xi32, #tpu.memory_space<vmem>> -> memref<128xi32, #tpu.memory_space<vmem>>
            %dma_start3A_915 = arith.constant 0 : i32
            %dma_start3A_916 = arith.constant 0 : i32
            %dma_start3A_917 = tpu.memref_slice %arg2[%dma_start3A_915, %dma_start3A_916] : memref<20000x64xf32, #tpu.memory_space<hbm>> -> memref<20000x64xf32, #tpu.memory_space<hbm>>
            tpu.enqueue_indirect_dma source(%dma_start3A_917 : memref<20000x64xf32, #tpu.memory_space<hbm>>) target(%dma_start3A_911 : memref<128x64xf32, #tpu.memory_space<vmem>>) offsets(%dma_start3A_914 : memref<128xi32, #tpu.memory_space<vmem>>) semaphore(%arg11 : memref<!tpu.dma_semaphore, #tpu.memory_space<semaphore_mem>>)
          } else {
          }
        } else {
        }
        %dma_start3A_750 = arith.constant 1 : i32
        %dma_start3A_751 = arith.constant 0 : i32
        %dma_start3A_752 = arith.constant 0 : i32
        %dma_start3A_753 = tpu.memref_slice %arg8[%dma_start3A_750, %dma_start3A_751, %dma_start3A_752] : memref<4x128x64xf32, #tpu.memory_space<vmem>> -> memref<1x128x64xf32, #tpu.memory_space<vmem>>
        %dma_start3A_754 = tpu.memref_squeeze %dma_start3A_753 : memref<1x128x64xf32, #tpu.memory_space<vmem>> -> memref<128x64xf32, #tpu.memory_space<vmem>>
        %dma_start3A_755 = arith.constant 0 : i32
        %dma_start3A_756 = tpu.memref_slice %arg7[%add3A_717, %dma_start3A_755] : memref<157x128xi32, #tpu.memory_space<vmem>> -> memref<1x128xi32, #tpu.memory_space<vmem>>
        %dma_start3A_757 = tpu.memref_squeeze %dma_start3A_756 : memref<1x128xi32, #tpu.memory_space<vmem>> -> memref<128xi32, #tpu.memory_space<vmem>>
        %dma_start3A_758 = arith.constant 0 : i32
        %dma_start3A_759 = arith.constant 0 : i32
        %dma_start3A_760 = tpu.memref_slice %arg5[%dma_start3A_758, %dma_start3A_759] : memref<10000x64xf32, #tpu.memory_space<vmem_shared>> -> memref<10000x64xf32, #tpu.memory_space<vmem_shared>>
        tpu.enqueue_indirect_dma source(%dma_start3A_754 : memref<128x64xf32, #tpu.memory_space<vmem>>) target(%dma_start3A_760 : memref<10000x64xf32, #tpu.memory_space<vmem_shared>>) offsets(%dma_start3A_757 : memref<128xi32, #tpu.memory_space<vmem>>) semaphore(%arg16 : memref<!tpu.dma_semaphore, #tpu.memory_space<semaphore_mem>>) {add = true}
      } else {
      }
      %add3A_722 = arith.constant 2 : i32
      %add3A_723 = arith.addi %mul3A_709, %add3A_722 : i32
      %lt3A_724 = arith.cmpi slt, %add3A_723, %add3A_39 : i32
      %convert_element_type3A_725 = arith.extui %lt3A_724 : i1 to i32
      %cond3A_726 = arith.constant 0 : i32
      %cond3A_727 = arith.cmpi ne, %convert_element_type3A_725, %cond3A_726 : i32
      scf.if %cond3A_727 {
        %dma_wait3A = arith.constant 2 : i32
        %dma_wait3A_735 = arith.constant 2 : i32
        %dma_wait3A_736 = arith.constant 0 : i32
        %dma_wait3A_737 = arith.constant 0 : i32
        %dma_wait3A_738 = tpu.memref_slice %arg8[%dma_wait3A_735, %dma_wait3A_736, %dma_wait3A_737] : memref<4x128x64xf32, #tpu.memory_space<vmem>> -> memref<1x128x64xf32, #tpu.memory_space<vmem>>
        %dma_wait3A_739 = tpu.memref_squeeze %dma_wait3A_738 : memref<1x128x64xf32, #tpu.memory_space<vmem>> -> memref<128x64xf32, #tpu.memory_space<vmem>>
        %dma_wait3A_740 = arith.constant 0 : i32
        %dma_wait3A_741 = tpu.memref_slice %arg9[%dma_wait3A, %dma_wait3A_740] : memref<4x128xi32, #tpu.memory_space<vmem>> -> memref<1x128xi32, #tpu.memory_space<vmem>>
        %dma_wait3A_742 = tpu.memref_squeeze %dma_wait3A_741 : memref<1x128xi32, #tpu.memory_space<vmem>> -> memref<128xi32, #tpu.memory_space<vmem>>
        %dma_wait3A_743 = arith.constant 0 : i32
        %dma_wait3A_744 = arith.constant 0 : i32
        %dma_wait3A_745 = tpu.memref_slice %arg2[%dma_wait3A_743, %dma_wait3A_744] : memref<20000x64xf32, #tpu.memory_space<hbm>> -> memref<20000x64xf32, #tpu.memory_space<hbm>>
        tpu.wait_indirect_dma semaphore(%arg13 : memref<!tpu.dma_semaphore, #tpu.memory_space<semaphore_mem>>) src(%dma_wait3A_745 : memref<20000x64xf32, #tpu.memory_space<hbm>>) dst(%dma_wait3A_739 : memref<128x64xf32, #tpu.memory_space<vmem>>)
        %ge3A = arith.constant 1 : i32
        %ge3A_746 = arith.cmpi sge, %add3A_723, %ge3A : i32
        %convert_element_type3A_747 = arith.extui %ge3A_746 : i1 to i32
        %cond3A_748 = arith.constant 0 : i32
        %cond3A_749 = arith.cmpi ne, %convert_element_type3A_747, %cond3A_748 : i32
        scf.if %cond3A_749 {
          %sub3A_761 = arith.constant 1 : i32
          %sub3A_762 = arith.subi %add3A_723, %sub3A_761 : i32
          %dma_wait3A_763 = arith.constant 1 : i32
          %dma_wait3A_764 = arith.constant 0 : i32
          %dma_wait3A_765 = arith.constant 0 : i32
          %dma_wait3A_766 = tpu.memref_slice %arg8[%dma_wait3A_763, %dma_wait3A_764, %dma_wait3A_765] : memref<4x128x64xf32, #tpu.memory_space<vmem>> -> memref<1x128x64xf32, #tpu.memory_space<vmem>>
          %dma_wait3A_767 = tpu.memref_squeeze %dma_wait3A_766 : memref<1x128x64xf32, #tpu.memory_space<vmem>> -> memref<128x64xf32, #tpu.memory_space<vmem>>
          %dma_wait3A_768 = arith.constant 0 : i32
          %dma_wait3A_769 = tpu.memref_slice %arg7[%sub3A_762, %dma_wait3A_768] : memref<157x128xi32, #tpu.memory_space<vmem>> -> memref<1x128xi32, #tpu.memory_space<vmem>>
          %dma_wait3A_770 = tpu.memref_squeeze %dma_wait3A_769 : memref<1x128xi32, #tpu.memory_space<vmem>> -> memref<128xi32, #tpu.memory_space<vmem>>
          %dma_wait3A_771 = arith.constant 0 : i32
          %dma_wait3A_772 = arith.constant 0 : i32
          %dma_wait3A_773 = tpu.memref_slice %arg5[%dma_wait3A_771, %dma_wait3A_772] : memref<10000x64xf32, #tpu.memory_space<vmem_shared>> -> memref<10000x64xf32, #tpu.memory_space<vmem_shared>>
          tpu.wait_indirect_dma semaphore(%arg16 : memref<!tpu.dma_semaphore, #tpu.memory_space<semaphore_mem>>) src(%dma_wait3A_767 : memref<128x64xf32, #tpu.memory_space<vmem>>) dst(%dma_wait3A_773 : memref<10000x64xf32, #tpu.memory_space<vmem_shared>>)
          %sub3A_774 = arith.constant 1 : i32
          %sub3A_775 = arith.subi %add3A_723, %sub3A_774 : i32
          %add3A_776 = arith.constant 4 : i32
          %add3A_777 = arith.addi %sub3A_775, %add3A_776 : i32
          %lt3A_778 = arith.cmpi slt, %add3A_777, %add3A_39 : i32
          %convert_element_type3A_779 = arith.extui %lt3A_778 : i1 to i32
          %cond3A_780 = arith.constant 0 : i32
          %cond3A_781 = arith.cmpi ne, %convert_element_type3A_779, %cond3A_780 : i32
          scf.if %cond3A_781 {
            %sub3A_782 = arith.constant 1 : i32
            %sub3A_783 = arith.subi %add3A_723, %sub3A_782 : i32
            %add3A_784 = arith.constant 4 : i32
            %add3A_785 = arith.addi %sub3A_783, %add3A_784 : i32
            %get3A_786 = arith.index_cast %add3A_785 : i32 to index
            %get3A_787 = arith.constant 0 : index
            %get3A_788 = tpu.vector_load %arg6[%get3A_786, %get3A_787] {strides = array<i32>} : memref<157x128xi32, #tpu.memory_space<vmem>>, vector<1x16xi32>,
            %get3A_789 = vector.shape_cast %get3A_788 : vector<1x16xi32> to vector<16xi32>
            %mul3A_790 = arith.constant 2 : i32
            %mul3A_791 = vector.broadcast %mul3A_790 : i32 to vector<16xi32>
            %mul3A_792 = arith.muli %get3A_789, %mul3A_791 : vector<16xi32>
            %add3A_793 = vector.broadcast %arg0 : i32 to vector<16xi32>
            %add3A_794 = arith.addi %mul3A_792, %add3A_793 : vector<16xi32>
            %swap3A_795 = arith.constant 1 : i32
            %swap3A_796 = arith.index_cast %swap3A_795 : i32 to index
            %swap3A_797 = arith.constant 0 : index
            %swap3A_798 = tpu.vector_load %arg9[%swap3A_796, %swap3A_797] {strides = array<i32>} : memref<4x128xi32, #tpu.memory_space<vmem>>, vector<1x16xi32>,
            %swap3A_799 = vector.shape_cast %swap3A_798 : vector<1x16xi32> to vector<16xi32>
            %swap3A_800 = vector.shape_cast %add3A_794 : vector<16xi32> to vector<1x16xi32>
            tpu.vector_store %arg9[%swap3A_796, %swap3A_797], %swap3A_800 {strides = array<i32>} : memref<4x128xi32, #tpu.memory_space<vmem>>, vector<1x16xi32>,
            %get3A_801 = arith.index_cast %add3A_785 : i32 to index
            %get3A_802 = arith.constant 16 : index
            %get3A_803 = tpu.vector_load %arg6[%get3A_801, %get3A_802] {strides = array<i32>} : memref<157x128xi32, #tpu.memory_space<vmem>>, vector<1x16xi32>,
            %get3A_804 = vector.shape_cast %get3A_803 : vector<1x16xi32> to vector<16xi32>
            %mul3A_805 = arith.constant 2 : i32
            %mul3A_806 = vector.broadcast %mul3A_805 : i32 to vector<16xi32>
            %mul3A_807 = arith.muli %get3A_804, %mul3A_806 : vector<16xi32>
            %add3A_808 = vector.broadcast %arg0 : i32 to vector<16xi32>
            %add3A_809 = arith.addi %mul3A_807, %add3A_808 : vector<16xi32>
            %swap3A_810 = arith.constant 1 : i32
            %swap3A_811 = arith.index_cast %swap3A_810 : i32 to index
            %swap3A_812 = arith.constant 16 : index
            %swap3A_813 = tpu.vector_load %arg9[%swap3A_811, %swap3A_812] {strides = array<i32>} : memref<4x128xi32, #tpu.memory_space<vmem>>, vector<1x16xi32>,
            %swap3A_814 = vector.shape_cast %swap3A_813 : vector<1x16xi32> to vector<16xi32>
            %swap3A_815 = vector.shape_cast %add3A_809 : vector<16xi32> to vector<1x16xi32>
            tpu.vector_store %arg9[%swap3A_811, %swap3A_812], %swap3A_815 {strides = array<i32>} : memref<4x128xi32, #tpu.memory_space<vmem>>, vector<1x16xi32>,
            %get3A_816 = arith.index_cast %add3A_785 : i32 to index
            %get3A_817 = arith.constant 32 : index
            %get3A_818 = tpu.vector_load %arg6[%get3A_816, %get3A_817] {strides = array<i32>} : memref<157x128xi32, #tpu.memory_space<vmem>>, vector<1x16xi32>,
            %get3A_819 = vector.shape_cast %get3A_818 : vector<1x16xi32> to vector<16xi32>
            %mul3A_820 = arith.constant 2 : i32
            %mul3A_821 = vector.broadcast %mul3A_820 : i32 to vector<16xi32>
            %mul3A_822 = arith.muli %get3A_819, %mul3A_821 : vector<16xi32>
            %add3A_823 = vector.broadcast %arg0 : i32 to vector<16xi32>
            %add3A_824 = arith.addi %mul3A_822, %add3A_823 : vector<16xi32>
            %swap3A_825 = arith.constant 1 : i32
            %swap3A_826 = arith.index_cast %swap3A_825 : i32 to index
            %swap3A_827 = arith.constant 32 : index
            %swap3A_828 = tpu.vector_load %arg9[%swap3A_826, %swap3A_827] {strides = array<i32>} : memref<4x128xi32, #tpu.memory_space<vmem>>, vector<1x16xi32>,
            %swap3A_829 = vector.shape_cast %swap3A_828 : vector<1x16xi32> to vector<16xi32>
            %swap3A_830 = vector.shape_cast %add3A_824 : vector<16xi32> to vector<1x16xi32>
            tpu.vector_store %arg9[%swap3A_826, %swap3A_827], %swap3A_830 {strides = array<i32>} : memref<4x128xi32, #tpu.memory_space<vmem>>, vector<1x16xi32>,
            %get3A_831 = arith.index_cast %add3A_785 : i32 to index
            %get3A_832 = arith.constant 48 : index
            %get3A_833 = tpu.vector_load %arg6[%get3A_831, %get3A_832] {strides = array<i32>} : memref<157x128xi32, #tpu.memory_space<vmem>>, vector<1x16xi32>,
            %get3A_834 = vector.shape_cast %get3A_833 : vector<1x16xi32> to vector<16xi32>
            %mul3A_835 = arith.constant 2 : i32
            %mul3A_836 = vector.broadcast %mul3A_835 : i32 to vector<16xi32>
            %mul3A_837 = arith.muli %get3A_834, %mul3A_836 : vector<16xi32>
            %add3A_838 = vector.broadcast %arg0 : i32 to vector<16xi32>
            %add3A_839 = arith.addi %mul3A_837, %add3A_838 : vector<16xi32>
            %swap3A_840 = arith.constant 1 : i32
            %swap3A_841 = arith.index_cast %swap3A_840 : i32 to index
            %swap3A_842 = arith.constant 48 : index
            %swap3A_843 = tpu.vector_load %arg9[%swap3A_841, %swap3A_842] {strides = array<i32>} : memref<4x128xi32, #tpu.memory_space<vmem>>, vector<1x16xi32>,
            %swap3A_844 = vector.shape_cast %swap3A_843 : vector<1x16xi32> to vector<16xi32>
            %swap3A_845 = vector.shape_cast %add3A_839 : vector<16xi32> to vector<1x16xi32>
            tpu.vector_store %arg9[%swap3A_841, %swap3A_842], %swap3A_845 {strides = array<i32>} : memref<4x128xi32, #tpu.memory_space<vmem>>, vector<1x16xi32>,
            %get3A_846 = arith.index_cast %add3A_785 : i32 to index
            %get3A_847 = arith.constant 64 : index
            %get3A_848 = tpu.vector_load %arg6[%get3A_846, %get3A_847] {strides = array<i32>} : memref<157x128xi32, #tpu.memory_space<vmem>>, vector<1x16xi32>,
            %get3A_849 = vector.shape_cast %get3A_848 : vector<1x16xi32> to vector<16xi32>
            %mul3A_850 = arith.constant 2 : i32
            %mul3A_851 = vector.broadcast %mul3A_850 : i32 to vector<16xi32>
            %mul3A_852 = arith.muli %get3A_849, %mul3A_851 : vector<16xi32>
            %add3A_853 = vector.broadcast %arg0 : i32 to vector<16xi32>
            %add3A_854 = arith.addi %mul3A_852, %add3A_853 : vector<16xi32>
            %swap3A_855 = arith.constant 1 : i32
            %swap3A_856 = arith.index_cast %swap3A_855 : i32 to index
            %swap3A_857 = arith.constant 64 : index
            %swap3A_858 = tpu.vector_load %arg9[%swap3A_856, %swap3A_857] {strides = array<i32>} : memref<4x128xi32, #tpu.memory_space<vmem>>, vector<1x16xi32>,
            %swap3A_859 = vector.shape_cast %swap3A_858 : vector<1x16xi32> to vector<16xi32>
            %swap3A_860 = vector.shape_cast %add3A_854 : vector<16xi32> to vector<1x16xi32>
            tpu.vector_store %arg9[%swap3A_856, %swap3A_857], %swap3A_860 {strides = array<i32>} : memref<4x128xi32, #tpu.memory_space<vmem>>, vector<1x16xi32>,
            %get3A_861 = arith.index_cast %add3A_785 : i32 to index
            %get3A_862 = arith.constant 80 : index
            %get3A_863 = tpu.vector_load %arg6[%get3A_861, %get3A_862] {strides = array<i32>} : memref<157x128xi32, #tpu.memory_space<vmem>>, vector<1x16xi32>,
            %get3A_864 = vector.shape_cast %get3A_863 : vector<1x16xi32> to vector<16xi32>
            %mul3A_865 = arith.constant 2 : i32
            %mul3A_866 = vector.broadcast %mul3A_865 : i32 to vector<16xi32>
            %mul3A_867 = arith.muli %get3A_864, %mul3A_866 : vector<16xi32>
            %add3A_868 = vector.broadcast %arg0 : i32 to vector<16xi32>
            %add3A_869 = arith.addi %mul3A_867, %add3A_868 : vector<16xi32>
            %swap3A_870 = arith.constant 1 : i32
            %swap3A_871 = arith.index_cast %swap3A_870 : i32 to index
            %swap3A_872 = arith.constant 80 : index
            %swap3A_873 = tpu.vector_load %arg9[%swap3A_871, %swap3A_872] {strides = array<i32>} : memref<4x128xi32, #tpu.memory_space<vmem>>, vector<1x16xi32>,
            %swap3A_874 = vector.shape_cast %swap3A_873 : vector<1x16xi32> to vector<16xi32>
            %swap3A_875 = vector.shape_cast %add3A_869 : vector<16xi32> to vector<1x16xi32>
            tpu.vector_store %arg9[%swap3A_871, %swap3A_872], %swap3A_875 {strides = array<i32>} : memref<4x128xi32, #tpu.memory_space<vmem>>, vector<1x16xi32>,
            %get3A_876 = arith.index_cast %add3A_785 : i32 to index
            %get3A_877 = arith.constant 96 : index
            %get3A_878 = tpu.vector_load %arg6[%get3A_876, %get3A_877] {strides = array<i32>} : memref<157x128xi32, #tpu.memory_space<vmem>>, vector<1x16xi32>,
            %get3A_879 = vector.shape_cast %get3A_878 : vector<1x16xi32> to vector<16xi32>
            %mul3A_880 = arith.constant 2 : i32
            %mul3A_881 = vector.broadcast %mul3A_880 : i32 to vector<16xi32>
            %mul3A_882 = arith.muli %get3A_879, %mul3A_881 : vector<16xi32>
            %add3A_883 = vector.broadcast %arg0 : i32 to vector<16xi32>
            %add3A_884 = arith.addi %mul3A_882, %add3A_883 : vector<16xi32>
            %swap3A_885 = arith.constant 1 : i32
            %swap3A_886 = arith.index_cast %swap3A_885 : i32 to index
            %swap3A_887 = arith.constant 96 : index
            %swap3A_888 = tpu.vector_load %arg9[%swap3A_886, %swap3A_887] {strides = array<i32>} : memref<4x128xi32, #tpu.memory_space<vmem>>, vector<1x16xi32>,
            %swap3A_889 = vector.shape_cast %swap3A_888 : vector<1x16xi32> to vector<16xi32>
            %swap3A_890 = vector.shape_cast %add3A_884 : vector<16xi32> to vector<1x16xi32>
            tpu.vector_store %arg9[%swap3A_886, %swap3A_887], %swap3A_890 {strides = array<i32>} : memref<4x128xi32, #tpu.memory_space<vmem>>, vector<1x16xi32>,
            %get3A_891 = arith.index_cast %add3A_785 : i32 to index
            %get3A_892 = arith.constant 112 : index
            %get3A_893 = tpu.vector_load %arg6[%get3A_891, %get3A_892] {strides = array<i32>} : memref<157x128xi32, #tpu.memory_space<vmem>>, vector<1x16xi32>,
            %get3A_894 = vector.shape_cast %get3A_893 : vector<1x16xi32> to vector<16xi32>
            %mul3A_895 = arith.constant 2 : i32
            %mul3A_896 = vector.broadcast %mul3A_895 : i32 to vector<16xi32>
            %mul3A_897 = arith.muli %get3A_894, %mul3A_896 : vector<16xi32>
            %add3A_898 = vector.broadcast %arg0 : i32 to vector<16xi32>
            %add3A_899 = arith.addi %mul3A_897, %add3A_898 : vector<16xi32>
            %swap3A_900 = arith.constant 1 : i32
            %swap3A_901 = arith.index_cast %swap3A_900 : i32 to index
            %swap3A_902 = arith.constant 112 : index
            %swap3A_903 = tpu.vector_load %arg9[%swap3A_901, %swap3A_902] {strides = array<i32>} : memref<4x128xi32, #tpu.memory_space<vmem>>, vector<1x16xi32>,
            %swap3A_904 = vector.shape_cast %swap3A_903 : vector<1x16xi32> to vector<16xi32>
            %swap3A_905 = vector.shape_cast %add3A_899 : vector<16xi32> to vector<1x16xi32>
            tpu.vector_store %arg9[%swap3A_901, %swap3A_902], %swap3A_905 {strides = array<i32>} : memref<4x128xi32, #tpu.memory_space<vmem>>, vector<1x16xi32>,
            %dma_start3A_906 = arith.constant 1 : i32
            %dma_start3A_907 = arith.constant 1 : i32
            %dma_start3A_908 = arith.constant 0 : i32
            %dma_start3A_909 = arith.constant 0 : i32
            %dma_start3A_910 = tpu.memref_slice %arg8[%dma_start3A_907, %dma_start3A_908, %dma_start3A_909] : memref<4x128x64xf32, #tpu.memory_space<vmem>> -> memref<1x128x64xf32, #tpu.memory_space<vmem>>
            %dma_start3A_911 = tpu.memref_squeeze %dma_start3A_910 : memref<1x128x64xf32, #tpu.memory_space<vmem>> -> memref<128x64xf32, #tpu.memory_space<vmem>>
            %dma_start3A_912 = arith.constant 0 : i32
            %dma_start3A_913 = tpu.memref_slice %arg9[%dma_start3A_906, %dma_start3A_912] : memref<4x128xi32, #tpu.memory_space<vmem>> -> memref<1x128xi32, #tpu.memory_space<vmem>>
            %dma_start3A_914 = tpu.memref_squeeze %dma_start3A_913 : memref<1x128xi32, #tpu.memory_space<vmem>> -> memref<128xi32, #tpu.memory_space<vmem>>
            %dma_start3A_915 = arith.constant 0 : i32
            %dma_start3A_916 = arith.constant 0 : i32
            %dma_start3A_917 = tpu.memref_slice %arg2[%dma_start3A_915, %dma_start3A_916] : memref<20000x64xf32, #tpu.memory_space<hbm>> -> memref<20000x64xf32, #tpu.memory_space<hbm>>
            tpu.enqueue_indirect_dma source(%dma_start3A_917 : memref<20000x64xf32, #tpu.memory_space<hbm>>) target(%dma_start3A_911 : memref<128x64xf32, #tpu.memory_space<vmem>>) offsets(%dma_start3A_914 : memref<128xi32, #tpu.memory_space<vmem>>) semaphore(%arg12 : memref<!tpu.dma_semaphore, #tpu.memory_space<semaphore_mem>>)
          } else {
          }
        } else {
        }
        %dma_start3A_750 = arith.constant 2 : i32
        %dma_start3A_751 = arith.constant 0 : i32
        %dma_start3A_752 = arith.constant 0 : i32
        %dma_start3A_753 = tpu.memref_slice %arg8[%dma_start3A_750, %dma_start3A_751, %dma_start3A_752] : memref<4x128x64xf32, #tpu.memory_space<vmem>> -> memref<1x128x64xf32, #tpu.memory_space<vmem>>
        %dma_start3A_754 = tpu.memref_squeeze %dma_start3A_753 : memref<1x128x64xf32, #tpu.memory_space<vmem>> -> memref<128x64xf32, #tpu.memory_space<vmem>>
        %dma_start3A_755 = arith.constant 0 : i32
        %dma_start3A_756 = tpu.memref_slice %arg7[%add3A_723, %dma_start3A_755] : memref<157x128xi32, #tpu.memory_space<vmem>> -> memref<1x128xi32, #tpu.memory_space<vmem>>
        %dma_start3A_757 = tpu.memref_squeeze %dma_start3A_756 : memref<1x128xi32, #tpu.memory_space<vmem>> -> memref<128xi32, #tpu.memory_space<vmem>>
        %dma_start3A_758 = arith.constant 0 : i32
        %dma_start3A_759 = arith.constant 0 : i32
        %dma_start3A_760 = tpu.memref_slice %arg5[%dma_start3A_758, %dma_start3A_759] : memref<10000x64xf32, #tpu.memory_space<vmem_shared>> -> memref<10000x64xf32, #tpu.memory_space<vmem_shared>>
        tpu.enqueue_indirect_dma source(%dma_start3A_754 : memref<128x64xf32, #tpu.memory_space<vmem>>) target(%dma_start3A_760 : memref<10000x64xf32, #tpu.memory_space<vmem_shared>>) offsets(%dma_start3A_757 : memref<128xi32, #tpu.memory_space<vmem>>) semaphore(%arg17 : memref<!tpu.dma_semaphore, #tpu.memory_space<semaphore_mem>>) {add = true}
      } else {
      }
      %add3A_728 = arith.constant 3 : i32
      %add3A_729 = arith.addi %mul3A_709, %add3A_728 : i32
      %lt3A_730 = arith.cmpi slt, %add3A_729, %add3A_39 : i32
      %convert_element_type3A_731 = arith.extui %lt3A_730 : i1 to i32
      %cond3A_732 = arith.constant 0 : i32
      %cond3A_733 = arith.cmpi ne, %convert_element_type3A_731, %cond3A_732 : i32
      scf.if %cond3A_733 {
        %dma_wait3A = arith.constant 3 : i32
        %dma_wait3A_735 = arith.constant 3 : i32
        %dma_wait3A_736 = arith.constant 0 : i32
        %dma_wait3A_737 = arith.constant 0 : i32
        %dma_wait3A_738 = tpu.memref_slice %arg8[%dma_wait3A_735, %dma_wait3A_736, %dma_wait3A_737] : memref<4x128x64xf32, #tpu.memory_space<vmem>> -> memref<1x128x64xf32, #tpu.memory_space<vmem>>
        %dma_wait3A_739 = tpu.memref_squeeze %dma_wait3A_738 : memref<1x128x64xf32, #tpu.memory_space<vmem>> -> memref<128x64xf32, #tpu.memory_space<vmem>>
        %dma_wait3A_740 = arith.constant 0 : i32
        %dma_wait3A_741 = tpu.memref_slice %arg9[%dma_wait3A, %dma_wait3A_740] : memref<4x128xi32, #tpu.memory_space<vmem>> -> memref<1x128xi32, #tpu.memory_space<vmem>>
        %dma_wait3A_742 = tpu.memref_squeeze %dma_wait3A_741 : memref<1x128xi32, #tpu.memory_space<vmem>> -> memref<128xi32, #tpu.memory_space<vmem>>
        %dma_wait3A_743 = arith.constant 0 : i32
        %dma_wait3A_744 = arith.constant 0 : i32
        %dma_wait3A_745 = tpu.memref_slice %arg2[%dma_wait3A_743, %dma_wait3A_744] : memref<20000x64xf32, #tpu.memory_space<hbm>> -> memref<20000x64xf32, #tpu.memory_space<hbm>>
        tpu.wait_indirect_dma semaphore(%arg14 : memref<!tpu.dma_semaphore, #tpu.memory_space<semaphore_mem>>) src(%dma_wait3A_745 : memref<20000x64xf32, #tpu.memory_space<hbm>>) dst(%dma_wait3A_739 : memref<128x64xf32, #tpu.memory_space<vmem>>)
        %ge3A = arith.constant 1 : i32
        %ge3A_746 = arith.cmpi sge, %add3A_729, %ge3A : i32
        %convert_element_type3A_747 = arith.extui %ge3A_746 : i1 to i32
        %cond3A_748 = arith.constant 0 : i32
        %cond3A_749 = arith.cmpi ne, %convert_element_type3A_747, %cond3A_748 : i32
        scf.if %cond3A_749 {
          %sub3A_761 = arith.constant 1 : i32
          %sub3A_762 = arith.subi %add3A_729, %sub3A_761 : i32
          %dma_wait3A_763 = arith.constant 2 : i32
          %dma_wait3A_764 = arith.constant 0 : i32
          %dma_wait3A_765 = arith.constant 0 : i32
          %dma_wait3A_766 = tpu.memref_slice %arg8[%dma_wait3A_763, %dma_wait3A_764, %dma_wait3A_765] : memref<4x128x64xf32, #tpu.memory_space<vmem>> -> memref<1x128x64xf32, #tpu.memory_space<vmem>>
          %dma_wait3A_767 = tpu.memref_squeeze %dma_wait3A_766 : memref<1x128x64xf32, #tpu.memory_space<vmem>> -> memref<128x64xf32, #tpu.memory_space<vmem>>
          %dma_wait3A_768 = arith.constant 0 : i32
          %dma_wait3A_769 = tpu.memref_slice %arg7[%sub3A_762, %dma_wait3A_768] : memref<157x128xi32, #tpu.memory_space<vmem>> -> memref<1x128xi32, #tpu.memory_space<vmem>>
          %dma_wait3A_770 = tpu.memref_squeeze %dma_wait3A_769 : memref<1x128xi32, #tpu.memory_space<vmem>> -> memref<128xi32, #tpu.memory_space<vmem>>
          %dma_wait3A_771 = arith.constant 0 : i32
          %dma_wait3A_772 = arith.constant 0 : i32
          %dma_wait3A_773 = tpu.memref_slice %arg5[%dma_wait3A_771, %dma_wait3A_772] : memref<10000x64xf32, #tpu.memory_space<vmem_shared>> -> memref<10000x64xf32, #tpu.memory_space<vmem_shared>>
          tpu.wait_indirect_dma semaphore(%arg17 : memref<!tpu.dma_semaphore, #tpu.memory_space<semaphore_mem>>) src(%dma_wait3A_767 : memref<128x64xf32, #tpu.memory_space<vmem>>) dst(%dma_wait3A_773 : memref<10000x64xf32, #tpu.memory_space<vmem_shared>>)
          %sub3A_774 = arith.constant 1 : i32
          %sub3A_775 = arith.subi %add3A_729, %sub3A_774 : i32
          %add3A_776 = arith.constant 4 : i32
          %add3A_777 = arith.addi %sub3A_775, %add3A_776 : i32
          %lt3A_778 = arith.cmpi slt, %add3A_777, %add3A_39 : i32
          %convert_element_type3A_779 = arith.extui %lt3A_778 : i1 to i32
          %cond3A_780 = arith.constant 0 : i32
          %cond3A_781 = arith.cmpi ne, %convert_element_type3A_779, %cond3A_780 : i32
          scf.if %cond3A_781 {
            %sub3A_782 = arith.constant 1 : i32
            %sub3A_783 = arith.subi %add3A_729, %sub3A_782 : i32
            %add3A_784 = arith.constant 4 : i32
            %add3A_785 = arith.addi %sub3A_783, %add3A_784 : i32
            %get3A_786 = arith.index_cast %add3A_785 : i32 to index
            %get3A_787 = arith.constant 0 : index
            %get3A_788 = tpu.vector_load %arg6[%get3A_786, %get3A_787] {strides = array<i32>} : memref<157x128xi32, #tpu.memory_space<vmem>>, vector<1x16xi32>,
            %get3A_789 = vector.shape_cast %get3A_788 : vector<1x16xi32> to vector<16xi32>
            %mul3A_790 = arith.constant 2 : i32
            %mul3A_791 = vector.broadcast %mul3A_790 : i32 to vector<16xi32>
            %mul3A_792 = arith.muli %get3A_789, %mul3A_791 : vector<16xi32>
            %add3A_793 = vector.broadcast %arg0 : i32 to vector<16xi32>
            %add3A_794 = arith.addi %mul3A_792, %add3A_793 : vector<16xi32>
            %swap3A_795 = arith.constant 2 : i32
            %swap3A_796 = arith.index_cast %swap3A_795 : i32 to index
            %swap3A_797 = arith.constant 0 : index
            %swap3A_798 = tpu.vector_load %arg9[%swap3A_796, %swap3A_797] {strides = array<i32>} : memref<4x128xi32, #tpu.memory_space<vmem>>, vector<1x16xi32>,
            %swap3A_799 = vector.shape_cast %swap3A_798 : vector<1x16xi32> to vector<16xi32>
            %swap3A_800 = vector.shape_cast %add3A_794 : vector<16xi32> to vector<1x16xi32>
            tpu.vector_store %arg9[%swap3A_796, %swap3A_797], %swap3A_800 {strides = array<i32>} : memref<4x128xi32, #tpu.memory_space<vmem>>, vector<1x16xi32>,
            %get3A_801 = arith.index_cast %add3A_785 : i32 to index
            %get3A_802 = arith.constant 16 : index
            %get3A_803 = tpu.vector_load %arg6[%get3A_801, %get3A_802] {strides = array<i32>} : memref<157x128xi32, #tpu.memory_space<vmem>>, vector<1x16xi32>,
            %get3A_804 = vector.shape_cast %get3A_803 : vector<1x16xi32> to vector<16xi32>
            %mul3A_805 = arith.constant 2 : i32
            %mul3A_806 = vector.broadcast %mul3A_805 : i32 to vector<16xi32>
            %mul3A_807 = arith.muli %get3A_804, %mul3A_806 : vector<16xi32>
            %add3A_808 = vector.broadcast %arg0 : i32 to vector<16xi32>
            %add3A_809 = arith.addi %mul3A_807, %add3A_808 : vector<16xi32>
            %swap3A_810 = arith.constant 2 : i32
            %swap3A_811 = arith.index_cast %swap3A_810 : i32 to index
            %swap3A_812 = arith.constant 16 : index
            %swap3A_813 = tpu.vector_load %arg9[%swap3A_811, %swap3A_812] {strides = array<i32>} : memref<4x128xi32, #tpu.memory_space<vmem>>, vector<1x16xi32>,
            %swap3A_814 = vector.shape_cast %swap3A_813 : vector<1x16xi32> to vector<16xi32>
            %swap3A_815 = vector.shape_cast %add3A_809 : vector<16xi32> to vector<1x16xi32>
            tpu.vector_store %arg9[%swap3A_811, %swap3A_812], %swap3A_815 {strides = array<i32>} : memref<4x128xi32, #tpu.memory_space<vmem>>, vector<1x16xi32>,
            %get3A_816 = arith.index_cast %add3A_785 : i32 to index
            %get3A_817 = arith.constant 32 : index
            %get3A_818 = tpu.vector_load %arg6[%get3A_816, %get3A_817] {strides = array<i32>} : memref<157x128xi32, #tpu.memory_space<vmem>>, vector<1x16xi32>,
            %get3A_819 = vector.shape_cast %get3A_818 : vector<1x16xi32> to vector<16xi32>
            %mul3A_820 = arith.constant 2 : i32
            %mul3A_821 = vector.broadcast %mul3A_820 : i32 to vector<16xi32>
            %mul3A_822 = arith.muli %get3A_819, %mul3A_821 : vector<16xi32>
            %add3A_823 = vector.broadcast %arg0 : i32 to vector<16xi32>
            %add3A_824 = arith.addi %mul3A_822, %add3A_823 : vector<16xi32>
            %swap3A_825 = arith.constant 2 : i32
            %swap3A_826 = arith.index_cast %swap3A_825 : i32 to index
            %swap3A_827 = arith.constant 32 : index
            %swap3A_828 = tpu.vector_load %arg9[%swap3A_826, %swap3A_827] {strides = array<i32>} : memref<4x128xi32, #tpu.memory_space<vmem>>, vector<1x16xi32>,
            %swap3A_829 = vector.shape_cast %swap3A_828 : vector<1x16xi32> to vector<16xi32>
            %swap3A_830 = vector.shape_cast %add3A_824 : vector<16xi32> to vector<1x16xi32>
            tpu.vector_store %arg9[%swap3A_826, %swap3A_827], %swap3A_830 {strides = array<i32>} : memref<4x128xi32, #tpu.memory_space<vmem>>, vector<1x16xi32>,
            %get3A_831 = arith.index_cast %add3A_785 : i32 to index
            %get3A_832 = arith.constant 48 : index
            %get3A_833 = tpu.vector_load %arg6[%get3A_831, %get3A_832] {strides = array<i32>} : memref<157x128xi32, #tpu.memory_space<vmem>>, vector<1x16xi32>,
            %get3A_834 = vector.shape_cast %get3A_833 : vector<1x16xi32> to vector<16xi32>
            %mul3A_835 = arith.constant 2 : i32
            %mul3A_836 = vector.broadcast %mul3A_835 : i32 to vector<16xi32>
            %mul3A_837 = arith.muli %get3A_834, %mul3A_836 : vector<16xi32>
            %add3A_838 = vector.broadcast %arg0 : i32 to vector<16xi32>
            %add3A_839 = arith.addi %mul3A_837, %add3A_838 : vector<16xi32>
            %swap3A_840 = arith.constant 2 : i32
            %swap3A_841 = arith.index_cast %swap3A_840 : i32 to index
            %swap3A_842 = arith.constant 48 : index
            %swap3A_843 = tpu.vector_load %arg9[%swap3A_841, %swap3A_842] {strides = array<i32>} : memref<4x128xi32, #tpu.memory_space<vmem>>, vector<1x16xi32>,
            %swap3A_844 = vector.shape_cast %swap3A_843 : vector<1x16xi32> to vector<16xi32>
            %swap3A_845 = vector.shape_cast %add3A_839 : vector<16xi32> to vector<1x16xi32>
            tpu.vector_store %arg9[%swap3A_841, %swap3A_842], %swap3A_845 {strides = array<i32>} : memref<4x128xi32, #tpu.memory_space<vmem>>, vector<1x16xi32>,
            %get3A_846 = arith.index_cast %add3A_785 : i32 to index
            %get3A_847 = arith.constant 64 : index
            %get3A_848 = tpu.vector_load %arg6[%get3A_846, %get3A_847] {strides = array<i32>} : memref<157x128xi32, #tpu.memory_space<vmem>>, vector<1x16xi32>,
            %get3A_849 = vector.shape_cast %get3A_848 : vector<1x16xi32> to vector<16xi32>
            %mul3A_850 = arith.constant 2 : i32
            %mul3A_851 = vector.broadcast %mul3A_850 : i32 to vector<16xi32>
            %mul3A_852 = arith.muli %get3A_849, %mul3A_851 : vector<16xi32>
            %add3A_853 = vector.broadcast %arg0 : i32 to vector<16xi32>
            %add3A_854 = arith.addi %mul3A_852, %add3A_853 : vector<16xi32>
            %swap3A_855 = arith.constant 2 : i32
            %swap3A_856 = arith.index_cast %swap3A_855 : i32 to index
            %swap3A_857 = arith.constant 64 : index
            %swap3A_858 = tpu.vector_load %arg9[%swap3A_856, %swap3A_857] {strides = array<i32>} : memref<4x128xi32, #tpu.memory_space<vmem>>, vector<1x16xi32>,
            %swap3A_859 = vector.shape_cast %swap3A_858 : vector<1x16xi32> to vector<16xi32>
            %swap3A_860 = vector.shape_cast %add3A_854 : vector<16xi32> to vector<1x16xi32>
            tpu.vector_store %arg9[%swap3A_856, %swap3A_857], %swap3A_860 {strides = array<i32>} : memref<4x128xi32, #tpu.memory_space<vmem>>, vector<1x16xi32>,
            %get3A_861 = arith.index_cast %add3A_785 : i32 to index
            %get3A_862 = arith.constant 80 : index
            %get3A_863 = tpu.vector_load %arg6[%get3A_861, %get3A_862] {strides = array<i32>} : memref<157x128xi32, #tpu.memory_space<vmem>>, vector<1x16xi32>,
            %get3A_864 = vector.shape_cast %get3A_863 : vector<1x16xi32> to vector<16xi32>
            %mul3A_865 = arith.constant 2 : i32
            %mul3A_866 = vector.broadcast %mul3A_865 : i32 to vector<16xi32>
            %mul3A_867 = arith.muli %get3A_864, %mul3A_866 : vector<16xi32>
            %add3A_868 = vector.broadcast %arg0 : i32 to vector<16xi32>
            %add3A_869 = arith.addi %mul3A_867, %add3A_868 : vector<16xi32>
            %swap3A_870 = arith.constant 2 : i32
            %swap3A_871 = arith.index_cast %swap3A_870 : i32 to index
            %swap3A_872 = arith.constant 80 : index
            %swap3A_873 = tpu.vector_load %arg9[%swap3A_871, %swap3A_872] {strides = array<i32>} : memref<4x128xi32, #tpu.memory_space<vmem>>, vector<1x16xi32>,
            %swap3A_874 = vector.shape_cast %swap3A_873 : vector<1x16xi32> to vector<16xi32>
            %swap3A_875 = vector.shape_cast %add3A_869 : vector<16xi32> to vector<1x16xi32>
            tpu.vector_store %arg9[%swap3A_871, %swap3A_872], %swap3A_875 {strides = array<i32>} : memref<4x128xi32, #tpu.memory_space<vmem>>, vector<1x16xi32>,
            %get3A_876 = arith.index_cast %add3A_785 : i32 to index
            %get3A_877 = arith.constant 96 : index
            %get3A_878 = tpu.vector_load %arg6[%get3A_876, %get3A_877] {strides = array<i32>} : memref<157x128xi32, #tpu.memory_space<vmem>>, vector<1x16xi32>,
            %get3A_879 = vector.shape_cast %get3A_878 : vector<1x16xi32> to vector<16xi32>
            %mul3A_880 = arith.constant 2 : i32
            %mul3A_881 = vector.broadcast %mul3A_880 : i32 to vector<16xi32>
            %mul3A_882 = arith.muli %get3A_879, %mul3A_881 : vector<16xi32>
            %add3A_883 = vector.broadcast %arg0 : i32 to vector<16xi32>
            %add3A_884 = arith.addi %mul3A_882, %add3A_883 : vector<16xi32>
            %swap3A_885 = arith.constant 2 : i32
            %swap3A_886 = arith.index_cast %swap3A_885 : i32 to index
            %swap3A_887 = arith.constant 96 : index
            %swap3A_888 = tpu.vector_load %arg9[%swap3A_886, %swap3A_887] {strides = array<i32>} : memref<4x128xi32, #tpu.memory_space<vmem>>, vector<1x16xi32>,
            %swap3A_889 = vector.shape_cast %swap3A_888 : vector<1x16xi32> to vector<16xi32>
            %swap3A_890 = vector.shape_cast %add3A_884 : vector<16xi32> to vector<1x16xi32>
            tpu.vector_store %arg9[%swap3A_886, %swap3A_887], %swap3A_890 {strides = array<i32>} : memref<4x128xi32, #tpu.memory_space<vmem>>, vector<1x16xi32>,
            %get3A_891 = arith.index_cast %add3A_785 : i32 to index
            %get3A_892 = arith.constant 112 : index
            %get3A_893 = tpu.vector_load %arg6[%get3A_891, %get3A_892] {strides = array<i32>} : memref<157x128xi32, #tpu.memory_space<vmem>>, vector<1x16xi32>,
            %get3A_894 = vector.shape_cast %get3A_893 : vector<1x16xi32> to vector<16xi32>
            %mul3A_895 = arith.constant 2 : i32
            %mul3A_896 = vector.broadcast %mul3A_895 : i32 to vector<16xi32>
            %mul3A_897 = arith.muli %get3A_894, %mul3A_896 : vector<16xi32>
            %add3A_898 = vector.broadcast %arg0 : i32 to vector<16xi32>
            %add3A_899 = arith.addi %mul3A_897, %add3A_898 : vector<16xi32>
            %swap3A_900 = arith.constant 2 : i32
            %swap3A_901 = arith.index_cast %swap3A_900 : i32 to index
            %swap3A_902 = arith.constant 112 : index
            %swap3A_903 = tpu.vector_load %arg9[%swap3A_901, %swap3A_902] {strides = array<i32>} : memref<4x128xi32, #tpu.memory_space<vmem>>, vector<1x16xi32>,
            %swap3A_904 = vector.shape_cast %swap3A_903 : vector<1x16xi32> to vector<16xi32>
            %swap3A_905 = vector.shape_cast %add3A_899 : vector<16xi32> to vector<1x16xi32>
            tpu.vector_store %arg9[%swap3A_901, %swap3A_902], %swap3A_905 {strides = array<i32>} : memref<4x128xi32, #tpu.memory_space<vmem>>, vector<1x16xi32>,
            %dma_start3A_906 = arith.constant 2 : i32
            %dma_start3A_907 = arith.constant 2 : i32
            %dma_start3A_908 = arith.constant 0 : i32
            %dma_start3A_909 = arith.constant 0 : i32
            %dma_start3A_910 = tpu.memref_slice %arg8[%dma_start3A_907, %dma_start3A_908, %dma_start3A_909] : memref<4x128x64xf32, #tpu.memory_space<vmem>> -> memref<1x128x64xf32, #tpu.memory_space<vmem>>
            %dma_start3A_911 = tpu.memref_squeeze %dma_start3A_910 : memref<1x128x64xf32, #tpu.memory_space<vmem>> -> memref<128x64xf32, #tpu.memory_space<vmem>>
            %dma_start3A_912 = arith.constant 0 : i32
            %dma_start3A_913 = tpu.memref_slice %arg9[%dma_start3A_906, %dma_start3A_912] : memref<4x128xi32, #tpu.memory_space<vmem>> -> memref<1x128xi32, #tpu.memory_space<vmem>>
            %dma_start3A_914 = tpu.memref_squeeze %dma_start3A_913 : memref<1x128xi32, #tpu.memory_space<vmem>> -> memref<128xi32, #tpu.memory_space<vmem>>
            %dma_start3A_915 = arith.constant 0 : i32
            %dma_start3A_916 = arith.constant 0 : i32
            %dma_start3A_917 = tpu.memref_slice %arg2[%dma_start3A_915, %dma_start3A_916] : memref<20000x64xf32, #tpu.memory_space<hbm>> -> memref<20000x64xf32, #tpu.memory_space<hbm>>
            tpu.enqueue_indirect_dma source(%dma_start3A_917 : memref<20000x64xf32, #tpu.memory_space<hbm>>) target(%dma_start3A_911 : memref<128x64xf32, #tpu.memory_space<vmem>>) offsets(%dma_start3A_914 : memref<128xi32, #tpu.memory_space<vmem>>) semaphore(%arg13 : memref<!tpu.dma_semaphore, #tpu.memory_space<semaphore_mem>>)
          } else {
          }
        } else {
        }
        %dma_start3A_750 = arith.constant 3 : i32
        %dma_start3A_751 = arith.constant 0 : i32
        %dma_start3A_752 = arith.constant 0 : i32
        %dma_start3A_753 = tpu.memref_slice %arg8[%dma_start3A_750, %dma_start3A_751, %dma_start3A_752] : memref<4x128x64xf32, #tpu.memory_space<vmem>> -> memref<1x128x64xf32, #tpu.memory_space<vmem>>
        %dma_start3A_754 = tpu.memref_squeeze %dma_start3A_753 : memref<1x128x64xf32, #tpu.memory_space<vmem>> -> memref<128x64xf32, #tpu.memory_space<vmem>>
        %dma_start3A_755 = arith.constant 0 : i32
        %dma_start3A_756 = tpu.memref_slice %arg7[%add3A_729, %dma_start3A_755] : memref<157x128xi32, #tpu.memory_space<vmem>> -> memref<1x128xi32, #tpu.memory_space<vmem>>
        %dma_start3A_757 = tpu.memref_squeeze %dma_start3A_756 : memref<1x128xi32, #tpu.memory_space<vmem>> -> memref<128xi32, #tpu.memory_space<vmem>>
        %dma_start3A_758 = arith.constant 0 : i32
        %dma_start3A_759 = arith.constant 0 : i32
        %dma_start3A_760 = tpu.memref_slice %arg5[%dma_start3A_758, %dma_start3A_759] : memref<10000x64xf32, #tpu.memory_space<vmem_shared>> -> memref<10000x64xf32, #tpu.memory_space<vmem_shared>>
        tpu.enqueue_indirect_dma source(%dma_start3A_754 : memref<128x64xf32, #tpu.memory_space<vmem>>) target(%dma_start3A_760 : memref<10000x64xf32, #tpu.memory_space<vmem_shared>>) offsets(%dma_start3A_757 : memref<128xi32, #tpu.memory_space<vmem>>) semaphore(%arg18 : memref<!tpu.dma_semaphore, #tpu.memory_space<semaphore_mem>>) {add = true}
      } else {
      }
      %scan3A_734 = arith.constant 0 : i32
      scf.yield %scan3A_734 : i32
    }
    %scan3A_611 = arith.constant 40 : i32
    %sub3A = arith.constant 1 : i32
    %sub3A_612 = arith.subi %add3A_39, %sub3A : i32
    %jit3A_613 = arith.constant 4 : i32
    %eq3A_614 = arith.constant 0 : i32
    %eq3A_615 = arith.cmpi eq, %jit3A_613, %eq3A_614 : i32
    %jit3A_616 = arith.constant 1 : i32
    %select_n3A_617 = arith.select %eq3A_615, %jit3A_616, %jit3A_613 : i32
    %rem3A = arith.remsi %sub3A_612, %select_n3A_617 : i32
    %ne3A = arith.constant 0 : i32
    %ne3A_618 = arith.cmpi ne, %rem3A, %ne3A : i32
    %lt3A_619 = arith.constant 0 : i32
    %lt3A_620 = arith.cmpi slt, %rem3A, %lt3A_619 : i32
    %lt3A_621 = arith.constant 0 : i32
    %lt3A_622 = arith.cmpi slt, %select_n3A_617, %lt3A_621 : i32
    %ne3A_623 = arith.xori %lt3A_620, %lt3A_622 : i1
    %and3A = arith.andi %ne3A_623, %ne3A_618 : i1
    %add3A_624 = arith.addi %rem3A, %select_n3A_617 : i32
    %select_n3A_625 = arith.select %and3A, %add3A_624, %rem3A : i32
    %eq3A_626 = arith.constant 0 : i32
    %eq3A_627 = arith.cmpi eq, %select_n3A_625, %eq3A_626 : i32
    %convert_element_type3A_628 = arith.extui %eq3A_627 : i1 to i32
    %cond3A_629 = arith.constant 0 : i32
    %cond3A_630 = arith.cmpi ne, %convert_element_type3A_628, %cond3A_629 : i32
    scf.if %cond3A_630 {
      %sub3A_706 = arith.constant 1 : i32
      %sub3A_707 = arith.subi %add3A_39, %sub3A_706 : i32
      %dma_wait3A = arith.constant 0 : i32
      %dma_wait3A_708 = arith.constant 0 : i32
      %dma_wait3A_709 = arith.constant 0 : i32
      %dma_wait3A_710 = tpu.memref_slice %arg8[%dma_wait3A, %dma_wait3A_708, %dma_wait3A_709] : memref<4x128x64xf32, #tpu.memory_space<vmem>> -> memref<1x128x64xf32, #tpu.memory_space<vmem>>
      %dma_wait3A_711 = tpu.memref_squeeze %dma_wait3A_710 : memref<1x128x64xf32, #tpu.memory_space<vmem>> -> memref<128x64xf32, #tpu.memory_space<vmem>>
      %dma_wait3A_712 = arith.constant 0 : i32
      %dma_wait3A_713 = tpu.memref_slice %arg7[%sub3A_707, %dma_wait3A_712] : memref<157x128xi32, #tpu.memory_space<vmem>> -> memref<1x128xi32, #tpu.memory_space<vmem>>
      %dma_wait3A_714 = tpu.memref_squeeze %dma_wait3A_713 : memref<1x128xi32, #tpu.memory_space<vmem>> -> memref<128xi32, #tpu.memory_space<vmem>>
      %dma_wait3A_715 = arith.constant 0 : i32
      %dma_wait3A_716 = arith.constant 0 : i32
      %dma_wait3A_717 = tpu.memref_slice %arg5[%dma_wait3A_715, %dma_wait3A_716] : memref<10000x64xf32, #tpu.memory_space<vmem_shared>> -> memref<10000x64xf32, #tpu.memory_space<vmem_shared>>
      tpu.wait_indirect_dma semaphore(%arg15 : memref<!tpu.dma_semaphore, #tpu.memory_space<semaphore_mem>>) src(%dma_wait3A_711 : memref<128x64xf32, #tpu.memory_space<vmem>>) dst(%dma_wait3A_717 : memref<10000x64xf32, #tpu.memory_space<vmem_shared>>)
    } else {
    }
    %sub3A_631 = arith.constant 1 : i32
    %sub3A_632 = arith.subi %add3A_39, %sub3A_631 : i32
    %jit3A_633 = arith.constant 4 : i32
    %eq3A_634 = arith.constant 0 : i32
    %eq3A_635 = arith.cmpi eq, %jit3A_633, %eq3A_634 : i32
    %jit3A_636 = arith.constant 1 : i32
    %select_n3A_637 = arith.select %eq3A_635, %jit3A_636, %jit3A_633 : i32
    %rem3A_638 = arith.remsi %sub3A_632, %select_n3A_637 : i32
    %ne3A_639 = arith.constant 0 : i32
    %ne3A_640 = arith.cmpi ne, %rem3A_638, %ne3A_639 : i32
    %lt3A_641 = arith.constant 0 : i32
    %lt3A_642 = arith.cmpi slt, %rem3A_638, %lt3A_641 : i32
    %lt3A_643 = arith.constant 0 : i32
    %lt3A_644 = arith.cmpi slt, %select_n3A_637, %lt3A_643 : i32
    %ne3A_645 = arith.xori %lt3A_642, %lt3A_644 : i1
    %and3A_646 = arith.andi %ne3A_645, %ne3A_640 : i1
    %add3A_647 = arith.addi %rem3A_638, %select_n3A_637 : i32
    %select_n3A_648 = arith.select %and3A_646, %add3A_647, %rem3A_638 : i32
    %eq3A_649 = arith.constant 1 : i32
    %eq3A_650 = arith.cmpi eq, %select_n3A_648, %eq3A_649 : i32
    %convert_element_type3A_651 = arith.extui %eq3A_650 : i1 to i32
    %cond3A_652 = arith.constant 0 : i32
    %cond3A_653 = arith.cmpi ne, %convert_element_type3A_651, %cond3A_652 : i32
    scf.if %cond3A_653 {
      %sub3A_706 = arith.constant 1 : i32
      %sub3A_707 = arith.subi %add3A_39, %sub3A_706 : i32
      %dma_wait3A = arith.constant 1 : i32
      %dma_wait3A_708 = arith.constant 0 : i32
      %dma_wait3A_709 = arith.constant 0 : i32
      %dma_wait3A_710 = tpu.memref_slice %arg8[%dma_wait3A, %dma_wait3A_708, %dma_wait3A_709] : memref<4x128x64xf32, #tpu.memory_space<vmem>> -> memref<1x128x64xf32, #tpu.memory_space<vmem>>
      %dma_wait3A_711 = tpu.memref_squeeze %dma_wait3A_710 : memref<1x128x64xf32, #tpu.memory_space<vmem>> -> memref<128x64xf32, #tpu.memory_space<vmem>>
      %dma_wait3A_712 = arith.constant 0 : i32
      %dma_wait3A_713 = tpu.memref_slice %arg7[%sub3A_707, %dma_wait3A_712] : memref<157x128xi32, #tpu.memory_space<vmem>> -> memref<1x128xi32, #tpu.memory_space<vmem>>
      %dma_wait3A_714 = tpu.memref_squeeze %dma_wait3A_713 : memref<1x128xi32, #tpu.memory_space<vmem>> -> memref<128xi32, #tpu.memory_space<vmem>>
      %dma_wait3A_715 = arith.constant 0 : i32
      %dma_wait3A_716 = arith.constant 0 : i32
      %dma_wait3A_717 = tpu.memref_slice %arg5[%dma_wait3A_715, %dma_wait3A_716] : memref<10000x64xf32, #tpu.memory_space<vmem_shared>> -> memref<10000x64xf32, #tpu.memory_space<vmem_shared>>
      tpu.wait_indirect_dma semaphore(%arg16 : memref<!tpu.dma_semaphore, #tpu.memory_space<semaphore_mem>>) src(%dma_wait3A_711 : memref<128x64xf32, #tpu.memory_space<vmem>>) dst(%dma_wait3A_717 : memref<10000x64xf32, #tpu.memory_space<vmem_shared>>)
    } else {
    }
    %sub3A_654 = arith.constant 1 : i32
    %sub3A_655 = arith.subi %add3A_39, %sub3A_654 : i32
    %jit3A_656 = arith.constant 4 : i32
    %eq3A_657 = arith.constant 0 : i32
    %eq3A_658 = arith.cmpi eq, %jit3A_656, %eq3A_657 : i32
    %jit3A_659 = arith.constant 1 : i32
    %select_n3A_660 = arith.select %eq3A_658, %jit3A_659, %jit3A_656 : i32
    %rem3A_661 = arith.remsi %sub3A_655, %select_n3A_660 : i32
    %ne3A_662 = arith.constant 0 : i32
    %ne3A_663 = arith.cmpi ne, %rem3A_661, %ne3A_662 : i32
    %lt3A_664 = arith.constant 0 : i32
    %lt3A_665 = arith.cmpi slt, %rem3A_661, %lt3A_664 : i32
    %lt3A_666 = arith.constant 0 : i32
    %lt3A_667 = arith.cmpi slt, %select_n3A_660, %lt3A_666 : i32
    %ne3A_668 = arith.xori %lt3A_665, %lt3A_667 : i1
    %and3A_669 = arith.andi %ne3A_668, %ne3A_663 : i1
    %add3A_670 = arith.addi %rem3A_661, %select_n3A_660 : i32
    %select_n3A_671 = arith.select %and3A_669, %add3A_670, %rem3A_661 : i32
    %eq3A_672 = arith.constant 2 : i32
    %eq3A_673 = arith.cmpi eq, %select_n3A_671, %eq3A_672 : i32
    %convert_element_type3A_674 = arith.extui %eq3A_673 : i1 to i32
    %cond3A_675 = arith.constant 0 : i32
    %cond3A_676 = arith.cmpi ne, %convert_element_type3A_674, %cond3A_675 : i32
    scf.if %cond3A_676 {
      %sub3A_706 = arith.constant 1 : i32
      %sub3A_707 = arith.subi %add3A_39, %sub3A_706 : i32
      %dma_wait3A = arith.constant 2 : i32
      %dma_wait3A_708 = arith.constant 0 : i32
      %dma_wait3A_709 = arith.constant 0 : i32
      %dma_wait3A_710 = tpu.memref_slice %arg8[%dma_wait3A, %dma_wait3A_708, %dma_wait3A_709] : memref<4x128x64xf32, #tpu.memory_space<vmem>> -> memref<1x128x64xf32, #tpu.memory_space<vmem>>
      %dma_wait3A_711 = tpu.memref_squeeze %dma_wait3A_710 : memref<1x128x64xf32, #tpu.memory_space<vmem>> -> memref<128x64xf32, #tpu.memory_space<vmem>>
      %dma_wait3A_712 = arith.constant 0 : i32
      %dma_wait3A_713 = tpu.memref_slice %arg7[%sub3A_707, %dma_wait3A_712] : memref<157x128xi32, #tpu.memory_space<vmem>> -> memref<1x128xi32, #tpu.memory_space<vmem>>
      %dma_wait3A_714 = tpu.memref_squeeze %dma_wait3A_713 : memref<1x128xi32, #tpu.memory_space<vmem>> -> memref<128xi32, #tpu.memory_space<vmem>>
      %dma_wait3A_715 = arith.constant 0 : i32
      %dma_wait3A_716 = arith.constant 0 : i32
      %dma_wait3A_717 = tpu.memref_slice %arg5[%dma_wait3A_715, %dma_wait3A_716] : memref<10000x64xf32, #tpu.memory_space<vmem_shared>> -> memref<10000x64xf32, #tpu.memory_space<vmem_shared>>
      tpu.wait_indirect_dma semaphore(%arg17 : memref<!tpu.dma_semaphore, #tpu.memory_space<semaphore_mem>>) src(%dma_wait3A_711 : memref<128x64xf32, #tpu.memory_space<vmem>>) dst(%dma_wait3A_717 : memref<10000x64xf32, #tpu.memory_space<vmem_shared>>)
    } else {
    }
    %sub3A_677 = arith.constant 1 : i32
    %sub3A_678 = arith.subi %add3A_39, %sub3A_677 : i32
    %jit3A_679 = arith.constant 4 : i32
    %eq3A_680 = arith.constant 0 : i32
    %eq3A_681 = arith.cmpi eq, %jit3A_679, %eq3A_680 : i32
    %jit3A_682 = arith.constant 1 : i32
    %select_n3A_683 = arith.select %eq3A_681, %jit3A_682, %jit3A_679 : i32
    %rem3A_684 = arith.remsi %sub3A_678, %select_n3A_683 : i32
    %ne3A_685 = arith.constant 0 : i32
    %ne3A_686 = arith.cmpi ne, %rem3A_684, %ne3A_685 : i32
    %lt3A_687 = arith.constant 0 : i32
    %lt3A_688 = arith.cmpi slt, %rem3A_684, %lt3A_687 : i32
    %lt3A_689 = arith.constant 0 : i32
    %lt3A_690 = arith.cmpi slt, %select_n3A_683, %lt3A_689 : i32
    %ne3A_691 = arith.xori %lt3A_688, %lt3A_690 : i1
    %and3A_692 = arith.andi %ne3A_691, %ne3A_686 : i1
    %add3A_693 = arith.addi %rem3A_684, %select_n3A_683 : i32
    %select_n3A_694 = arith.select %and3A_692, %add3A_693, %rem3A_684 : i32
    %eq3A_695 = arith.constant 3 : i32
    %eq3A_696 = arith.cmpi eq, %select_n3A_694, %eq3A_695 : i32
    %convert_element_type3A_697 = arith.extui %eq3A_696 : i1 to i32
    %cond3A_698 = arith.constant 0 : i32
    %cond3A_699 = arith.cmpi ne, %convert_element_type3A_697, %cond3A_698 : i32
    scf.if %cond3A_699 {
      %sub3A_706 = arith.constant 1 : i32
      %sub3A_707 = arith.subi %add3A_39, %sub3A_706 : i32
      %dma_wait3A = arith.constant 3 : i32
      %dma_wait3A_708 = arith.constant 0 : i32
      %dma_wait3A_709 = arith.constant 0 : i32
      %dma_wait3A_710 = tpu.memref_slice %arg8[%dma_wait3A, %dma_wait3A_708, %dma_wait3A_709] : memref<4x128x64xf32, #tpu.memory_space<vmem>> -> memref<1x128x64xf32, #tpu.memory_space<vmem>>
      %dma_wait3A_711 = tpu.memref_squeeze %dma_wait3A_710 : memref<1x128x64xf32, #tpu.memory_space<vmem>> -> memref<128x64xf32, #tpu.memory_space<vmem>>
      %dma_wait3A_712 = arith.constant 0 : i32
      %dma_wait3A_713 = tpu.memref_slice %arg7[%sub3A_707, %dma_wait3A_712] : memref<157x128xi32, #tpu.memory_space<vmem>> -> memref<1x128xi32, #tpu.memory_space<vmem>>
      %dma_wait3A_714 = tpu.memref_squeeze %dma_wait3A_713 : memref<1x128xi32, #tpu.memory_space<vmem>> -> memref<128xi32, #tpu.memory_space<vmem>>
      %dma_wait3A_715 = arith.constant 0 : i32
      %dma_wait3A_716 = arith.constant 0 : i32
      %dma_wait3A_717 = tpu.memref_slice %arg5[%dma_wait3A_715, %dma_wait3A_716] : memref<10000x64xf32, #tpu.memory_space<vmem_shared>> -> memref<10000x64xf32, #tpu.memory_space<vmem_shared>>
      tpu.wait_indirect_dma semaphore(%arg18 : memref<!tpu.dma_semaphore, #tpu.memory_space<semaphore_mem>>) src(%dma_wait3A_711 : memref<128x64xf32, #tpu.memory_space<vmem>>) dst(%dma_wait3A_717 : memref<10000x64xf32, #tpu.memory_space<vmem_shared>>)
    } else {
    }
    %barrier3A_700 = arith.constant 0 : index
    tpu.barrier barrier_id(%barrier3A_700)
    %mul3A_701 = arith.constant 64 : i32
    %mul3A_702 = arith.muli %arg0, %mul3A_701 : i32
    "tpu.region"() ({
      %run_scoped3A_706 = tpu.sem_alloc : memref<!tpu.dma_semaphore, #tpu.memory_space<semaphore_mem>>
      %dma_start3A_707 = tpu.memref_slice %arg4[%mul3A_0, %mul3A_702] : memref<10000x128xf32, #tpu.memory_space<hbm>> -> memref<624x64xf32, #tpu.memory_space<hbm>>
      %dma_start3A_708 = arith.constant 0 : i32
      %dma_start3A_709 = tpu.memref_slice %arg5[%mul3A_0, %dma_start3A_708] : memref<10000x64xf32, #tpu.memory_space<vmem_shared>> -> memref<624x64xf32, #tpu.memory_space<vmem_shared>>
      tpu.enqueue_dma source(%dma_start3A_709 : memref<624x64xf32, #tpu.memory_space<vmem_shared>>) target(%dma_start3A_707 : memref<624x64xf32, #tpu.memory_space<hbm>>) target_semaphore(%run_scoped3A_706 : memref<!tpu.dma_semaphore, #tpu.memory_space<semaphore_mem>>)
      %dma_wait3A = tpu.memref_slice %arg4[%mul3A_0, %mul3A_702] : memref<10000x128xf32, #tpu.memory_space<hbm>> -> memref<624x64xf32, #tpu.memory_space<hbm>>
      %dma_wait3A_710 = arith.constant 0 : i32
      %dma_wait3A_711 = tpu.memref_slice %arg5[%mul3A_0, %dma_wait3A_710] : memref<10000x64xf32, #tpu.memory_space<vmem_shared>> -> memref<624x64xf32, #tpu.memory_space<vmem_shared>>
      tpu.wait_dma2 semaphore(%run_scoped3A_706 : memref<!tpu.dma_semaphore, #tpu.memory_space<semaphore_mem>>) src(%dma_wait3A_711 : memref<624x64xf32, #tpu.memory_space<vmem_shared>>) dst(%dma_wait3A : memref<624x64xf32, #tpu.memory_space<hbm>>)
      tpu.yield
    }) : () -> ()
    %convert_element_type3A_703 = arith.extui %eq3A_1 : i1 to i32
    %cond3A_704 = arith.constant 0 : i32
    %cond3A_705 = arith.cmpi ne, %convert_element_type3A_703, %cond3A_704 : i32
    scf.if %cond3A_705 {
      "tpu.region"() ({
        %run_scoped3A_706 = tpu.sem_alloc : memref<!tpu.dma_semaphore, #tpu.memory_space<semaphore_mem>>
        %dma_start3A_707 = arith.constant 9984 : i32
        %dma_start3A_708 = tpu.memref_slice %arg4[%dma_start3A_707, %mul3A_702] : memref<10000x128xf32, #tpu.memory_space<hbm>> -> memref<16x64xf32, #tpu.memory_space<hbm>>
        %dma_start3A_709 = arith.constant 9984 : i32
        %dma_start3A_710 = arith.constant 0 : i32
        %dma_start3A_711 = tpu.memref_slice %arg5[%dma_start3A_709, %dma_start3A_710] : memref<10000x64xf32, #tpu.memory_space<vmem_shared>> -> memref<16x64xf32, #tpu.memory_space<vmem_shared>>
        tpu.enqueue_dma source(%dma_start3A_711 : memref<16x64xf32, #tpu.memory_space<vmem_shared>>) target(%dma_start3A_708 : memref<16x64xf32, #tpu.memory_space<hbm>>) target_semaphore(%run_scoped3A_706 : memref<!tpu.dma_semaphore, #tpu.memory_space<semaphore_mem>>)
        %dma_wait3A = arith.constant 9984 : i32
        %dma_wait3A_712 = tpu.memref_slice %arg4[%dma_wait3A, %mul3A_702] : memref<10000x128xf32, #tpu.memory_space<hbm>> -> memref<16x64xf32, #tpu.memory_space<hbm>>
        %dma_wait3A_713 = arith.constant 9984 : i32
        %dma_wait3A_714 = arith.constant 0 : i32
        %dma_wait3A_715 = tpu.memref_slice %arg5[%dma_wait3A_713, %dma_wait3A_714] : memref<10000x64xf32, #tpu.memory_space<vmem_shared>> -> memref<16x64xf32, #tpu.memory_space<vmem_shared>>
        tpu.wait_dma2 semaphore(%run_scoped3A_706 : memref<!tpu.dma_semaphore, #tpu.memory_space<semaphore_mem>>) src(%dma_wait3A_715 : memref<16x64xf32, #tpu.memory_space<vmem_shared>>) dst(%dma_wait3A_712 : memref<16x64xf32, #tpu.memory_space<hbm>>)
        tpu.yield
      }) : () -> ()
    } else {
    }
    return
  }
}

module attributes {stable_mosaic.version = 14 : i64} {
  func.func @_layer1_body(%arg0: i32, %arg1: memref<5000x128xf32, #tpu.memory_space<vmem>>, %arg2: memref<5000x128xf32, #tpu.memory_space<vmem>>, %arg3: memref<5000x128xf32, #tpu.memory_space<vmem>>, %arg4: memref<128x128xf32, #tpu.memory_space<vmem>>, %arg5: memref<128xf32, #tpu.memory_space<vmem>>, %arg6: memref<128x128xf32, #tpu.memory_space<vmem>>, %arg7: memref<5000x128xf32, #tpu.memory_space<vmem>>) attributes {dimension_semantics = [#tpu.dimension_semantics<arbitrary>], iteration_bounds = array<i64: 2>, scalar_prefetch = 0 : i64, scratch_operands = 0 : i64, tpu.core_type = #tpu.core_type<tc>, window_params = [{transform_indices = @transform_0, window_bounds = array<i64: 5000, 128>}, {transform_indices = @transform_1, window_bounds = array<i64: 5000, 128>}, {transform_indices = @transform_2, window_bounds = array<i64: 5000, 128>}, {pipeline_mode = #tpu.pipeline_mode<synchronous>, transform_indices = @transform_3, window_bounds = array<i64: 128, 128>}, {pipeline_mode = #tpu.pipeline_mode<synchronous>, transform_indices = @transform_4, window_bounds = array<i64: 128>}, {pipeline_mode = #tpu.pipeline_mode<synchronous>, transform_indices = @transform_5, window_bounds = array<i64: 128, 128>}, {transform_indices = @transform_6, window_bounds = array<i64: 5000, 128>}]} {
    %get3A = arith.constant 0 : index
    %get3A_0 = arith.constant 0 : index
    %get3A_1 = vector.load %arg2[%get3A, %get3A_0] : memref<5000x128xf32, #tpu.memory_space<vmem>>, vector<5000x1xf32>
    %get3A_2 = arith.constant 0 : index
    %get3A_3 = arith.constant 64 : index
    %get3A_4 = vector.load %arg2[%get3A_2, %get3A_3] : memref<5000x128xf32, #tpu.memory_space<vmem>>, vector<5000x1xf32>
    %add3A = arith.addf %get3A_1, %get3A_4 : vector<5000x1xf32>
    %max3A = arith.constant 1.000000e+00 : f32
    %max3A_5 = vector.broadcast %max3A : f32 to vector<5000x1xf32>
    %max3A_6 = arith.maximumf %add3A, %max3A_5 : vector<5000x1xf32>
    %get3A_7 = arith.constant 0 : index
    %get3A_8 = arith.constant 0 : index
    %get3A_9 = vector.load %arg1[%get3A_7, %get3A_8] : memref<5000x128xf32, #tpu.memory_space<vmem>>, vector<5000x128xf32>
    %div3A = vector.broadcast %max3A_6 : vector<5000x1xf32> to vector<5000x128xf32>
    %div3A_10 = arith.divf %get3A_9, %div3A : vector<5000x128xf32>
    %get3A_11 = arith.constant 0 : index
    %get3A_12 = arith.constant 0 : index
    %get3A_13 = vector.load %arg4[%get3A_11, %get3A_12] : memref<128x128xf32, #tpu.memory_space<vmem>>, vector<128x128xf32>
    %dot_general3A = arith.constant dense<0.000000e+00> : vector<5000x128xf32>
    %dot_general3A_14 = tpu.matmul %div3A_10, %get3A_13, %dot_general3A {dimension_numbers = #tpu.dot_dimension_numbers<[1], [1], [0], [0], [0, 0, 1, 0], [], []>, transpose_lhs_hint = false} : vector<5000x128xf32>, vector<128x128xf32>, vector<5000x128xf32> -> vector<5000x128xf32>
    %get3A_15 = arith.constant 0 : index
    %get3A_16 = vector.load %arg5[%get3A_15] : memref<128xf32, #tpu.memory_space<vmem>>, vector<128xf32>
    %broadcast_in_dim3A = vector.shape_cast %get3A_16 : vector<128xf32> to vector<1x128xf32>
    %add3A_17 = vector.broadcast %broadcast_in_dim3A : vector<1x128xf32> to vector<5000x128xf32>
    %add3A_18 = arith.addf %dot_general3A_14, %add3A_17 : vector<5000x128xf32>
    %get3A_19 = arith.constant 0 : index
    %get3A_20 = arith.constant 0 : index
    %get3A_21 = vector.load %arg3[%get3A_19, %get3A_20] : memref<5000x128xf32, #tpu.memory_space<vmem>>, vector<5000x128xf32>
    %get3A_22 = arith.constant 0 : index
    %get3A_23 = arith.constant 0 : index
    %get3A_24 = vector.load %arg6[%get3A_22, %get3A_23] : memref<128x128xf32, #tpu.memory_space<vmem>>, vector<128x128xf32>
    %dot_general3A_25 = arith.constant dense<0.000000e+00> : vector<5000x128xf32>
    %dot_general3A_26 = tpu.matmul %get3A_21, %get3A_24, %dot_general3A_25 {dimension_numbers = #tpu.dot_dimension_numbers<[1], [1], [0], [0], [0, 0, 1, 0], [], []>, transpose_lhs_hint = false} : vector<5000x128xf32>, vector<128x128xf32>, vector<5000x128xf32> -> vector<5000x128xf32>
    %add3A_27 = arith.addf %add3A_18, %dot_general3A_26 : vector<5000x128xf32>
    %max3A_28 = arith.constant 0.000000e+00 : f32
    %max3A_29 = vector.broadcast %max3A_28 : f32 to vector<5000x128xf32>
    %max3A_30 = arith.maximumf %add3A_27, %max3A_29 : vector<5000x128xf32>
    %swap3A = arith.constant 0 : index
    %swap3A_31 = arith.constant 0 : index
    %swap3A_32 = vector.load %arg7[%swap3A, %swap3A_31] : memref<5000x128xf32, #tpu.memory_space<vmem>>, vector<5000x128xf32>
    tpu.vector_store %arg7[%swap3A, %swap3A_31], %max3A_30 {strides = array<i32>} : memref<5000x128xf32, #tpu.memory_space<vmem>>, vector<5000x128xf32>,
    return
  }
  func.func @transform_0(%arg0: i32) -> (i32, i32) {
    %c0_i32 = arith.constant 0 : i32
    %c0_i32_0 = arith.constant 0 : i32
    return %arg0, %c0_i32 : i32, i32
  }
  func.func @transform_1(%arg0: i32) -> (i32, i32) {
    %c0_i32 = arith.constant 0 : i32
    %c0_i32_0 = arith.constant 0 : i32
    return %arg0, %c0_i32 : i32, i32
  }
  func.func @transform_2(%arg0: i32) -> (i32, i32) {
    %c0_i32 = arith.constant 0 : i32
    %c0_i32_0 = arith.constant 0 : i32
    return %arg0, %c0_i32 : i32, i32
  }
  func.func @transform_3(%arg0: i32) -> (i32, i32) {
    %c0_i32 = arith.constant 0 : i32
    %c0_i32_0 = arith.constant 0 : i32
    %c0_i32_1 = arith.constant 0 : i32
    return %c0_i32, %c0_i32_0 : i32, i32
  }
  func.func @transform_4(%arg0: i32) -> i32 {
    %c0_i32 = arith.constant 0 : i32
    %c0_i32_0 = arith.constant 0 : i32
    return %c0_i32 : i32
  }
  func.func @transform_5(%arg0: i32) -> (i32, i32) {
    %c0_i32 = arith.constant 0 : i32
    %c0_i32_0 = arith.constant 0 : i32
    %c0_i32_1 = arith.constant 0 : i32
    return %c0_i32, %c0_i32_0 : i32, i32
  }
  func.func @transform_6(%arg0: i32) -> (i32, i32) {
    %c0_i32 = arith.constant 0 : i32
    %c0_i32_0 = arith.constant 0 : i32
    return %arg0, %c0_i32 : i32, i32
  }
}

module attributes {stable_mosaic.version = 14 : i64} {
  func.func @_layer2_body(%arg0: i32, %arg1: memref<5000x128xf32, #tpu.memory_space<vmem>>, %arg2: memref<5000x128xf32, #tpu.memory_space<vmem>>, %arg3: memref<5000x128xf32, #tpu.memory_space<vmem>>, %arg4: memref<64x128xf32, #tpu.memory_space<vmem>>, %arg5: memref<64xf32, #tpu.memory_space<vmem>>, %arg6: memref<64x128xf32, #tpu.memory_space<vmem>>, %arg7: memref<64x128xf32, #tpu.memory_space<vmem>>, %arg8: memref<64xf32, #tpu.memory_space<vmem>>, %arg9: memref<64x128xf32, #tpu.memory_space<vmem>>, %arg10: memref<5000x64xf32, #tpu.memory_space<vmem>>, %arg11: memref<5000x64xf32, #tpu.memory_space<vmem>>, %arg12: memref<5000x64xf32, #tpu.memory_space<vmem>>, %arg13: memref<5000x64xf32, #tpu.memory_space<vmem>>, %arg14: memref<5000x64xf32, #tpu.memory_space<vmem>>) attributes {dimension_semantics = [#tpu.dimension_semantics<arbitrary>], iteration_bounds = array<i64: 2>, scalar_prefetch = 0 : i64, scratch_operands = 0 : i64, tpu.core_type = #tpu.core_type<tc>, window_params = [{transform_indices = @transform_0, window_bounds = array<i64: 5000, 128>}, {transform_indices = @transform_1, window_bounds = array<i64: 5000, 128>}, {transform_indices = @transform_2, window_bounds = array<i64: 5000, 128>}, {pipeline_mode = #tpu.pipeline_mode<synchronous>, transform_indices = @transform_3, window_bounds = array<i64: 64, 128>}, {pipeline_mode = #tpu.pipeline_mode<synchronous>, transform_indices = @transform_4, window_bounds = array<i64: 64>}, {pipeline_mode = #tpu.pipeline_mode<synchronous>, transform_indices = @transform_5, window_bounds = array<i64: 64, 128>}, {pipeline_mode = #tpu.pipeline_mode<synchronous>, transform_indices = @transform_6, window_bounds = array<i64: 64, 128>}, {pipeline_mode = #tpu.pipeline_mode<synchronous>, transform_indices = @transform_7, window_bounds = array<i64: 64>}, {pipeline_mode = #tpu.pipeline_mode<synchronous>, transform_indices = @transform_8, window_bounds = array<i64: 64, 128>}, {transform_indices = @transform_9, window_bounds = array<i64: 5000, 64>}, {transform_indices = @transform_10, window_bounds = array<i64: 5000, 64>}, {transform_indices = @transform_11, window_bounds = array<i64: 5000, 64>}, {transform_indices = @transform_12, window_bounds = array<i64: 5000, 64>}, {transform_indices = @transform_13, window_bounds = array<i64: 5000, 64>}]} {
    %get3A = arith.constant 0 : index
    %get3A_0 = arith.constant 0 : index
    %get3A_1 = vector.load %arg2[%get3A, %get3A_0] : memref<5000x128xf32, #tpu.memory_space<vmem>>, vector<5000x1xf32>
    %get3A_2 = arith.constant 0 : index
    %get3A_3 = arith.constant 64 : index
    %get3A_4 = vector.load %arg2[%get3A_2, %get3A_3] : memref<5000x128xf32, #tpu.memory_space<vmem>>, vector<5000x1xf32>
    %add3A = arith.addf %get3A_1, %get3A_4 : vector<5000x1xf32>
    %max3A = arith.constant 1.000000e+00 : f32
    %max3A_5 = vector.broadcast %max3A : f32 to vector<5000x1xf32>
    %max3A_6 = arith.maximumf %add3A, %max3A_5 : vector<5000x1xf32>
    %get3A_7 = arith.constant 0 : index
    %get3A_8 = arith.constant 0 : index
    %get3A_9 = vector.load %arg1[%get3A_7, %get3A_8] : memref<5000x128xf32, #tpu.memory_space<vmem>>, vector<5000x128xf32>
    %div3A = vector.broadcast %max3A_6 : vector<5000x1xf32> to vector<5000x128xf32>
    %div3A_10 = arith.divf %get3A_9, %div3A : vector<5000x128xf32>
    %get3A_11 = arith.constant 0 : index
    %get3A_12 = arith.constant 0 : index
    %get3A_13 = vector.load %arg3[%get3A_11, %get3A_12] : memref<5000x128xf32, #tpu.memory_space<vmem>>, vector<5000x128xf32>
    %get3A_14 = arith.constant 0 : index
    %get3A_15 = arith.constant 0 : index
    %get3A_16 = vector.load %arg4[%get3A_14, %get3A_15] : memref<64x128xf32, #tpu.memory_space<vmem>>, vector<64x128xf32>
    %dot_general3A = arith.constant dense<0.000000e+00> : vector<5000x64xf32>
    %dot_general3A_17 = tpu.matmul %div3A_10, %get3A_16, %dot_general3A {dimension_numbers = #tpu.dot_dimension_numbers<[1], [1], [0], [0], [0, 0, 1, 0], [], []>, transpose_lhs_hint = false} : vector<5000x128xf32>, vector<64x128xf32>, vector<5000x64xf32> -> vector<5000x64xf32>
    %get3A_18 = arith.constant 0 : index
    %get3A_19 = vector.load %arg5[%get3A_18] : memref<64xf32, #tpu.memory_space<vmem>>, vector<64xf32>
    %broadcast_in_dim3A = vector.shape_cast %get3A_19 : vector<64xf32> to vector<1x64xf32>
    %add3A_20 = vector.broadcast %broadcast_in_dim3A : vector<1x64xf32> to vector<5000x64xf32>
    %add3A_21 = arith.addf %dot_general3A_17, %add3A_20 : vector<5000x64xf32>
    %get3A_22 = arith.constant 0 : index
    %get3A_23 = arith.constant 0 : index
    %get3A_24 = vector.load %arg6[%get3A_22, %get3A_23] : memref<64x128xf32, #tpu.memory_space<vmem>>, vector<64x128xf32>
    %dot_general3A_25 = arith.constant dense<0.000000e+00> : vector<5000x64xf32>
    %dot_general3A_26 = tpu.matmul %get3A_13, %get3A_24, %dot_general3A_25 {dimension_numbers = #tpu.dot_dimension_numbers<[1], [1], [0], [0], [0, 0, 1, 0], [], []>, transpose_lhs_hint = false} : vector<5000x128xf32>, vector<64x128xf32>, vector<5000x64xf32> -> vector<5000x64xf32>
    %add3A_27 = arith.addf %add3A_21, %dot_general3A_26 : vector<5000x64xf32>
    %get3A_28 = arith.constant 0 : index
    %get3A_29 = arith.constant 0 : index
    %get3A_30 = vector.load %arg7[%get3A_28, %get3A_29] : memref<64x128xf32, #tpu.memory_space<vmem>>, vector<64x128xf32>
    %dot_general3A_31 = arith.constant dense<0.000000e+00> : vector<5000x64xf32>
    %dot_general3A_32 = tpu.matmul %div3A_10, %get3A_30, %dot_general3A_31 {dimension_numbers = #tpu.dot_dimension_numbers<[1], [1], [0], [0], [0, 0, 1, 0], [], []>, transpose_lhs_hint = false} : vector<5000x128xf32>, vector<64x128xf32>, vector<5000x64xf32> -> vector<5000x64xf32>
    %get3A_33 = arith.constant 0 : index
    %get3A_34 = vector.load %arg8[%get3A_33] : memref<64xf32, #tpu.memory_space<vmem>>, vector<64xf32>
    %broadcast_in_dim3A_35 = vector.shape_cast %get3A_34 : vector<64xf32> to vector<1x64xf32>
    %add3A_36 = vector.broadcast %broadcast_in_dim3A_35 : vector<1x64xf32> to vector<5000x64xf32>
    %add3A_37 = arith.addf %dot_general3A_32, %add3A_36 : vector<5000x64xf32>
    %get3A_38 = arith.constant 0 : index
    %get3A_39 = arith.constant 0 : index
    %get3A_40 = vector.load %arg9[%get3A_38, %get3A_39] : memref<64x128xf32, #tpu.memory_space<vmem>>, vector<64x128xf32>
    %dot_general3A_41 = arith.constant dense<0.000000e+00> : vector<5000x64xf32>
    %dot_general3A_42 = tpu.matmul %get3A_13, %get3A_40, %dot_general3A_41 {dimension_numbers = #tpu.dot_dimension_numbers<[1], [1], [0], [0], [0, 0, 1, 0], [], []>, transpose_lhs_hint = false} : vector<5000x128xf32>, vector<64x128xf32>, vector<5000x64xf32> -> vector<5000x64xf32>
    %add3A_43 = arith.addf %add3A_37, %dot_general3A_42 : vector<5000x64xf32>
    %mul3A = arith.constant 5.000000e-01 : f32
    %mul3A_44 = vector.broadcast %mul3A : f32 to vector<5000x64xf32>
    %mul3A_45 = arith.mulf %mul3A_44, %add3A_43 : vector<5000x64xf32>
    %exp3A = math.exp %mul3A_45 : vector<5000x64xf32>
    %get3A_46 = arith.constant 0 : index
    %get3A_47 = arith.constant 0 : index
    %get3A_48 = vector.load %arg10[%get3A_46, %get3A_47] : memref<5000x64xf32, #tpu.memory_space<vmem>>, vector<5000x64xf32>
    %mul3A_49 = arith.mulf %get3A_48, %exp3A : vector<5000x64xf32>
    %add3A_50 = arith.addf %add3A_27, %mul3A_49 : vector<5000x64xf32>
    %mul3A_51 = arith.mulf %add3A_50, %add3A_50 : vector<5000x64xf32>
    %reduce_sum3A = arith.constant dense<0.000000e+00> : vector<5000xf32>
    %reduce_sum3A_52 = vector.multi_reduction <add>, %mul3A_51, %reduce_sum3A [1] : vector<5000x64xf32> to vector<5000xf32>
    %broadcast_in_dim3A_53 = vector.shape_cast %reduce_sum3A_52 : vector<5000xf32> to vector<5000x1xf32>
    %sqrt3A = math.sqrt %broadcast_in_dim3A_53 : vector<5000x1xf32>
    %add3A_54 = arith.constant 9.99999993E-9 : f32
    %add3A_55 = vector.broadcast %add3A_54 : f32 to vector<5000x1xf32>
    %add3A_56 = arith.addf %sqrt3A, %add3A_55 : vector<5000x1xf32>
    %div3A_57 = vector.broadcast %add3A_56 : vector<5000x1xf32> to vector<5000x64xf32>
    %div3A_58 = arith.divf %add3A_50, %div3A_57 : vector<5000x64xf32>
    %swap3A = arith.constant 0 : index
    %swap3A_59 = arith.constant 0 : index
    %swap3A_60 = vector.load %arg11[%swap3A, %swap3A_59] : memref<5000x64xf32, #tpu.memory_space<vmem>>, vector<5000x64xf32>
    tpu.vector_store %arg11[%swap3A, %swap3A_59], %add3A_27 {strides = array<i32>} : memref<5000x64xf32, #tpu.memory_space<vmem>>, vector<5000x64xf32>,
    %swap3A_61 = arith.constant 0 : index
    %swap3A_62 = arith.constant 0 : index
    %swap3A_63 = vector.load %arg12[%swap3A_61, %swap3A_62] : memref<5000x64xf32, #tpu.memory_space<vmem>>, vector<5000x64xf32>
    tpu.vector_store %arg12[%swap3A_61, %swap3A_62], %add3A_43 {strides = array<i32>} : memref<5000x64xf32, #tpu.memory_space<vmem>>, vector<5000x64xf32>,
    %swap3A_64 = arith.constant 0 : index
    %swap3A_65 = arith.constant 0 : index
    %swap3A_66 = vector.load %arg13[%swap3A_64, %swap3A_65] : memref<5000x64xf32, #tpu.memory_space<vmem>>, vector<5000x64xf32>
    tpu.vector_store %arg13[%swap3A_64, %swap3A_65], %add3A_50 {strides = array<i32>} : memref<5000x64xf32, #tpu.memory_space<vmem>>, vector<5000x64xf32>,
    %swap3A_67 = arith.constant 0 : index
    %swap3A_68 = arith.constant 0 : index
    %swap3A_69 = vector.load %arg14[%swap3A_67, %swap3A_68] : memref<5000x64xf32, #tpu.memory_space<vmem>>, vector<5000x64xf32>
    tpu.vector_store %arg14[%swap3A_67, %swap3A_68], %div3A_58 {strides = array<i32>} : memref<5000x64xf32, #tpu.memory_space<vmem>>, vector<5000x64xf32>,
    return
  }
  func.func @transform_0(%arg0: i32) -> (i32, i32) {
    %c0_i32 = arith.constant 0 : i32
    %c0_i32_0 = arith.constant 0 : i32
    return %arg0, %c0_i32 : i32, i32
  }
  func.func @transform_1(%arg0: i32) -> (i32, i32) {
    %c0_i32 = arith.constant 0 : i32
    %c0_i32_0 = arith.constant 0 : i32
    return %arg0, %c0_i32 : i32, i32
  }
  func.func @transform_2(%arg0: i32) -> (i32, i32) {
    %c0_i32 = arith.constant 0 : i32
    %c0_i32_0 = arith.constant 0 : i32
    return %arg0, %c0_i32 : i32, i32
  }
  func.func @transform_3(%arg0: i32) -> (i32, i32) {
    %c0_i32 = arith.constant 0 : i32
    %c0_i32_0 = arith.constant 0 : i32
    %c0_i32_1 = arith.constant 0 : i32
    return %c0_i32, %c0_i32_0 : i32, i32
  }
  func.func @transform_4(%arg0: i32) -> i32 {
    %c0_i32 = arith.constant 0 : i32
    %c0_i32_0 = arith.constant 0 : i32
    return %c0_i32 : i32
  }
  func.func @transform_5(%arg0: i32) -> (i32, i32) {
    %c0_i32 = arith.constant 0 : i32
    %c0_i32_0 = arith.constant 0 : i32
    %c0_i32_1 = arith.constant 0 : i32
    return %c0_i32, %c0_i32_0 : i32, i32
  }
  func.func @transform_6(%arg0: i32) -> (i32, i32) {
    %c0_i32 = arith.constant 0 : i32
    %c0_i32_0 = arith.constant 0 : i32
    %c0_i32_1 = arith.constant 0 : i32
    return %c0_i32, %c0_i32_0 : i32, i32
  }
  func.func @transform_7(%arg0: i32) -> i32 {
    %c0_i32 = arith.constant 0 : i32
    %c0_i32_0 = arith.constant 0 : i32
    return %c0_i32 : i32
  }
  func.func @transform_8(%arg0: i32) -> (i32, i32) {
    %c0_i32 = arith.constant 0 : i32
    %c0_i32_0 = arith.constant 0 : i32
    %c0_i32_1 = arith.constant 0 : i32
    return %c0_i32, %c0_i32_0 : i32, i32
  }
  func.func @transform_9(%arg0: i32) -> (i32, i32) {
    %c0_i32 = arith.constant 0 : i32
    %c0_i32_0 = arith.constant 0 : i32
    return %arg0, %c0_i32 : i32, i32
  }
  func.func @transform_10(%arg0: i32) -> (i32, i32) {
    %c0_i32 = arith.constant 0 : i32
    %c0_i32_0 = arith.constant 0 : i32
    return %arg0, %c0_i32 : i32, i32
  }
  func.func @transform_11(%arg0: i32) -> (i32, i32) {
    %c0_i32 = arith.constant 0 : i32
    %c0_i32_0 = arith.constant 0 : i32
    return %arg0, %c0_i32 : i32, i32
  }
  func.func @transform_12(%arg0: i32) -> (i32, i32) {
    %c0_i32 = arith.constant 0 : i32
    %c0_i32_0 = arith.constant 0 : i32
    return %arg0, %c0_i32 : i32, i32
  }
  func.func @transform_13(%arg0: i32) -> (i32, i32) {
    %c0_i32 = arith.constant 0 : i32
    %c0_i32_0 = arith.constant 0 : i32
    return %arg0, %c0_i32 : i32, i32
  }
}

module attributes {stable_mosaic.version = 14 : i64} {
  func.func @_decode_body(%arg0: i32, %arg1: memref<10000x64xf32, #tpu.memory_space<vmem>>, %arg2: memref<200x10000xf32, #tpu.memory_space<vmem>>) attributes {dimension_semantics = [#tpu.dimension_semantics<arbitrary>], iteration_bounds = array<i64: 50>, scalar_prefetch = 0 : i64, scratch_operands = 0 : i64, tpu.core_type = #tpu.core_type<tc>, window_params = [{pipeline_mode = #tpu.pipeline_mode<synchronous>, transform_indices = @transform_0, window_bounds = array<i64: 10000, 64>}, {transform_indices = @transform_1, window_bounds = array<i64: 200, 10000>}]} {
    %mul3A = arith.constant 200 : i32
    %mul3A_0 = arith.muli %arg0, %mul3A : i32
    %multiple_of3A = tpu.assume_multiple %mul3A_0, 8 : i32
    %get3A = arith.index_cast %multiple_of3A : i32 to index
    %get3A_1 = arith.constant 0 : index
    %get3A_2 = vector.load %arg1[%get3A, %get3A_1] : memref<10000x64xf32, #tpu.memory_space<vmem>>, vector<200x64xf32>
    %get3A_3 = arith.constant 0 : index
    %get3A_4 = arith.constant 0 : index
    %get3A_5 = vector.load %arg1[%get3A_3, %get3A_4] : memref<10000x64xf32, #tpu.memory_space<vmem>>, vector<10000x64xf32>
    %dot_general3A = arith.constant dense<0.000000e+00> : vector<200x10000xf32>
    %dot_general3A_6 = tpu.matmul %get3A_2, %get3A_5, %dot_general3A {dimension_numbers = #tpu.dot_dimension_numbers<[1], [1], [0], [0], [0, 0, 1, 0], [], []>, transpose_lhs_hint = false} : vector<200x64xf32>, vector<10000x64xf32>, vector<200x10000xf32> -> vector<200x10000xf32>
    %swap3A = arith.constant 0 : index
    %swap3A_7 = arith.constant 0 : index
    %swap3A_8 = vector.load %arg2[%swap3A, %swap3A_7] : memref<200x10000xf32, #tpu.memory_space<vmem>>, vector<200x10000xf32>
    tpu.vector_store %arg2[%swap3A, %swap3A_7], %dot_general3A_6 {strides = array<i32>} : memref<200x10000xf32, #tpu.memory_space<vmem>>, vector<200x10000xf32>,
    return
  }
  func.func @transform_0(%arg0: i32) -> (i32, i32) {
    %c0_i32 = arith.constant 0 : i32
    %c0_i32_0 = arith.constant 0 : i32
    %c0_i32_1 = arith.constant 0 : i32
    return %c0_i32, %c0_i32_0 : i32, i32
  }
  func.func @transform_1(%arg0: i32) -> (i32, i32) {
    %c0_i32 = arith.constant 0 : i32
    %c0_i32_0 = arith.constant 0 : i32
    return %arg0, %c0_i32 : i32, i32
  }
}

</mosaic_0001>

<sc_bundles>
// kernel: kernel.10.cloned.1.call-start
scs
__scs_entry_jumppad:
0x0: {  	(pc) =	sbr.rel $0x88, $3  }
0x1: {  	(tag) =	ssettag $0x0;
	lr =	simm.s32 $0x1  }
0x2: {  	[smem:$0x3F95] =	sst lr;
	_ =	strace $0xD0000000  }
0x3: {  	_ = 	snop  }
0x4: {  	_ = 	snop  }
0x5: {  	_ = 	snop  }
0x6: {  	_ = 	snop  }
0x7: {  	_ = 	snop  }
__scs_overlays_trampoline_lowered:
0x8: {  	[smem:$0x3FA4] =	sst s0  }
0x9: {  	[smem:$0x3FA5] =	sst s1  }
0xa: {  	[smem:$0x3FA6] =	sst s2  }
0xb: {  	[smem:$0x3FA7] =	sst s3  }
0xc: {  	[smem:$0x3FA8] =	sst s4  }
0xd: {  	[smem:$0x3FA9] =	sst s5  }
0xe: {  	[smem:$0x3FAA] =	sst s6  }
0xf: {  	[smem:$0x3FAB] =	sst s7  }
0x10: {  	[smem:$0x3FAC] =	sst s8  }
0x11: {  	[smem:$0x3FAD] =	sst s9;
	s0 =	simm.s32 @!p0 $0x0  }
0x12: {  	s1 =	sld [smem:$0x3F93];
	s0 =	simm.s32 @p0 $0x1  }
0x13: {  	[smem:$0x3FAE] =	sst s0;
	s0 =	simm.s32 @!p1 $0x0  }
0x14: {  	s2 =	sld [smem:$0x3F92];
	s0 =	simm.s32 @p1 $0x1  }
0x15: {  	[smem:$0x3FAF] =	sst s0;
	s0 =	simm.s32 @!p2 $0x0  }
0x16: {  	s3 =	sld [smem:$0x3FDB];
	s0 =	simm.s32 @p2 $0x1  }
0x17: {  	s4 =	simm.s32 $0x1BF5;
	[smem:$0x3FB1] =	sst s0  }
0x18: {  	s0 =	sld [smem:$0x3F94];
	_ =	swait.ge [sflag:s4], $0x0  }
0x19: {  	s7 =	sld [smem:$0x3F95]  }
0x1a: {  	s8 =	sadd.s32 $0xFFFFE003, lr  }
0x1b: {  	s9 =	sadd.s32 $0xFFFFFEF7, lr;
	s5 =	simm.s32 $0xFFFFFFFF;
	p2 =	slt.u32 s8, $0xFFFFF086  }
0x1c: {  	p1 =	slt.u32 s9, $0xF7A;
	s5 =	simm.s32 @!p2 $0x0  }
0x1d: {  	s5 =	simm.s32 @p1 $0x1;
	p0 =	seq.s32 s7, s2  }
0x1e: {  	s7 =	smul.u32 @!p0 $0xF7A, s2;
	p2 =	seq.s32 @!p0 s5, $0x0  }
0x1f: {  	s9 =	smul.u32 $0xF7A, s1;
	s8 =	simm.s32 @!p0 $0x1BF5;
	p2 =	por !p2, p0  }
0x20: {  	[sflag:s8] =	ssyncset.s32 @!p0 $0xFFFFF086;
	s6 =	sadd.s32 @!p0 s3, s7;
	s7 =	simm.s32 @!p0 $0x108  }
0x21: {  	s3 =	sadd.s32 s3, s9;
	s6 =	sadd.s32 @!p0 $0x88, s6;
	s7 =	simm.s32 @p2 $0x1082  }
0x22: {  	[simem:s7], [sflag:s8] =	dma.local @!p0 [hbm:s6], $0xF7A  }
0x23: {  	s9 =	sor.u32 $0xD0000000, s2;
	s6 =	simm.s32 $0x108;
	_ =	swait.ge @!p0 [sflag:s8], $0x0  }
0x24: {  	s3 =	sadd.s32 $0x88, s3;
	s6 =	simm.s32 @!p1 $0x1082;
	[sflag:s4] =	ssyncset.s32 $0xFFFFF086  }
0x25: {  	[simem:s6], [sflag:s4] =	dma.local [hbm:s3], $0xF7A  }
0x26: {  	[smem:$0x3F95] =	sst s1;
	(tag) =	ssettag s2;
	_ =	strace s9  }
0x27: {  	s1 =	sld [smem:$0x3FA5]  }
0x28: {  	s2 =	sld [smem:$0x3FA6]  }
0x29: {  	s4 =	sld [smem:$0x3FA8]  }
0x2a: {  	p0 =	seq.s32 s5, $0x0;
	s5 =	sld [smem:$0x3FA9]  }
0x2b: {  	s6 =	sld [smem:$0x3FAA]  }
0x2c: {  	s7 =	sld [smem:$0x3FAB]  }
0x2d: {  	s3 =	simm.s32 $0x108;
	s8 =	sld [smem:$0x3FAC]  }
0x2e: {  	s3 =	simm.s32 @!p0 $0x1082;
	s9 =	sld [smem:$0x3FAD]  }
0x2f: {  	lr =	sadd.s32 s0, s3;
	s0 =	sld [smem:$0x3FA4]  }
0x30: {  	s3 =	sld [smem:$0x3FA7]  }
0x31: {  	[smem:$0x3FB0] =	sst s10  }
0x32: {  	s10 =	sld [smem:$0x3FAE];
	_ =	sdelay $0x3  }
0x33: {  	p0 =	seq.s32 s10, $0x1;
	s10 =	sld [smem:$0x3FB0];
	_ =	sdelay $0x3  }
0x34: {  	[smem:$0x3FB0] =	sst s10  }
0x35: {  	s10 =	sld [smem:$0x3FAF];
	_ =	sdelay $0x3  }
0x36: {  	p1 =	seq.s32 s10, $0x1;
	s10 =	sld [smem:$0x3FB0];
	_ =	sdelay $0x3  }
0x37: {  	[smem:$0x3FB0] =	sst s10  }
0x38: {  	s10 =	sld [smem:$0x3FB1]  }
0x39: {  	_ = 	snop;
	(pc) =	sbr.ind lr, $3  }
0x3a: {  	_ = 	snop  }
0x3b: {  	_ = 	snop  }
0x3c: {  	p2 =	seq.s32 s10, $0x1;
	s10 =	sld [smem:$0x3FB0]  }
0x3d: {  	_ =	shalt  }
0x3e: {  	_ =	shalt  }
0x3f: {  	_ =	shalt  }
0x40: {  	_ =	shalt  }
0x41: {  	_ =	shalt  }
0x42: {  	_ =	shalt  }
0x43: {  	_ =	shalt  }
0x44: {  	_ =	shalt  }
0x45: {  	_ =	shalt  }
0x46: {  	_ =	shalt  }
0x47: {  	_ =	shalt  }
0x48: {  	_ =	shalt  }
0x49: {  	_ =	shalt  }
0x4a: {  	_ =	shalt  }
0x4b: {  	_ =	shalt  }
0x4c: {  	_ =	shalt  }
0x4d: {  	_ =	shalt  }
0x4e: {  	_ =	shalt  }
0x4f: {  	_ =	shalt  }
0x50: {  	_ =	shalt  }
0x51: {  	_ =	shalt  }
0x52: {  	_ =	shalt  }
0x53: {  	_ =	shalt  }
0x54: {  	_ =	shalt  }
0x55: {  	_ =	shalt  }
0x56: {  	_ =	shalt  }
0x57: {  	_ =	shalt  }
0x58: {  	_ =	shalt  }
0x59: {  	_ =	shalt  }
0x5a: {  	_ =	shalt  }
0x5b: {  	_ =	shalt  }
0x5c: {  	_ =	shalt  }
0x5d: {  	_ =	shalt  }
0x5e: {  	_ =	shalt  }
0x5f: {  	_ =	shalt  }
0x60: {  	_ =	shalt  }
0x61: {  	_ =	shalt  }
0x62: {  	_ =	shalt  }
0x63: {  	_ =	shalt  }
0x64: {  	_ =	shalt  }
0x65: {  	_ =	shalt  }
0x66: {  	_ =	shalt  }
0x67: {  	_ =	shalt  }
0x68: {  	_ =	shalt  }
0x69: {  	_ =	shalt  }
0x6a: {  	_ =	shalt  }
0x6b: {  	_ =	shalt  }
0x6c: {  	_ =	shalt  }
0x6d: {  	_ =	shalt  }
0x6e: {  	_ =	shalt  }
0x6f: {  	_ =	shalt  }
0x70: {  	_ =	shalt  }
0x71: {  	_ =	shalt  }
0x72: {  	_ =	shalt  }
0x73: {  	_ =	shalt  }
0x74: {  	_ =	shalt  }
0x75: {  	_ =	shalt  }
0x76: {  	_ =	shalt  }
0x77: {  	_ =	shalt  }
0x78: {  	_ =	shalt  }
0x79: {  	_ =	shalt  }
0x7a: {  	_ =	shalt  }
0x7b: {  	_ =	shalt  }
0x7c: {  	_ =	shalt  }
0x7d: {  	_ =	shalt  }
0x7e: {  	_ =	shalt  }
0x7f: {  	_ =	shalt  }
0x80: {  	_ =	shalt  }
0x81: {  	_ =	shalt  }
0x82: {  	_ =	shalt  }
0x83: {  	_ =	shalt  }
0x84: {  	_ =	shalt  }
0x85: {  	_ =	shalt  }
0x86: {  	_ =	shalt  }
0x87: {  	_ =	shalt  }
.Lfunc_end0:
.L_simem_size_0:
called_computation.1_lowered:
.L_overlay_start_0:
0x88: {  	s2 =	sld [smem:$0x3FD9]  }
0x89: {  	s3 =	sld [smem:$0x3FFE];
	_ =	sdelay $0x1  }
0x8a: {  	s1 =	srdreg.scid  }
0x8b: {  	s0 =	sand.u32 $0x1, s1  }
0x8c: {  	s14 =	sshll.u32 s0, $0xA;
	s2 =	sadd.s32 s3, s2  }
0x8d: {  	s2 =	sadd.s32 s2, s14  }
0x8e: {  	[smem:$0x3FBC] =	sst s2  }
0x8f: {  	_ = 	snop  }
0x90: {  	s2 =	sld [smem:$0x3FD0];
	_ =	sdelay $0x2  }
0x91: {  	s15 =	simm.s32 $0xA;
	s4 =	simm.s32 $0x10  }
0x92: {  	[smem:s4], [sflag:s15] =	dma.local [hbm:s2], $0x1  }
0x93: {  	_ =	swait.eq [sflag:s15], $0x1  }
0x94: {  	[sflag:s15] =	ssyncset.done $0x0  }
0x95: {  	s16 =	sld [smem:$0x10];
	[sflag:s15] =	ssyncadd.s32 $0xFFFFFFFF  }
0x96: {  	s17 =	sld [smem:$0x13];
	(tm) =	ssettm $0x1  }
0x97: {  	s18 =	sld [smem:$0x3FFB];
	_ =	sdelay $0x3  }
0x98: {  	_ =	strace s18  }
0x99: {  	s4 =	sld [smem:$0x3FFC];
	_ =	sdelay $0x3  }
0x9a: {  	_ =	strace s4  }
0x9b: {  	s4 =	sld [smem:$0x3FFD];
	_ =	sdelay $0x3  }
0x9c: {  	_ =	strace s4  }
0x9d: {  	_ =	strace $0x8FFFFFFF  }
0x9e: {  	s19 =	sld [smem:$0x3FDB];
	_ =	sdelay $0x1  }
0x9f: {  	s5 =	simm.s32 $_scs_section_size  }
0xa0: {  	s6 =	simm.s32 $_size__tile_overlayer_lowered;
	s7 =	simm.s32 $_tile_overlayer_lowered  }
0xa1: {  	s22 =	simm.s32 $0x1BFF;
	s21 =	sshll.u32 s7, $0x1;
	s4 =	sadd.s32 s5, s19  }
0xa2: {  	s8 =	simm.s32 $0x0;
	s20 =	sshll.u32 s6, $0x1;
	s6 =	sadd.s32 s21, s4  }
0xa3: {  	[timem:s8], [sflag:s22] =	dma.local [hbm:s6], s20  }
0xa4: {  	_ =	swait.ge [sflag:s22], s20  }
0xa5: {  	s5 =	ssub.s32 $0x0, s20;
	[sflag:s22] =	ssyncset.done $0x0  }
0xa6: {  	[sflag:s22] =	ssyncadd.s32 s5;
	_ =	sdelay $0x1  }
0xa7: {  	s23 =	simm.s32 $0x1B8B  }
0xa8: {  	_ =	swait.ge [sflag:s23], $0x1  }
0xa9: {  	[sflag:s23] =	ssyncset.done $0x0  }
0xaa: {  	s25 =	simm.s32 $0x1B8E;
	s24 =	sld [smem:$0x3FFE];
	[sflag:s23] =	ssyncadd.s32 $0xFFFFFFFF  }
0xab: {  	s26 =	simm.s32 $execute0_lowered;
	[smem:$0x3FD2] =	sst s25  }
0xac: {  	s6 =	sshll.u32 s26, $0x1;
	_ =	strace $0x80000049;
	[dreg:$0x1] =	wrdreg $0xFFFFFFFF  }
0xad: {  	s28 =	simm.s32 $_size_execute0_lowered;
	s4 =	sadd.s32 s4, s6;
	[dreg:$0x0] =	wrdreg $0x0  }
0xae: {  	s6 =	sshll.u32 s28, $0x1;
	[dreg:$0x2] =	wrdreg s4  }
0xaf: {  	[dreg:$0x3] =	wrdreg s6  }
0xb0: {  	[dreg:$0x4] =	wrdreg $0xC0  }
0xb1: {  	_ =	task [dreg:s8], $0x5FFFF  }
0xb2: {  	[dreg:$0x1] =	wrdreg $0xFFFFFFFF  }
0xb3: {  	[dreg:$0x0] =	wrdreg $0x60  }
0xb4: {  	[dreg:$0x2] =	wrdreg s16  }
0xb5: {  	[dreg:$0x3] =	wrdreg s17  }
0xb6: {  	[dreg:$0x4] =	wrdreg s24  }
0xb7: {  	[dreg:$0x5] =	wrdreg $0x0  }
0xb8: {  	[dreg:$0x6] =	wrdreg $0x9  }
0xb9: {  	_ =	task.clear_ibuf [dreg:s8], $0x7FFFF;
	_ =	strace $0x90000049  }
0xba: {  	s29 =	simm.s32 $0x9;
	_ =	strace $0x8000004B  }
0xbb: {  	_ =	swait.ge [sflag:s29], $0x1  }
0xbc: {  	[sflag:s29] =	ssyncadd.s32 $0xFFFFFFFF  }
0xbd: {  	_ =	strace $0x9000004B  }
0xbe: {  	_ =	sfence  }
0xbf: {  	s30 =	sld [smem:$0x0];
	_ =	sdelay $0x2  }
0xc0: {  	s31 =	sshll.u32 s1, $0xD;
	s1 =	sshrl.u32 s1, $0x2  }
0xc1: {  	s3 =	sand.u32 $0x4000, s31;
	s1 =	sadd.s32 s1, s30  }
0xc2: {  	s0 =	sor.u32 s3, s0;
	s1 =	sshll.u32 s1, $0x11  }
0xc3: {  	s0 =	sor.u32 s1, s0  }
0xc4: {  	s0 =	sadd.s32 $0x8F2B, s0  }
0xc5: {  	[sflag:s0] =	ssyncadd.remote.s32 $0x1  }
0xc6: {  	_ =	sfence.sel $0xFFFF  }
0xc7: {  	[dreg:$0x0] =	wrdreg $0xFFFFFFFF;
	(pc) =	sbr.abs _section_cstart, $3  }
0xc8: {  	[dreg:$0x1] =	wrdreg $0xFFFFFFFF  }
0xc9: {  	_ =	task.clear_ibuf [dreg:s8], $0x2FFFF;
	_ =	strace $0x9FFFFFFF  }
0xca: {  	(tm) =	ssettm $0x7FFFFFFF  }
0xcb: {  	_ =	shalt  }
tec
execute0_lowered:
.L_overlay_start_1:
0x0: {  	(tag) =	ssettag $0x1  }
0x1: {  	s1 =	rddreg [dreg:$0x0]  }
0x2: {  	s0 =	rddreg [dreg:$0x1]  }
0x3: {  	s2 =	rddreg [dreg:$0x2]  }
0x4: {  	s3 =	rddreg [dreg:$0x3];
	s9 =	stileid.u32;
	s6 =	simm.s32 $0x0  }
0x5: {  	s4 =	srdreg.scid;
	s29 =	simm.s32 $0x1BB40;
	s30 =	simm.s32 $0x9  }
0x6: {  	s31 =	simm.s32 $0x80;
	s5 =	smul.u32 $0x27000, s9;
	[smem:$0x7FF] =	sst s6  }
0x7: {  	s4 =	sand.u32 $0x1, s4;
	s2 =	sadd.s32 $0x2A200, s2;
	s21 =	smul.u32 $0x9C, s9  }
0x8: {  	s8 =	smin.u32 s9, $0x4;
	p0 =	slt.u32 s9, $0x4;
	s22 =	smul.u32 $0x13800, s9  }
0x9: {  	p1 =	sgt.u32 s9, $0x3;
	s28 =	sadd.s32 $0x9C000, s3;
	_ =	strace $0x8000004A  }
0xa: {  	s14 =	ssub.s32 $0x2, s4;
	s23 =	sshll.u32 s4, $0x6;
	s5 =	sshrl.u32 s5, $0x2  }
0xb: {  	s24 =	sshll.u32 s4, $0x3;
	v0 =	vmov s4;
	s4 =	simm.s32 $0x0;
	s5 =	sadd.s32 s5, s3  }
0xc: {  	s7 =	sshrl.u32 s14, $0x1;
	s26 =	sadd.s32 s24, s2;
	s15 =	sadd.s32 $0xD00, s5  }
0xd: {  	s6 =	ssub.s32 s14, s7;
	s16 =	sadd.s32 $0x1A00, s5;
	[dreg:$0x5] =	wrdreg s15  }
0xe: {  	s7 =	sadd.s32 s8, s21;
	s17 =	sadd.s32 $0x2700, s5;
	[dreg:$0x6] =	wrdreg s16  }
0xf: {  	s18 =	sadd.s32 $0x3400, s5;
	s19 =	sadd.s32 $0x4100, s5;
	[dreg:$0x7] =	wrdreg s17  }
0x10: {  	s20 =	sadd.s32 $0x4E00, s5;
	s12 =	sadd.s32 $0x5B00, s5;
	[dreg:$0x8] =	wrdreg s18  }
0x11: {  	s13 =	sadd.s32 $0x6800, s5;
	s14 =	sadd.s32 $0x7500, s5;
	[dreg:$0x9] =	wrdreg s19  }
0x12: {  	s24 =	smax.u32 s6, $0x1;
	[dreg:$0xa] =	wrdreg s20;
	s15 =	simm.s32 $0x9D  }
0x13: {  	s16 =	sshll.u32 s7, $0x4;
	s18 =	sadd.s32 $0x9C40, s0;
	s7 =	sor.u32 s23, s22  }
.Ltmp0:
0x14: {  	s22 =	sadd.s32 $0x27000, s26;
	s23 =	simm.s32 $0x5;
	(pc) =	sbr.rel .LBB2_1-.Ltmp0, $4  }
0x15: {  	s26 =	sadd.s32 $0x8F00, s5;
	s15 =	simm.s32 @!p0 $0x9C;
	s17 =	sadd.s32 s0, s16  }
0x16: {  	s19 =	sadd.s32 $0x9C0, s16;
	s25 =	sshrl.u32 s7, $0x3;
	s23 =	simm.s32 @!p0 $0x8  }
0x17: {  	p0 =	sne.s32 s9, $0xF;
	s20 =	sadd.s32 s0, s19;
	s21 =	sadd.s32 s2, s25  }
0x18: {  	v1 =	vimm.f32 $0.0e+00;
	s25 =	sadd.s32 $0x8200, s5;
	s0 =	simm.s32 $0x13940;
	s2 =	simm.s32 $0x1  }
.LBB2_7:
0x19: {  	_ =	swait.ge [sflag:s23], $0x2000  }
0x1a: {  	s6 =	stileid.u32;
	s7 =	sshrl.u32 s5, $0x3;
	[sflag:s23] =	ssyncset.done $0x0  }
0x1b: {  	s8 =	simm.s32 $0x10;
	s6 =	sshll.u32 s6, $0x6;
	[sflag:s23] =	ssyncadd.s32 $0xFFFFE000  }
0x1c: {  	s9 =	simm.s32 $0x8;
	s6 =	sor.u32 $0x1C09, s6;
	[bflag:$0x0] =	sbarrier.arrive $0xFFFF  }
0x1d: {  	[hbm:s21@s8], [sflag:s6] =	dma.strided [spmem:s7@s9], $0x1380, s2, $0x8   }
0x1e: {  	s10 =	simm.s32 @!p0 $0x8;
	s4 =	sadd.s32 $0x1, s4;
	_ =	swait.ge [sflag:s30], $0x1380  }
0x1f: {  	p2 =	sne.s32 s4, s24;
	s7 =	sshrl.u32 @!p0 s28, $0x3;
	[sflag:s30] =	ssyncset.done $0x0  }
0x20: {  	s8 =	simm.s32 @!p0 $0x1;
	s9 =	simm.s32 @!p0 $0x10;
	[sflag:s30] =	ssyncadd.s32 $0xFFFFEC80  }
0x21: {  	[hbm:s22@s9], [sflag:s6] =	dma.strided @!p0 [spmem:s7@s10], $0x80, s8, $0x8   }
.Ltmp1:
0x22: {  	_ = 	snop;
	(pc) =	sbr.rel @!p2 .LBB2_8-.Ltmp1, $4  }
0x23: {  	s6 =	simm.s32 @!p0 $0x9  }
0x24: {  	_ =	swait.ge @!p0 [sflag:s6], $0x80  }
0x25: {  	[sflag:s6] =	ssyncset.done @!p0 $0x0  }
0x26: {  	[sflag:s6] =	ssyncadd.s32 @!p0 $0xFFFFFF80  }
.LBB2_1:
0x27: {  	s7 =	simm.s32 $0x100;
	s6 =	simm.s32 $0x0  }
.LBB2_2:
0x28: {  	p2 =	sne.s32 s7, $0x3300;
	[tilespmem:s6+$0x1BB70] =	vst v1;
	s8 =	smov.u32 s7;
	s7 =	sadd.s32 $0x100, s7  }
.Ltmp2:
0x29: {  	[tilespmem:s6+$0x1BB60] =	vst v1;
	(pc) =	sbr.rel @p2 .LBB2_2-.Ltmp2, $3  }
0x2a: {  	[tilespmem:s6+$0x1BB40] =	vst v1  }
0x2b: {  	[tilespmem:s6+$0x1BB50] =	vst v1;
	_ =	sdelay $0x1  }
0x2c: {  	s6 =	sshra.s32 s8, $0x2  }
0x2d: {  	[tilespmem:s6+$0x1BB70] =	vst v1  }
0x2e: {  	[tilespmem:s6+$0x1BB60] =	vst v1  }
0x2f: {  	[tilespmem:s6+$0x1BB40] =	vst v1  }
0x30: {  	[tilespmem:s6+$0x1BB50] =	vst v1  }
0x31: {  	[spmem:s5] =	stream.linear.scatter [tilespmem:s29], [sflag:$0x9], $0xD00, $0x38;
	[tilespmem:$0x1C840] =	vst v63  }
0x32: {  	_ =	swait.ge [sflag:s30], $0xD00  }
0x33: {  	[sflag:s30] =	ssyncset.done $0x0  }
0x34: {  	s9 =	rddreg [dreg:$0x5];
	[sflag:s30] =	ssyncadd.s32 $0xFFFFF300  }
0x35: {  	[spmem:s9] =	stream.linear.scatter [tilespmem:s29], [sflag:$0x9], $0xD00, $0x38;
	[tilespmem:$0x1C840] =	vst v63  }
0x36: {  	_ =	swait.ge [sflag:s30], $0xD00  }
0x37: {  	[sflag:s30] =	ssyncset.done $0x0  }
0x38: {  	s10 =	rddreg [dreg:$0x6];
	[sflag:s30] =	ssyncadd.s32 $0xFFFFF300  }
0x39: {  	[spmem:s10] =	stream.linear.scatter [tilespmem:s29], [sflag:$0x9], $0xD00, $0x38;
	[tilespmem:$0x1C840] =	vst v63  }
0x3a: {  	_ =	swait.ge [sflag:s30], $0xD00  }
0x3b: {  	[sflag:s30] =	ssyncset.done $0x0  }
0x3c: {  	s11 =	rddreg [dreg:$0x7];
	[sflag:s30] =	ssyncadd.s32 $0xFFFFF300  }
0x3d: {  	[spmem:s11] =	stream.linear.scatter [tilespmem:s29], [sflag:$0x9], $0xD00, $0x38;
	[tilespmem:$0x1C840] =	vst v63  }
0x3e: {  	_ =	swait.ge [sflag:s30], $0xD00  }
0x3f: {  	[sflag:s30] =	ssyncset.done $0x0  }
0x40: {  	s7 =	rddreg [dreg:$0x8];
	[sflag:s30] =	ssyncadd.s32 $0xFFFFF300  }
0x41: {  	[spmem:s7] =	stream.linear.scatter [tilespmem:s29], [sflag:$0x9], $0xD00, $0x38;
	[tilespmem:$0x1C840] =	vst v63  }
0x42: {  	_ =	swait.ge [sflag:s30], $0xD00  }
0x43: {  	[sflag:s30] =	ssyncset.done $0x0  }
0x44: {  	s8 =	rddreg [dreg:$0x9];
	[sflag:s30] =	ssyncadd.s32 $0xFFFFF300  }
0x45: {  	[spmem:s8] =	stream.linear.scatter [tilespmem:s29], [sflag:$0x9], $0xD00, $0x38;
	[tilespmem:$0x1C840] =	vst v63  }
0x46: {  	_ =	swait.ge [sflag:s30], $0xD00  }
0x47: {  	[sflag:s30] =	ssyncset.done $0x0  }
0x48: {  	s9 =	rddreg [dreg:$0xa];
	[sflag:s30] =	ssyncadd.s32 $0xFFFFF300  }
0x49: {  	[spmem:s9] =	stream.linear.scatter [tilespmem:s29], [sflag:$0x9], $0xD00, $0x38;
	[tilespmem:$0x1C840] =	vst v63  }
0x4a: {  	_ =	swait.ge [sflag:s30], $0xD00  }
0x4b: {  	[sflag:s30] =	ssyncset.done $0x0  }
0x4c: {  	[sflag:s30] =	ssyncadd.s32 $0xFFFFF300  }
0x4d: {  	[spmem:s12] =	stream.linear.scatter [tilespmem:s29], [sflag:$0x9], $0xD00, $0x38;
	[tilespmem:$0x1C840] =	vst v63  }
0x4e: {  	_ =	swait.ge [sflag:s30], $0xD00  }
0x4f: {  	[sflag:s30] =	ssyncset.done $0x0  }
0x50: {  	[sflag:s30] =	ssyncadd.s32 $0xFFFFF300  }
0x51: {  	[spmem:s13] =	stream.linear.scatter [tilespmem:s29], [sflag:$0x9], $0xD00, $0x38;
	[tilespmem:$0x1C840] =	vst v63  }
0x52: {  	_ =	swait.ge [sflag:s30], $0xD00  }
0x53: {  	[sflag:s30] =	ssyncset.done $0x0  }
0x54: {  	[sflag:s30] =	ssyncadd.s32 $0xFFFFF300  }
0x55: {  	[spmem:s14] =	stream.linear.scatter [tilespmem:s29], [sflag:$0x9], $0xD00, $0x38;
	[tilespmem:$0x1C840] =	vst v63  }
0x56: {  	_ =	swait.ge [sflag:s30], $0xD00  }
0x57: {  	[sflag:s30] =	ssyncset.done $0x0  }
0x58: {  	[sflag:s30] =	ssyncadd.s32 $0xFFFFF300  }
0x59: {  	[spmem:s25] =	stream.linear.scatter [tilespmem:s29], [sflag:$0x9], $0xD00, $0x38;
	[tilespmem:$0x1C840] =	vst v63  }
0x5a: {  	_ =	swait.ge [sflag:s30], $0xD00  }
0x5b: {  	[sflag:s30] =	ssyncset.done $0x0  }
0x5c: {  	[sflag:s30] =	ssyncadd.s32 $0xFFFFF300  }
0x5d: {  	[spmem:s26] =	stream.linear.scatter [tilespmem:s29], [sflag:$0x9], $0xD00, $0x38;
	[tilespmem:$0x1C840] =	vst v63  }
0x5e: {  	_ =	swait.ge [sflag:s30], $0xD00  }
0x5f: {  	[sflag:s30] =	ssyncset.done $0x0  }
0x60: {  	s6 =	simm.s32 @!p0 $0x1BB40;
	[sflag:s30] =	ssyncadd.s32 $0xFFFFF300  }
0x61: {  	[spmem:s28] =	stream.linear.scatter @!p0 [tilespmem:s6], [sflag:$0x9], $0x400, $0x38;
	[tilespmem:$0x1C840] =	vst v63  }
0x62: {  	s6 =	simm.s32 @!p0 $0x9  }
0x63: {  	_ =	swait.ge @!p0 [sflag:s6], $0x400  }
0x64: {  	[sflag:s6] =	ssyncset.done @!p0 $0x0  }
0x65: {  	[sflag:s6] =	ssyncadd.s32 @!p0 $0xFFFFFC00  }
0x66: {  	s10 =	simm.s32 $0x9C40;
	s7 =	simm.s32 $0x0;
	[bflag:$0x0] =	sbarrier.arrive $0xFFFF  }
0x67: {  	[tilespmem:s10], [sflag:$0x9] =	stream.linear.gather [hbm4b:s17+s7], $0x4E00, $0x38;
	[tilespmem:$0x1C840] =	vst v63  }
0x68: {  	_ =	swait.ge [sflag:s30], $0x4E00  }
0x69: {  	[sflag:s30] =	ssyncset.done $0x0  }
0x6a: {  	s11 =	sadd.s32 s16, s18;
	s8 =	simm.s32 $0xEAC0;
	[sflag:s30] =	ssyncadd.s32 $0xFFFFB200  }
0x6b: {  	[tilespmem:s8], [sflag:$0x9] =	stream.linear.gather [hbm4b:s11+s7], $0x4E00, $0x38;
	[tilespmem:$0x1C840] =	vst v63  }
0x6c: {  	_ =	swait.ge [sflag:s30], $0x4E00  }
0x6d: {  	[sflag:s30] =	ssyncset.done $0x0  }
0x6e: {  	s6 =	simm.s32 @!p1 $0x0;
	s7 =	simm.s32 @!p1 $0xEA40;
	[sflag:s30] =	ssyncadd.s32 $0xFFFFB200  }
0x6f: {  	[tilespmem:s7], [sflag:$0x9] =	stream.linear.gather @!p1 [hbm4b:s20+s6], $0x80, $0x38;
	[tilespmem:$0x1C840] =	vst v63  }
0x70: {  	s7 =	simm.s32 @!p1 $0x9  }
0x71: {  	_ =	swait.ge @!p1 [sflag:s7], $0x80  }
0x72: {  	[sflag:s7] =	ssyncset.done @!p1 $0x0  }
0x73: {  	s9 =	simm.s32 @!p1 $0x138C0;
	s8 =	sadd.s32 @!p1 s19, s18;
	[sflag:s7] =	ssyncadd.s32 @!p1 $0xFFFFFF80  }
0x74: {  	[tilespmem:s9], [sflag:$0x9] =	stream.linear.gather @!p1 [hbm4b:s8+s6], $0x80, $0x38;
	[tilespmem:$0x1C840] =	vst v63  }
0x75: {  	_ =	swait.ge @!p1 [sflag:s7], $0x80  }
0x76: {  	[sflag:s7] =	ssyncset.done @!p1 $0x0  }
0x77: {  	[sflag:s7] =	ssyncadd.s32 @!p1 $0xFFFFFF80  }
0x78: {  	v2 =	vld [tilespmem:$0x9C40]  }
0x79: {  	v3 =	vld [tilespmem:$0x9C50]  }
0x7a: {  	v4 =	vld [tilespmem:$0x9C60]  }
0x7b: {  	v5 =	vld [tilespmem:$0x9C70]  }
0x7c: {  	v6 =	vld [tilespmem:$0x9C80]  }
0x7d: {  	v7 =	vld [tilespmem:$0x9C90];
	v2 =	vshll.u32 v2, $0x1  }
0x7e: {  	v8 =	vld [tilespmem:$0x9CA0];
	v3 =	vshll.u32 v3, $0x1;
	v2 =	vor.u32 v0, v2  }
0x7f: {  	v45 =	vld [tilespmem:$0x9CB0];
	[tilespmem:$0x1B940] =	vst v2;
	v2 =	vor.u32 v0, v3;
	v3 =	vshll.u32 v4, $0x1  }
0x80: {  	[tilespmem:$0x1B950] =	vst v2;
	v2 =	vor.u32 v0, v3;
	v3 =	vshll.u32 v5, $0x1  }
0x81: {  	[tilespmem:$0x1B960] =	vst v2;
	v2 =	vor.u32 v0, v3;
	v3 =	vshll.u32 v6, $0x1  }
0x82: {  	[tilespmem:$0x1B970] =	vst v2;
	v2 =	vor.u32 v0, v3;
	v3 =	vshll.u32 v7, $0x1  }
0x83: {  	[tilespmem:$0x1B980] =	vst v2;
	v2 =	vor.u32 v0, v3;
	v3 =	vshll.u32 v8, $0x1  }
0x84: {  	[tilespmem:$0x1B990] =	vst v2;
	v2 =	vor.u32 v0, v3;
	v3 =	vshll.u32 v45, $0x1  }
0x85: {  	[tilespmem:$0x1B9A0] =	vst v2;
	v2 =	vor.u32 v0, v3  }
0x86: {  	s9 =	simm.s32 $0x1B940;
	[tilespmem:$0x1B9B0] =	vst v2  }
0x87: {  	[tilespmem:s0], [sflag:$0x1] =	stream.indirect.gather [hbm4b:s1+s31], $0x40, s9, s31, $0xb8;
	[tilespmem:$0x1C840] =	vst v63  }
0x88: {  	v2 =	vld [tilespmem:$0x9CC0]  }
0x89: {  	v3 =	vld [tilespmem:$0x9CD0]  }
0x8a: {  	v46 =	vld [tilespmem:$0x9CE0]  }
0x8b: {  	v47 =	vld [tilespmem:$0x9CF0]  }
0x8c: {  	v48 =	vld [tilespmem:$0x9D00]  }
0x8d: {  	v49 =	vld [tilespmem:$0x9D10];
	v2 =	vshll.u32 v2, $0x1  }
0x8e: {  	v50 =	vld [tilespmem:$0x9D20];
	v3 =	vshll.u32 v3, $0x1;
	v2 =	vor.u32 v0, v2  }
0x8f: {  	v51 =	vld [tilespmem:$0x9D30];
	[tilespmem:$0x1B9C0] =	vst v2;
	v2 =	vor.u32 v0, v3;
	v3 =	vshll.u32 v46, $0x1  }
0x90: {  	[tilespmem:$0x1B9D0] =	vst v2;
	v2 =	vor.u32 v0, v3;
	v3 =	vshll.u32 v47, $0x1  }
0x91: {  	[tilespmem:$0x1B9E0] =	vst v2;
	v2 =	vor.u32 v0, v3;
	v3 =	vshll.u32 v48, $0x1  }
0x92: {  	[tilespmem:$0x1B9F0] =	vst v2;
	v2 =	vor.u32 v0, v3;
	v3 =	vshll.u32 v49, $0x1  }
0x93: {  	[tilespmem:$0x1BA00] =	vst v2;
	v2 =	vor.u32 v0, v3;
	v3 =	vshll.u32 v50, $0x1  }
0x94: {  	[tilespmem:$0x1BA10] =	vst v2;
	v2 =	vor.u32 v0, v3;
	v3 =	vshll.u32 v51, $0x1  }
0x95: {  	[tilespmem:$0x1BA20] =	vst v2;
	v2 =	vor.u32 v0, v3  }
0x96: {  	s10 =	simm.s32 $0x1B9C0;
	s11 =	simm.s32 $0x15940;
	[tilespmem:$0x1BA30] =	vst v2  }
0x97: {  	[tilespmem:s11], [sflag:$0x2] =	stream.indirect.gather [hbm4b:s1+s31], $0x40, s10, s31, $0xb8;
	[tilespmem:$0x1C840] =	vst v63  }
0x98: {  	v2 =	vld [tilespmem:$0x9D40]  }
0x99: {  	v3 =	vld [tilespmem:$0x9D50]  }
0x9a: {  	v52 =	vld [tilespmem:$0x9D60]  }
0x9b: {  	v53 =	vld [tilespmem:$0x9D70]  }
0x9c: {  	v54 =	vld [tilespmem:$0x9D80]  }
0x9d: {  	v55 =	vld [tilespmem:$0x9D90];
	v2 =	vshll.u32 v2, $0x1  }
0x9e: {  	v56 =	vld [tilespmem:$0x9DA0];
	v3 =	vshll.u32 v3, $0x1;
	v2 =	vor.u32 v0, v2  }
0x9f: {  	v57 =	vld [tilespmem:$0x9DB0];
	[tilespmem:$0x1BA40] =	vst v2;
	v2 =	vor.u32 v0, v3;
	v3 =	vshll.u32 v52, $0x1  }
0xa0: {  	[tilespmem:$0x1BA50] =	vst v2;
	v2 =	vor.u32 v0, v3;
	v3 =	vshll.u32 v53, $0x1  }
0xa1: {  	[tilespmem:$0x1BA60] =	vst v2;
	v2 =	vor.u32 v0, v3;
	v3 =	vshll.u32 v54, $0x1  }
0xa2: {  	[tilespmem:$0x1BA70] =	vst v2;
	v2 =	vor.u32 v0, v3;
	v3 =	vshll.u32 v55, $0x1  }
0xa3: {  	[tilespmem:$0x1BA80] =	vst v2;
	v2 =	vor.u32 v0, v3;
	v3 =	vshll.u32 v56, $0x1  }
0xa4: {  	[tilespmem:$0x1BA90] =	vst v2;
	v2 =	vor.u32 v0, v3;
	v3 =	vshll.u32 v57, $0x1  }
0xa5: {  	[tilespmem:$0x1BAA0] =	vst v2;
	v2 =	vor.u32 v0, v3  }
0xa6: {  	s8 =	simm.s32 $0x1BA40;
	s9 =	simm.s32 $0x17940;
	[tilespmem:$0x1BAB0] =	vst v2  }
0xa7: {  	[tilespmem:s9], [sflag:$0x3] =	stream.indirect.gather [hbm4b:s1+s31], $0x40, s8, s31, $0xb8;
	[tilespmem:$0x1C840] =	vst v63  }
0xa8: {  	v2 =	vld [tilespmem:$0x9DC0]  }
0xa9: {  	v3 =	vld [tilespmem:$0x9DD0]  }
0xaa: {  	v58 =	vld [tilespmem:$0x9DE0]  }
0xab: {  	v59 =	vld [tilespmem:$0x9DF0]  }
0xac: {  	v60 =	vld [tilespmem:$0x9E00]  }
0xad: {  	v61 =	vld [tilespmem:$0x9E10];
	v2 =	vshll.u32 v2, $0x1  }
0xae: {  	v62 =	vld [tilespmem:$0x9E20];
	v3 =	vshll.u32 v3, $0x1;
	v2 =	vor.u32 v0, v2  }
0xaf: {  	v63 =	vld [tilespmem:$0x9E30];
	[tilespmem:$0x1BAC0] =	vst v2;
	v2 =	vor.u32 v0, v3;
	v3 =	vshll.u32 v58, $0x1  }
0xb0: {  	[tilespmem:$0x1BAD0] =	vst v2;
	v2 =	vor.u32 v0, v3;
	v3 =	vshll.u32 v59, $0x1  }
0xb1: {  	[tilespmem:$0x1BAE0] =	vst v2;
	v2 =	vor.u32 v0, v3;
	v3 =	vshll.u32 v60, $0x1  }
0xb2: {  	[tilespmem:$0x1BAF0] =	vst v2;
	v2 =	vor.u32 v0, v3;
	v3 =	vshll.u32 v61, $0x1  }
.Ltmp3:
0xb3: {  	[tilespmem:$0x1BB00] =	vst v2;
	v2 =	vor.u32 v0, v3;
	v3 =	vshll.u32 v62, $0x1;
	(pc) =	sbr.rel .LBB2_4-.Ltmp3, $4  }
0xb4: {  	[tilespmem:$0x1BB10] =	vst v2;
	v2 =	vor.u32 v0, v3;
	v3 =	vshll.u32 v63, $0x1  }
0xb5: {  	s6 =	simm.s32 $0x6;
	s7 =	simm.s32 $0xEAC0;
	[tilespmem:$0x1BB20] =	vst v2;
	v2 =	vor.u32 v0, v3  }
0xb6: {  	s10 =	simm.s32 $0x1BAC0;
	s11 =	simm.s32 $0x19940;
	s8 =	simm.s32 $0x9E00;
	[tilespmem:$0x1BB30] =	vst v2  }
0xb7: {  	[tilespmem:s11], [sflag:$0x4] =	stream.indirect.gather [hbm4b:s1+s31], $0x40, s10, s31, $0xb8;
	[tilespmem:$0x1C840] =	vst v63  }
.LBB2_6:
0xb8: {  	s9 =	sadd.s32 $0xFFFFFFFB, s6  }
0xb9: {  	p2 =	sge.u32 s9, s15  }
0xba: {  	s9 =	simm.s32 @!p2 $0x2  }
0xbb: {  	_ =	swait.ge @!p2 [sflag:s9], $0x2000  }
0xbc: {  	[sflag:s9] =	ssyncset.done @!p2 $0x0  }
0xbd: {  	[sflag:s9] =	ssyncadd.s32 @!p2 $0xFFFFE000;
	s9 =	simm.s32 @!p2 $0x5  }
0xbe: {  	s10 =	sadd.s32 @!p2 $0xFFFFFFFE, s6;
	_ =	swait.ge @!p2 [sflag:s9], $0x2000  }
0xbf: {  	p3 =	sge.u32 @!p2 s10, s15;
	[sflag:s9] =	ssyncset.done @!p2 $0x0  }
0xc0: {  	p3 =	por p3, p2;
	[sflag:s9] =	ssyncadd.s32 @!p2 $0xFFFFE000  }
0xc1: {  	v2 =	vld @!p3 [tilespmem:s8+$0x40];
	_ =	sdelay $0x4  }
0xc2: {  	v2 =	vshll.u32 @!p3 v2, $0x1  }
0xc3: {  	v2 =	vor.u32 @!p3 v0, v2  }
0xc4: {  	[tilespmem:$0x1B940] =	vst @!p3 v2  }
0xc5: {  	v2 =	vld @!p3 [tilespmem:s8+$0x50];
	_ =	sdelay $0x4  }
0xc6: {  	v2 =	vshll.u32 @!p3 v2, $0x1  }
0xc7: {  	v2 =	vor.u32 @!p3 v0, v2  }
0xc8: {  	[tilespmem:$0x1B950] =	vst @!p3 v2  }
0xc9: {  	v2 =	vld @!p3 [tilespmem:s8+$0x60];
	_ =	sdelay $0x4  }
0xca: {  	v2 =	vshll.u32 @!p3 v2, $0x1  }
0xcb: {  	v2 =	vor.u32 @!p3 v0, v2  }
0xcc: {  	[tilespmem:$0x1B960] =	vst @!p3 v2  }
0xcd: {  	v2 =	vld @!p3 [tilespmem:s8+$0x70];
	_ =	sdelay $0x4  }
0xce: {  	v2 =	vshll.u32 @!p3 v2, $0x1  }
0xcf: {  	v2 =	vor.u32 @!p3 v0, v2  }
0xd0: {  	[tilespmem:$0x1B970] =	vst @!p3 v2  }
0xd1: {  	v2 =	vld @!p3 [tilespmem:s8+$0x80];
	_ =	sdelay $0x4  }
0xd2: {  	v2 =	vshll.u32 @!p3 v2, $0x1  }
0xd3: {  	v2 =	vor.u32 @!p3 v0, v2  }
0xd4: {  	[tilespmem:$0x1B980] =	vst @!p3 v2  }
0xd5: {  	v2 =	vld @!p3 [tilespmem:s8+$0x90];
	_ =	sdelay $0x4  }
0xd6: {  	v2 =	vshll.u32 @!p3 v2, $0x1  }
0xd7: {  	v2 =	vor.u32 @!p3 v0, v2  }
0xd8: {  	[tilespmem:$0x1B990] =	vst @!p3 v2  }
0xd9: {  	v2 =	vld @!p3 [tilespmem:s8+$0xA0];
	_ =	sdelay $0x4  }
0xda: {  	v2 =	vshll.u32 @!p3 v2, $0x1  }
0xdb: {  	v2 =	vor.u32 @!p3 v0, v2  }
0xdc: {  	[tilespmem:$0x1B9A0] =	vst @!p3 v2  }
0xdd: {  	v2 =	vld @!p3 [tilespmem:s8+$0xB0];
	_ =	sdelay $0x4  }
0xde: {  	v2 =	vshll.u32 @!p3 v2, $0x1  }
0xdf: {  	v2 =	vor.u32 @!p3 v0, v2  }
0xe0: {  	s10 =	simm.s32 @!p3 $0x1B940;
	s11 =	simm.s32 @!p3 $0x13940;
	s9 =	simm.s32 @!p3 $0x80;
	[tilespmem:$0x1B9B0] =	vst @!p3 v2  }
0xe1: {  	[tilespmem:s11], [sflag:$0x1] =	stream.indirect.gather @!p3 [hbm4b:s1+s9], $0x40, s10, s9, $0xb8;
	[tilespmem:$0x1C840] =	vst v63  }
0xe2: {  	s9 =	sadd.s32 @!p2 $0x80, s7;
	s10 =	simm.s32 @!p2 $0x80;
	s11 =	simm.s32 @!p2 $0x15940  }
0xe3: {  	[spmem:s3] =	stream.indirect.scatter.add.f32 @!p2 [tilespmem:s11], [sflag:$0x6], $0x40, s9, s10, $0xb8;
	[tilespmem:$0x1C840] =	vst v63  }
0xe4: {  	s10 =	sadd.s32 $0xFFFFFFFC, s6  }
0xe5: {  	p2 =	sge.u32 s10, s15  }
0xe6: {  	s9 =	simm.s32 @!p2 $0x3  }
0xe7: {  	_ =	swait.ge @!p2 [sflag:s9], $0x2000  }
0xe8: {  	[sflag:s9] =	ssyncset.done @!p2 $0x0  }
0xe9: {  	[sflag:s9] =	ssyncadd.s32 @!p2 $0xFFFFE000;
	s9 =	simm.s32 @!p2 $0x6  }
0xea: {  	s10 =	sadd.s32 @!p2 $0xFFFFFFFF, s6;
	_ =	swait.ge @!p2 [sflag:s9], $0x2000  }
0xeb: {  	p3 =	sge.u32 @!p2 s10, s15;
	[sflag:s9] =	ssyncset.done @!p2 $0x0  }
0xec: {  	p3 =	por p3, p2;
	[sflag:s9] =	ssyncadd.s32 @!p2 $0xFFFFE000  }
0xed: {  	v2 =	vld @!p3 [tilespmem:s8+$0xC0];
	_ =	sdelay $0x4  }
0xee: {  	v2 =	vshll.u32 @!p3 v2, $0x1  }
0xef: {  	v2 =	vor.u32 @!p3 v0, v2  }
0xf0: {  	[tilespmem:$0x1B9C0] =	vst @!p3 v2  }
0xf1: {  	v2 =	vld @!p3 [tilespmem:s8+$0xD0];
	_ =	sdelay $0x4  }
0xf2: {  	v2 =	vshll.u32 @!p3 v2, $0x1  }
0xf3: {  	v2 =	vor.u32 @!p3 v0, v2  }
0xf4: {  	[tilespmem:$0x1B9D0] =	vst @!p3 v2  }
0xf5: {  	v2 =	vld @!p3 [tilespmem:s8+$0xE0];
	_ =	sdelay $0x4  }
0xf6: {  	v2 =	vshll.u32 @!p3 v2, $0x1  }
0xf7: {  	v2 =	vor.u32 @!p3 v0, v2  }
0xf8: {  	[tilespmem:$0x1B9E0] =	vst @!p3 v2  }
0xf9: {  	v2 =	vld @!p3 [tilespmem:s8+$0xF0];
	_ =	sdelay $0x4  }
0xfa: {  	v2 =	vshll.u32 @!p3 v2, $0x1  }
0xfb: {  	v2 =	vor.u32 @!p3 v0, v2  }
0xfc: {  	[tilespmem:$0x1B9F0] =	vst @!p3 v2  }
0xfd: {  	v2 =	vld @!p3 [tilespmem:s8+$0x100];
	_ =	sdelay $0x4  }
0xfe: {  	v2 =	vshll.u32 @!p3 v2, $0x1  }
0xff: {  	v2 =	vor.u32 @!p3 v0, v2  }
0x100: {  	[tilespmem:$0x1BA00] =	vst @!p3 v2  }
0x101: {  	v2 =	vld @!p3 [tilespmem:s8+$0x110];
	_ =	sdelay $0x4  }
0x102: {  	v2 =	vshll.u32 @!p3 v2, $0x1  }
0x103: {  	v2 =	vor.u32 @!p3 v0, v2  }
0x104: {  	[tilespmem:$0x1BA10] =	vst @!p3 v2  }
0x105: {  	v2 =	vld @!p3 [tilespmem:s8+$0x120];
	_ =	sdelay $0x4  }
0x106: {  	v2 =	vshll.u32 @!p3 v2, $0x1  }
0x107: {  	v2 =	vor.u32 @!p3 v0, v2  }
0x108: {  	[tilespmem:$0x1BA20] =	vst @!p3 v2  }
0x109: {  	v2 =	vld @!p3 [tilespmem:s8+$0x130];
	_ =	sdelay $0x4  }
0x10a: {  	v2 =	vshll.u32 @!p3 v2, $0x1  }
0x10b: {  	v2 =	vor.u32 @!p3 v0, v2  }
0x10c: {  	s10 =	simm.s32 @!p3 $0x1B9C0;
	s11 =	simm.s32 @!p3 $0x15940;
	s9 =	simm.s32 @!p3 $0x80;
	[tilespmem:$0x1BA30] =	vst @!p3 v2  }
0x10d: {  	[tilespmem:s11], [sflag:$0x2] =	stream.indirect.gather @!p3 [hbm4b:s1+s9], $0x40, s10, s9, $0xb8;
	[tilespmem:$0x1C840] =	vst v63  }
0x10e: {  	s9 =	sadd.s32 @!p2 $0x100, s7;
	s10 =	simm.s32 @!p2 $0x80;
	s11 =	simm.s32 @!p2 $0x17940  }
0x10f: {  	[spmem:s3] =	stream.indirect.scatter.add.f32 @!p2 [tilespmem:s11], [sflag:$0x7], $0x40, s9, s10, $0xb8;
	[tilespmem:$0x1C840] =	vst v63  }
0x110: {  	s11 =	sadd.s32 $0xFFFFFFFD, s6  }
0x111: {  	p2 =	sge.u32 s11, s15  }
0x112: {  	s9 =	simm.s32 @!p2 $0x4  }
0x113: {  	_ =	swait.ge @!p2 [sflag:s9], $0x2000  }
0x114: {  	[sflag:s9] =	ssyncset.done @!p2 $0x0  }
0x115: {  	[sflag:s9] =	ssyncadd.s32 @!p2 $0xFFFFE000;
	s9 =	simm.s32 @!p2 $0x7  }
0x116: {  	_ =	swait.ge @!p2 [sflag:s9], $0x2000  }
0x117: {  	p3 =	sge.u32 @!p2 s6, s15;
	[sflag:s9] =	ssyncset.done @!p2 $0x0  }
0x118: {  	p3 =	por p3, p2;
	[sflag:s9] =	ssyncadd.s32 @!p2 $0xFFFFE000  }
0x119: {  	v2 =	vld @!p3 [tilespmem:s8+$0x140];
	_ =	sdelay $0x4  }
0x11a: {  	v2 =	vshll.u32 @!p3 v2, $0x1  }
0x11b: {  	v2 =	vor.u32 @!p3 v0, v2  }
0x11c: {  	[tilespmem:$0x1BA40] =	vst @!p3 v2  }
0x11d: {  	v2 =	vld @!p3 [tilespmem:s8+$0x150];
	_ =	sdelay $0x4  }
0x11e: {  	v2 =	vshll.u32 @!p3 v2, $0x1  }
0x11f: {  	v2 =	vor.u32 @!p3 v0, v2  }
0x120: {  	[tilespmem:$0x1BA50] =	vst @!p3 v2  }
0x121: {  	v2 =	vld @!p3 [tilespmem:s8+$0x160];
	_ =	sdelay $0x4  }
0x122: {  	v2 =	vshll.u32 @!p3 v2, $0x1  }
0x123: {  	v2 =	vor.u32 @!p3 v0, v2  }
0x124: {  	[tilespmem:$0x1BA60] =	vst @!p3 v2  }
0x125: {  	v2 =	vld @!p3 [tilespmem:s8+$0x170];
	_ =	sdelay $0x4  }
0x126: {  	v2 =	vshll.u32 @!p3 v2, $0x1  }
0x127: {  	v2 =	vor.u32 @!p3 v0, v2  }
0x128: {  	[tilespmem:$0x1BA70] =	vst @!p3 v2  }
0x129: {  	v2 =	vld @!p3 [tilespmem:s8+$0x180];
	_ =	sdelay $0x4  }
0x12a: {  	v2 =	vshll.u32 @!p3 v2, $0x1  }
0x12b: {  	v2 =	vor.u32 @!p3 v0, v2  }
0x12c: {  	[tilespmem:$0x1BA80] =	vst @!p3 v2  }
0x12d: {  	v2 =	vld @!p3 [tilespmem:s8+$0x190];
	_ =	sdelay $0x4  }
0x12e: {  	v2 =	vshll.u32 @!p3 v2, $0x1  }
0x12f: {  	v2 =	vor.u32 @!p3 v0, v2  }
0x130: {  	[tilespmem:$0x1BA90] =	vst @!p3 v2  }
0x131: {  	v2 =	vld @!p3 [tilespmem:s8+$0x1A0];
	_ =	sdelay $0x4  }
0x132: {  	v2 =	vshll.u32 @!p3 v2, $0x1  }
0x133: {  	v2 =	vor.u32 @!p3 v0, v2  }
0x134: {  	[tilespmem:$0x1BAA0] =	vst @!p3 v2  }
0x135: {  	v2 =	vld @!p3 [tilespmem:s8+$0x1B0];
	_ =	sdelay $0x4  }
0x136: {  	v2 =	vshll.u32 @!p3 v2, $0x1  }
0x137: {  	s6 =	sadd.s32 $0x4, s6;
	v2 =	vor.u32 @!p3 v0, v2  }
0x138: {  	s10 =	simm.s32 @!p3 $0x1BA40;
	s11 =	simm.s32 @!p3 $0x17940;
	s9 =	simm.s32 @!p3 $0x80;
	[tilespmem:$0x1BAB0] =	vst @!p3 v2  }
0x139: {  	[tilespmem:s11], [sflag:$0x3] =	stream.indirect.gather @!p3 [hbm4b:s1+s9], $0x40, s10, s9, $0xb8;
	[tilespmem:$0x1C840] =	vst v63  }
0x13a: {  	s9 =	sadd.s32 @!p2 $0x180, s7;
	s10 =	simm.s32 @!p2 $0x80;
	s11 =	simm.s32 @!p2 $0x19940  }
0x13b: {  	[spmem:s3] =	stream.indirect.scatter.add.f32 @!p2 [tilespmem:s11], [sflag:$0x8], $0x40, s9, s10, $0xb8;
	[tilespmem:$0x1C840] =	vst v63  }
0x13c: {  	p2 =	sne.s32 s6, $0xA6  }
.Ltmp4:
0x13d: {  	_ = 	snop;
	(pc) =	sbr.rel @!p2 .LBB2_7-.Ltmp4, $2  }
0x13e: {  	_ =	sdelay $0x2  }
0x13f: {  	s8 =	sadd.s32 $0x200, s8;
	s7 =	sadd.s32 $0x200, s7  }
.LBB2_4:
0x140: {  	s9 =	sadd.s32 $0xFFFFFFFA, s6  }
0x141: {  	p2 =	sge.u32 s9, s15  }
.Ltmp5:
0x142: {  	_ = 	snop;
	(pc) =	sbr.rel @p2 .LBB2_6-.Ltmp5, $1  }
0x143: {  	_ =	sdelay $0x3  }
0x144: {  	_ =	swait.ge [sflag:s2], $0x2000  }
0x145: {  	p2 =	seq.s32 s6, $0x6;
	[sflag:s2] =	ssyncset.done $0x0  }
0x146: {  	s9 =	simm.s32 @!p2 $0x8;
	[sflag:s2] =	ssyncadd.s32 $0xFFFFE000  }
0x147: {  	s10 =	sadd.s32 @!p2 $0xFFFFFFFD, s6;
	_ =	swait.ge @!p2 [sflag:s9], $0x2000  }
0x148: {  	p3 =	sge.u32 @!p2 s10, s15;
	[sflag:s9] =	ssyncset.done @!p2 $0x0  }
0x149: {  	[sflag:s9] =	ssyncadd.s32 @!p2 $0xFFFFE000;
	p2 =	por p3, p2  }
0x14a: {  	v2 =	vld @!p2 [tilespmem:s8+$0xFFFFFFC0];
	_ =	sdelay $0x4  }
0x14b: {  	v2 =	vshll.u32 @!p2 v2, $0x1  }
0x14c: {  	v2 =	vor.u32 @!p2 v0, v2  }
0x14d: {  	[tilespmem:$0x1BAC0] =	vst @!p2 v2  }
0x14e: {  	v2 =	vld @!p2 [tilespmem:s8+$0xFFFFFFD0];
	_ =	sdelay $0x4  }
0x14f: {  	v2 =	vshll.u32 @!p2 v2, $0x1  }
0x150: {  	v2 =	vor.u32 @!p2 v0, v2  }
0x151: {  	[tilespmem:$0x1BAD0] =	vst @!p2 v2  }
0x152: {  	v2 =	vld @!p2 [tilespmem:s8+$0xFFFFFFE0];
	_ =	sdelay $0x4  }
0x153: {  	v2 =	vshll.u32 @!p2 v2, $0x1  }
0x154: {  	v2 =	vor.u32 @!p2 v0, v2  }
0x155: {  	[tilespmem:$0x1BAE0] =	vst @!p2 v2  }
0x156: {  	v2 =	vld @!p2 [tilespmem:s8+$0xFFFFFFF0];
	_ =	sdelay $0x4  }
0x157: {  	v2 =	vshll.u32 @!p2 v2, $0x1  }
0x158: {  	v2 =	vor.u32 @!p2 v0, v2  }
0x159: {  	[tilespmem:$0x1BAF0] =	vst @!p2 v2  }
0x15a: {  	v2 =	vld @!p2 [tilespmem:s8+$0x0];
	_ =	sdelay $0x4  }
0x15b: {  	v2 =	vshll.u32 @!p2 v2, $0x1  }
0x15c: {  	v2 =	vor.u32 @!p2 v0, v2  }
0x15d: {  	[tilespmem:$0x1BB00] =	vst @!p2 v2  }
0x15e: {  	v2 =	vld @!p2 [tilespmem:s8+$0x10];
	_ =	sdelay $0x4  }
0x15f: {  	v2 =	vshll.u32 @!p2 v2, $0x1  }
0x160: {  	v2 =	vor.u32 @!p2 v0, v2  }
0x161: {  	[tilespmem:$0x1BB10] =	vst @!p2 v2  }
0x162: {  	v2 =	vld @!p2 [tilespmem:s8+$0x20];
	_ =	sdelay $0x4  }
0x163: {  	v2 =	vshll.u32 @!p2 v2, $0x1  }
0x164: {  	v2 =	vor.u32 @!p2 v0, v2  }
0x165: {  	[tilespmem:$0x1BB20] =	vst @!p2 v2  }
0x166: {  	v2 =	vld @!p2 [tilespmem:s8+$0x30];
	_ =	sdelay $0x4  }
0x167: {  	v2 =	vshll.u32 @!p2 v2, $0x1  }
.Ltmp6:
0x168: {  	v2 =	vor.u32 @!p2 v0, v2;
	(pc) =	sbr.rel .LBB2_6-.Ltmp6, $4  }
0x169: {  	s9 =	simm.s32 @!p2 $0x80;
	s10 =	simm.s32 @!p2 $0x1BAC0;
	s11 =	simm.s32 @!p2 $0x19940;
	[tilespmem:$0x1BB30] =	vst @!p2 v2  }
0x16a: {  	[tilespmem:s11], [sflag:$0x4] =	stream.indirect.gather @!p2 [hbm4b:s1+s9], $0x40, s10, s9, $0xb8;
	[tilespmem:$0x1C840] =	vst v63  }
0x16b: {  	_ = 	snop  }
0x16c: {  	[spmem:s3] =	stream.indirect.scatter.add.f32 [tilespmem:s0], [sflag:$0x5], $0x40, s7, s31, $0xb8;
	[tilespmem:$0x1C840] =	vst v63  }
.LBB2_8:
0x16d: {  	_ =	sfence.sel $0x180000  }
0x16e: {  	[bflag:$0x0] =	sbarrier.arrive $0xFFFF  }
0x16f: {  	_ =	strace $0x9000004A  }
0x170: {  	s0 =	stileid.u32;
	[bflag:$0x2] =	sbarrier.arrive $0xFFFF  }
0x171: {  	p0 =	sne.s32 s0, $0x0;
	s0 =	rddreg [dreg:$0x4]  }
0x172: {  	s0 =	sadd.s32 @!p0 $0x100000, s0  }
0x173: {  	[sflag:s0] =	ssyncadd.tile.s32 @!p0 $0x1;
	_ =	shalt  }
.Lfunc_end2:
_tile_overlayer_lowered:
.L_overlay_start_2:
0x174: {  	(tag) =	ssettag $0x2  }
0x175: {  	s0 =	rddreg [dreg:$0x0];
	s2 =	stileid.u32  }
0x176: {  	s1 =	rddreg [dreg:$0x1];
	p0 =	sne.s32 s2, $0x0  }
0x177: {  	s3 =	rddreg [dreg:$0x2];
	[bflag:$0x3] =	sbarrier.arrive $0xFFFF;
	s2 =	simm.s32 @!p0 $0x1C09  }
0x178: {  	[timem:s3], [sflag:s2] =	dma.local @!p0 [hbm:s0], s1  }
0x179: {  	s0 =	simm.s32 @!p0 $0x9  }
0x17a: {  	_ =	swait.ge @!p0 [sflag:s0], s1  }
0x17b: {  	s1 =	ssub.s32 @!p0 $0x0, s1;
	[sflag:s0] =	ssyncset.done @!p0 $0x0  }
0x17c: {  	[sflag:s0] =	ssyncadd.s32 @!p0 s1  }
0x17d: {  	[bflag:$0x3] =	sbarrier.arrive $0xFFFF  }
0x17e: {  	_ =	shalt  }

// kernel: kernel.7.cloned.1.call-start
scs
__scs_entry_jumppad:
0x0: {  	(pc) =	sbr.rel $0x88, $3  }
0x1: {  	(tag) =	ssettag $0x0;
	lr =	simm.s32 $0x1  }
0x2: {  	[smem:$0x3F95] =	sst lr;
	_ =	strace $0xD0000000  }
0x3: {  	_ = 	snop  }
0x4: {  	_ = 	snop  }
0x5: {  	_ = 	snop  }
0x6: {  	_ = 	snop  }
0x7: {  	_ = 	snop  }
__scs_overlays_trampoline_lowered:
0x8: {  	[smem:$0x3FA4] =	sst s0  }
0x9: {  	[smem:$0x3FA5] =	sst s1  }
0xa: {  	[smem:$0x3FA6] =	sst s2  }
0xb: {  	[smem:$0x3FA7] =	sst s3  }
0xc: {  	[smem:$0x3FA8] =	sst s4  }
0xd: {  	[smem:$0x3FA9] =	sst s5  }
0xe: {  	[smem:$0x3FAA] =	sst s6  }
0xf: {  	[smem:$0x3FAB] =	sst s7  }
0x10: {  	[smem:$0x3FAC] =	sst s8  }
0x11: {  	[smem:$0x3FAD] =	sst s9;
	s0 =	simm.s32 @!p0 $0x0  }
0x12: {  	s1 =	sld [smem:$0x3F93];
	s0 =	simm.s32 @p0 $0x1  }
0x13: {  	[smem:$0x3FAE] =	sst s0;
	s0 =	simm.s32 @!p1 $0x0  }
0x14: {  	s2 =	sld [smem:$0x3F92];
	s0 =	simm.s32 @p1 $0x1  }
0x15: {  	[smem:$0x3FAF] =	sst s0;
	s0 =	simm.s32 @!p2 $0x0  }
0x16: {  	s3 =	sld [smem:$0x3FDB];
	s0 =	simm.s32 @p2 $0x1  }
0x17: {  	s4 =	simm.s32 $0x1BF5;
	[smem:$0x3FB1] =	sst s0  }
0x18: {  	s0 =	sld [smem:$0x3F94];
	_ =	swait.ge [sflag:s4], $0x0  }
0x19: {  	s7 =	sld [smem:$0x3F95]  }
0x1a: {  	s8 =	sadd.s32 $0xFFFFE003, lr  }
0x1b: {  	s9 =	sadd.s32 $0xFFFFFEF7, lr;
	s5 =	simm.s32 $0xFFFFFFFF;
	p2 =	slt.u32 s8, $0xFFFFF086  }
0x1c: {  	p1 =	slt.u32 s9, $0xF7A;
	s5 =	simm.s32 @!p2 $0x0  }
0x1d: {  	s5 =	simm.s32 @p1 $0x1;
	p0 =	seq.s32 s7, s2  }
0x1e: {  	s7 =	smul.u32 @!p0 $0xF7A, s2;
	p2 =	seq.s32 @!p0 s5, $0x0  }
0x1f: {  	s9 =	smul.u32 $0xF7A, s1;
	s8 =	simm.s32 @!p0 $0x1BF5;
	p2 =	por !p2, p0  }
0x20: {  	[sflag:s8] =	ssyncset.s32 @!p0 $0xFFFFF086;
	s6 =	sadd.s32 @!p0 s3, s7;
	s7 =	simm.s32 @!p0 $0x108  }
0x21: {  	s3 =	sadd.s32 s3, s9;
	s6 =	sadd.s32 @!p0 $0x88, s6;
	s7 =	simm.s32 @p2 $0x1082  }
0x22: {  	[simem:s7], [sflag:s8] =	dma.local @!p0 [hbm:s6], $0xF7A  }
0x23: {  	s9 =	sor.u32 $0xD0000000, s2;
	s6 =	simm.s32 $0x108;
	_ =	swait.ge @!p0 [sflag:s8], $0x0  }
0x24: {  	s3 =	sadd.s32 $0x88, s3;
	s6 =	simm.s32 @!p1 $0x1082;
	[sflag:s4] =	ssyncset.s32 $0xFFFFF086  }
0x25: {  	[simem:s6], [sflag:s4] =	dma.local [hbm:s3], $0xF7A  }
0x26: {  	[smem:$0x3F95] =	sst s1;
	(tag) =	ssettag s2;
	_ =	strace s9  }
0x27: {  	s1 =	sld [smem:$0x3FA5]  }
0x28: {  	s2 =	sld [smem:$0x3FA6]  }
0x29: {  	s4 =	sld [smem:$0x3FA8]  }
0x2a: {  	p0 =	seq.s32 s5, $0x0;
	s5 =	sld [smem:$0x3FA9]  }
0x2b: {  	s6 =	sld [smem:$0x3FAA]  }
0x2c: {  	s7 =	sld [smem:$0x3FAB]  }
0x2d: {  	s3 =	simm.s32 $0x108;
	s8 =	sld [smem:$0x3FAC]  }
0x2e: {  	s3 =	simm.s32 @!p0 $0x1082;
	s9 =	sld [smem:$0x3FAD]  }
0x2f: {  	lr =	sadd.s32 s0, s3;
	s0 =	sld [smem:$0x3FA4]  }
0x30: {  	s3 =	sld [smem:$0x3FA7]  }
0x31: {  	[smem:$0x3FB0] =	sst s10  }
0x32: {  	s10 =	sld [smem:$0x3FAE];
	_ =	sdelay $0x3  }
0x33: {  	p0 =	seq.s32 s10, $0x1;
	s10 =	sld [smem:$0x3FB0];
	_ =	sdelay $0x3  }
0x34: {  	[smem:$0x3FB0] =	sst s10  }
0x35: {  	s10 =	sld [smem:$0x3FAF];
	_ =	sdelay $0x3  }
0x36: {  	p1 =	seq.s32 s10, $0x1;
	s10 =	sld [smem:$0x3FB0];
	_ =	sdelay $0x3  }
0x37: {  	[smem:$0x3FB0] =	sst s10  }
0x38: {  	s10 =	sld [smem:$0x3FB1]  }
0x39: {  	_ = 	snop;
	(pc) =	sbr.ind lr, $3  }
0x3a: {  	_ = 	snop  }
0x3b: {  	_ = 	snop  }
0x3c: {  	p2 =	seq.s32 s10, $0x1;
	s10 =	sld [smem:$0x3FB0]  }
0x3d: {  	_ =	shalt  }
0x3e: {  	_ =	shalt  }
0x3f: {  	_ =	shalt  }
0x40: {  	_ =	shalt  }
0x41: {  	_ =	shalt  }
0x42: {  	_ =	shalt  }
0x43: {  	_ =	shalt  }
0x44: {  	_ =	shalt  }
0x45: {  	_ =	shalt  }
0x46: {  	_ =	shalt  }
0x47: {  	_ =	shalt  }
0x48: {  	_ =	shalt  }
0x49: {  	_ =	shalt  }
0x4a: {  	_ =	shalt  }
0x4b: {  	_ =	shalt  }
0x4c: {  	_ =	shalt  }
0x4d: {  	_ =	shalt  }
0x4e: {  	_ =	shalt  }
0x4f: {  	_ =	shalt  }
0x50: {  	_ =	shalt  }
0x51: {  	_ =	shalt  }
0x52: {  	_ =	shalt  }
0x53: {  	_ =	shalt  }
0x54: {  	_ =	shalt  }
0x55: {  	_ =	shalt  }
0x56: {  	_ =	shalt  }
0x57: {  	_ =	shalt  }
0x58: {  	_ =	shalt  }
0x59: {  	_ =	shalt  }
0x5a: {  	_ =	shalt  }
0x5b: {  	_ =	shalt  }
0x5c: {  	_ =	shalt  }
0x5d: {  	_ =	shalt  }
0x5e: {  	_ =	shalt  }
0x5f: {  	_ =	shalt  }
0x60: {  	_ =	shalt  }
0x61: {  	_ =	shalt  }
0x62: {  	_ =	shalt  }
0x63: {  	_ =	shalt  }
0x64: {  	_ =	shalt  }
0x65: {  	_ =	shalt  }
0x66: {  	_ =	shalt  }
0x67: {  	_ =	shalt  }
0x68: {  	_ =	shalt  }
0x69: {  	_ =	shalt  }
0x6a: {  	_ =	shalt  }
0x6b: {  	_ =	shalt  }
0x6c: {  	_ =	shalt  }
0x6d: {  	_ =	shalt  }
0x6e: {  	_ =	shalt  }
0x6f: {  	_ =	shalt  }
0x70: {  	_ =	shalt  }
0x71: {  	_ =	shalt  }
0x72: {  	_ =	shalt  }
0x73: {  	_ =	shalt  }
0x74: {  	_ =	shalt  }
0x75: {  	_ =	shalt  }
0x76: {  	_ =	shalt  }
0x77: {  	_ =	shalt  }
0x78: {  	_ =	shalt  }
0x79: {  	_ =	shalt  }
0x7a: {  	_ =	shalt  }
0x7b: {  	_ =	shalt  }
0x7c: {  	_ =	shalt  }
0x7d: {  	_ =	shalt  }
0x7e: {  	_ =	shalt  }
0x7f: {  	_ =	shalt  }
0x80: {  	_ =	shalt  }
0x81: {  	_ =	shalt  }
0x82: {  	_ =	shalt  }
0x83: {  	_ =	shalt  }
0x84: {  	_ =	shalt  }
0x85: {  	_ =	shalt  }
0x86: {  	_ =	shalt  }
0x87: {  	_ =	shalt  }
.Lfunc_end0:
.L_simem_size_0:
called_computation_lowered:
.L_overlay_start_0:
0x88: {  	s2 =	sld [smem:$0x3FD9]  }
0x89: {  	s3 =	sld [smem:$0x3FFE];
	_ =	sdelay $0x1  }
0x8a: {  	s1 =	srdreg.scid  }
0x8b: {  	s0 =	sand.u32 $0x1, s1  }
0x8c: {  	s14 =	sshll.u32 s0, $0xA;
	s2 =	sadd.s32 s3, s2  }
0x8d: {  	s2 =	sadd.s32 s2, s14  }
0x8e: {  	[smem:$0x3FBC] =	sst s2  }
0x8f: {  	_ = 	snop  }
0x90: {  	s2 =	sld [smem:$0x3FD0];
	_ =	sdelay $0x2  }
0x91: {  	s4 =	simm.s32 $0xA;
	s5 =	simm.s32 $0x10;
	s15 =	sld [smem:$0x3FC9]  }
0x92: {  	[smem:s5], [sflag:s4] =	dma.local [hbm:s2], $0x1  }
0x93: {  	_ =	swait.eq [sflag:s4], $0x1  }
0x94: {  	[sflag:s4] =	ssyncset.done $0x0  }
0x95: {  	s16 =	sld [smem:$0x10];
	[sflag:s4] =	ssyncadd.s32 $0xFFFFFFFF  }
0x96: {  	s17 =	sld [smem:$0x13];
	(tm) =	ssettm $0x1  }
0x97: {  	s18 =	sld [smem:$0x3FFB];
	_ =	sdelay $0x3  }
0x98: {  	_ =	strace s18  }
0x99: {  	s5 =	sld [smem:$0x3FFC];
	_ =	sdelay $0x3  }
0x9a: {  	_ =	strace s5  }
0x9b: {  	s5 =	sld [smem:$0x3FFD];
	_ =	sdelay $0x3  }
0x9c: {  	_ =	strace s5  }
0x9d: {  	_ =	strace $0x8FFFFFFF  }
0x9e: {  	s19 =	sld [smem:$0x3FDB];
	_ =	sdelay $0x1  }
0x9f: {  	s6 =	simm.s32 $_scs_section_size  }
0xa0: {  	s7 =	simm.s32 $_size__tile_overlayer_lowered;
	s8 =	simm.s32 $_tile_overlayer_lowered  }
0xa1: {  	s22 =	simm.s32 $0x1BFF;
	s21 =	sshll.u32 s8, $0x1;
	s5 =	sadd.s32 s6, s19  }
0xa2: {  	s9 =	simm.s32 $0x0;
	s20 =	sshll.u32 s7, $0x1;
	s7 =	sadd.s32 s21, s5  }
0xa3: {  	[timem:s9], [sflag:s22] =	dma.local [hbm:s7], s20  }
0xa4: {  	_ =	swait.ge [sflag:s22], s20  }
0xa5: {  	s6 =	ssub.s32 $0x0, s20;
	[sflag:s22] =	ssyncset.done $0x0  }
0xa6: {  	[sflag:s22] =	ssyncadd.s32 s6;
	_ =	sdelay $0x1  }
0xa7: {  	s23 =	simm.s32 $0x1B8B  }
0xa8: {  	_ =	swait.ge [sflag:s23], $0x1  }
0xa9: {  	[sflag:s23] =	ssyncset.done $0x0  }
0xaa: {  	s25 =	simm.s32 $0x1B8E;
	s24 =	sld [smem:$0x3FFE];
	[sflag:s23] =	ssyncadd.s32 $0xFFFFFFFF  }
0xab: {  	s26 =	simm.s32 $execute0_lowered;
	[smem:$0x3FD2] =	sst s25  }
0xac: {  	s7 =	sshll.u32 s26, $0x1;
	_ =	strace $0x80000046;
	[dreg:$0x1] =	wrdreg $0xFFFFFFFF  }
0xad: {  	s28 =	simm.s32 $_size_execute0_lowered;
	s5 =	sadd.s32 s5, s7;
	[dreg:$0x0] =	wrdreg $0x0  }
0xae: {  	s7 =	sshll.u32 s28, $0x1;
	[dreg:$0x2] =	wrdreg s5  }
0xaf: {  	[dreg:$0x3] =	wrdreg s7  }
0xb0: {  	[dreg:$0x4] =	wrdreg $0xC0  }
0xb1: {  	_ =	task [dreg:s9], $0x5FFFF  }
0xb2: {  	[dreg:$0x1] =	wrdreg $0xFFFFFFFF  }
0xb3: {  	[dreg:$0x0] =	wrdreg $0x60  }
0xb4: {  	[dreg:$0x2] =	wrdreg s15  }
0xb5: {  	[dreg:$0x3] =	wrdreg s17  }
0xb6: {  	[dreg:$0x4] =	wrdreg s16  }
0xb7: {  	[dreg:$0x5] =	wrdreg s24  }
0xb8: {  	[dreg:$0x6] =	wrdreg $0x0  }
0xb9: {  	[dreg:$0x7] =	wrdreg $0x1C8400  }
0xba: {  	[dreg:$0x8] =	wrdreg $0x9  }
0xbb: {  	_ =	task.clear_ibuf [dreg:s9], $0x9FFFF;
	_ =	strace $0x90000046  }
0xbc: {  	s29 =	simm.s32 $0x9;
	_ =	strace $0x80000048  }
0xbd: {  	_ =	swait.ge [sflag:s29], $0x1  }
0xbe: {  	[sflag:s29] =	ssyncadd.s32 $0xFFFFFFFF  }
0xbf: {  	_ =	strace $0x90000048  }
0xc0: {  	_ =	sfence  }
0xc1: {  	s30 =	sld [smem:$0x0];
	_ =	sdelay $0x2  }
0xc2: {  	s31 =	sshll.u32 s1, $0xD;
	s1 =	sshrl.u32 s1, $0x2  }
0xc3: {  	s3 =	sand.u32 $0x4000, s31;
	s1 =	sadd.s32 s1, s30  }
0xc4: {  	s0 =	sor.u32 s3, s0;
	s1 =	sshll.u32 s1, $0x11  }
0xc5: {  	s0 =	sor.u32 s1, s0  }
0xc6: {  	s0 =	sadd.s32 $0x8F2B, s0  }
0xc7: {  	[sflag:s0] =	ssyncadd.remote.s32 $0x1  }
0xc8: {  	_ =	sfence.sel $0xFFFF  }
0xc9: {  	[dreg:$0x0] =	wrdreg $0xFFFFFFFF;
	(pc) =	sbr.abs _section_cstart, $3  }
0xca: {  	[dreg:$0x1] =	wrdreg $0xFFFFFFFF  }
0xcb: {  	_ =	task.clear_ibuf [dreg:s9], $0x2FFFF;
	_ =	strace $0x9FFFFFFF  }
0xcc: {  	(tm) =	ssettm $0x7FFFFFFF  }
0xcd: {  	_ =	shalt  }
tec
execute0_lowered:
.L_overlay_start_1:
0x0: {  	(tag) =	ssettag $0x1  }
0x1: {  	s1 =	rddreg [dreg:$0x0]  }
0x2: {  	s15 =	rddreg [dreg:$0x1]  }
0x3: {  	s0 =	rddreg [dreg:$0x2]  }
0x4: {  	s2 =	rddreg [dreg:$0x3]  }
0x5: {  	s3 =	rddreg [dreg:$0x4]  }
0x6: {  	s4 =	rddreg [dreg:$0x5]  }
0x7: {  	s5 =	srdreg.scid;
	s24 =	stileid.u32  }
0x8: {  	s7 =	simm.s32 $0x0;
	s6 =	sand.u32 $0x1, s5;
	s5 =	smul.u32 $0x270, s24  }
0x9: {  	s28 =	simm.s32 $0x0;
	[smem:$0x7FF] =	sst s7;
	s8 =	smul.u32 $0x27000, s24  }
0xa: {  	s2 =	sadd.s32 $0x3000, s2;
	s21 =	smul.u32 $0x9C, s24;
	p0 =	slt.u32 s24, $0x4  }
0xb: {  	p1 =	sgt.u32 s24, $0x3;
	s13 =	ssub.s32 $0x2, s6;
	_ =	strace $0x80000047  }
0xc: {  	s23 =	sshll.u32 s6, $0x3;
	p2 =	sne.s32 s6, $0x0;
	s9 =	sshrl.u32 s13, $0x1  }
0xd: {  	s14 =	sshrl.u32 s8, $0x2;
	s8 =	sadd.s32 $0x34, s5;
	s10 =	sadd.s32 $0x68, s5  }
0xe: {  	s11 =	sadd.s32 $0x9C, s5;
	s12 =	sadd.s32 $0xD0, s5;
	s25 =	sor.u32 $0x27000, s23  }
0xf: {  	s16 =	ssub.s32 s13, s9;
	s7 =	sadd.s32 s14, s3;
	s17 =	sshll.u32 s8, $0x6  }
0x10: {  	s18 =	sshll.u32 s10, $0x6;
	s19 =	sshll.u32 s11, $0x6;
	s20 =	sshll.u32 s12, $0x6  }
0x11: {  	s13 =	smul.u32 $0x13800, s24;
	s14 =	sshll.u32 s6, $0x6;
	s26 =	sadd.s32 s2, s25  }
0x12: {  	s8 =	sshll.u32 s8, $0x4;
	s9 =	sadd.s32 s17, s3;
	s17 =	sadd.s32 $0x104, s5  }
0x13: {  	[dreg:$0xd] =	wrdreg s26;
	s26 =	sadd.s32 s8, s4;
	s16 =	smax.u32 s16, $0x1  }
0x14: {  	[dreg:$0x7] =	wrdreg s9;
	s9 =	sadd.s32 s18, s3;
	s18 =	smin.u32 s24, $0x4  }
0x15: {  	s13 =	sor.u32 s14, s13;
	s29 =	sshll.u32 s17, $0x6;
	[dreg:$0x15] =	wrdreg s26  }
0x16: {  	[dreg:$0x8] =	wrdreg s9;
	s9 =	sadd.s32 s19, s3;
	s14 =	sadd.s32 s18, s21  }
0x17: {  	s22 =	sshrl.u32 s13, $0x3;
	[dreg:$0x9] =	wrdreg s9;
	s9 =	sadd.s32 s20, s3  }
0x18: {  	s19 =	sadd.s32 $0x1A0, s5;
	s13 =	sadd.s32 s0, s22;
	[dreg:$0xa] =	wrdreg s9  }
0x19: {  	s0 =	sadd.s32 s0, s25;
	s20 =	sshll.u32 s19, $0x6;
	[dreg:$0xb] =	wrdreg s13  }
0x1a: {  	s13 =	sadd.s32 s2, s22;
	[dreg:$0xc] =	wrdreg s0;
	s0 =	sadd.s32 s29, s3  }
0x1b: {  	s2 =	sadd.s32 $0x16C, s5;
	s22 =	smul.u32 $0x9C00, s24;
	s29 =	sshll.u32 s10, $0x4  }
0x1c: {  	s10 =	sshll.u32 s14, $0x4;
	[dreg:$0xe] =	wrdreg s0;
	s0 =	sadd.s32 $0x138, s5  }
0x1d: {  	s31 =	sshll.u32 s2, $0x6;
	s2 =	sshll.u32 s2, $0x4;
	s14 =	sadd.s32 $0x9C0, s10  }
0x1e: {  	s30 =	sshll.u32 s0, $0x6;
	s18 =	sadd.s32 s31, s3;
	s23 =	sshrl.u32 s22, $0x2  }
0x1f: {  	s31 =	sshll.u32 s12, $0x4;
	s12 =	sshll.u32 s17, $0x4;
	s0 =	sshll.u32 s0, $0x4  }
0x20: {  	s17 =	sadd.s32 s2, s4;
	s9 =	sadd.s32 s30, s3;
	[dreg:$0x10] =	wrdreg s18  }
0x21: {  	s18 =	sadd.s32 $0x208, s5;
	s23 =	sadd.s32 s23, s4;
	s30 =	sshll.u32 s11, $0x4  }
0x22: {  	s11 =	sadd.s32 s31, s4;
	s0 =	sadd.s32 s0, s4;
	[dreg:$0x1b] =	wrdreg s17  }
0x23: {  	s17 =	simm.s32 $0x5;
	[dreg:$0xf] =	wrdreg s9;
	s9 =	sadd.s32 s20, s3  }
0x24: {  	s21 =	sshll.u32 s18, $0x6;
	s8 =	sadd.s32 s30, s4;
	[dreg:$0x18] =	wrdreg s11  }
0x25: {  	[dreg:$0x1a] =	wrdreg s0;
	s11 =	sadd.s32 s15, s10;
	s17 =	simm.s32 @!p0 $0x8  }
0x26: {  	[dreg:$0x11] =	wrdreg s9;
	s9 =	sadd.s32 $0x1D4, s5;
	s21 =	sadd.s32 s21, s3  }
0x27: {  	[dreg:$0x17] =	wrdreg s8;
	s8 =	simm.s32 $0x9D;
	s20 =	sshll.u32 s9, $0x6  }
0x28: {  	[dreg:$0x13] =	wrdreg s21;
	s22 =	sshll.u32 s9, $0x4;
	s8 =	simm.s32 @!p0 $0x9C  }
0x29: {  	p0 =	sne.s32 s24, $0xF;
	s24 =	simm.s32 $0x80;
	s20 =	sadd.s32 s20, s3  }
0x2a: {  	s26 =	sadd.s32 s22, s4;
	s22 =	simm.s32 $0x1F750;
	[dreg:$0x12] =	wrdreg s20  }
0x2b: {  	s20 =	sadd.s32 $0x23C, s5;
	s5 =	sadd.s32 s29, s4;
	[dreg:$0x1d] =	wrdreg s26  }
0x2c: {  	s26 =	simm.s32 $0x1;
	s25 =	sshll.u32 s20, $0x6;
	[dreg:$0x16] =	wrdreg s5  }
0x2d: {  	s5 =	sadd.s32 s12, s4;
	s30 =	sshll.u32 s20, $0x4;
	s12 =	sadd.s32 $0x9C40, s15  }
0x2e: {  	s15 =	sadd.s32 s15, s14;
	s20 =	simm.s32 $0x1BB40;
	s21 =	sadd.s32 s25, s3  }
.Ltmp0:
0x2f: {  	[dreg:$0x19] =	wrdreg s5;
	s25 =	sshll.u32 s18, $0x4;
	(pc) =	sbr.rel .LBB2_1-.Ltmp0, $4  }
0x30: {  	s31 =	sadd.s32 s30, s4;
	s18 =	sadd.s32 $0x9C000, s3;
	[dreg:$0x14] =	wrdreg s21  }
0x31: {  	s21 =	sshll.u32 s19, $0x4;
	s29 =	sadd.s32 s25, s4;
	[dreg:$0x1f] =	wrdreg s31  }
0x32: {  	s19 =	sadd.s32 $0x27000, s4;
	s0 =	sadd.s32 s21, s4;
	[dreg:$0x1e] =	wrdreg s29  }
0x33: {  	v1 =	vimm.f32 $0.0e+00;
	v2 =	vimm.f32 $1.000000000e+00;
	v0 =	vmov s6;
	s25 =	simm.s32 $0x13940;
	s21 =	simm.s32 $0x9;
	[dreg:$0x1c] =	wrdreg s0  }
.LBB2_11:
0x34: {  	_ =	swait.ge [sflag:s17], $0x2000  }
0x35: {  	[sflag:s17] =	ssyncset.done $0x0  }
0x36: {  	s0 =	stileid.u32;
	s2 =	sshrl.u32 s7, $0x3;
	[sflag:s17] =	ssyncadd.s32 $0xFFFFE000  }
0x37: {  	s9 =	simm.s32 $0x10;
	s0 =	sshll.u32 s0, $0x6;
	[bflag:$0x0] =	sbarrier.arrive $0xFFFF  }
0x38: {  	s29 =	simm.s32 $0x8;
	s0 =	sor.u32 $0x1C09, s0;
	s5 =	rddreg [dreg:$0xb]  }
0x39: {  	[hbm:s5@s9], [sflag:s0] =	dma.strided [spmem:s2@s29], $0x1380, s26, $0x8   }
0x3a: {  	_ =	swait.ge [sflag:s21], $0x1380  }
0x3b: {  	s30 =	simm.s32 @p0 $0x2;
	s2 =	sshrl.u32 @p0 s23, $0x3;
	[sflag:s21] =	ssyncset.done $0x0  }
0x3c: {  	s5 =	simm.s32 @p0 $0x1;
	s29 =	simm.s32 @p0 $0x10;
	[sflag:s21] =	ssyncadd.s32 $0xFFFFEC80  }
0x3d: {  	[hbm:s13@s29], [sflag:s0] =	dma.strided @p0 [spmem:s2@s30], $0x4E0, s5, $0x2   }
0x3e: {  	s2 =	simm.s32 @p0 $0x9  }
0x3f: {  	s5 =	simm.s32 @!p0 $0x1;
	_ =	swait.ge @p0 [sflag:s2], $0x4E0  }
0x40: {  	s29 =	simm.s32 @!p0 $0x10;
	s30 =	simm.s32 @!p0 $0x8;
	[sflag:s2] =	ssyncset.done @p0 $0x0  }
0x41: {  	s31 =	rddreg [dreg:$0xc];
	[sflag:s2] =	ssyncadd.s32 @p0 $0xFFFFFB20;
	s2 =	sshrl.u32 @!p0 s18, $0x3  }
0x42: {  	[hbm:s31@s29], [sflag:s0] =	dma.strided @!p0 [spmem:s2@s30], $0x80, s5, $0x8   }
0x43: {  	s2 =	simm.s32 @!p0 $0x9  }
0x44: {  	_ =	swait.ge @!p0 [sflag:s2], $0x80  }
0x45: {  	[sflag:s2] =	ssyncset.done @!p0 $0x0  }
0x46: {  	s30 =	sshrl.u32 @!p0 s23, $0x3;
	s31 =	simm.s32 @!p0 $0x2;
	[sflag:s2] =	ssyncadd.s32 @!p0 $0xFFFFFF80  }
0x47: {  	[hbm:s13@s29], [sflag:s0] =	dma.strided @!p0 [spmem:s30@s31], $0x4E0, s5, $0x2   }
0x48: {  	s28 =	sadd.s32 $0x1, s28;
	_ =	swait.ge @!p0 [sflag:s2], $0x4E0  }
0x49: {  	p3 =	sne.s32 s28, s16;
	s30 =	sshrl.u32 @!p0 s19, $0x3;
	[sflag:s2] =	ssyncset.done @!p0 $0x0  }
.Ltmp1:
0x4a: {  	s9 =	rddreg [dreg:$0xd];
	[sflag:s2] =	ssyncadd.s32 @!p0 $0xFFFFFB20;
	(pc) =	sbr.rel @!p3 .LBB2_12-.Ltmp1, $4  }
0x4b: {  	[hbm:s9@s29], [sflag:s0] =	dma.strided @!p0 [spmem:s30@s31], $0x20, s5, $0x2   }
0x4c: {  	_ =	swait.ge @!p0 [sflag:s2], $0x20  }
0x4d: {  	[sflag:s2] =	ssyncset.done @!p0 $0x0  }
0x4e: {  	[sflag:s2] =	ssyncadd.s32 @!p0 $0xFFFFFFE0  }
.LBB2_1:
0x4f: {  	s30 =	simm.s32 $0x100;
	s29 =	simm.s32 $0x0  }
.LBB2_2:
0x50: {  	p3 =	sne.s32 s30, $0x3300;
	[tilespmem:s29+$0x1BB70] =	vst v1;
	s31 =	smov.u32 s30;
	s30 =	sadd.s32 $0x100, s30  }
.Ltmp2:
0x51: {  	[tilespmem:s29+$0x1BB60] =	vst v1;
	(pc) =	sbr.rel @p3 .LBB2_2-.Ltmp2, $3  }
0x52: {  	[tilespmem:s29+$0x1BB40] =	vst v1  }
0x53: {  	[tilespmem:s29+$0x1BB50] =	vst v1;
	_ =	sdelay $0x1  }
0x54: {  	s29 =	sshra.s32 s31, $0x2  }
0x55: {  	[tilespmem:s29+$0x1BB70] =	vst v1  }
0x56: {  	[tilespmem:s29+$0x1BB60] =	vst v1  }
0x57: {  	[tilespmem:s29+$0x1BB40] =	vst v1  }
0x58: {  	[tilespmem:s29+$0x1BB50] =	vst v1  }
0x59: {  	[spmem:s7] =	stream.linear.scatter [tilespmem:s20], [sflag:$0x9], $0xD00, $0x38;
	[tilespmem:$0x1FA90] =	vst v63  }
0x5a: {  	_ =	swait.ge [sflag:s21], $0xD00  }
0x5b: {  	[sflag:s21] =	ssyncset.done $0x0  }
0x5c: {  	s0 =	rddreg [dreg:$0x7];
	[sflag:s21] =	ssyncadd.s32 $0xFFFFF300  }
0x5d: {  	[spmem:s0] =	stream.linear.scatter [tilespmem:s20], [sflag:$0x9], $0xD00, $0x38;
	[tilespmem:$0x1FA90] =	vst v63  }
0x5e: {  	_ =	swait.ge [sflag:s21], $0xD00  }
0x5f: {  	[sflag:s21] =	ssyncset.done $0x0  }
0x60: {  	s9 =	rddreg [dreg:$0x8];
	[sflag:s21] =	ssyncadd.s32 $0xFFFFF300  }
0x61: {  	[spmem:s9] =	stream.linear.scatter [tilespmem:s20], [sflag:$0x9], $0xD00, $0x38;
	[tilespmem:$0x1FA90] =	vst v63  }
0x62: {  	_ =	swait.ge [sflag:s21], $0xD00  }
0x63: {  	[sflag:s21] =	ssyncset.done $0x0  }
0x64: {  	s31 =	rddreg [dreg:$0x9];
	[sflag:s21] =	ssyncadd.s32 $0xFFFFF300  }
0x65: {  	[spmem:s31] =	stream.linear.scatter [tilespmem:s20], [sflag:$0x9], $0xD00, $0x38;
	[tilespmem:$0x1FA90] =	vst v63  }
0x66: {  	_ =	swait.ge [sflag:s21], $0xD00  }
0x67: {  	[sflag:s21] =	ssyncset.done $0x0  }
0x68: {  	s2 =	rddreg [dreg:$0xa];
	[sflag:s21] =	ssyncadd.s32 $0xFFFFF300  }
0x69: {  	[spmem:s2] =	stream.linear.scatter [tilespmem:s20], [sflag:$0x9], $0xD00, $0x38;
	[tilespmem:$0x1FA90] =	vst v63  }
0x6a: {  	_ =	swait.ge [sflag:s21], $0xD00  }
0x6b: {  	[sflag:s21] =	ssyncset.done $0x0  }
0x6c: {  	s5 =	rddreg [dreg:$0xe];
	[sflag:s21] =	ssyncadd.s32 $0xFFFFF300  }
0x6d: {  	[spmem:s5] =	stream.linear.scatter [tilespmem:s20], [sflag:$0x9], $0xD00, $0x38;
	[tilespmem:$0x1FA90] =	vst v63  }
0x6e: {  	_ =	swait.ge [sflag:s21], $0xD00  }
0x6f: {  	[sflag:s21] =	ssyncset.done $0x0  }
0x70: {  	s9 =	rddreg [dreg:$0xf];
	[sflag:s21] =	ssyncadd.s32 $0xFFFFF300  }
0x71: {  	[spmem:s9] =	stream.linear.scatter [tilespmem:s20], [sflag:$0x9], $0xD00, $0x38;
	[tilespmem:$0x1FA90] =	vst v63  }
0x72: {  	_ =	swait.ge [sflag:s21], $0xD00  }
0x73: {  	[sflag:s21] =	ssyncset.done $0x0  }
0x74: {  	s31 =	rddreg [dreg:$0x10];
	[sflag:s21] =	ssyncadd.s32 $0xFFFFF300  }
0x75: {  	[spmem:s31] =	stream.linear.scatter [tilespmem:s20], [sflag:$0x9], $0xD00, $0x38;
	[tilespmem:$0x1FA90] =	vst v63  }
0x76: {  	_ =	swait.ge [sflag:s21], $0xD00  }
0x77: {  	[sflag:s21] =	ssyncset.done $0x0  }
0x78: {  	s2 =	rddreg [dreg:$0x11];
	[sflag:s21] =	ssyncadd.s32 $0xFFFFF300  }
0x79: {  	[spmem:s2] =	stream.linear.scatter [tilespmem:s20], [sflag:$0x9], $0xD00, $0x38;
	[tilespmem:$0x1FA90] =	vst v63  }
0x7a: {  	_ =	swait.ge [sflag:s21], $0xD00  }
0x7b: {  	[sflag:s21] =	ssyncset.done $0x0  }
0x7c: {  	s5 =	rddreg [dreg:$0x12];
	[sflag:s21] =	ssyncadd.s32 $0xFFFFF300  }
0x7d: {  	[spmem:s5] =	stream.linear.scatter [tilespmem:s20], [sflag:$0x9], $0xD00, $0x38;
	[tilespmem:$0x1FA90] =	vst v63  }
0x7e: {  	_ =	swait.ge [sflag:s21], $0xD00  }
0x7f: {  	[sflag:s21] =	ssyncset.done $0x0  }
0x80: {  	s9 =	rddreg [dreg:$0x13];
	[sflag:s21] =	ssyncadd.s32 $0xFFFFF300  }
0x81: {  	[spmem:s9] =	stream.linear.scatter [tilespmem:s20], [sflag:$0x9], $0xD00, $0x38;
	[tilespmem:$0x1FA90] =	vst v63  }
0x82: {  	_ =	swait.ge [sflag:s21], $0xD00  }
0x83: {  	[sflag:s21] =	ssyncset.done $0x0  }
0x84: {  	s31 =	rddreg [dreg:$0x14];
	[sflag:s21] =	ssyncadd.s32 $0xFFFFF300  }
0x85: {  	[spmem:s31] =	stream.linear.scatter [tilespmem:s20], [sflag:$0x9], $0xD00, $0x38;
	[tilespmem:$0x1FA90] =	vst v63  }
0x86: {  	_ =	swait.ge [sflag:s21], $0xD00  }
0x87: {  	[sflag:s21] =	ssyncset.done $0x0  }
0x88: {  	s29 =	simm.s32 @!p0 $0x1BB40;
	[sflag:s21] =	ssyncadd.s32 $0xFFFFF300  }
0x89: {  	[spmem:s18] =	stream.linear.scatter @!p0 [tilespmem:s29], [sflag:$0x9], $0x400, $0x38;
	[tilespmem:$0x1FA90] =	vst v63  }
0x8a: {  	s29 =	simm.s32 @!p0 $0x9  }
0x8b: {  	_ =	swait.ge @!p0 [sflag:s29], $0x400  }
0x8c: {  	[sflag:s29] =	ssyncset.done @!p0 $0x0  }
0x8d: {  	s30 =	simm.s32 $0x0;
	[sflag:s29] =	ssyncadd.s32 @!p0 $0xFFFFFC00;
	s29 =	simm.s32 $0x40  }
.LBB2_4:
0x8e: {  	p3 =	sne.s32 s29, $0xCC0;
	[tilespmem:s30+$0x1F750] =	vst v1;
	s30 =	smov.u32 s29;
	s29 =	sadd.s32 $0x40, s29  }
.Ltmp3:
0x8f: {  	(pc) =	sbr.rel @p3 .LBB2_4-.Ltmp3, $2  }
0x90: {  	_ =	sdelay $0x2  }
0x91: {  	s30 =	sshra.s32 s30, $0x2  }
0x92: {  	[tilespmem:s30+$0x1F750] =	vst v1;
	s29 =	simm.s32 $0x40;
	s30 =	simm.s32 $0x0  }
.LBB2_6:
0x93: {  	p3 =	sne.s32 s29, $0x1FC0;
	[tilespmem:s30+$0x1EF50] =	vst v2;
	s30 =	smov.u32 s29;
	s29 =	sadd.s32 $0x40, s29  }
.Ltmp4:
0x94: {  	(pc) =	sbr.rel @p3 .LBB2_6-.Ltmp4, $2  }
0x95: {  	_ =	sdelay $0x2  }
0x96: {  	s30 =	sshra.s32 s30, $0x2  }
0x97: {  	[tilespmem:s30+$0x1EF50] =	vst v2  }
0x98: {  	[spmem:s23] =	stream.linear.scatter [tilespmem:s22], [sflag:$0x9], $0x340, $0x38;
	[tilespmem:$0x1FA90] =	vst v63  }
0x99: {  	_ =	swait.ge [sflag:s21], $0x340  }
0x9a: {  	[sflag:s21] =	ssyncset.done $0x0  }
0x9b: {  	s0 =	rddreg [dreg:$0x15];
	[sflag:s21] =	ssyncadd.s32 $0xFFFFFCC0  }
0x9c: {  	[spmem:s0] =	stream.linear.scatter [tilespmem:s22], [sflag:$0x9], $0x340, $0x38;
	[tilespmem:$0x1FA90] =	vst v63  }
0x9d: {  	_ =	swait.ge [sflag:s21], $0x340  }
0x9e: {  	[sflag:s21] =	ssyncset.done $0x0  }
0x9f: {  	s2 =	rddreg [dreg:$0x16];
	[sflag:s21] =	ssyncadd.s32 $0xFFFFFCC0  }
0xa0: {  	[spmem:s2] =	stream.linear.scatter [tilespmem:s22], [sflag:$0x9], $0x340, $0x38;
	[tilespmem:$0x1FA90] =	vst v63  }
0xa1: {  	_ =	swait.ge [sflag:s21], $0x340  }
0xa2: {  	[sflag:s21] =	ssyncset.done $0x0  }
0xa3: {  	s5 =	rddreg [dreg:$0x17];
	[sflag:s21] =	ssyncadd.s32 $0xFFFFFCC0  }
0xa4: {  	[spmem:s5] =	stream.linear.scatter [tilespmem:s22], [sflag:$0x9], $0x340, $0x38;
	[tilespmem:$0x1FA90] =	vst v63  }
0xa5: {  	_ =	swait.ge [sflag:s21], $0x340  }
0xa6: {  	[sflag:s21] =	ssyncset.done $0x0  }
0xa7: {  	s9 =	rddreg [dreg:$0x18];
	[sflag:s21] =	ssyncadd.s32 $0xFFFFFCC0  }
0xa8: {  	[spmem:s9] =	stream.linear.scatter [tilespmem:s22], [sflag:$0x9], $0x340, $0x38;
	[tilespmem:$0x1FA90] =	vst v63  }
0xa9: {  	_ =	swait.ge [sflag:s21], $0x340  }
0xaa: {  	[sflag:s21] =	ssyncset.done $0x0  }
0xab: {  	s2 =	rddreg [dreg:$0x19];
	[sflag:s21] =	ssyncadd.s32 $0xFFFFFCC0  }
0xac: {  	[spmem:s2] =	stream.linear.scatter [tilespmem:s22], [sflag:$0x9], $0x340, $0x38;
	[tilespmem:$0x1FA90] =	vst v63  }
0xad: {  	_ =	swait.ge [sflag:s21], $0x340  }
0xae: {  	[sflag:s21] =	ssyncset.done $0x0  }
0xaf: {  	s5 =	rddreg [dreg:$0x1a];
	[sflag:s21] =	ssyncadd.s32 $0xFFFFFCC0  }
0xb0: {  	[spmem:s5] =	stream.linear.scatter [tilespmem:s22], [sflag:$0x9], $0x340, $0x38;
	[tilespmem:$0x1FA90] =	vst v63  }
0xb1: {  	_ =	swait.ge [sflag:s21], $0x340  }
0xb2: {  	[sflag:s21] =	ssyncset.done $0x0  }
0xb3: {  	s9 =	rddreg [dreg:$0x1b];
	[sflag:s21] =	ssyncadd.s32 $0xFFFFFCC0  }
0xb4: {  	[spmem:s9] =	stream.linear.scatter [tilespmem:s22], [sflag:$0x9], $0x340, $0x38;
	[tilespmem:$0x1FA90] =	vst v63  }
0xb5: {  	_ =	swait.ge [sflag:s21], $0x340  }
0xb6: {  	[sflag:s21] =	ssyncset.done $0x0  }
0xb7: {  	s2 =	rddreg [dreg:$0x1c];
	[sflag:s21] =	ssyncadd.s32 $0xFFFFFCC0  }
0xb8: {  	[spmem:s2] =	stream.linear.scatter [tilespmem:s22], [sflag:$0x9], $0x340, $0x38;
	[tilespmem:$0x1FA90] =	vst v63  }
0xb9: {  	_ =	swait.ge [sflag:s21], $0x340  }
0xba: {  	[sflag:s21] =	ssyncset.done $0x0  }
0xbb: {  	s5 =	rddreg [dreg:$0x1d];
	[sflag:s21] =	ssyncadd.s32 $0xFFFFFCC0  }
0xbc: {  	[spmem:s5] =	stream.linear.scatter [tilespmem:s22], [sflag:$0x9], $0x340, $0x38;
	[tilespmem:$0x1FA90] =	vst v63  }
0xbd: {  	_ =	swait.ge [sflag:s21], $0x340  }
0xbe: {  	[sflag:s21] =	ssyncset.done $0x0  }
0xbf: {  	s9 =	rddreg [dreg:$0x1e];
	[sflag:s21] =	ssyncadd.s32 $0xFFFFFCC0  }
0xc0: {  	[spmem:s9] =	stream.linear.scatter [tilespmem:s22], [sflag:$0x9], $0x340, $0x38;
	[tilespmem:$0x1FA90] =	vst v63  }
0xc1: {  	_ =	swait.ge [sflag:s21], $0x340  }
0xc2: {  	[sflag:s21] =	ssyncset.done $0x0  }
0xc3: {  	s2 =	rddreg [dreg:$0x1f];
	[sflag:s21] =	ssyncadd.s32 $0xFFFFFCC0  }
0xc4: {  	[spmem:s2] =	stream.linear.scatter [tilespmem:s22], [sflag:$0x9], $0x340, $0x38;
	[tilespmem:$0x1FA90] =	vst v63  }
0xc5: {  	_ =	swait.ge [sflag:s21], $0x340  }
0xc6: {  	[sflag:s21] =	ssyncset.done $0x0  }
0xc7: {  	s29 =	simm.s32 @!p0 $0x1F750;
	[sflag:s21] =	ssyncadd.s32 $0xFFFFFCC0  }
0xc8: {  	[spmem:s19] =	stream.linear.scatter @!p0 [tilespmem:s29], [sflag:$0x9], $0x100, $0x38;
	[tilespmem:$0x1FA90] =	vst v63  }
0xc9: {  	s29 =	simm.s32 @!p0 $0x9  }
0xca: {  	_ =	swait.ge @!p0 [sflag:s29], $0x100  }
0xcb: {  	[sflag:s29] =	ssyncset.done @!p0 $0x0  }
0xcc: {  	[sflag:s29] =	ssyncadd.s32 @!p0 $0xFFFFFF00  }
0xcd: {  	s5 =	simm.s32 $0x0;
	s2 =	simm.s32 $0x9C40;
	[bflag:$0x0] =	sbarrier.arrive $0xFFFF  }
0xce: {  	[tilespmem:s2], [sflag:$0x9] =	stream.linear.gather [hbm4b:s11+s5], $0x4E00, $0x38;
	[tilespmem:$0x1FA90] =	vst v63  }
0xcf: {  	_ =	swait.ge [sflag:s21], $0x4E00  }
0xd0: {  	[sflag:s21] =	ssyncset.done $0x0  }
0xd1: {  	s9 =	simm.s32 $0xEAC0;
	s29 =	sadd.s32 s10, s12;
	[sflag:s21] =	ssyncadd.s32 $0xFFFFB200  }
0xd2: {  	[tilespmem:s9], [sflag:$0x9] =	stream.linear.gather [hbm4b:s29+s5], $0x4E00, $0x38;
	[tilespmem:$0x1FA90] =	vst v63  }
0xd3: {  	_ =	swait.ge [sflag:s21], $0x4E00  }
0xd4: {  	[sflag:s21] =	ssyncset.done $0x0  }
0xd5: {  	s30 =	simm.s32 @!p1 $0xEA40;
	s29 =	simm.s32 @!p1 $0x0;
	[sflag:s21] =	ssyncadd.s32 $0xFFFFB200  }
0xd6: {  	[tilespmem:s30], [sflag:$0x9] =	stream.linear.gather @!p1 [hbm4b:s15+s29], $0x80, $0x38;
	[tilespmem:$0x1FA90] =	vst v63  }
0xd7: {  	s30 =	simm.s32 @!p1 $0x9  }
0xd8: {  	_ =	swait.ge @!p1 [sflag:s30], $0x80  }
0xd9: {  	[sflag:s30] =	ssyncset.done @!p1 $0x0  }
0xda: {  	s31 =	sadd.s32 @!p1 s14, s12;
	s0 =	simm.s32 @!p1 $0x138C0;
	[sflag:s30] =	ssyncadd.s32 @!p1 $0xFFFFFF80  }
0xdb: {  	[tilespmem:s0], [sflag:$0x9] =	stream.linear.gather @!p1 [hbm4b:s31+s29], $0x80, $0x38;
	[tilespmem:$0x1FA90] =	vst v63  }
0xdc: {  	_ =	swait.ge @!p1 [sflag:s30], $0x80  }
0xdd: {  	[sflag:s30] =	ssyncset.done @!p1 $0x0  }
0xde: {  	[sflag:s30] =	ssyncadd.s32 @!p1 $0xFFFFFF80  }
0xdf: {  	v3 =	vld [tilespmem:$0x9C40]  }
0xe0: {  	v4 =	vld [tilespmem:$0x9C50]  }
0xe1: {  	v5 =	vld [tilespmem:$0x9C60]  }
0xe2: {  	v6 =	vld [tilespmem:$0x9C70]  }
0xe3: {  	v7 =	vld [tilespmem:$0x9C80]  }
0xe4: {  	v8 =	vld [tilespmem:$0x9C90];
	v3 =	vshll.u32 v3, $0x1  }
0xe5: {  	v9 =	vld [tilespmem:$0x9CA0];
	v4 =	vshll.u32 v4, $0x1;
	v3 =	vor.u32 v0, v3  }
0xe6: {  	v19 =	vld [tilespmem:$0x9CB0];
	v18 =	vshll.u32 v5, $0x1;
	[tilespmem:$0x1B940] =	vst v3;
	v3 =	vor.u32 v0, v4  }
0xe7: {  	v20 =	vshll.u32 v6, $0x1;
	[tilespmem:$0x1B950] =	vst v3;
	v3 =	vor.u32 v0, v18  }
0xe8: {  	v21 =	vshll.u32 v7, $0x1;
	[tilespmem:$0x1B960] =	vst v3;
	v3 =	vor.u32 v0, v20  }
0xe9: {  	v22 =	vshll.u32 v8, $0x1;
	[tilespmem:$0x1B970] =	vst v3;
	v3 =	vor.u32 v0, v21  }
0xea: {  	v23 =	vshll.u32 v9, $0x1;
	[tilespmem:$0x1B980] =	vst v3;
	v3 =	vor.u32 v0, v22  }
0xeb: {  	v24 =	vshll.u32 v19, $0x1;
	[tilespmem:$0x1B990] =	vst v3;
	v3 =	vor.u32 v0, v23  }
0xec: {  	[tilespmem:$0x1B9A0] =	vst v3;
	v3 =	vor.u32 v0, v24  }
0xed: {  	s2 =	simm.s32 $0x1B940;
	[tilespmem:$0x1B9B0] =	vst v3  }
0xee: {  	[tilespmem:s25], [sflag:$0x1] =	stream.indirect.gather [hbm4b:s1+s24], $0x40, s2, s24, $0xb8;
	[tilespmem:$0x1FA90] =	vst v63  }
0xef: {  	v3 =	vld [tilespmem:$0x9CC0]  }
0xf0: {  	v25 =	vld [tilespmem:$0x9CD0]  }
0xf1: {  	v26 =	vld [tilespmem:$0x9CE0]  }
0xf2: {  	v27 =	vld [tilespmem:$0x9CF0]  }
0xf3: {  	v28 =	vld [tilespmem:$0x9D00]  }
0xf4: {  	v29 =	vld [tilespmem:$0x9D10];
	v3 =	vshll.u32 v3, $0x1  }
0xf5: {  	v30 =	vld [tilespmem:$0x9D20];
	v4 =	vshll.u32 v25, $0x1;
	v3 =	vor.u32 v0, v3  }
0xf6: {  	v32 =	vld [tilespmem:$0x9D30];
	v31 =	vshll.u32 v26, $0x1;
	[tilespmem:$0x1B9C0] =	vst v3;
	v3 =	vor.u32 v0, v4  }
0xf7: {  	v33 =	vshll.u32 v27, $0x1;
	[tilespmem:$0x1B9D0] =	vst v3;
	v3 =	vor.u32 v0, v31  }
0xf8: {  	v34 =	vshll.u32 v28, $0x1;
	[tilespmem:$0x1B9E0] =	vst v3;
	v3 =	vor.u32 v0, v33  }
0xf9: {  	v35 =	vshll.u32 v29, $0x1;
	[tilespmem:$0x1B9F0] =	vst v3;
	v3 =	vor.u32 v0, v34  }
0xfa: {  	v36 =	vshll.u32 v30, $0x1;
	[tilespmem:$0x1BA00] =	vst v3;
	v3 =	vor.u32 v0, v35  }
0xfb: {  	v37 =	vshll.u32 v32, $0x1;
	[tilespmem:$0x1BA10] =	vst v3;
	v3 =	vor.u32 v0, v36  }
0xfc: {  	[tilespmem:$0x1BA20] =	vst v3;
	v3 =	vor.u32 v0, v37  }
0xfd: {  	s5 =	simm.s32 $0x1B9C0;
	s9 =	simm.s32 $0x15940;
	[tilespmem:$0x1BA30] =	vst v3  }
0xfe: {  	[tilespmem:s9], [sflag:$0x2] =	stream.indirect.gather [hbm4b:s1+s24], $0x40, s5, s24, $0xb8;
	[tilespmem:$0x1FA90] =	vst v63  }
0xff: {  	v3 =	vld [tilespmem:$0x9D40]  }
0x100: {  	v38 =	vld [tilespmem:$0x9D50]  }
0x101: {  	v39 =	vld [tilespmem:$0x9D60]  }
0x102: {  	v40 =	vld [tilespmem:$0x9D70]  }
0x103: {  	v41 =	vld [tilespmem:$0x9D80]  }
0x104: {  	v42 =	vld [tilespmem:$0x9D90];
	v3 =	vshll.u32 v3, $0x1  }
0x105: {  	v43 =	vld [tilespmem:$0x9DA0];
	v4 =	vshll.u32 v38, $0x1;
	v3 =	vor.u32 v0, v3  }
0x106: {  	v45 =	vld [tilespmem:$0x9DB0];
	v44 =	vshll.u32 v39, $0x1;
	[tilespmem:$0x1BA40] =	vst v3;
	v3 =	vor.u32 v0, v4  }
0x107: {  	v46 =	vshll.u32 v40, $0x1;
	[tilespmem:$0x1BA50] =	vst v3;
	v3 =	vor.u32 v0, v44  }
0x108: {  	v47 =	vshll.u32 v41, $0x1;
	[tilespmem:$0x1BA60] =	vst v3;
	v3 =	vor.u32 v0, v46  }
0x109: {  	v48 =	vshll.u32 v42, $0x1;
	[tilespmem:$0x1BA70] =	vst v3;
	v3 =	vor.u32 v0, v47  }
0x10a: {  	v49 =	vshll.u32 v43, $0x1;
	[tilespmem:$0x1BA80] =	vst v3;
	v3 =	vor.u32 v0, v48  }
0x10b: {  	v50 =	vshll.u32 v45, $0x1;
	[tilespmem:$0x1BA90] =	vst v3;
	v3 =	vor.u32 v0, v49  }
0x10c: {  	[tilespmem:$0x1BAA0] =	vst v3;
	v3 =	vor.u32 v0, v50  }
0x10d: {  	s5 =	simm.s32 $0x1BA40;
	s9 =	simm.s32 $0x17940;
	[tilespmem:$0x1BAB0] =	vst v3  }
0x10e: {  	[tilespmem:s9], [sflag:$0x3] =	stream.indirect.gather [hbm4b:s1+s24], $0x40, s5, s24, $0xb8;
	[tilespmem:$0x1FA90] =	vst v63  }
0x10f: {  	v3 =	vld [tilespmem:$0x9DC0]  }
0x110: {  	v51 =	vld [tilespmem:$0x9DD0]  }
0x111: {  	v52 =	vld [tilespmem:$0x9DE0]  }
0x112: {  	v53 =	vld [tilespmem:$0x9DF0]  }
0x113: {  	v54 =	vld [tilespmem:$0x9E00]  }
0x114: {  	v55 =	vld [tilespmem:$0x9E10];
	v3 =	vshll.u32 v3, $0x1  }
0x115: {  	v56 =	vld [tilespmem:$0x9E20];
	v4 =	vshll.u32 v51, $0x1;
	v3 =	vor.u32 v0, v3  }
0x116: {  	v58 =	vld [tilespmem:$0x9E30];
	v57 =	vshll.u32 v52, $0x1;
	[tilespmem:$0x1BAC0] =	vst v3;
	v3 =	vor.u32 v0, v4  }
0x117: {  	v59 =	vshll.u32 v53, $0x1;
	[tilespmem:$0x1BAD0] =	vst v3;
	v3 =	vor.u32 v0, v57  }
0x118: {  	v60 =	vshll.u32 v54, $0x1;
	[tilespmem:$0x1BAE0] =	vst v3;
	v3 =	vor.u32 v0, v59  }
0x119: {  	v61 =	vshll.u32 v55, $0x1;
	[tilespmem:$0x1BAF0] =	vst v3;
	v3 =	vor.u32 v0, v60  }
.Ltmp5:
0x11a: {  	v62 =	vshll.u32 v56, $0x1;
	[tilespmem:$0x1BB00] =	vst v3;
	v3 =	vor.u32 v0, v61;
	(pc) =	sbr.rel .LBB2_8-.Ltmp5, $4  }
0x11b: {  	v63 =	vshll.u32 v58, $0x1;
	[tilespmem:$0x1BB10] =	vst v3;
	v3 =	vor.u32 v0, v62  }
0x11c: {  	s29 =	simm.s32 $0x6;
	s31 =	simm.s32 $0x9E00;
	[tilespmem:$0x1BB20] =	vst v3;
	v3 =	vor.u32 v0, v63  }
0x11d: {  	s30 =	simm.s32 $0xEAC0;
	s5 =	simm.s32 $0x1BAC0;
	s9 =	simm.s32 $0x19940;
	[tilespmem:$0x1BB30] =	vst v3  }
0x11e: {  	[tilespmem:s9], [sflag:$0x4] =	stream.indirect.gather [hbm4b:s1+s24], $0x40, s5, s24, $0xb8;
	[tilespmem:$0x1FA90] =	vst v63  }
.LBB2_10:
0x11f: {  	s0 =	sadd.s32 $0xFFFFFFFB, s29  }
0x120: {  	p3 =	sge.u32 s0, s8  }
0x121: {  	s0 =	simm.s32 @!p3 $0x2  }
0x122: {  	_ =	swait.ge @!p3 [sflag:s0], $0x2000  }
0x123: {  	[sflag:s0] =	ssyncset.done @!p3 $0x0  }
0x124: {  	[sflag:s0] =	ssyncadd.s32 @!p3 $0xFFFFE000;
	s0 =	simm.s32 @!p3 $0x5  }
0x125: {  	s2 =	sadd.s32 @!p3 $0xFFFFFFFE, s29;
	_ =	swait.ge @!p3 [sflag:s0], $0x2000  }
0x126: {  	p4 =	sge.u32 @!p3 s2, s8;
	[sflag:s0] =	ssyncset.done @!p3 $0x0  }
0x127: {  	p4 =	por p4, p3;
	[sflag:s0] =	ssyncadd.s32 @!p3 $0xFFFFE000  }
0x128: {  	v3 =	vld @!p4 [tilespmem:s31+$0x40];
	_ =	sdelay $0x4  }
0x129: {  	v3 =	vshll.u32 @!p4 v3, $0x1  }
0x12a: {  	v3 =	vor.u32 @!p4 v0, v3  }
0x12b: {  	[tilespmem:$0x1B940] =	vst @!p4 v3  }
0x12c: {  	v3 =	vld @!p4 [tilespmem:s31+$0x50];
	_ =	sdelay $0x4  }
0x12d: {  	v3 =	vshll.u32 @!p4 v3, $0x1  }
0x12e: {  	v3 =	vor.u32 @!p4 v0, v3  }
0x12f: {  	[tilespmem:$0x1B950] =	vst @!p4 v3  }
0x130: {  	v3 =	vld @!p4 [tilespmem:s31+$0x60];
	_ =	sdelay $0x4  }
0x131: {  	v3 =	vshll.u32 @!p4 v3, $0x1  }
0x132: {  	v3 =	vor.u32 @!p4 v0, v3  }
0x133: {  	[tilespmem:$0x1B960] =	vst @!p4 v3  }
0x134: {  	v3 =	vld @!p4 [tilespmem:s31+$0x70];
	_ =	sdelay $0x4  }
0x135: {  	v3 =	vshll.u32 @!p4 v3, $0x1  }
0x136: {  	v3 =	vor.u32 @!p4 v0, v3  }
0x137: {  	[tilespmem:$0x1B970] =	vst @!p4 v3  }
0x138: {  	v3 =	vld @!p4 [tilespmem:s31+$0x80];
	_ =	sdelay $0x4  }
0x139: {  	v3 =	vshll.u32 @!p4 v3, $0x1  }
0x13a: {  	v3 =	vor.u32 @!p4 v0, v3  }
0x13b: {  	[tilespmem:$0x1B980] =	vst @!p4 v3  }
0x13c: {  	v3 =	vld @!p4 [tilespmem:s31+$0x90];
	_ =	sdelay $0x4  }
0x13d: {  	v3 =	vshll.u32 @!p4 v3, $0x1  }
0x13e: {  	v3 =	vor.u32 @!p4 v0, v3  }
0x13f: {  	[tilespmem:$0x1B990] =	vst @!p4 v3  }
0x140: {  	v3 =	vld @!p4 [tilespmem:s31+$0xA0];
	_ =	sdelay $0x4  }
0x141: {  	v3 =	vshll.u32 @!p4 v3, $0x1  }
0x142: {  	v3 =	vor.u32 @!p4 v0, v3  }
0x143: {  	[tilespmem:$0x1B9A0] =	vst @!p4 v3  }
0x144: {  	v3 =	vld @!p4 [tilespmem:s31+$0xB0];
	_ =	sdelay $0x4  }
0x145: {  	v3 =	vshll.u32 @!p4 v3, $0x1  }
0x146: {  	v3 =	vor.u32 @!p4 v0, v3  }
0x147: {  	s2 =	simm.s32 @!p4 $0x1B940;
	s5 =	simm.s32 @!p4 $0x13940;
	s0 =	simm.s32 @!p4 $0x80;
	[tilespmem:$0x1B9B0] =	vst @!p4 v3  }
0x148: {  	[tilespmem:s5], [sflag:$0x1] =	stream.indirect.gather @!p4 [hbm4b:s1+s0], $0x40, s2, s0, $0xb8;
	[tilespmem:$0x1FA90] =	vst v63  }
0x149: {  	p4 =	seq.s32 @!p3 s6, $0x0;
	s0 =	sadd.s32 @!p3 $0x80, s30  }
0x14a: {  	s2 =	simm.s32 @!p3 $0x80;
	s5 =	simm.s32 @!p3 $0x15940;
	p4 =	por p4, p3  }
0x14b: {  	[spmem:s3] =	stream.indirect.scatter.add.f32 @!p3 [tilespmem:s5], [sflag:$0x6], $0x40, s0, s2, $0xb8;
	[tilespmem:$0x1FA90] =	vst v63  }
0x14c: {  	s2 =	simm.s32 @!p4 $0x80;
	s5 =	simm.s32 @!p4 $0x1EF50  }
0x14d: {  	[spmem:s4] =	stream.indirect.scatter.add.f32 @!p4 [tilespmem:s5], [sflag:$0xA], $0x10, s0, s2, $0xb8;
	[tilespmem:$0x1FA90] =	vst v63  }
0x14e: {  	s0 =	simm.s32 @!p4 $0xA  }
0x14f: {  	s5 =	sadd.s32 $0xFFFFFFFC, s29;
	_ =	swait.ge @!p4 [sflag:s0], $0x800  }
0x150: {  	p3 =	sge.u32 s5, s8;
	[sflag:s0] =	ssyncset.done @!p4 $0x0  }
0x151: {  	[sflag:s0] =	ssyncadd.s32 @!p4 $0xFFFFF800;
	s0 =	simm.s32 @!p3 $0x3  }
0x152: {  	_ =	swait.ge @!p3 [sflag:s0], $0x2000  }
0x153: {  	[sflag:s0] =	ssyncset.done @!p3 $0x0  }
0x154: {  	[sflag:s0] =	ssyncadd.s32 @!p3 $0xFFFFE000;
	s0 =	simm.s32 @!p3 $0x6  }
0x155: {  	s2 =	sadd.s32 @!p3 $0xFFFFFFFF, s29;
	_ =	swait.ge @!p3 [sflag:s0], $0x2000  }
0x156: {  	p4 =	sge.u32 @!p3 s2, s8;
	[sflag:s0] =	ssyncset.done @!p3 $0x0  }
0x157: {  	p4 =	por p4, p3;
	[sflag:s0] =	ssyncadd.s32 @!p3 $0xFFFFE000  }
0x158: {  	v3 =	vld @!p4 [tilespmem:s31+$0xC0];
	_ =	sdelay $0x4  }
0x159: {  	v3 =	vshll.u32 @!p4 v3, $0x1  }
0x15a: {  	v3 =	vor.u32 @!p4 v0, v3  }
0x15b: {  	[tilespmem:$0x1B9C0] =	vst @!p4 v3  }
0x15c: {  	v3 =	vld @!p4 [tilespmem:s31+$0xD0];
	_ =	sdelay $0x4  }
0x15d: {  	v3 =	vshll.u32 @!p4 v3, $0x1  }
0x15e: {  	v3 =	vor.u32 @!p4 v0, v3  }
0x15f: {  	[tilespmem:$0x1B9D0] =	vst @!p4 v3  }
0x160: {  	v3 =	vld @!p4 [tilespmem:s31+$0xE0];
	_ =	sdelay $0x4  }
0x161: {  	v3 =	vshll.u32 @!p4 v3, $0x1  }
0x162: {  	v3 =	vor.u32 @!p4 v0, v3  }
0x163: {  	[tilespmem:$0x1B9E0] =	vst @!p4 v3  }
0x164: {  	v3 =	vld @!p4 [tilespmem:s31+$0xF0];
	_ =	sdelay $0x4  }
0x165: {  	v3 =	vshll.u32 @!p4 v3, $0x1  }
0x166: {  	v3 =	vor.u32 @!p4 v0, v3  }
0x167: {  	[tilespmem:$0x1B9F0] =	vst @!p4 v3  }
0x168: {  	v3 =	vld @!p4 [tilespmem:s31+$0x100];
	_ =	sdelay $0x4  }
0x169: {  	v3 =	vshll.u32 @!p4 v3, $0x1  }
0x16a: {  	v3 =	vor.u32 @!p4 v0, v3  }
0x16b: {  	[tilespmem:$0x1BA00] =	vst @!p4 v3  }
0x16c: {  	v3 =	vld @!p4 [tilespmem:s31+$0x110];
	_ =	sdelay $0x4  }
0x16d: {  	v3 =	vshll.u32 @!p4 v3, $0x1  }
0x16e: {  	v3 =	vor.u32 @!p4 v0, v3  }
0x16f: {  	[tilespmem:$0x1BA10] =	vst @!p4 v3  }
0x170: {  	v3 =	vld @!p4 [tilespmem:s31+$0x120];
	_ =	sdelay $0x4  }
0x171: {  	v3 =	vshll.u32 @!p4 v3, $0x1  }
0x172: {  	v3 =	vor.u32 @!p4 v0, v3  }
0x173: {  	[tilespmem:$0x1BA20] =	vst @!p4 v3  }
0x174: {  	v3 =	vld @!p4 [tilespmem:s31+$0x130];
	_ =	sdelay $0x4  }
0x175: {  	v3 =	vshll.u32 @!p4 v3, $0x1  }
0x176: {  	v3 =	vor.u32 @!p4 v0, v3  }
0x177: {  	s2 =	simm.s32 @!p4 $0x1B9C0;
	s5 =	simm.s32 @!p4 $0x15940;
	s0 =	simm.s32 @!p4 $0x80;
	[tilespmem:$0x1BA30] =	vst @!p4 v3  }
0x178: {  	[tilespmem:s5], [sflag:$0x2] =	stream.indirect.gather @!p4 [hbm4b:s1+s0], $0x40, s2, s0, $0xb8;
	[tilespmem:$0x1FA90] =	vst v63  }
0x179: {  	p4 =	sne.s32 @!p3 s6, $0x0;
	s0 =	sadd.s32 @!p3 $0x100, s30  }
0x17a: {  	s2 =	simm.s32 @!p3 $0x80;
	s5 =	simm.s32 @!p3 $0x17940;
	p4 =	por p4, p3  }
0x17b: {  	[spmem:s3] =	stream.indirect.scatter.add.f32 @!p3 [tilespmem:s5], [sflag:$0x7], $0x40, s0, s2, $0xb8;
	[tilespmem:$0x1FA90] =	vst v63  }
0x17c: {  	s2 =	simm.s32 @!p4 $0x80;
	s5 =	simm.s32 @!p4 $0x1EF50  }
0x17d: {  	[spmem:s4] =	stream.indirect.scatter.add.f32 @!p4 [tilespmem:s5], [sflag:$0xA], $0x10, s0, s2, $0xb8;
	[tilespmem:$0x1FA90] =	vst v63  }
0x17e: {  	s0 =	simm.s32 @!p4 $0xA  }
0x17f: {  	s9 =	sadd.s32 $0xFFFFFFFD, s29;
	_ =	swait.ge @!p4 [sflag:s0], $0x800  }
0x180: {  	p3 =	sge.u32 s9, s8;
	[sflag:s0] =	ssyncset.done @!p4 $0x0  }
0x181: {  	[sflag:s0] =	ssyncadd.s32 @!p4 $0xFFFFF800;
	s0 =	simm.s32 @!p3 $0x4  }
0x182: {  	_ =	swait.ge @!p3 [sflag:s0], $0x2000  }
0x183: {  	[sflag:s0] =	ssyncset.done @!p3 $0x0  }
0x184: {  	[sflag:s0] =	ssyncadd.s32 @!p3 $0xFFFFE000;
	s0 =	simm.s32 @!p3 $0x7  }
0x185: {  	_ =	swait.ge @!p3 [sflag:s0], $0x2000  }
0x186: {  	p4 =	sge.u32 @!p3 s29, s8;
	[sflag:s0] =	ssyncset.done @!p3 $0x0  }
0x187: {  	p4 =	por p4, p3;
	[sflag:s0] =	ssyncadd.s32 @!p3 $0xFFFFE000  }
0x188: {  	v3 =	vld @!p4 [tilespmem:s31+$0x140];
	_ =	sdelay $0x4  }
0x189: {  	v3 =	vshll.u32 @!p4 v3, $0x1  }
0x18a: {  	v3 =	vor.u32 @!p4 v0, v3  }
0x18b: {  	[tilespmem:$0x1BA40] =	vst @!p4 v3  }
0x18c: {  	v3 =	vld @!p4 [tilespmem:s31+$0x150];
	_ =	sdelay $0x4  }
0x18d: {  	v3 =	vshll.u32 @!p4 v3, $0x1  }
0x18e: {  	v3 =	vor.u32 @!p4 v0, v3  }
0x18f: {  	[tilespmem:$0x1BA50] =	vst @!p4 v3  }
0x190: {  	v3 =	vld @!p4 [tilespmem:s31+$0x160];
	_ =	sdelay $0x4  }
0x191: {  	v3 =	vshll.u32 @!p4 v3, $0x1  }
0x192: {  	v3 =	vor.u32 @!p4 v0, v3  }
0x193: {  	[tilespmem:$0x1BA60] =	vst @!p4 v3  }
0x194: {  	v3 =	vld @!p4 [tilespmem:s31+$0x170];
	_ =	sdelay $0x4  }
0x195: {  	v3 =	vshll.u32 @!p4 v3, $0x1  }
0x196: {  	v3 =	vor.u32 @!p4 v0, v3  }
0x197: {  	[tilespmem:$0x1BA70] =	vst @!p4 v3  }
0x198: {  	v3 =	vld @!p4 [tilespmem:s31+$0x180];
	_ =	sdelay $0x4  }
0x199: {  	v3 =	vshll.u32 @!p4 v3, $0x1  }
0x19a: {  	v3 =	vor.u32 @!p4 v0, v3  }
0x19b: {  	[tilespmem:$0x1BA80] =	vst @!p4 v3  }
0x19c: {  	v3 =	vld @!p4 [tilespmem:s31+$0x190];
	_ =	sdelay $0x4  }
0x19d: {  	v3 =	vshll.u32 @!p4 v3, $0x1  }
0x19e: {  	v3 =	vor.u32 @!p4 v0, v3  }
0x19f: {  	[tilespmem:$0x1BA90] =	vst @!p4 v3  }
0x1a0: {  	v3 =	vld @!p4 [tilespmem:s31+$0x1A0];
	_ =	sdelay $0x4  }
0x1a1: {  	v3 =	vshll.u32 @!p4 v3, $0x1  }
0x1a2: {  	v3 =	vor.u32 @!p4 v0, v3  }
0x1a3: {  	[tilespmem:$0x1BAA0] =	vst @!p4 v3  }
0x1a4: {  	v3 =	vld @!p4 [tilespmem:s31+$0x1B0];
	_ =	sdelay $0x4  }
0x1a5: {  	v3 =	vshll.u32 @!p4 v3, $0x1  }
0x1a6: {  	v3 =	vor.u32 @!p4 v0, v3  }
0x1a7: {  	s2 =	simm.s32 @!p4 $0x1BA40;
	s5 =	simm.s32 @!p4 $0x17940;
	s0 =	simm.s32 @!p4 $0x80;
	[tilespmem:$0x1BAB0] =	vst @!p4 v3  }
0x1a8: {  	[tilespmem:s5], [sflag:$0x3] =	stream.indirect.gather @!p4 [hbm4b:s1+s0], $0x40, s2, s0, $0xb8;
	[tilespmem:$0x1FA90] =	vst v63  }
0x1a9: {  	p4 =	seq.s32 @!p3 s6, $0x0  }
0x1aa: {  	s0 =	sadd.s32 @!p3 $0x180, s30;
	s2 =	simm.s32 @!p3 $0x80;
	s5 =	simm.s32 @!p3 $0x19940  }
0x1ab: {  	[spmem:s3] =	stream.indirect.scatter.add.f32 @!p3 [tilespmem:s5], [sflag:$0x8], $0x40, s0, s2, $0xb8;
	[tilespmem:$0x1FA90] =	vst v63  }
0x1ac: {  	s29 =	sadd.s32 $0x4, s29;
	p3 =	por p4, p3  }
0x1ad: {  	p4 =	sne.s32 s29, $0xA6;
	s2 =	simm.s32 @!p3 $0x80;
	s5 =	simm.s32 @!p3 $0x1EF50  }
0x1ae: {  	[spmem:s4] =	stream.indirect.scatter.add.f32 @!p3 [tilespmem:s5], [sflag:$0x9], $0x10, s0, s2, $0xb8;
	[tilespmem:$0x1FA90] =	vst v63  }
.Ltmp6:
0x1af: {  	_ = 	snop;
	(pc) =	sbr.rel @!p4 .LBB2_11-.Ltmp6, $4  }
0x1b0: {  	s0 =	simm.s32 @!p3 $0x9  }
0x1b1: {  	_ =	swait.ge @!p3 [sflag:s0], $0x800  }
0x1b2: {  	[sflag:s0] =	ssyncset.done @!p3 $0x0  }
0x1b3: {  	s31 =	sadd.s32 $0x200, s31;
	s30 =	sadd.s32 $0x200, s30;
	[sflag:s0] =	ssyncadd.s32 @!p3 $0xFFFFF800  }
.LBB2_8:
0x1b4: {  	s0 =	sadd.s32 $0xFFFFFFFA, s29  }
0x1b5: {  	p3 =	sge.u32 s0, s8  }
.Ltmp7:
0x1b6: {  	_ = 	snop;
	(pc) =	sbr.rel @p3 .LBB2_10-.Ltmp7, $1  }
0x1b7: {  	_ =	sdelay $0x3  }
0x1b8: {  	_ =	swait.ge [sflag:s26], $0x2000  }
0x1b9: {  	p3 =	seq.s32 s29, $0x6;
	[sflag:s26] =	ssyncset.done $0x0  }
0x1ba: {  	s0 =	simm.s32 @!p3 $0x8;
	[sflag:s26] =	ssyncadd.s32 $0xFFFFE000  }
0x1bb: {  	s2 =	sadd.s32 @!p3 $0xFFFFFFFD, s29;
	_ =	swait.ge @!p3 [sflag:s0], $0x2000  }
0x1bc: {  	p4 =	sge.u32 @!p3 s2, s8;
	[sflag:s0] =	ssyncset.done @!p3 $0x0  }
0x1bd: {  	[sflag:s0] =	ssyncadd.s32 @!p3 $0xFFFFE000;
	p3 =	por p4, p3  }
0x1be: {  	v3 =	vld @!p3 [tilespmem:s31+$0xFFFFFFC0];
	_ =	sdelay $0x4  }
0x1bf: {  	v3 =	vshll.u32 @!p3 v3, $0x1  }
0x1c0: {  	v3 =	vor.u32 @!p3 v0, v3  }
0x1c1: {  	[tilespmem:$0x1BAC0] =	vst @!p3 v3  }
0x1c2: {  	v3 =	vld @!p3 [tilespmem:s31+$0xFFFFFFD0];
	_ =	sdelay $0x4  }
0x1c3: {  	v3 =	vshll.u32 @!p3 v3, $0x1  }
0x1c4: {  	v3 =	vor.u32 @!p3 v0, v3  }
0x1c5: {  	[tilespmem:$0x1BAD0] =	vst @!p3 v3  }
0x1c6: {  	v3 =	vld @!p3 [tilespmem:s31+$0xFFFFFFE0];
	_ =	sdelay $0x4  }
0x1c7: {  	v3 =	vshll.u32 @!p3 v3, $0x1  }
0x1c8: {  	v3 =	vor.u32 @!p3 v0, v3  }
0x1c9: {  	[tilespmem:$0x1BAE0] =	vst @!p3 v3  }
0x1ca: {  	v3 =	vld @!p3 [tilespmem:s31+$0xFFFFFFF0];
	_ =	sdelay $0x4  }
0x1cb: {  	v3 =	vshll.u32 @!p3 v3, $0x1  }
0x1cc: {  	v3 =	vor.u32 @!p3 v0, v3  }
0x1cd: {  	[tilespmem:$0x1BAF0] =	vst @!p3 v3  }
0x1ce: {  	v3 =	vld @!p3 [tilespmem:s31+$0x0];
	_ =	sdelay $0x4  }
0x1cf: {  	v3 =	vshll.u32 @!p3 v3, $0x1  }
0x1d0: {  	v3 =	vor.u32 @!p3 v0, v3  }
0x1d1: {  	[tilespmem:$0x1BB00] =	vst @!p3 v3  }
0x1d2: {  	v3 =	vld @!p3 [tilespmem:s31+$0x10];
	_ =	sdelay $0x4  }
0x1d3: {  	v3 =	vshll.u32 @!p3 v3, $0x1  }
0x1d4: {  	v3 =	vor.u32 @!p3 v0, v3  }
0x1d5: {  	[tilespmem:$0x1BB10] =	vst @!p3 v3  }
0x1d6: {  	v3 =	vld @!p3 [tilespmem:s31+$0x20];
	_ =	sdelay $0x4  }
0x1d7: {  	v3 =	vshll.u32 @!p3 v3, $0x1  }
0x1d8: {  	v3 =	vor.u32 @!p3 v0, v3  }
0x1d9: {  	[tilespmem:$0x1BB20] =	vst @!p3 v3  }
0x1da: {  	v3 =	vld @!p3 [tilespmem:s31+$0x30];
	_ =	sdelay $0x4  }
0x1db: {  	v3 =	vshll.u32 @!p3 v3, $0x1  }
0x1dc: {  	v3 =	vor.u32 @!p3 v0, v3  }
0x1dd: {  	s0 =	simm.s32 @!p3 $0x80;
	s2 =	simm.s32 @!p3 $0x1BAC0;
	s5 =	simm.s32 @!p3 $0x19940;
	[tilespmem:$0x1BB30] =	vst @!p3 v3  }
0x1de: {  	[tilespmem:s5], [sflag:$0x4] =	stream.indirect.gather @!p3 [hbm4b:s1+s0], $0x40, s2, s0, $0xb8;
	[tilespmem:$0x1FA90] =	vst v63  }
0x1df: {  	_ = 	snop  }
0x1e0: {  	[spmem:s3] =	stream.indirect.scatter.add.f32 [tilespmem:s25], [sflag:$0x5], $0x40, s30, s24, $0xb8;
	[tilespmem:$0x1FA90] =	vst v63  }
0x1e1: {  	s0 =	simm.s32 @!p2 $0x80;
	s2 =	simm.s32 @!p2 $0x1EF50  }
0x1e2: {  	[spmem:s4] =	stream.indirect.scatter.add.f32 @!p2 [tilespmem:s2], [sflag:$0xA], $0x10, s30, s0, $0xb8;
	[tilespmem:$0x1FA90] =	vst v63  }
.Ltmp8:
0x1e3: {  	_ = 	snop;
	(pc) =	sbr.rel .LBB2_10-.Ltmp8, $4  }
0x1e4: {  	s0 =	simm.s32 @!p2 $0xA  }
0x1e5: {  	_ =	swait.ge @!p2 [sflag:s0], $0x800  }
0x1e6: {  	[sflag:s0] =	ssyncset.done @!p2 $0x0  }
0x1e7: {  	[sflag:s0] =	ssyncadd.s32 @!p2 $0xFFFFF800  }
.LBB2_12:
0x1e8: {  	_ =	sfence.sel $0x180000  }
0x1e9: {  	[bflag:$0x0] =	sbarrier.arrive $0xFFFF  }
0x1ea: {  	_ =	strace $0x90000047  }
0x1eb: {  	s0 =	stileid.u32;
	[bflag:$0x2] =	sbarrier.arrive $0xFFFF  }
0x1ec: {  	p0 =	sne.s32 s0, $0x0;
	s0 =	rddreg [dreg:$0x6]  }
0x1ed: {  	s0 =	sadd.s32 @!p0 $0x100000, s0  }
0x1ee: {  	[sflag:s0] =	ssyncadd.tile.s32 @!p0 $0x1;
	_ =	shalt  }
.Lfunc_end2:
_tile_overlayer_lowered:
.L_overlay_start_2:
0x1ef: {  	(tag) =	ssettag $0x2  }
0x1f0: {  	s0 =	rddreg [dreg:$0x0];
	s2 =	stileid.u32  }
0x1f1: {  	s1 =	rddreg [dreg:$0x1];
	p0 =	sne.s32 s2, $0x0  }
0x1f2: {  	s3 =	rddreg [dreg:$0x2];
	[bflag:$0x3] =	sbarrier.arrive $0xFFFF;
	s2 =	simm.s32 @!p0 $0x1C09  }
0x1f3: {  	[timem:s3], [sflag:s2] =	dma.local @!p0 [hbm:s0], s1  }
0x1f4: {  	s0 =	simm.s32 @!p0 $0x9  }
0x1f5: {  	_ =	swait.ge @!p0 [sflag:s0], s1  }
0x1f6: {  	s1 =	ssub.s32 @!p0 $0x0, s1;
	[sflag:s0] =	ssyncset.done @!p0 $0x0  }
0x1f7: {  	[sflag:s0] =	ssyncadd.s32 @!p0 s1  }
0x1f8: {  	[bflag:$0x3] =	sbarrier.arrive $0xFFFF  }
0x1f9: {  	_ =	shalt  }

</sc_bundles>
